<compile_context>
chip_gen: v7x
topology: tpu7x:2x2x1
jax: 0.10.2.dev20260603
libtpu: 0.0.44.dev20260713+nightly
codegen_flags: <defaults>
</compile_context>

<pallas_src>
import functools

import jax
import jax.numpy as jnp
from jax import lax
from jax.experimental import pallas as pl
from jax.experimental.pallas import tpu as pltpu
from jax.experimental.pallas import tpu_sc as plsc

N_ITEMS = 50000
N_USERS = 50000
N_WARM = 40000
NNZ = 800000
D0, D1 = 512, 384
HID = 512
EMB = 64

RB = 1000
NB = N_ITEMS // RB

QR = 25088
NPAD = 2 * QR
ACC_ROWS = 25344
DUMP = 25200
CH = 128
SS = 8
EPAD = 16384
ZROWS = 1584
OUT_RB = 1568


def _mlp_body(f0, f1, w0, b0, w1, b1, z0o, z1o, st):
    x0 = f0[...]
    s0 = jnp.sum(x0 * x0, axis=1, keepdims=True)
    xn0 = x0 / jnp.maximum(jnp.sqrt(s0), 1e-12)
    z0 = jnp.dot(xn0.astype(jnp.bfloat16), w0[...].astype(jnp.bfloat16),
                 preferred_element_type=jnp.float32) + b0[...]
    x1 = f1[...]
    s1 = jnp.sum(x1 * x1, axis=1, keepdims=True)
    xn1 = x1 / jnp.maximum(jnp.sqrt(s1), 1e-12)
    z1 = jnp.dot(xn1.astype(jnp.bfloat16), w1[...].astype(jnp.bfloat16),
                 preferred_element_type=jnp.float32) + b1[...]
    z0o[...] = z0.astype(jnp.bfloat16)
    z1o[...] = z1.astype(jnp.bfloat16)
    stats = jnp.concatenate([
        jnp.sum(z0, axis=0, keepdims=True),
        jnp.sum(z0 * z0, axis=0, keepdims=True),
        jnp.sum(z1, axis=0, keepdims=True),
        jnp.sum(z1 * z1, axis=0, keepdims=True),
        jnp.zeros((4, HID), jnp.float32),
    ], axis=0)

    @pl.when(pl.program_id(0) == 0)
    def _():
        st[...] = stats

    @pl.when(pl.program_id(0) != 0)
    def _():
        st[...] = st[...] + stats


_mlp_call = pl.pallas_call(
    _mlp_body,
    grid=(NB,),
    in_specs=[
        pl.BlockSpec((RB, D0), lambda i: (i, 0)),
        pl.BlockSpec((RB, D1), lambda i: (i, 0)),
        pl.BlockSpec((D0, HID), lambda i: (0, 0)),
        pl.BlockSpec((1, HID), lambda i: (0, 0)),
        pl.BlockSpec((D1, HID), lambda i: (0, 0)),
        pl.BlockSpec((1, HID), lambda i: (0, 0)),
    ],
    out_specs=[
        pl.BlockSpec((RB, HID), lambda i: (i, 0)),
        pl.BlockSpec((RB, HID), lambda i: (i, 0)),
        pl.BlockSpec((8, HID), lambda i: (0, 0)),
    ],
    out_shape=[
        jax.ShapeDtypeStruct((N_ITEMS, HID), jnp.bfloat16),
        jax.ShapeDtypeStruct((N_ITEMS, HID), jnp.bfloat16),
        jax.ShapeDtypeStruct((8, HID), jnp.float32),
    ],
)


def _head_body(z0r, z1r, st, g0r, be0r, g1r, be1r, wv, wf, bf, fno, fnbo):
    n = jnp.float32(N_ITEMS)
    stv = st[...]
    w0 = wv[0, 0]
    w1 = wv[0, 1]
    mu0 = stv[0:1] / n
    var0 = stv[1:2] / n - mu0 * mu0
    mu1 = stv[2:3] / n
    var1 = stv[3:4] / n - mu1 * mu1
    sc0 = g0r[...] / jnp.sqrt(var0 + 1e-5)
    sc1 = g1r[...] / jnp.sqrt(var1 + 1e-5)
    a0 = w0 * sc0
    c0 = w0 * (be0r[...] - mu0 * sc0)
    a1 = w1 * sc1
    c1 = w1 * (be1r[...] - mu1 * sc1)
    h0 = jnp.maximum(z0r[...].astype(jnp.float32) * a0 + c0, 0.0)
    h1 = jnp.maximum(z1r[...].astype(jnp.float32) * a1 + c1, 0.0)
    f = jnp.dot(h0 + h1, wf[...], preferred_element_type=jnp.float32) + bf[...]
    s = jnp.sum(f * f, axis=1, keepdims=True)
    fnorm = f / jnp.maximum(jnp.sqrt(s), 1e-12)
    fno[...] = fnorm
    fnbo[...] = fnorm.astype(jnp.bfloat16)


_head_call = pl.pallas_call(
    _head_body,
    grid=(NB,),
    in_specs=[
        pl.BlockSpec((RB, HID), lambda i: (i, 0)),
        pl.BlockSpec((RB, HID), lambda i: (i, 0)),
        pl.BlockSpec((8, HID), lambda i: (0, 0)),
        pl.BlockSpec((1, HID), lambda i: (0, 0)),
        pl.BlockSpec((1, HID), lambda i: (0, 0)),
        pl.BlockSpec((1, HID), lambda i: (0, 0)),
        pl.BlockSpec((1, HID), lambda i: (0, 0)),
        pl.BlockSpec((1, 128), lambda i: (0, 0)),
        pl.BlockSpec((HID, EMB), lambda i: (0, 0)),
        pl.BlockSpec((1, EMB), lambda i: (0, 0)),
    ],
    out_specs=[pl.BlockSpec((RB, EMB), lambda i: (i, 0)),
               pl.BlockSpec((RB, EMB), lambda i: (i, 0))],
    out_shape=[jax.ShapeDtypeStruct((N_ITEMS, EMB), jnp.float32),
               jax.ShapeDtypeStruct((N_ITEMS, EMB), jnp.bfloat16)],
)


def _l2_body(x, o):
    v = x[...].astype(jnp.float32)
    s = jnp.sum(v * v, axis=1, keepdims=True)
    o[...] = v / jnp.maximum(jnp.sqrt(s), 1e-12)


_l2_call = pl.pallas_call(
    _l2_body,
    grid=(25,),
    in_specs=[pl.BlockSpec((2000, EMB), lambda i: (i, 0))],
    out_specs=pl.BlockSpec((2000, EMB), lambda i: (i, 0)),
    out_shape=jax.ShapeDtypeStruct((N_USERS, EMB), jnp.float32),
)


def _sc_body(fnb_hbm, wtbl_hbm, rows_hbm, cols_hbm, bounds_hbm,
             zeros_hbm, out_hbm, wtbl_v, bvec, rbig, cbig, ibig, lbig, dbufs,
             acc, gsems, ssems):
    c = lax.axis_index("c")
    s = lax.axis_index("s")
    pltpu.sync_copy(wtbl_hbm, wtbl_v)
    pltpu.sync_copy(bounds_hbm, bvec)
    pltpu.sync_copy(zeros_hbm, acc.at[pl.ds(s * ZROWS, ZROWS)])
    plsc.subcore_barrier()

    bv = bvec[...]
    clo = jnp.where(c == 0, 0, bv[1])
    chi = jnp.where(c == 0, bv[0], NNZ // CH)
    base_row = c * QR

    w16 = (chi - clo + 15) // 16
    w = ((w16 + SS - 1) // SS) * SS
    sc0 = clo + s * w
    supers = w // SS

    for g in range(CH // 16):
        lbig[2, pl.ds(g * 16, 16)] = jnp.full((16,), DUMP, jnp.int32)
    for b in range(2):
        pltpu.async_copy(dbufs[b], acc.at[lbig.at[2]], ssems[b], add=True)

    def body(u, carry):
        ebase = pl.multiple_of((sc0 + u * SS) * CH, CH)
        pltpu.sync_copy(rows_hbm.at[pl.ds(ebase, SS * CH)], rbig)
        pltpu.sync_copy(cols_hbm.at[pl.ds(ebase, SS * CH)], cbig)
        for m in range(SS // 2):
            handles = [None, None]
            for b in range(2):
                j = 2 * m + b
                pltpu.make_async_copy(fnb_hbm.at[pl.ds(0, CH)], dbufs[b],
                                      ssems[b]).wait()
                for g in range(CH // 16):
                    sl = pl.ds(j * CH + g * 16, 16)
                    gl = pl.ds(g * 16, 16)
                    ibig[b, gl] = plsc.load_gather(wtbl_v, [cbig[sl]])
                    rg = rbig[sl] - base_row
                    ok = (rg >= 0) & (rg < QR)
                    lbig[b, gl] = jnp.where(ok, rg, DUMP)
                handles[b] = pltpu.async_copy(fnb_hbm.at[ibig.at[b]],
                                              dbufs[b], gsems[b])
            for b in range(2):
                handles[b].wait()
                pltpu.async_copy(dbufs[b], acc.at[lbig.at[b]], ssems[b],
                                 add=True)
        return carry

    lax.fori_loop(0, supers, body, 0)
    for b in range(2):
        pltpu.make_async_copy(fnb_hbm.at[pl.ds(0, CH)], dbufs[b],
                              ssems[b]).wait()
    plsc.subcore_barrier()

    off = pl.multiple_of(base_row + s * OUT_RB, 16)
    pltpu.sync_copy(acc.at[pl.ds(s * OUT_RB, OUT_RB)],
                    out_hbm.at[pl.ds(off, OUT_RB)])


@functools.cache
def _sc_spmm_call():
    return pl.kernel(
        _sc_body,
        mesh=plsc.VectorSubcoreMesh(core_axis_name="c", subcore_axis_name="s"),
        out_type=jax.ShapeDtypeStruct((NPAD, EMB), jnp.bfloat16),
        compiler_params=pltpu.CompilerParams(needs_layout_passes=False,
                                             use_tc_tiling_on_sc=False),
        scratch_types=[
            pltpu.VMEM((N_WARM,), jnp.int32),
            pltpu.VMEM((16,), jnp.int32),
            pltpu.VMEM((SS * CH,), jnp.int32),
            pltpu.VMEM((SS * CH,), jnp.int32),
            pltpu.VMEM((2, CH), jnp.int32),
            pltpu.VMEM((3, CH), jnp.int32),
            tuple(pltpu.VMEM((CH, EMB), jnp.bfloat16) for _ in range(2)),
            pltpu.VMEM_SHARED((ACC_ROWS, EMB), jnp.bfloat16),
            tuple(pltpu.SemaphoreType.DMA for _ in range(2)),
            tuple(pltpu.SemaphoreType.DMA for _ in range(2)),
        ],
    )


def kernel(feat0, feat1, warm_idx, inter_rows, inter_cols,
           W0, b0, g0, be0, W1, b1, g1, be1, fuse_w, Wf, bf):
    z0, z1, st = _mlp_call(feat0, feat1, W0, b0.reshape(1, -1),
                           W1, b1.reshape(1, -1))
    w = jax.nn.softmax(fuse_w)
    wv = jnp.zeros((1, 128), jnp.float32).at[0, :2].set(w)
    fn, fnb = _head_call(z0, z1, st, g0.reshape(1, -1), be0.reshape(1, -1),
                         g1.reshape(1, -1), be1.reshape(1, -1), wv, Wf,
                         bf.reshape(1, -1))

    e1 = jnp.searchsorted(inter_rows, QR, side='left').astype(jnp.int32)
    bounds = jnp.concatenate([
        jnp.stack([(e1 + CH - 1) // CH, e1 // CH]),
        jnp.zeros((14,), jnp.int32),
    ])
    zeros = jnp.zeros((ZROWS, EMB), jnp.bfloat16)
    rows_p = jnp.concatenate([inter_rows,
                              jnp.full((EPAD,), 2**30, jnp.int32)])
    cols_p = jnp.concatenate([inter_cols, jnp.zeros((EPAD,), jnp.int32)])
    S = _sc_spmm_call()(fnb, warm_idx, rows_p, cols_p, bounds, zeros)
    return (_l2_call(S), fn)

# --- scband reference (transcript-rebuilt; emitter-appended) ---
"""Pipeline reference for scband-semco-learner-13314398617930 (READ-ONLY COPY).

The authoritative reference and input builder live on the scoring server;
editing this copy changes nothing except your own understanding.
"""

import jax, jax.numpy as jnp
import numpy as np

N_ITEMS = 50000
N_WARM = 40000
N_USERS = 50000
NNZ = 800000
D0, D1 = 512, 384
HID = 512
EMB = 64


def l2norm(x, eps=1e-12):
    n = jnp.sqrt(jnp.sum(x * x, axis=1, keepdims=True))
    return x / jnp.maximum(n, eps)


def batchnorm(x, gamma, beta, eps=1e-5):
    # track_running_stats=False -> always use batch statistics (biased var)
    mu = jnp.mean(x, axis=0)
    var = jnp.mean((x - mu) ** 2, axis=0)
    return (x - mu) / jnp.sqrt(var + eps) * gamma + beta


def setup_inputs(seed: int = 0) -> dict:
    key = jax.random.key(seed)
    ks = jax.random.split(key, 20)
    feat0 = jax.random.normal(ks[0], (N_ITEMS, D0), jnp.float32)
    feat1 = jax.random.normal(ks[1], (N_ITEMS, D1), jnp.float32)
    warm_idx = jnp.sort(jax.random.randint(ks[2], (N_WARM,), 0, N_ITEMS)).astype(jnp.int32)
    inter_rows = jnp.sort(jax.random.randint(ks[3], (NNZ,), 0, N_USERS)).astype(jnp.int32)
    inter_cols = jax.random.randint(ks[4], (NNZ,), 0, N_WARM).astype(jnp.int32)
    W0 = jax.random.normal(ks[5], (D0, HID), jnp.float32) * 0.02
    b0 = jnp.zeros((HID,), jnp.float32)
    g0 = jnp.ones((HID,), jnp.float32)
    be0 = jnp.zeros((HID,), jnp.float32)
    W1 = jax.random.normal(ks[6], (D1, HID), jnp.float32) * 0.02
    b1 = jnp.zeros((HID,), jnp.float32)
    g1 = jnp.ones((HID,), jnp.float32)
    be1 = jnp.zeros((HID,), jnp.float32)
    fuse_w = jnp.ones((2,), jnp.float32)  # LearnedWeightedSum modality weights
    Wf = jax.random.normal(ks[7], (HID, EMB), jnp.float32) * 0.02
    bf = jnp.zeros((EMB,), jnp.float32)
    return {"feat0": feat0, "feat1": feat1, "warm_idx": warm_idx,
            "inter_rows": inter_rows, "inter_cols": inter_cols,
            "W0": W0, "b0": b0, "g0": g0, "be0": be0,
            "W1": W1, "b1": b1, "g1": g1, "be1": be1,
            "fuse_w": fuse_w, "Wf": Wf, "bf": bf}


def reference(feat0, feat1, warm_idx, inter_rows, inter_cols,
              W0, b0, g0, be0, W1, b1, g1, be1, fuse_w, Wf, bf):
    # feats_raw are L2-normalized in __init__
    h0 = jax.nn.relu(batchnorm(l2norm(feat0) @ W0 + b0, g0, be0))
    h1 = jax.nn.relu(batchnorm(l2norm(feat1) @ W1 + b1, g1, be1))
    w = jax.nn.softmax(fuse_w)
    fused = w[0] * h0 + w[1] * h1  # LearnedWeightedSum
    feats_out = fused @ Wf + bf
    fn = l2norm(feats_out)
    warm = jnp.take(fn, warm_idx, axis=0)
    # interaction_mat / row_sums -> per-user scale 1/degree, COO scatter-add spmm
    deg = jnp.bincount(inter_rows, length=N_USERS).astype(jnp.float32)
    row_scale = 1.0 / jnp.maximum(deg, 1.0)
    edge_vals = jnp.take(row_scale, inter_rows)
    gathered = jnp.take(warm, inter_cols, axis=0) * edge_vals[:, None]
    user_vecs = jnp.zeros((N_USERS, EMB), jnp.float32).at[inter_rows].add(gathered)
    return (l2norm(user_vecs), fn)

if __name__ == "__main__":
    import jax
    _d = setup_inputs()
    print(jax.jit(kernel)(*tuple(_d.values())))

</pallas_src>

<mosaic_0001>
#map = affine_map<(d0, d1) -> (0, 0)>
#map1 = affine_map<(d0, d1) -> (0)>
module attributes {stable_mosaic.version = 14 : i64} {
  func.func @_sc_body(%arg0: i32, %arg1: i32, %arg2: memref<50000x64xbf16, #tpu.memory_space<hbm>>, %arg3: memref<40000xi32, #tpu.memory_space<hbm>>, %arg4: memref<816384xi32, #tpu.memory_space<hbm>>, %arg5: memref<816384xi32, #tpu.memory_space<hbm>>, %arg6: memref<16xi32, #tpu.memory_space<hbm>>, %arg7: memref<1584x64xbf16, #tpu.memory_space<hbm>>, %arg8: memref<50176x64xbf16, #tpu.memory_space<hbm>>, %arg9: memref<40000xi32, #tpu.memory_space<vmem>>, %arg10: memref<16xi32, #tpu.memory_space<vmem>>, %arg11: memref<1024xi32, #tpu.memory_space<vmem>>, %arg12: memref<1024xi32, #tpu.memory_space<vmem>>, %arg13: memref<2x128xi32, #tpu.memory_space<vmem>>, %arg14: memref<3x128xi32, #tpu.memory_space<vmem>>, %arg15: memref<128x64xbf16, #tpu.memory_space<vmem>>, %arg16: memref<128x64xbf16, #tpu.memory_space<vmem>>, %arg17: memref<25344x64xbf16, #tpu.memory_space<vmem_shared>>, %arg18: memref<!tpu.dma_semaphore, #tpu.memory_space<semaphore_mem>>, %arg19: memref<!tpu.dma_semaphore, #tpu.memory_space<semaphore_mem>>, %arg20: memref<!tpu.dma_semaphore, #tpu.memory_space<semaphore_mem>>, %arg21: memref<!tpu.dma_semaphore, #tpu.memory_space<semaphore_mem>>) attributes {dimension_semantics = [#tpu.dimension_semantics<core_parallel>, #tpu.dimension_semantics<subcore_parallel>], iteration_bounds = array<i64: 2, 16>, scalar_prefetch = 0 : i64, scratch_operands = 13 : i64, tpu.core_type = #tpu.core_type<sc_vector_subcore>, window_params = [{transform_indices = #map}, {transform_indices = #map1}, {transform_indices = #map1}, {transform_indices = #map1}, {transform_indices = #map1}, {transform_indices = #map}, {transform_indices = #map}]} {
    "tpu.region"() ({
      %run_scoped3A = tpu.sem_alloc : memref<!tpu.dma_semaphore, #tpu.memory_space<semaphore_mem>>
      tpu.enqueue_dma source(%arg3 : memref<40000xi32, #tpu.memory_space<hbm>>) target(%arg9 : memref<40000xi32, #tpu.memory_space<vmem>>) target_semaphore(%run_scoped3A : memref<!tpu.dma_semaphore, #tpu.memory_space<semaphore_mem>>)
      tpu.wait_dma2 semaphore(%run_scoped3A : memref<!tpu.dma_semaphore, #tpu.memory_space<semaphore_mem>>) src(%arg3 : memref<40000xi32, #tpu.memory_space<hbm>>) dst(%arg9 : memref<40000xi32, #tpu.memory_space<vmem>>)
      tpu.yield
    }) : () -> ()
    "tpu.region"() ({
      %run_scoped3A = tpu.sem_alloc : memref<!tpu.dma_semaphore, #tpu.memory_space<semaphore_mem>>
      tpu.enqueue_dma source(%arg6 : memref<16xi32, #tpu.memory_space<hbm>>) target(%arg10 : memref<16xi32, #tpu.memory_space<vmem>>) target_semaphore(%run_scoped3A : memref<!tpu.dma_semaphore, #tpu.memory_space<semaphore_mem>>)
      tpu.wait_dma2 semaphore(%run_scoped3A : memref<!tpu.dma_semaphore, #tpu.memory_space<semaphore_mem>>) src(%arg6 : memref<16xi32, #tpu.memory_space<hbm>>) dst(%arg10 : memref<16xi32, #tpu.memory_space<vmem>>)
      tpu.yield
    }) : () -> ()
    %mul3A = arith.constant 1584 : i32
    %mul3A_0 = arith.muli %arg1, %mul3A : i32
    "tpu.region"() ({
      %run_scoped3A = tpu.sem_alloc : memref<!tpu.dma_semaphore, #tpu.memory_space<semaphore_mem>>
      %dma_start3A_172 = arith.constant 0 : i32
      %dma_start3A_173 = tpu.memref_slice %arg17[%mul3A_0, %dma_start3A_172] : memref<25344x64xbf16, #tpu.memory_space<vmem_shared>> -> memref<1584x64xbf16, #tpu.memory_space<vmem_shared>>
      tpu.enqueue_dma source(%arg7 : memref<1584x64xbf16, #tpu.memory_space<hbm>>) target(%dma_start3A_173 : memref<1584x64xbf16, #tpu.memory_space<vmem_shared>>) target_semaphore(%run_scoped3A : memref<!tpu.dma_semaphore, #tpu.memory_space<semaphore_mem>>)
      %dma_wait3A_174 = arith.constant 0 : i32
      %dma_wait3A_175 = tpu.memref_slice %arg17[%mul3A_0, %dma_wait3A_174] : memref<25344x64xbf16, #tpu.memory_space<vmem_shared>> -> memref<1584x64xbf16, #tpu.memory_space<vmem_shared>>
      tpu.wait_dma2 semaphore(%run_scoped3A : memref<!tpu.dma_semaphore, #tpu.memory_space<semaphore_mem>>) src(%arg7 : memref<1584x64xbf16, #tpu.memory_space<hbm>>) dst(%dma_wait3A_175 : memref<1584x64xbf16, #tpu.memory_space<vmem_shared>>)
      tpu.yield
    }) : () -> ()
    %barrier3A = arith.constant 0 : index
    tpu.barrier barrier_id(%barrier3A)
    %get3A = arith.constant 0 : index
    %get3A_1 = tpu.vector_load %arg10[%get3A] {strides = array<i32>} : memref<16xi32, #tpu.memory_space<vmem>>, vector<16xi32>,
    %eq3A = arith.constant 0 : i32
    %eq3A_2 = arith.cmpi eq, %arg0, %eq3A : i32
    %slice3A = vector.extract_strided_slice %get3A_1 {offsets = [1], sizes = [1], strides = [1]} : vector<16xi32> to vector<1xi32>
    %squeeze3A = vector.extract %slice3A[0] : i32 from vector<1xi32>
    %jit3A = arith.constant 0 : i32
    %select_n3A = arith.select %eq3A_2, %jit3A, %squeeze3A : i32
    %eq3A_3 = arith.constant 0 : i32
    %eq3A_4 = arith.cmpi eq, %arg0, %eq3A_3 : i32
    %slice3A_5 = vector.extract_strided_slice %get3A_1 {offsets = [0], sizes = [1], strides = [1]} : vector<16xi32> to vector<1xi32>
    %squeeze3A_6 = vector.extract %slice3A_5[0] : i32 from vector<1xi32>
    %jit3A_7 = arith.constant 6250 : i32
    %select_n3A_8 = arith.select %eq3A_4, %squeeze3A_6, %jit3A_7 : i32
    %mul3A_9 = arith.constant 25088 : i32
    %mul3A_10 = arith.muli %arg0, %mul3A_9 : i32
    %sub3A = arith.subi %select_n3A_8, %select_n3A : i32
    %add3A = arith.constant 15 : i32
    %add3A_11 = arith.addi %sub3A, %add3A : i32
    %jit3A_12 = arith.constant 16 : i32
    %div3A = arith.divsi %add3A_11, %jit3A_12 : i32
    %sign3A = arith.constant 0 : i32
    %sign3A_13 = arith.cmpi sgt, %add3A_11, %sign3A : i32
    %sign3A_14 = arith.extui %sign3A_13 : i1 to i32
    %sign3A_15 = arith.constant 0 : i32
    %sign3A_16 = arith.cmpi slt, %add3A_11, %sign3A_15 : i32
    %sign3A_17 = arith.extui %sign3A_16 : i1 to i32
    %sign3A_18 = arith.subi %sign3A_14, %sign3A_17 : i32
    %sign3A_19 = arith.constant 0 : i32
    %sign3A_20 = arith.cmpi sgt, %jit3A_12, %sign3A_19 : i32
    %sign3A_21 = arith.extui %sign3A_20 : i1 to i32
    %sign3A_22 = arith.constant 0 : i32
    %sign3A_23 = arith.cmpi slt, %jit3A_12, %sign3A_22 : i32
    %sign3A_24 = arith.extui %sign3A_23 : i1 to i32
    %sign3A_25 = arith.subi %sign3A_21, %sign3A_24 : i32
    %ne3A = arith.cmpi ne, %sign3A_18, %sign3A_25 : i32
    %rem3A = arith.remsi %add3A_11, %jit3A_12 : i32
    %ne3A_26 = arith.constant 0 : i32
    %ne3A_27 = arith.cmpi ne, %rem3A, %ne3A_26 : i32
    %and3A = arith.andi %ne3A, %ne3A_27 : i1
    %sub3A_28 = arith.constant 1 : i32
    %sub3A_29 = arith.subi %div3A, %sub3A_28 : i32
    %select_n3A_30 = arith.select %and3A, %sub3A_29, %div3A : i32
    %add3A_31 = arith.constant 8 : i32
    %add3A_32 = arith.addi %select_n3A_30, %add3A_31 : i32
    %sub3A_33 = arith.constant 1 : i32
    %sub3A_34 = arith.subi %add3A_32, %sub3A_33 : i32
    %jit3A_35 = arith.constant 8 : i32
    %div3A_36 = arith.divsi %sub3A_34, %jit3A_35 : i32
    %sign3A_37 = arith.constant 0 : i32
    %sign3A_38 = arith.cmpi sgt, %sub3A_34, %sign3A_37 : i32
    %sign3A_39 = arith.extui %sign3A_38 : i1 to i32
    %sign3A_40 = arith.constant 0 : i32
    %sign3A_41 = arith.cmpi slt, %sub3A_34, %sign3A_40 : i32
    %sign3A_42 = arith.extui %sign3A_41 : i1 to i32
    %sign3A_43 = arith.subi %sign3A_39, %sign3A_42 : i32
    %sign3A_44 = arith.constant 0 : i32
    %sign3A_45 = arith.cmpi sgt, %jit3A_35, %sign3A_44 : i32
    %sign3A_46 = arith.extui %sign3A_45 : i1 to i32
    %sign3A_47 = arith.constant 0 : i32
    %sign3A_48 = arith.cmpi slt, %jit3A_35, %sign3A_47 : i32
    %sign3A_49 = arith.extui %sign3A_48 : i1 to i32
    %sign3A_50 = arith.subi %sign3A_46, %sign3A_49 : i32
    %ne3A_51 = arith.cmpi ne, %sign3A_43, %sign3A_50 : i32
    %rem3A_52 = arith.remsi %sub3A_34, %jit3A_35 : i32
    %ne3A_53 = arith.constant 0 : i32
    %ne3A_54 = arith.cmpi ne, %rem3A_52, %ne3A_53 : i32
    %and3A_55 = arith.andi %ne3A_51, %ne3A_54 : i1
    %sub3A_56 = arith.constant 1 : i32
    %sub3A_57 = arith.subi %div3A_36, %sub3A_56 : i32
    %select_n3A_58 = arith.select %and3A_55, %sub3A_57, %div3A_36 : i32
    %mul3A_59 = arith.constant 8 : i32
    %mul3A_60 = arith.muli %select_n3A_58, %mul3A_59 : i32
    %mul3A_61 = arith.muli %arg1, %mul3A_60 : i32
    %add3A_62 = arith.addi %select_n3A, %mul3A_61 : i32
    %jit3A_63 = arith.constant 8 : i32
    %div3A_64 = arith.divsi %mul3A_60, %jit3A_63 : i32
    %sign3A_65 = arith.constant 0 : i32
    %sign3A_66 = arith.cmpi sgt, %mul3A_60, %sign3A_65 : i32
    %sign3A_67 = arith.extui %sign3A_66 : i1 to i32
    %sign3A_68 = arith.constant 0 : i32
    %sign3A_69 = arith.cmpi slt, %mul3A_60, %sign3A_68 : i32
    %sign3A_70 = arith.extui %sign3A_69 : i1 to i32
    %sign3A_71 = arith.subi %sign3A_67, %sign3A_70 : i32
    %sign3A_72 = arith.constant 0 : i32
    %sign3A_73 = arith.cmpi sgt, %jit3A_63, %sign3A_72 : i32
    %sign3A_74 = arith.extui %sign3A_73 : i1 to i32
    %sign3A_75 = arith.constant 0 : i32
    %sign3A_76 = arith.cmpi slt, %jit3A_63, %sign3A_75 : i32
    %sign3A_77 = arith.extui %sign3A_76 : i1 to i32
    %sign3A_78 = arith.subi %sign3A_74, %sign3A_77 : i32
    %ne3A_79 = arith.cmpi ne, %sign3A_71, %sign3A_78 : i32
    %rem3A_80 = arith.remsi %mul3A_60, %jit3A_63 : i32
    %ne3A_81 = arith.constant 0 : i32
    %ne3A_82 = arith.cmpi ne, %rem3A_80, %ne3A_81 : i32
    %and3A_83 = arith.andi %ne3A_79, %ne3A_82 : i1
    %sub3A_84 = arith.constant 1 : i32
    %sub3A_85 = arith.subi %div3A_64, %sub3A_84 : i32
    %select_n3A_86 = arith.select %and3A_83, %sub3A_85, %div3A_64 : i32
    %broadcast_in_dim3A = arith.constant 25200 : i32
    %broadcast_in_dim3A_87 = vector.broadcast %broadcast_in_dim3A : i32 to vector<16xi32>
    %swap3A = arith.constant 2 : i32
    %swap3A_88 = arith.index_cast %swap3A : i32 to index
    %swap3A_89 = arith.constant 0 : index
    %swap3A_90 = tpu.vector_load %arg14[%swap3A_88, %swap3A_89] {strides = array<i32>} : memref<3x128xi32, #tpu.memory_space<vmem>>, vector<16xi32>,
    tpu.vector_store %arg14[%swap3A_88, %swap3A_89], %broadcast_in_dim3A_87 {strides = array<i32>} : memref<3x128xi32, #tpu.memory_space<vmem>>, vector<16xi32>,
    %broadcast_in_dim3A_91 = arith.constant 25200 : i32
    %broadcast_in_dim3A_92 = vector.broadcast %broadcast_in_dim3A_91 : i32 to vector<16xi32>
    %swap3A_93 = arith.constant 2 : i32
    %swap3A_94 = arith.index_cast %swap3A_93 : i32 to index
    %swap3A_95 = arith.constant 16 : index
    %swap3A_96 = tpu.vector_load %arg14[%swap3A_94, %swap3A_95] {strides = array<i32>} : memref<3x128xi32, #tpu.memory_space<vmem>>, vector<16xi32>,
    tpu.vector_store %arg14[%swap3A_94, %swap3A_95], %broadcast_in_dim3A_92 {strides = array<i32>} : memref<3x128xi32, #tpu.memory_space<vmem>>, vector<16xi32>,
    %broadcast_in_dim3A_97 = arith.constant 25200 : i32
    %broadcast_in_dim3A_98 = vector.broadcast %broadcast_in_dim3A_97 : i32 to vector<16xi32>
    %swap3A_99 = arith.constant 2 : i32
    %swap3A_100 = arith.index_cast %swap3A_99 : i32 to index
    %swap3A_101 = arith.constant 32 : index
    %swap3A_102 = tpu.vector_load %arg14[%swap3A_100, %swap3A_101] {strides = array<i32>} : memref<3x128xi32, #tpu.memory_space<vmem>>, vector<16xi32>,
    tpu.vector_store %arg14[%swap3A_100, %swap3A_101], %broadcast_in_dim3A_98 {strides = array<i32>} : memref<3x128xi32, #tpu.memory_space<vmem>>, vector<16xi32>,
    %broadcast_in_dim3A_103 = arith.constant 25200 : i32
    %broadcast_in_dim3A_104 = vector.broadcast %broadcast_in_dim3A_103 : i32 to vector<16xi32>
    %swap3A_105 = arith.constant 2 : i32
    %swap3A_106 = arith.index_cast %swap3A_105 : i32 to index
    %swap3A_107 = arith.constant 48 : index
    %swap3A_108 = tpu.vector_load %arg14[%swap3A_106, %swap3A_107] {strides = array<i32>} : memref<3x128xi32, #tpu.memory_space<vmem>>, vector<16xi32>,
    tpu.vector_store %arg14[%swap3A_106, %swap3A_107], %broadcast_in_dim3A_104 {strides = array<i32>} : memref<3x128xi32, #tpu.memory_space<vmem>>, vector<16xi32>,
    %broadcast_in_dim3A_109 = arith.constant 25200 : i32
    %broadcast_in_dim3A_110 = vector.broadcast %broadcast_in_dim3A_109 : i32 to vector<16xi32>
    %swap3A_111 = arith.constant 2 : i32
    %swap3A_112 = arith.index_cast %swap3A_111 : i32 to index
    %swap3A_113 = arith.constant 64 : index
    %swap3A_114 = tpu.vector_load %arg14[%swap3A_112, %swap3A_113] {strides = array<i32>} : memref<3x128xi32, #tpu.memory_space<vmem>>, vector<16xi32>,
    tpu.vector_store %arg14[%swap3A_112, %swap3A_113], %broadcast_in_dim3A_110 {strides = array<i32>} : memref<3x128xi32, #tpu.memory_space<vmem>>, vector<16xi32>,
    %broadcast_in_dim3A_115 = arith.constant 25200 : i32
    %broadcast_in_dim3A_116 = vector.broadcast %broadcast_in_dim3A_115 : i32 to vector<16xi32>
    %swap3A_117 = arith.constant 2 : i32
    %swap3A_118 = arith.index_cast %swap3A_117 : i32 to index
    %swap3A_119 = arith.constant 80 : index
    %swap3A_120 = tpu.vector_load %arg14[%swap3A_118, %swap3A_119] {strides = array<i32>} : memref<3x128xi32, #tpu.memory_space<vmem>>, vector<16xi32>,
    tpu.vector_store %arg14[%swap3A_118, %swap3A_119], %broadcast_in_dim3A_116 {strides = array<i32>} : memref<3x128xi32, #tpu.memory_space<vmem>>, vector<16xi32>,
    %broadcast_in_dim3A_121 = arith.constant 25200 : i32
    %broadcast_in_dim3A_122 = vector.broadcast %broadcast_in_dim3A_121 : i32 to vector<16xi32>
    %swap3A_123 = arith.constant 2 : i32
    %swap3A_124 = arith.index_cast %swap3A_123 : i32 to index
    %swap3A_125 = arith.constant 96 : index
    %swap3A_126 = tpu.vector_load %arg14[%swap3A_124, %swap3A_125] {strides = array<i32>} : memref<3x128xi32, #tpu.memory_space<vmem>>, vector<16xi32>,
    tpu.vector_store %arg14[%swap3A_124, %swap3A_125], %broadcast_in_dim3A_122 {strides = array<i32>} : memref<3x128xi32, #tpu.memory_space<vmem>>, vector<16xi32>,
    %broadcast_in_dim3A_127 = arith.constant 25200 : i32
    %broadcast_in_dim3A_128 = vector.broadcast %broadcast_in_dim3A_127 : i32 to vector<16xi32>
    %swap3A_129 = arith.constant 2 : i32
    %swap3A_130 = arith.index_cast %swap3A_129 : i32 to index
    %swap3A_131 = arith.constant 112 : index
    %swap3A_132 = tpu.vector_load %arg14[%swap3A_130, %swap3A_131] {strides = array<i32>} : memref<3x128xi32, #tpu.memory_space<vmem>>, vector<16xi32>,
    tpu.vector_store %arg14[%swap3A_130, %swap3A_131], %broadcast_in_dim3A_128 {strides = array<i32>} : memref<3x128xi32, #tpu.memory_space<vmem>>, vector<16xi32>,
    %dma_start3A = arith.constant 2 : i32
    %dma_start3A_133 = arith.constant 0 : i32
    %dma_start3A_134 = tpu.memref_slice %arg14[%dma_start3A, %dma_start3A_133] : memref<3x128xi32, #tpu.memory_space<vmem>> -> memref<1x128xi32, #tpu.memory_space<vmem>>
    %dma_start3A_135 = tpu.memref_squeeze %dma_start3A_134 : memref<1x128xi32, #tpu.memory_space<vmem>> -> memref<128xi32, #tpu.memory_space<vmem>>
    %dma_start3A_136 = arith.constant 0 : i32
    %dma_start3A_137 = arith.constant 0 : i32
    %dma_start3A_138 = tpu.memref_slice %arg17[%dma_start3A_136, %dma_start3A_137] : memref<25344x64xbf16, #tpu.memory_space<vmem_shared>> -> memref<25344x64xbf16, #tpu.memory_space<vmem_shared>>
    tpu.enqueue_indirect_dma source(%arg15 : memref<128x64xbf16, #tpu.memory_space<vmem>>) target(%dma_start3A_138 : memref<25344x64xbf16, #tpu.memory_space<vmem_shared>>) offsets(%dma_start3A_135 : memref<128xi32, #tpu.memory_space<vmem>>) semaphore(%arg20 : memref<!tpu.dma_semaphore, #tpu.memory_space<semaphore_mem>>) {add = true}
    %dma_start3A_139 = arith.constant 2 : i32
    %dma_start3A_140 = arith.constant 0 : i32
    %dma_start3A_141 = tpu.memref_slice %arg14[%dma_start3A_139, %dma_start3A_140] : memref<3x128xi32, #tpu.memory_space<vmem>> -> memref<1x128xi32, #tpu.memory_space<vmem>>
    %dma_start3A_142 = tpu.memref_squeeze %dma_start3A_141 : memref<1x128xi32, #tpu.memory_space<vmem>> -> memref<128xi32, #tpu.memory_space<vmem>>
    %dma_start3A_143 = arith.constant 0 : i32
    %dma_start3A_144 = arith.constant 0 : i32
    %dma_start3A_145 = tpu.memref_slice %arg17[%dma_start3A_143, %dma_start3A_144] : memref<25344x64xbf16, #tpu.memory_space<vmem_shared>> -> memref<25344x64xbf16, #tpu.memory_space<vmem_shared>>
    tpu.enqueue_indirect_dma source(%arg16 : memref<128x64xbf16, #tpu.memory_space<vmem>>) target(%dma_start3A_145 : memref<25344x64xbf16, #tpu.memory_space<vmem_shared>>) offsets(%dma_start3A_142 : memref<128xi32, #tpu.memory_space<vmem>>) semaphore(%arg21 : memref<!tpu.dma_semaphore, #tpu.memory_space<semaphore_mem>>) {add = true}
    %while3A = arith.constant 0 : i32
    %while3A_146 = arith.constant 0 : i32
    %while3A_147 = arith.subi %select_n3A_86, %while3A_146 : i32
    %while3A_148 = arith.addi %while3A_146, %while3A_147 : i32
    %while3A_149 = arith.constant 1 : i32
    %while3A_150 = arith.divsi %while3A_147, %while3A_149 : i32
    %while3A_151 = arith.muli %while3A_150, %while3A_149 : i32
    %while3A_152 = arith.addi %while3A_146, %while3A_151 : i32
    %while3A_153 = arith.constant 1 : i32
    scf.for %while3A_172 = %while3A_146 to %while3A_152 step %while3A_153  : i32 {
      %mul3A_173 = arith.constant 8 : i32
      %mul3A_174 = arith.muli %while3A_172, %mul3A_173 : i32
      %add3A_175 = arith.addi %add3A_62, %mul3A_174 : i32
      %mul3A_176 = arith.constant 128 : i32
      %mul3A_177 = arith.muli %add3A_175, %mul3A_176 : i32
      %multiple_of3A_178 = tpu.assume_multiple %mul3A_177, 128 : i32
      "tpu.region"() ({
        %run_scoped3A = tpu.sem_alloc : memref<!tpu.dma_semaphore, #tpu.memory_space<semaphore_mem>>
        %dma_start3A_1992 = tpu.memref_slice %arg4[%multiple_of3A_178] : memref<816384xi32, #tpu.memory_space<hbm>> -> memref<1024xi32, #tpu.memory_space<hbm>>
        %dma_start3A_1993 = tpu.memref_slice %arg4[%multiple_of3A_178] : memref<816384xi32, #tpu.memory_space<hbm>> -> memref<1024xi32, #tpu.memory_space<hbm>>
        tpu.enqueue_dma source(%dma_start3A_1993 : memref<1024xi32, #tpu.memory_space<hbm>>) target(%arg11 : memref<1024xi32, #tpu.memory_space<vmem>>) target_semaphore(%run_scoped3A : memref<!tpu.dma_semaphore, #tpu.memory_space<semaphore_mem>>)
        %dma_wait3A_1994 = tpu.memref_slice %arg4[%multiple_of3A_178] : memref<816384xi32, #tpu.memory_space<hbm>> -> memref<1024xi32, #tpu.memory_space<hbm>>
        %dma_wait3A_1995 = tpu.memref_slice %arg4[%multiple_of3A_178] : memref<816384xi32, #tpu.memory_space<hbm>> -> memref<1024xi32, #tpu.memory_space<hbm>>
        tpu.wait_dma2 semaphore(%run_scoped3A : memref<!tpu.dma_semaphore, #tpu.memory_space<semaphore_mem>>) src(%dma_wait3A_1995 : memref<1024xi32, #tpu.memory_space<hbm>>) dst(%arg11 : memref<1024xi32, #tpu.memory_space<vmem>>)
        tpu.yield
      }) : () -> ()
      "tpu.region"() ({
        %run_scoped3A = tpu.sem_alloc : memref<!tpu.dma_semaphore, #tpu.memory_space<semaphore_mem>>
        %dma_start3A_1992 = tpu.memref_slice %arg5[%multiple_of3A_178] : memref<816384xi32, #tpu.memory_space<hbm>> -> memref<1024xi32, #tpu.memory_space<hbm>>
        %dma_start3A_1993 = tpu.memref_slice %arg5[%multiple_of3A_178] : memref<816384xi32, #tpu.memory_space<hbm>> -> memref<1024xi32, #tpu.memory_space<hbm>>
        tpu.enqueue_dma source(%dma_start3A_1993 : memref<1024xi32, #tpu.memory_space<hbm>>) target(%arg12 : memref<1024xi32, #tpu.memory_space<vmem>>) target_semaphore(%run_scoped3A : memref<!tpu.dma_semaphore, #tpu.memory_space<semaphore_mem>>)
        %dma_wait3A_1994 = tpu.memref_slice %arg5[%multiple_of3A_178] : memref<816384xi32, #tpu.memory_space<hbm>> -> memref<1024xi32, #tpu.memory_space<hbm>>
        %dma_wait3A_1995 = tpu.memref_slice %arg5[%multiple_of3A_178] : memref<816384xi32, #tpu.memory_space<hbm>> -> memref<1024xi32, #tpu.memory_space<hbm>>
        tpu.wait_dma2 semaphore(%run_scoped3A : memref<!tpu.dma_semaphore, #tpu.memory_space<semaphore_mem>>) src(%dma_wait3A_1995 : memref<1024xi32, #tpu.memory_space<hbm>>) dst(%arg12 : memref<1024xi32, #tpu.memory_space<vmem>>)
        tpu.yield
      }) : () -> ()
      %dma_wait3A_179 = arith.constant 0 : i32
      %dma_wait3A_180 = arith.constant 0 : i32
      %dma_wait3A_181 = tpu.memref_slice %arg2[%dma_wait3A_179, %dma_wait3A_180] : memref<50000x64xbf16, #tpu.memory_space<hbm>> -> memref<128x64xbf16, #tpu.memory_space<hbm>>
      %dma_wait3A_182 = arith.constant 0 : i32
      %dma_wait3A_183 = arith.constant 0 : i32
      %dma_wait3A_184 = tpu.memref_slice %arg2[%dma_wait3A_182, %dma_wait3A_183] : memref<50000x64xbf16, #tpu.memory_space<hbm>> -> memref<128x64xbf16, #tpu.memory_space<hbm>>
      tpu.wait_dma2 semaphore(%arg20 : memref<!tpu.dma_semaphore, #tpu.memory_space<semaphore_mem>>) src(%dma_wait3A_184 : memref<128x64xbf16, #tpu.memory_space<hbm>>) dst(%arg15 : memref<128x64xbf16, #tpu.memory_space<vmem>>)
      %get3A_185 = arith.constant 0 : index
      %get3A_186 = tpu.vector_load %arg12[%get3A_185] {strides = array<i32>} : memref<1024xi32, #tpu.memory_space<vmem>>, vector<16xi32>,
      %gather3A = tpu.vector_load_idx %arg9[%get3A_186] : memref<40000xi32, #tpu.memory_space<vmem>>[vector<16xi32>], vector<16xi32>,
      %swap3A_187 = arith.constant 0 : i32
      %swap3A_188 = arith.index_cast %swap3A_187 : i32 to index
      %swap3A_189 = arith.constant 0 : index
      %swap3A_190 = tpu.vector_load %arg13[%swap3A_188, %swap3A_189] {strides = array<i32>} : memref<2x128xi32, #tpu.memory_space<vmem>>, vector<16xi32>,
      tpu.vector_store %arg13[%swap3A_188, %swap3A_189], %gather3A {strides = array<i32>} : memref<2x128xi32, #tpu.memory_space<vmem>>, vector<16xi32>,
      %get3A_191 = arith.constant 0 : index
      %get3A_192 = tpu.vector_load %arg11[%get3A_191] {strides = array<i32>} : memref<1024xi32, #tpu.memory_space<vmem>>, vector<16xi32>,
      %sub3A_193 = vector.broadcast %mul3A_10 : i32 to vector<16xi32>
      %sub3A_194 = arith.subi %get3A_192, %sub3A_193 : vector<16xi32>
      %ge3A = arith.constant 0 : i32
      %ge3A_195 = vector.broadcast %ge3A : i32 to vector<16xi32>
      %ge3A_196 = arith.cmpi sge, %sub3A_194, %ge3A_195 : vector<16xi32>
      %lt3A = arith.constant 25088 : i32
      %lt3A_197 = vector.broadcast %lt3A : i32 to vector<16xi32>
      %lt3A_198 = arith.cmpi slt, %sub3A_194, %lt3A_197 : vector<16xi32>
      %and3A_199 = arith.andi %ge3A_196, %lt3A_198 : vector<16xi1>
      %jit3A_200 = arith.constant 25200 : i32
      %broadcast_in_dim3A_201 = vector.broadcast %jit3A_200 : i32 to vector<16xi32>
      %select_n3A_202 = arith.select %and3A_199, %sub3A_194, %broadcast_in_dim3A_201 : vector<16xi1>, vector<16xi32>
      %swap3A_203 = arith.constant 0 : i32
      %swap3A_204 = arith.index_cast %swap3A_203 : i32 to index
      %swap3A_205 = arith.constant 0 : index
      %swap3A_206 = tpu.vector_load %arg14[%swap3A_204, %swap3A_205] {strides = array<i32>} : memref<3x128xi32, #tpu.memory_space<vmem>>, vector<16xi32>,
      tpu.vector_store %arg14[%swap3A_204, %swap3A_205], %select_n3A_202 {strides = array<i32>} : memref<3x128xi32, #tpu.memory_space<vmem>>, vector<16xi32>,
      %get3A_207 = arith.constant 16 : index
      %get3A_208 = tpu.vector_load %arg12[%get3A_207] {strides = array<i32>} : memref<1024xi32, #tpu.memory_space<vmem>>, vector<16xi32>,
      %gather3A_209 = tpu.vector_load_idx %arg9[%get3A_208] : memref<40000xi32, #tpu.memory_space<vmem>>[vector<16xi32>], vector<16xi32>,
      %swap3A_210 = arith.constant 0 : i32
      %swap3A_211 = arith.index_cast %swap3A_210 : i32 to index
      %swap3A_212 = arith.constant 16 : index
      %swap3A_213 = tpu.vector_load %arg13[%swap3A_211, %swap3A_212] {strides = array<i32>} : memref<2x128xi32, #tpu.memory_space<vmem>>, vector<16xi32>,
      tpu.vector_store %arg13[%swap3A_211, %swap3A_212], %gather3A_209 {strides = array<i32>} : memref<2x128xi32, #tpu.memory_space<vmem>>, vector<16xi32>,
      %get3A_214 = arith.constant 16 : index
      %get3A_215 = tpu.vector_load %arg11[%get3A_214] {strides = array<i32>} : memref<1024xi32, #tpu.memory_space<vmem>>, vector<16xi32>,
      %sub3A_216 = vector.broadcast %mul3A_10 : i32 to vector<16xi32>
      %sub3A_217 = arith.subi %get3A_215, %sub3A_216 : vector<16xi32>
      %ge3A_218 = arith.constant 0 : i32
      %ge3A_219 = vector.broadcast %ge3A_218 : i32 to vector<16xi32>
      %ge3A_220 = arith.cmpi sge, %sub3A_217, %ge3A_219 : vector<16xi32>
      %lt3A_221 = arith.constant 25088 : i32
      %lt3A_222 = vector.broadcast %lt3A_221 : i32 to vector<16xi32>
      %lt3A_223 = arith.cmpi slt, %sub3A_217, %lt3A_222 : vector<16xi32>
      %and3A_224 = arith.andi %ge3A_220, %lt3A_223 : vector<16xi1>
      %jit3A_225 = arith.constant 25200 : i32
      %broadcast_in_dim3A_226 = vector.broadcast %jit3A_225 : i32 to vector<16xi32>
      %select_n3A_227 = arith.select %and3A_224, %sub3A_217, %broadcast_in_dim3A_226 : vector<16xi1>, vector<16xi32>
      %swap3A_228 = arith.constant 0 : i32
      %swap3A_229 = arith.index_cast %swap3A_228 : i32 to index
      %swap3A_230 = arith.constant 16 : index
      %swap3A_231 = tpu.vector_load %arg14[%swap3A_229, %swap3A_230] {strides = array<i32>} : memref<3x128xi32, #tpu.memory_space<vmem>>, vector<16xi32>,
      tpu.vector_store %arg14[%swap3A_229, %swap3A_230], %select_n3A_227 {strides = array<i32>} : memref<3x128xi32, #tpu.memory_space<vmem>>, vector<16xi32>,
      %get3A_232 = arith.constant 32 : index
      %get3A_233 = tpu.vector_load %arg12[%get3A_232] {strides = array<i32>} : memref<1024xi32, #tpu.memory_space<vmem>>, vector<16xi32>,
      %gather3A_234 = tpu.vector_load_idx %arg9[%get3A_233] : memref<40000xi32, #tpu.memory_space<vmem>>[vector<16xi32>], vector<16xi32>,
      %swap3A_235 = arith.constant 0 : i32
      %swap3A_236 = arith.index_cast %swap3A_235 : i32 to index
      %swap3A_237 = arith.constant 32 : index
      %swap3A_238 = tpu.vector_load %arg13[%swap3A_236, %swap3A_237] {strides = array<i32>} : memref<2x128xi32, #tpu.memory_space<vmem>>, vector<16xi32>,
      tpu.vector_store %arg13[%swap3A_236, %swap3A_237], %gather3A_234 {strides = array<i32>} : memref<2x128xi32, #tpu.memory_space<vmem>>, vector<16xi32>,
      %get3A_239 = arith.constant 32 : index
      %get3A_240 = tpu.vector_load %arg11[%get3A_239] {strides = array<i32>} : memref<1024xi32, #tpu.memory_space<vmem>>, vector<16xi32>,
      %sub3A_241 = vector.broadcast %mul3A_10 : i32 to vector<16xi32>
      %sub3A_242 = arith.subi %get3A_240, %sub3A_241 : vector<16xi32>
      %ge3A_243 = arith.constant 0 : i32
      %ge3A_244 = vector.broadcast %ge3A_243 : i32 to vector<16xi32>
      %ge3A_245 = arith.cmpi sge, %sub3A_242, %ge3A_244 : vector<16xi32>
      %lt3A_246 = arith.constant 25088 : i32
      %lt3A_247 = vector.broadcast %lt3A_246 : i32 to vector<16xi32>
      %lt3A_248 = arith.cmpi slt, %sub3A_242, %lt3A_247 : vector<16xi32>
      %and3A_249 = arith.andi %ge3A_245, %lt3A_248 : vector<16xi1>
      %jit3A_250 = arith.constant 25200 : i32
      %broadcast_in_dim3A_251 = vector.broadcast %jit3A_250 : i32 to vector<16xi32>
      %select_n3A_252 = arith.select %and3A_249, %sub3A_242, %broadcast_in_dim3A_251 : vector<16xi1>, vector<16xi32>
      %swap3A_253 = arith.constant 0 : i32
      %swap3A_254 = arith.index_cast %swap3A_253 : i32 to index
      %swap3A_255 = arith.constant 32 : index
      %swap3A_256 = tpu.vector_load %arg14[%swap3A_254, %swap3A_255] {strides = array<i32>} : memref<3x128xi32, #tpu.memory_space<vmem>>, vector<16xi32>,
      tpu.vector_store %arg14[%swap3A_254, %swap3A_255], %select_n3A_252 {strides = array<i32>} : memref<3x128xi32, #tpu.memory_space<vmem>>, vector<16xi32>,
      %get3A_257 = arith.constant 48 : index
      %get3A_258 = tpu.vector_load %arg12[%get3A_257] {strides = array<i32>} : memref<1024xi32, #tpu.memory_space<vmem>>, vector<16xi32>,
      %gather3A_259 = tpu.vector_load_idx %arg9[%get3A_258] : memref<40000xi32, #tpu.memory_space<vmem>>[vector<16xi32>], vector<16xi32>,
      %swap3A_260 = arith.constant 0 : i32
      %swap3A_261 = arith.index_cast %swap3A_260 : i32 to index
      %swap3A_262 = arith.constant 48 : index
      %swap3A_263 = tpu.vector_load %arg13[%swap3A_261, %swap3A_262] {strides = array<i32>} : memref<2x128xi32, #tpu.memory_space<vmem>>, vector<16xi32>,
      tpu.vector_store %arg13[%swap3A_261, %swap3A_262], %gather3A_259 {strides = array<i32>} : memref<2x128xi32, #tpu.memory_space<vmem>>, vector<16xi32>,
      %get3A_264 = arith.constant 48 : index
      %get3A_265 = tpu.vector_load %arg11[%get3A_264] {strides = array<i32>} : memref<1024xi32, #tpu.memory_space<vmem>>, vector<16xi32>,
      %sub3A_266 = vector.broadcast %mul3A_10 : i32 to vector<16xi32>
      %sub3A_267 = arith.subi %get3A_265, %sub3A_266 : vector<16xi32>
      %ge3A_268 = arith.constant 0 : i32
      %ge3A_269 = vector.broadcast %ge3A_268 : i32 to vector<16xi32>
      %ge3A_270 = arith.cmpi sge, %sub3A_267, %ge3A_269 : vector<16xi32>
      %lt3A_271 = arith.constant 25088 : i32
      %lt3A_272 = vector.broadcast %lt3A_271 : i32 to vector<16xi32>
      %lt3A_273 = arith.cmpi slt, %sub3A_267, %lt3A_272 : vector<16xi32>
      %and3A_274 = arith.andi %ge3A_270, %lt3A_273 : vector<16xi1>
      %jit3A_275 = arith.constant 25200 : i32
      %broadcast_in_dim3A_276 = vector.broadcast %jit3A_275 : i32 to vector<16xi32>
      %select_n3A_277 = arith.select %and3A_274, %sub3A_267, %broadcast_in_dim3A_276 : vector<16xi1>, vector<16xi32>
      %swap3A_278 = arith.constant 0 : i32
      %swap3A_279 = arith.index_cast %swap3A_278 : i32 to index
      %swap3A_280 = arith.constant 48 : index
      %swap3A_281 = tpu.vector_load %arg14[%swap3A_279, %swap3A_280] {strides = array<i32>} : memref<3x128xi32, #tpu.memory_space<vmem>>, vector<16xi32>,
      tpu.vector_store %arg14[%swap3A_279, %swap3A_280], %select_n3A_277 {strides = array<i32>} : memref<3x128xi32, #tpu.memory_space<vmem>>, vector<16xi32>,
      %get3A_282 = arith.constant 64 : index
      %get3A_283 = tpu.vector_load %arg12[%get3A_282] {strides = array<i32>} : memref<1024xi32, #tpu.memory_space<vmem>>, vector<16xi32>,
      %gather3A_284 = tpu.vector_load_idx %arg9[%get3A_283] : memref<40000xi32, #tpu.memory_space<vmem>>[vector<16xi32>], vector<16xi32>,
      %swap3A_285 = arith.constant 0 : i32
      %swap3A_286 = arith.index_cast %swap3A_285 : i32 to index
      %swap3A_287 = arith.constant 64 : index
      %swap3A_288 = tpu.vector_load %arg13[%swap3A_286, %swap3A_287] {strides = array<i32>} : memref<2x128xi32, #tpu.memory_space<vmem>>, vector<16xi32>,
      tpu.vector_store %arg13[%swap3A_286, %swap3A_287], %gather3A_284 {strides = array<i32>} : memref<2x128xi32, #tpu.memory_space<vmem>>, vector<16xi32>,
      %get3A_289 = arith.constant 64 : index
      %get3A_290 = tpu.vector_load %arg11[%get3A_289] {strides = array<i32>} : memref<1024xi32, #tpu.memory_space<vmem>>, vector<16xi32>,
      %sub3A_291 = vector.broadcast %mul3A_10 : i32 to vector<16xi32>
      %sub3A_292 = arith.subi %get3A_290, %sub3A_291 : vector<16xi32>
      %ge3A_293 = arith.constant 0 : i32
      %ge3A_294 = vector.broadcast %ge3A_293 : i32 to vector<16xi32>
      %ge3A_295 = arith.cmpi sge, %sub3A_292, %ge3A_294 : vector<16xi32>
      %lt3A_296 = arith.constant 25088 : i32
      %lt3A_297 = vector.broadcast %lt3A_296 : i32 to vector<16xi32>
      %lt3A_298 = arith.cmpi slt, %sub3A_292, %lt3A_297 : vector<16xi32>
      %and3A_299 = arith.andi %ge3A_295, %lt3A_298 : vector<16xi1>
      %jit3A_300 = arith.constant 25200 : i32
      %broadcast_in_dim3A_301 = vector.broadcast %jit3A_300 : i32 to vector<16xi32>
      %select_n3A_302 = arith.select %and3A_299, %sub3A_292, %broadcast_in_dim3A_301 : vector<16xi1>, vector<16xi32>
      %swap3A_303 = arith.constant 0 : i32
      %swap3A_304 = arith.index_cast %swap3A_303 : i32 to index
      %swap3A_305 = arith.constant 64 : index
      %swap3A_306 = tpu.vector_load %arg14[%swap3A_304, %swap3A_305] {strides = array<i32>} : memref<3x128xi32, #tpu.memory_space<vmem>>, vector<16xi32>,
      tpu.vector_store %arg14[%swap3A_304, %swap3A_305], %select_n3A_302 {strides = array<i32>} : memref<3x128xi32, #tpu.memory_space<vmem>>, vector<16xi32>,
      %get3A_307 = arith.constant 80 : index
      %get3A_308 = tpu.vector_load %arg12[%get3A_307] {strides = array<i32>} : memref<1024xi32, #tpu.memory_space<vmem>>, vector<16xi32>,
      %gather3A_309 = tpu.vector_load_idx %arg9[%get3A_308] : memref<40000xi32, #tpu.memory_space<vmem>>[vector<16xi32>], vector<16xi32>,
      %swap3A_310 = arith.constant 0 : i32
      %swap3A_311 = arith.index_cast %swap3A_310 : i32 to index
      %swap3A_312 = arith.constant 80 : index
      %swap3A_313 = tpu.vector_load %arg13[%swap3A_311, %swap3A_312] {strides = array<i32>} : memref<2x128xi32, #tpu.memory_space<vmem>>, vector<16xi32>,
      tpu.vector_store %arg13[%swap3A_311, %swap3A_312], %gather3A_309 {strides = array<i32>} : memref<2x128xi32, #tpu.memory_space<vmem>>, vector<16xi32>,
      %get3A_314 = arith.constant 80 : index
      %get3A_315 = tpu.vector_load %arg11[%get3A_314] {strides = array<i32>} : memref<1024xi32, #tpu.memory_space<vmem>>, vector<16xi32>,
      %sub3A_316 = vector.broadcast %mul3A_10 : i32 to vector<16xi32>
      %sub3A_317 = arith.subi %get3A_315, %sub3A_316 : vector<16xi32>
      %ge3A_318 = arith.constant 0 : i32
      %ge3A_319 = vector.broadcast %ge3A_318 : i32 to vector<16xi32>
      %ge3A_320 = arith.cmpi sge, %sub3A_317, %ge3A_319 : vector<16xi32>
      %lt3A_321 = arith.constant 25088 : i32
      %lt3A_322 = vector.broadcast %lt3A_321 : i32 to vector<16xi32>
      %lt3A_323 = arith.cmpi slt, %sub3A_317, %lt3A_322 : vector<16xi32>
      %and3A_324 = arith.andi %ge3A_320, %lt3A_323 : vector<16xi1>
      %jit3A_325 = arith.constant 25200 : i32
      %broadcast_in_dim3A_326 = vector.broadcast %jit3A_325 : i32 to vector<16xi32>
      %select_n3A_327 = arith.select %and3A_324, %sub3A_317, %broadcast_in_dim3A_326 : vector<16xi1>, vector<16xi32>
      %swap3A_328 = arith.constant 0 : i32
      %swap3A_329 = arith.index_cast %swap3A_328 : i32 to index
      %swap3A_330 = arith.constant 80 : index
      %swap3A_331 = tpu.vector_load %arg14[%swap3A_329, %swap3A_330] {strides = array<i32>} : memref<3x128xi32, #tpu.memory_space<vmem>>, vector<16xi32>,
      tpu.vector_store %arg14[%swap3A_329, %swap3A_330], %select_n3A_327 {strides = array<i32>} : memref<3x128xi32, #tpu.memory_space<vmem>>, vector<16xi32>,
      %get3A_332 = arith.constant 96 : index
      %get3A_333 = tpu.vector_load %arg12[%get3A_332] {strides = array<i32>} : memref<1024xi32, #tpu.memory_space<vmem>>, vector<16xi32>,
      %gather3A_334 = tpu.vector_load_idx %arg9[%get3A_333] : memref<40000xi32, #tpu.memory_space<vmem>>[vector<16xi32>], vector<16xi32>,
      %swap3A_335 = arith.constant 0 : i32
      %swap3A_336 = arith.index_cast %swap3A_335 : i32 to index
      %swap3A_337 = arith.constant 96 : index
      %swap3A_338 = tpu.vector_load %arg13[%swap3A_336, %swap3A_337] {strides = array<i32>} : memref<2x128xi32, #tpu.memory_space<vmem>>, vector<16xi32>,
      tpu.vector_store %arg13[%swap3A_336, %swap3A_337], %gather3A_334 {strides = array<i32>} : memref<2x128xi32, #tpu.memory_space<vmem>>, vector<16xi32>,
      %get3A_339 = arith.constant 96 : index
      %get3A_340 = tpu.vector_load %arg11[%get3A_339] {strides = array<i32>} : memref<1024xi32, #tpu.memory_space<vmem>>, vector<16xi32>,
      %sub3A_341 = vector.broadcast %mul3A_10 : i32 to vector<16xi32>
      %sub3A_342 = arith.subi %get3A_340, %sub3A_341 : vector<16xi32>
      %ge3A_343 = arith.constant 0 : i32
      %ge3A_344 = vector.broadcast %ge3A_343 : i32 to vector<16xi32>
      %ge3A_345 = arith.cmpi sge, %sub3A_342, %ge3A_344 : vector<16xi32>
      %lt3A_346 = arith.constant 25088 : i32
      %lt3A_347 = vector.broadcast %lt3A_346 : i32 to vector<16xi32>
      %lt3A_348 = arith.cmpi slt, %sub3A_342, %lt3A_347 : vector<16xi32>
      %and3A_349 = arith.andi %ge3A_345, %lt3A_348 : vector<16xi1>
      %jit3A_350 = arith.constant 25200 : i32
      %broadcast_in_dim3A_351 = vector.broadcast %jit3A_350 : i32 to vector<16xi32>
      %select_n3A_352 = arith.select %and3A_349, %sub3A_342, %broadcast_in_dim3A_351 : vector<16xi1>, vector<16xi32>
      %swap3A_353 = arith.constant 0 : i32
      %swap3A_354 = arith.index_cast %swap3A_353 : i32 to index
      %swap3A_355 = arith.constant 96 : index
      %swap3A_356 = tpu.vector_load %arg14[%swap3A_354, %swap3A_355] {strides = array<i32>} : memref<3x128xi32, #tpu.memory_space<vmem>>, vector<16xi32>,
      tpu.vector_store %arg14[%swap3A_354, %swap3A_355], %select_n3A_352 {strides = array<i32>} : memref<3x128xi32, #tpu.memory_space<vmem>>, vector<16xi32>,
      %get3A_357 = arith.constant 112 : index
      %get3A_358 = tpu.vector_load %arg12[%get3A_357] {strides = array<i32>} : memref<1024xi32, #tpu.memory_space<vmem>>, vector<16xi32>,
      %gather3A_359 = tpu.vector_load_idx %arg9[%get3A_358] : memref<40000xi32, #tpu.memory_space<vmem>>[vector<16xi32>], vector<16xi32>,
      %swap3A_360 = arith.constant 0 : i32
      %swap3A_361 = arith.index_cast %swap3A_360 : i32 to index
      %swap3A_362 = arith.constant 112 : index
      %swap3A_363 = tpu.vector_load %arg13[%swap3A_361, %swap3A_362] {strides = array<i32>} : memref<2x128xi32, #tpu.memory_space<vmem>>, vector<16xi32>,
      tpu.vector_store %arg13[%swap3A_361, %swap3A_362], %gather3A_359 {strides = array<i32>} : memref<2x128xi32, #tpu.memory_space<vmem>>, vector<16xi32>,
      %get3A_364 = arith.constant 112 : index
      %get3A_365 = tpu.vector_load %arg11[%get3A_364] {strides = array<i32>} : memref<1024xi32, #tpu.memory_space<vmem>>, vector<16xi32>,
      %sub3A_366 = vector.broadcast %mul3A_10 : i32 to vector<16xi32>
      %sub3A_367 = arith.subi %get3A_365, %sub3A_366 : vector<16xi32>
      %ge3A_368 = arith.constant 0 : i32
      %ge3A_369 = vector.broadcast %ge3A_368 : i32 to vector<16xi32>
      %ge3A_370 = arith.cmpi sge, %sub3A_367, %ge3A_369 : vector<16xi32>
      %lt3A_371 = arith.constant 25088 : i32
      %lt3A_372 = vector.broadcast %lt3A_371 : i32 to vector<16xi32>
      %lt3A_373 = arith.cmpi slt, %sub3A_367, %lt3A_372 : vector<16xi32>
      %and3A_374 = arith.andi %ge3A_370, %lt3A_373 : vector<16xi1>
      %jit3A_375 = arith.constant 25200 : i32
      %broadcast_in_dim3A_376 = vector.broadcast %jit3A_375 : i32 to vector<16xi32>
      %select_n3A_377 = arith.select %and3A_374, %sub3A_367, %broadcast_in_dim3A_376 : vector<16xi1>, vector<16xi32>
      %swap3A_378 = arith.constant 0 : i32
      %swap3A_379 = arith.index_cast %swap3A_378 : i32 to index
      %swap3A_380 = arith.constant 112 : index
      %swap3A_381 = tpu.vector_load %arg14[%swap3A_379, %swap3A_380] {strides = array<i32>} : memref<3x128xi32, #tpu.memory_space<vmem>>, vector<16xi32>,
      tpu.vector_store %arg14[%swap3A_379, %swap3A_380], %select_n3A_377 {strides = array<i32>} : memref<3x128xi32, #tpu.memory_space<vmem>>, vector<16xi32>,
      %dma_start3A_382 = arith.constant 0 : i32
      %dma_start3A_383 = arith.constant 0 : i32
      %dma_start3A_384 = tpu.memref_slice %arg13[%dma_start3A_382, %dma_start3A_383] : memref<2x128xi32, #tpu.memory_space<vmem>> -> memref<1x128xi32, #tpu.memory_space<vmem>>
      %dma_start3A_385 = tpu.memref_squeeze %dma_start3A_384 : memref<1x128xi32, #tpu.memory_space<vmem>> -> memref<128xi32, #tpu.memory_space<vmem>>
      %dma_start3A_386 = arith.constant 0 : i32
      %dma_start3A_387 = arith.constant 0 : i32
      %dma_start3A_388 = tpu.memref_slice %arg2[%dma_start3A_386, %dma_start3A_387] : memref<50000x64xbf16, #tpu.memory_space<hbm>> -> memref<50000x64xbf16, #tpu.memory_space<hbm>>
      tpu.enqueue_indirect_dma source(%dma_start3A_388 : memref<50000x64xbf16, #tpu.memory_space<hbm>>) target(%arg15 : memref<128x64xbf16, #tpu.memory_space<vmem>>) offsets(%dma_start3A_385 : memref<128xi32, #tpu.memory_space<vmem>>) semaphore(%arg18 : memref<!tpu.dma_semaphore, #tpu.memory_space<semaphore_mem>>)
      %dma_wait3A_389 = arith.constant 0 : i32
      %dma_wait3A_390 = arith.constant 0 : i32
      %dma_wait3A_391 = tpu.memref_slice %arg2[%dma_wait3A_389, %dma_wait3A_390] : memref<50000x64xbf16, #tpu.memory_space<hbm>> -> memref<128x64xbf16, #tpu.memory_space<hbm>>
      %dma_wait3A_392 = arith.constant 0 : i32
      %dma_wait3A_393 = arith.constant 0 : i32
      %dma_wait3A_394 = tpu.memref_slice %arg2[%dma_wait3A_392, %dma_wait3A_393] : memref<50000x64xbf16, #tpu.memory_space<hbm>> -> memref<128x64xbf16, #tpu.memory_space<hbm>>
      tpu.wait_dma2 semaphore(%arg21 : memref<!tpu.dma_semaphore, #tpu.memory_space<semaphore_mem>>) src(%dma_wait3A_394 : memref<128x64xbf16, #tpu.memory_space<hbm>>) dst(%arg16 : memref<128x64xbf16, #tpu.memory_space<vmem>>)
      %get3A_395 = arith.constant 128 : index
      %get3A_396 = tpu.vector_load %arg12[%get3A_395] {strides = array<i32>} : memref<1024xi32, #tpu.memory_space<vmem>>, vector<16xi32>,
      %gather3A_397 = tpu.vector_load_idx %arg9[%get3A_396] : memref<40000xi32, #tpu.memory_space<vmem>>[vector<16xi32>], vector<16xi32>,
      %swap3A_398 = arith.constant 1 : i32
      %swap3A_399 = arith.index_cast %swap3A_398 : i32 to index
      %swap3A_400 = arith.constant 0 : index
      %swap3A_401 = tpu.vector_load %arg13[%swap3A_399, %swap3A_400] {strides = array<i32>} : memref<2x128xi32, #tpu.memory_space<vmem>>, vector<16xi32>,
      tpu.vector_store %arg13[%swap3A_399, %swap3A_400], %gather3A_397 {strides = array<i32>} : memref<2x128xi32, #tpu.memory_space<vmem>>, vector<16xi32>,
      %get3A_402 = arith.constant 128 : index
      %get3A_403 = tpu.vector_load %arg11[%get3A_402] {strides = array<i32>} : memref<1024xi32, #tpu.memory_space<vmem>>, vector<16xi32>,
      %sub3A_404 = vector.broadcast %mul3A_10 : i32 to vector<16xi32>
      %sub3A_405 = arith.subi %get3A_403, %sub3A_404 : vector<16xi32>
      %ge3A_406 = arith.constant 0 : i32
      %ge3A_407 = vector.broadcast %ge3A_406 : i32 to vector<16xi32>
      %ge3A_408 = arith.cmpi sge, %sub3A_405, %ge3A_407 : vector<16xi32>
      %lt3A_409 = arith.constant 25088 : i32
      %lt3A_410 = vector.broadcast %lt3A_409 : i32 to vector<16xi32>
      %lt3A_411 = arith.cmpi slt, %sub3A_405, %lt3A_410 : vector<16xi32>
      %and3A_412 = arith.andi %ge3A_408, %lt3A_411 : vector<16xi1>
      %jit3A_413 = arith.constant 25200 : i32
      %broadcast_in_dim3A_414 = vector.broadcast %jit3A_413 : i32 to vector<16xi32>
      %select_n3A_415 = arith.select %and3A_412, %sub3A_405, %broadcast_in_dim3A_414 : vector<16xi1>, vector<16xi32>
      %swap3A_416 = arith.constant 1 : i32
      %swap3A_417 = arith.index_cast %swap3A_416 : i32 to index
      %swap3A_418 = arith.constant 0 : index
      %swap3A_419 = tpu.vector_load %arg14[%swap3A_417, %swap3A_418] {strides = array<i32>} : memref<3x128xi32, #tpu.memory_space<vmem>>, vector<16xi32>,
      tpu.vector_store %arg14[%swap3A_417, %swap3A_418], %select_n3A_415 {strides = array<i32>} : memref<3x128xi32, #tpu.memory_space<vmem>>, vector<16xi32>,
      %get3A_420 = arith.constant 144 : index
      %get3A_421 = tpu.vector_load %arg12[%get3A_420] {strides = array<i32>} : memref<1024xi32, #tpu.memory_space<vmem>>, vector<16xi32>,
      %gather3A_422 = tpu.vector_load_idx %arg9[%get3A_421] : memref<40000xi32, #tpu.memory_space<vmem>>[vector<16xi32>], vector<16xi32>,
      %swap3A_423 = arith.constant 1 : i32
      %swap3A_424 = arith.index_cast %swap3A_423 : i32 to index
      %swap3A_425 = arith.constant 16 : index
      %swap3A_426 = tpu.vector_load %arg13[%swap3A_424, %swap3A_425] {strides = array<i32>} : memref<2x128xi32, #tpu.memory_space<vmem>>, vector<16xi32>,
      tpu.vector_store %arg13[%swap3A_424, %swap3A_425], %gather3A_422 {strides = array<i32>} : memref<2x128xi32, #tpu.memory_space<vmem>>, vector<16xi32>,
      %get3A_427 = arith.constant 144 : index
      %get3A_428 = tpu.vector_load %arg11[%get3A_427] {strides = array<i32>} : memref<1024xi32, #tpu.memory_space<vmem>>, vector<16xi32>,
      %sub3A_429 = vector.broadcast %mul3A_10 : i32 to vector<16xi32>
      %sub3A_430 = arith.subi %get3A_428, %sub3A_429 : vector<16xi32>
      %ge3A_431 = arith.constant 0 : i32
      %ge3A_432 = vector.broadcast %ge3A_431 : i32 to vector<16xi32>
      %ge3A_433 = arith.cmpi sge, %sub3A_430, %ge3A_432 : vector<16xi32>
      %lt3A_434 = arith.constant 25088 : i32
      %lt3A_435 = vector.broadcast %lt3A_434 : i32 to vector<16xi32>
      %lt3A_436 = arith.cmpi slt, %sub3A_430, %lt3A_435 : vector<16xi32>
      %and3A_437 = arith.andi %ge3A_433, %lt3A_436 : vector<16xi1>
      %jit3A_438 = arith.constant 25200 : i32
      %broadcast_in_dim3A_439 = vector.broadcast %jit3A_438 : i32 to vector<16xi32>
      %select_n3A_440 = arith.select %and3A_437, %sub3A_430, %broadcast_in_dim3A_439 : vector<16xi1>, vector<16xi32>
      %swap3A_441 = arith.constant 1 : i32
      %swap3A_442 = arith.index_cast %swap3A_441 : i32 to index
      %swap3A_443 = arith.constant 16 : index
      %swap3A_444 = tpu.vector_load %arg14[%swap3A_442, %swap3A_443] {strides = array<i32>} : memref<3x128xi32, #tpu.memory_space<vmem>>, vector<16xi32>,
      tpu.vector_store %arg14[%swap3A_442, %swap3A_443], %select_n3A_440 {strides = array<i32>} : memref<3x128xi32, #tpu.memory_space<vmem>>, vector<16xi32>,
      %get3A_445 = arith.constant 160 : index
      %get3A_446 = tpu.vector_load %arg12[%get3A_445] {strides = array<i32>} : memref<1024xi32, #tpu.memory_space<vmem>>, vector<16xi32>,
      %gather3A_447 = tpu.vector_load_idx %arg9[%get3A_446] : memref<40000xi32, #tpu.memory_space<vmem>>[vector<16xi32>], vector<16xi32>,
      %swap3A_448 = arith.constant 1 : i32
      %swap3A_449 = arith.index_cast %swap3A_448 : i32 to index
      %swap3A_450 = arith.constant 32 : index
      %swap3A_451 = tpu.vector_load %arg13[%swap3A_449, %swap3A_450] {strides = array<i32>} : memref<2x128xi32, #tpu.memory_space<vmem>>, vector<16xi32>,
      tpu.vector_store %arg13[%swap3A_449, %swap3A_450], %gather3A_447 {strides = array<i32>} : memref<2x128xi32, #tpu.memory_space<vmem>>, vector<16xi32>,
      %get3A_452 = arith.constant 160 : index
      %get3A_453 = tpu.vector_load %arg11[%get3A_452] {strides = array<i32>} : memref<1024xi32, #tpu.memory_space<vmem>>, vector<16xi32>,
      %sub3A_454 = vector.broadcast %mul3A_10 : i32 to vector<16xi32>
      %sub3A_455 = arith.subi %get3A_453, %sub3A_454 : vector<16xi32>
      %ge3A_456 = arith.constant 0 : i32
      %ge3A_457 = vector.broadcast %ge3A_456 : i32 to vector<16xi32>
      %ge3A_458 = arith.cmpi sge, %sub3A_455, %ge3A_457 : vector<16xi32>
      %lt3A_459 = arith.constant 25088 : i32
      %lt3A_460 = vector.broadcast %lt3A_459 : i32 to vector<16xi32>
      %lt3A_461 = arith.cmpi slt, %sub3A_455, %lt3A_460 : vector<16xi32>
      %and3A_462 = arith.andi %ge3A_458, %lt3A_461 : vector<16xi1>
      %jit3A_463 = arith.constant 25200 : i32
      %broadcast_in_dim3A_464 = vector.broadcast %jit3A_463 : i32 to vector<16xi32>
      %select_n3A_465 = arith.select %and3A_462, %sub3A_455, %broadcast_in_dim3A_464 : vector<16xi1>, vector<16xi32>
      %swap3A_466 = arith.constant 1 : i32
      %swap3A_467 = arith.index_cast %swap3A_466 : i32 to index
      %swap3A_468 = arith.constant 32 : index
      %swap3A_469 = tpu.vector_load %arg14[%swap3A_467, %swap3A_468] {strides = array<i32>} : memref<3x128xi32, #tpu.memory_space<vmem>>, vector<16xi32>,
      tpu.vector_store %arg14[%swap3A_467, %swap3A_468], %select_n3A_465 {strides = array<i32>} : memref<3x128xi32, #tpu.memory_space<vmem>>, vector<16xi32>,
      %get3A_470 = arith.constant 176 : index
      %get3A_471 = tpu.vector_load %arg12[%get3A_470] {strides = array<i32>} : memref<1024xi32, #tpu.memory_space<vmem>>, vector<16xi32>,
      %gather3A_472 = tpu.vector_load_idx %arg9[%get3A_471] : memref<40000xi32, #tpu.memory_space<vmem>>[vector<16xi32>], vector<16xi32>,
      %swap3A_473 = arith.constant 1 : i32
      %swap3A_474 = arith.index_cast %swap3A_473 : i32 to index
      %swap3A_475 = arith.constant 48 : index
      %swap3A_476 = tpu.vector_load %arg13[%swap3A_474, %swap3A_475] {strides = array<i32>} : memref<2x128xi32, #tpu.memory_space<vmem>>, vector<16xi32>,
      tpu.vector_store %arg13[%swap3A_474, %swap3A_475], %gather3A_472 {strides = array<i32>} : memref<2x128xi32, #tpu.memory_space<vmem>>, vector<16xi32>,
      %get3A_477 = arith.constant 176 : index
      %get3A_478 = tpu.vector_load %arg11[%get3A_477] {strides = array<i32>} : memref<1024xi32, #tpu.memory_space<vmem>>, vector<16xi32>,
      %sub3A_479 = vector.broadcast %mul3A_10 : i32 to vector<16xi32>
      %sub3A_480 = arith.subi %get3A_478, %sub3A_479 : vector<16xi32>
      %ge3A_481 = arith.constant 0 : i32
      %ge3A_482 = vector.broadcast %ge3A_481 : i32 to vector<16xi32>
      %ge3A_483 = arith.cmpi sge, %sub3A_480, %ge3A_482 : vector<16xi32>
      %lt3A_484 = arith.constant 25088 : i32
      %lt3A_485 = vector.broadcast %lt3A_484 : i32 to vector<16xi32>
      %lt3A_486 = arith.cmpi slt, %sub3A_480, %lt3A_485 : vector<16xi32>
      %and3A_487 = arith.andi %ge3A_483, %lt3A_486 : vector<16xi1>
      %jit3A_488 = arith.constant 25200 : i32
      %broadcast_in_dim3A_489 = vector.broadcast %jit3A_488 : i32 to vector<16xi32>
      %select_n3A_490 = arith.select %and3A_487, %sub3A_480, %broadcast_in_dim3A_489 : vector<16xi1>, vector<16xi32>
      %swap3A_491 = arith.constant 1 : i32
      %swap3A_492 = arith.index_cast %swap3A_491 : i32 to index
      %swap3A_493 = arith.constant 48 : index
      %swap3A_494 = tpu.vector_load %arg14[%swap3A_492, %swap3A_493] {strides = array<i32>} : memref<3x128xi32, #tpu.memory_space<vmem>>, vector<16xi32>,
      tpu.vector_store %arg14[%swap3A_492, %swap3A_493], %select_n3A_490 {strides = array<i32>} : memref<3x128xi32, #tpu.memory_space<vmem>>, vector<16xi32>,
      %get3A_495 = arith.constant 192 : index
      %get3A_496 = tpu.vector_load %arg12[%get3A_495] {strides = array<i32>} : memref<1024xi32, #tpu.memory_space<vmem>>, vector<16xi32>,
      %gather3A_497 = tpu.vector_load_idx %arg9[%get3A_496] : memref<40000xi32, #tpu.memory_space<vmem>>[vector<16xi32>], vector<16xi32>,
      %swap3A_498 = arith.constant 1 : i32
      %swap3A_499 = arith.index_cast %swap3A_498 : i32 to index
      %swap3A_500 = arith.constant 64 : index
      %swap3A_501 = tpu.vector_load %arg13[%swap3A_499, %swap3A_500] {strides = array<i32>} : memref<2x128xi32, #tpu.memory_space<vmem>>, vector<16xi32>,
      tpu.vector_store %arg13[%swap3A_499, %swap3A_500], %gather3A_497 {strides = array<i32>} : memref<2x128xi32, #tpu.memory_space<vmem>>, vector<16xi32>,
      %get3A_502 = arith.constant 192 : index
      %get3A_503 = tpu.vector_load %arg11[%get3A_502] {strides = array<i32>} : memref<1024xi32, #tpu.memory_space<vmem>>, vector<16xi32>,
      %sub3A_504 = vector.broadcast %mul3A_10 : i32 to vector<16xi32>
      %sub3A_505 = arith.subi %get3A_503, %sub3A_504 : vector<16xi32>
      %ge3A_506 = arith.constant 0 : i32
      %ge3A_507 = vector.broadcast %ge3A_506 : i32 to vector<16xi32>
      %ge3A_508 = arith.cmpi sge, %sub3A_505, %ge3A_507 : vector<16xi32>
      %lt3A_509 = arith.constant 25088 : i32
      %lt3A_510 = vector.broadcast %lt3A_509 : i32 to vector<16xi32>
      %lt3A_511 = arith.cmpi slt, %sub3A_505, %lt3A_510 : vector<16xi32>
      %and3A_512 = arith.andi %ge3A_508, %lt3A_511 : vector<16xi1>
      %jit3A_513 = arith.constant 25200 : i32
      %broadcast_in_dim3A_514 = vector.broadcast %jit3A_513 : i32 to vector<16xi32>
      %select_n3A_515 = arith.select %and3A_512, %sub3A_505, %broadcast_in_dim3A_514 : vector<16xi1>, vector<16xi32>
      %swap3A_516 = arith.constant 1 : i32
      %swap3A_517 = arith.index_cast %swap3A_516 : i32 to index
      %swap3A_518 = arith.constant 64 : index
      %swap3A_519 = tpu.vector_load %arg14[%swap3A_517, %swap3A_518] {strides = array<i32>} : memref<3x128xi32, #tpu.memory_space<vmem>>, vector<16xi32>,
      tpu.vector_store %arg14[%swap3A_517, %swap3A_518], %select_n3A_515 {strides = array<i32>} : memref<3x128xi32, #tpu.memory_space<vmem>>, vector<16xi32>,
      %get3A_520 = arith.constant 208 : index
      %get3A_521 = tpu.vector_load %arg12[%get3A_520] {strides = array<i32>} : memref<1024xi32, #tpu.memory_space<vmem>>, vector<16xi32>,
      %gather3A_522 = tpu.vector_load_idx %arg9[%get3A_521] : memref<40000xi32, #tpu.memory_space<vmem>>[vector<16xi32>], vector<16xi32>,
      %swap3A_523 = arith.constant 1 : i32
      %swap3A_524 = arith.index_cast %swap3A_523 : i32 to index
      %swap3A_525 = arith.constant 80 : index
      %swap3A_526 = tpu.vector_load %arg13[%swap3A_524, %swap3A_525] {strides = array<i32>} : memref<2x128xi32, #tpu.memory_space<vmem>>, vector<16xi32>,
      tpu.vector_store %arg13[%swap3A_524, %swap3A_525], %gather3A_522 {strides = array<i32>} : memref<2x128xi32, #tpu.memory_space<vmem>>, vector<16xi32>,
      %get3A_527 = arith.constant 208 : index
      %get3A_528 = tpu.vector_load %arg11[%get3A_527] {strides = array<i32>} : memref<1024xi32, #tpu.memory_space<vmem>>, vector<16xi32>,
      %sub3A_529 = vector.broadcast %mul3A_10 : i32 to vector<16xi32>
      %sub3A_530 = arith.subi %get3A_528, %sub3A_529 : vector<16xi32>
      %ge3A_531 = arith.constant 0 : i32
      %ge3A_532 = vector.broadcast %ge3A_531 : i32 to vector<16xi32>
      %ge3A_533 = arith.cmpi sge, %sub3A_530, %ge3A_532 : vector<16xi32>
      %lt3A_534 = arith.constant 25088 : i32
      %lt3A_535 = vector.broadcast %lt3A_534 : i32 to vector<16xi32>
      %lt3A_536 = arith.cmpi slt, %sub3A_530, %lt3A_535 : vector<16xi32>
      %and3A_537 = arith.andi %ge3A_533, %lt3A_536 : vector<16xi1>
      %jit3A_538 = arith.constant 25200 : i32
      %broadcast_in_dim3A_539 = vector.broadcast %jit3A_538 : i32 to vector<16xi32>
      %select_n3A_540 = arith.select %and3A_537, %sub3A_530, %broadcast_in_dim3A_539 : vector<16xi1>, vector<16xi32>
      %swap3A_541 = arith.constant 1 : i32
      %swap3A_542 = arith.index_cast %swap3A_541 : i32 to index
      %swap3A_543 = arith.constant 80 : index
      %swap3A_544 = tpu.vector_load %arg14[%swap3A_542, %swap3A_543] {strides = array<i32>} : memref<3x128xi32, #tpu.memory_space<vmem>>, vector<16xi32>,
      tpu.vector_store %arg14[%swap3A_542, %swap3A_543], %select_n3A_540 {strides = array<i32>} : memref<3x128xi32, #tpu.memory_space<vmem>>, vector<16xi32>,
      %get3A_545 = arith.constant 224 : index
      %get3A_546 = tpu.vector_load %arg12[%get3A_545] {strides = array<i32>} : memref<1024xi32, #tpu.memory_space<vmem>>, vector<16xi32>,
      %gather3A_547 = tpu.vector_load_idx %arg9[%get3A_546] : memref<40000xi32, #tpu.memory_space<vmem>>[vector<16xi32>], vector<16xi32>,
      %swap3A_548 = arith.constant 1 : i32
      %swap3A_549 = arith.index_cast %swap3A_548 : i32 to index
      %swap3A_550 = arith.constant 96 : index
      %swap3A_551 = tpu.vector_load %arg13[%swap3A_549, %swap3A_550] {strides = array<i32>} : memref<2x128xi32, #tpu.memory_space<vmem>>, vector<16xi32>,
      tpu.vector_store %arg13[%swap3A_549, %swap3A_550], %gather3A_547 {strides = array<i32>} : memref<2x128xi32, #tpu.memory_space<vmem>>, vector<16xi32>,
      %get3A_552 = arith.constant 224 : index
      %get3A_553 = tpu.vector_load %arg11[%get3A_552] {strides = array<i32>} : memref<1024xi32, #tpu.memory_space<vmem>>, vector<16xi32>,
      %sub3A_554 = vector.broadcast %mul3A_10 : i32 to vector<16xi32>
      %sub3A_555 = arith.subi %get3A_553, %sub3A_554 : vector<16xi32>
      %ge3A_556 = arith.constant 0 : i32
      %ge3A_557 = vector.broadcast %ge3A_556 : i32 to vector<16xi32>
      %ge3A_558 = arith.cmpi sge, %sub3A_555, %ge3A_557 : vector<16xi32>
      %lt3A_559 = arith.constant 25088 : i32
      %lt3A_560 = vector.broadcast %lt3A_559 : i32 to vector<16xi32>
      %lt3A_561 = arith.cmpi slt, %sub3A_555, %lt3A_560 : vector<16xi32>
      %and3A_562 = arith.andi %ge3A_558, %lt3A_561 : vector<16xi1>
      %jit3A_563 = arith.constant 25200 : i32
      %broadcast_in_dim3A_564 = vector.broadcast %jit3A_563 : i32 to vector<16xi32>
      %select_n3A_565 = arith.select %and3A_562, %sub3A_555, %broadcast_in_dim3A_564 : vector<16xi1>, vector<16xi32>
      %swap3A_566 = arith.constant 1 : i32
      %swap3A_567 = arith.index_cast %swap3A_566 : i32 to index
      %swap3A_568 = arith.constant 96 : index
      %swap3A_569 = tpu.vector_load %arg14[%swap3A_567, %swap3A_568] {strides = array<i32>} : memref<3x128xi32, #tpu.memory_space<vmem>>, vector<16xi32>,
      tpu.vector_store %arg14[%swap3A_567, %swap3A_568], %select_n3A_565 {strides = array<i32>} : memref<3x128xi32, #tpu.memory_space<vmem>>, vector<16xi32>,
      %get3A_570 = arith.constant 240 : index
      %get3A_571 = tpu.vector_load %arg12[%get3A_570] {strides = array<i32>} : memref<1024xi32, #tpu.memory_space<vmem>>, vector<16xi32>,
      %gather3A_572 = tpu.vector_load_idx %arg9[%get3A_571] : memref<40000xi32, #tpu.memory_space<vmem>>[vector<16xi32>], vector<16xi32>,
      %swap3A_573 = arith.constant 1 : i32
      %swap3A_574 = arith.index_cast %swap3A_573 : i32 to index
      %swap3A_575 = arith.constant 112 : index
      %swap3A_576 = tpu.vector_load %arg13[%swap3A_574, %swap3A_575] {strides = array<i32>} : memref<2x128xi32, #tpu.memory_space<vmem>>, vector<16xi32>,
      tpu.vector_store %arg13[%swap3A_574, %swap3A_575], %gather3A_572 {strides = array<i32>} : memref<2x128xi32, #tpu.memory_space<vmem>>, vector<16xi32>,
      %get3A_577 = arith.constant 240 : index
      %get3A_578 = tpu.vector_load %arg11[%get3A_577] {strides = array<i32>} : memref<1024xi32, #tpu.memory_space<vmem>>, vector<16xi32>,
      %sub3A_579 = vector.broadcast %mul3A_10 : i32 to vector<16xi32>
      %sub3A_580 = arith.subi %get3A_578, %sub3A_579 : vector<16xi32>
      %ge3A_581 = arith.constant 0 : i32
      %ge3A_582 = vector.broadcast %ge3A_581 : i32 to vector<16xi32>
      %ge3A_583 = arith.cmpi sge, %sub3A_580, %ge3A_582 : vector<16xi32>
      %lt3A_584 = arith.constant 25088 : i32
      %lt3A_585 = vector.broadcast %lt3A_584 : i32 to vector<16xi32>
      %lt3A_586 = arith.cmpi slt, %sub3A_580, %lt3A_585 : vector<16xi32>
      %and3A_587 = arith.andi %ge3A_583, %lt3A_586 : vector<16xi1>
      %jit3A_588 = arith.constant 25200 : i32
      %broadcast_in_dim3A_589 = vector.broadcast %jit3A_588 : i32 to vector<16xi32>
      %select_n3A_590 = arith.select %and3A_587, %sub3A_580, %broadcast_in_dim3A_589 : vector<16xi1>, vector<16xi32>
      %swap3A_591 = arith.constant 1 : i32
      %swap3A_592 = arith.index_cast %swap3A_591 : i32 to index
      %swap3A_593 = arith.constant 112 : index
      %swap3A_594 = tpu.vector_load %arg14[%swap3A_592, %swap3A_593] {strides = array<i32>} : memref<3x128xi32, #tpu.memory_space<vmem>>, vector<16xi32>,
      tpu.vector_store %arg14[%swap3A_592, %swap3A_593], %select_n3A_590 {strides = array<i32>} : memref<3x128xi32, #tpu.memory_space<vmem>>, vector<16xi32>,
      %dma_start3A_595 = arith.constant 1 : i32
      %dma_start3A_596 = arith.constant 0 : i32
      %dma_start3A_597 = tpu.memref_slice %arg13[%dma_start3A_595, %dma_start3A_596] : memref<2x128xi32, #tpu.memory_space<vmem>> -> memref<1x128xi32, #tpu.memory_space<vmem>>
      %dma_start3A_598 = tpu.memref_squeeze %dma_start3A_597 : memref<1x128xi32, #tpu.memory_space<vmem>> -> memref<128xi32, #tpu.memory_space<vmem>>
      %dma_start3A_599 = arith.constant 0 : i32
      %dma_start3A_600 = arith.constant 0 : i32
      %dma_start3A_601 = tpu.memref_slice %arg2[%dma_start3A_599, %dma_start3A_600] : memref<50000x64xbf16, #tpu.memory_space<hbm>> -> memref<50000x64xbf16, #tpu.memory_space<hbm>>
      tpu.enqueue_indirect_dma source(%dma_start3A_601 : memref<50000x64xbf16, #tpu.memory_space<hbm>>) target(%arg16 : memref<128x64xbf16, #tpu.memory_space<vmem>>) offsets(%dma_start3A_598 : memref<128xi32, #tpu.memory_space<vmem>>) semaphore(%arg19 : memref<!tpu.dma_semaphore, #tpu.memory_space<semaphore_mem>>)
      %dma_wait3A_602 = arith.constant 0 : i32
      %dma_wait3A_603 = arith.constant 0 : i32
      %dma_wait3A_604 = tpu.memref_slice %arg13[%dma_wait3A_602, %dma_wait3A_603] : memref<2x128xi32, #tpu.memory_space<vmem>> -> memref<1x128xi32, #tpu.memory_space<vmem>>
      %dma_wait3A_605 = tpu.memref_squeeze %dma_wait3A_604 : memref<1x128xi32, #tpu.memory_space<vmem>> -> memref<128xi32, #tpu.memory_space<vmem>>
      %dma_wait3A_606 = arith.constant 0 : i32
      %dma_wait3A_607 = arith.constant 0 : i32
      %dma_wait3A_608 = tpu.memref_slice %arg2[%dma_wait3A_606, %dma_wait3A_607] : memref<50000x64xbf16, #tpu.memory_space<hbm>> -> memref<50000x64xbf16, #tpu.memory_space<hbm>>
      tpu.wait_indirect_dma semaphore(%arg18 : memref<!tpu.dma_semaphore, #tpu.memory_space<semaphore_mem>>) src(%dma_wait3A_608 : memref<50000x64xbf16, #tpu.memory_space<hbm>>) dst(%arg15 : memref<128x64xbf16, #tpu.memory_space<vmem>>)
      %dma_start3A_609 = arith.constant 0 : i32
      %dma_start3A_610 = arith.constant 0 : i32
      %dma_start3A_611 = tpu.memref_slice %arg14[%dma_start3A_609, %dma_start3A_610] : memref<3x128xi32, #tpu.memory_space<vmem>> -> memref<1x128xi32, #tpu.memory_space<vmem>>
      %dma_start3A_612 = tpu.memref_squeeze %dma_start3A_611 : memref<1x128xi32, #tpu.memory_space<vmem>> -> memref<128xi32, #tpu.memory_space<vmem>>
      %dma_start3A_613 = arith.constant 0 : i32
      %dma_start3A_614 = arith.constant 0 : i32
      %dma_start3A_615 = tpu.memref_slice %arg17[%dma_start3A_613, %dma_start3A_614] : memref<25344x64xbf16, #tpu.memory_space<vmem_shared>> -> memref<25344x64xbf16, #tpu.memory_space<vmem_shared>>
      tpu.enqueue_indirect_dma source(%arg15 : memref<128x64xbf16, #tpu.memory_space<vmem>>) target(%dma_start3A_615 : memref<25344x64xbf16, #tpu.memory_space<vmem_shared>>) offsets(%dma_start3A_612 : memref<128xi32, #tpu.memory_space<vmem>>) semaphore(%arg20 : memref<!tpu.dma_semaphore, #tpu.memory_space<semaphore_mem>>) {add = true}
      %dma_wait3A_616 = arith.constant 1 : i32
      %dma_wait3A_617 = arith.constant 0 : i32
      %dma_wait3A_618 = tpu.memref_slice %arg13[%dma_wait3A_616, %dma_wait3A_617] : memref<2x128xi32, #tpu.memory_space<vmem>> -> memref<1x128xi32, #tpu.memory_space<vmem>>
      %dma_wait3A_619 = tpu.memref_squeeze %dma_wait3A_618 : memref<1x128xi32, #tpu.memory_space<vmem>> -> memref<128xi32, #tpu.memory_space<vmem>>
      %dma_wait3A_620 = arith.constant 0 : i32
      %dma_wait3A_621 = arith.constant 0 : i32
      %dma_wait3A_622 = tpu.memref_slice %arg2[%dma_wait3A_620, %dma_wait3A_621] : memref<50000x64xbf16, #tpu.memory_space<hbm>> -> memref<50000x64xbf16, #tpu.memory_space<hbm>>
      tpu.wait_indirect_dma semaphore(%arg19 : memref<!tpu.dma_semaphore, #tpu.memory_space<semaphore_mem>>) src(%dma_wait3A_622 : memref<50000x64xbf16, #tpu.memory_space<hbm>>) dst(%arg16 : memref<128x64xbf16, #tpu.memory_space<vmem>>)
      %dma_start3A_623 = arith.constant 1 : i32
      %dma_start3A_624 = arith.constant 0 : i32
      %dma_start3A_625 = tpu.memref_slice %arg14[%dma_start3A_623, %dma_start3A_624] : memref<3x128xi32, #tpu.memory_space<vmem>> -> memref<1x128xi32, #tpu.memory_space<vmem>>
      %dma_start3A_626 = tpu.memref_squeeze %dma_start3A_625 : memref<1x128xi32, #tpu.memory_space<vmem>> -> memref<128xi32, #tpu.memory_space<vmem>>
      %dma_start3A_627 = arith.constant 0 : i32
      %dma_start3A_628 = arith.constant 0 : i32
      %dma_start3A_629 = tpu.memref_slice %arg17[%dma_start3A_627, %dma_start3A_628] : memref<25344x64xbf16, #tpu.memory_space<vmem_shared>> -> memref<25344x64xbf16, #tpu.memory_space<vmem_shared>>
      tpu.enqueue_indirect_dma source(%arg16 : memref<128x64xbf16, #tpu.memory_space<vmem>>) target(%dma_start3A_629 : memref<25344x64xbf16, #tpu.memory_space<vmem_shared>>) offsets(%dma_start3A_626 : memref<128xi32, #tpu.memory_space<vmem>>) semaphore(%arg21 : memref<!tpu.dma_semaphore, #tpu.memory_space<semaphore_mem>>) {add = true}
      %dma_wait3A_630 = arith.constant 0 : i32
      %dma_wait3A_631 = arith.constant 0 : i32
      %dma_wait3A_632 = tpu.memref_slice %arg2[%dma_wait3A_630, %dma_wait3A_631] : memref<50000x64xbf16, #tpu.memory_space<hbm>> -> memref<128x64xbf16, #tpu.memory_space<hbm>>
      %dma_wait3A_633 = arith.constant 0 : i32
      %dma_wait3A_634 = arith.constant 0 : i32
      %dma_wait3A_635 = tpu.memref_slice %arg2[%dma_wait3A_633, %dma_wait3A_634] : memref<50000x64xbf16, #tpu.memory_space<hbm>> -> memref<128x64xbf16, #tpu.memory_space<hbm>>
      tpu.wait_dma2 semaphore(%arg20 : memref<!tpu.dma_semaphore, #tpu.memory_space<semaphore_mem>>) src(%dma_wait3A_635 : memref<128x64xbf16, #tpu.memory_space<hbm>>) dst(%arg15 : memref<128x64xbf16, #tpu.memory_space<vmem>>)
      %get3A_636 = arith.constant 256 : index
      %get3A_637 = tpu.vector_load %arg12[%get3A_636] {strides = array<i32>} : memref<1024xi32, #tpu.memory_space<vmem>>, vector<16xi32>,
      %gather3A_638 = tpu.vector_load_idx %arg9[%get3A_637] : memref<40000xi32, #tpu.memory_space<vmem>>[vector<16xi32>], vector<16xi32>,
      %swap3A_639 = arith.constant 0 : i32
      %swap3A_640 = arith.index_cast %swap3A_639 : i32 to index
      %swap3A_641 = arith.constant 0 : index
      %swap3A_642 = tpu.vector_load %arg13[%swap3A_640, %swap3A_641] {strides = array<i32>} : memref<2x128xi32, #tpu.memory_space<vmem>>, vector<16xi32>,
      tpu.vector_store %arg13[%swap3A_640, %swap3A_641], %gather3A_638 {strides = array<i32>} : memref<2x128xi32, #tpu.memory_space<vmem>>, vector<16xi32>,
      %get3A_643 = arith.constant 256 : index
      %get3A_644 = tpu.vector_load %arg11[%get3A_643] {strides = array<i32>} : memref<1024xi32, #tpu.memory_space<vmem>>, vector<16xi32>,
      %sub3A_645 = vector.broadcast %mul3A_10 : i32 to vector<16xi32>
      %sub3A_646 = arith.subi %get3A_644, %sub3A_645 : vector<16xi32>
      %ge3A_647 = arith.constant 0 : i32
      %ge3A_648 = vector.broadcast %ge3A_647 : i32 to vector<16xi32>
      %ge3A_649 = arith.cmpi sge, %sub3A_646, %ge3A_648 : vector<16xi32>
      %lt3A_650 = arith.constant 25088 : i32
      %lt3A_651 = vector.broadcast %lt3A_650 : i32 to vector<16xi32>
      %lt3A_652 = arith.cmpi slt, %sub3A_646, %lt3A_651 : vector<16xi32>
      %and3A_653 = arith.andi %ge3A_649, %lt3A_652 : vector<16xi1>
      %jit3A_654 = arith.constant 25200 : i32
      %broadcast_in_dim3A_655 = vector.broadcast %jit3A_654 : i32 to vector<16xi32>
      %select_n3A_656 = arith.select %and3A_653, %sub3A_646, %broadcast_in_dim3A_655 : vector<16xi1>, vector<16xi32>
      %swap3A_657 = arith.constant 0 : i32
      %swap3A_658 = arith.index_cast %swap3A_657 : i32 to index
      %swap3A_659 = arith.constant 0 : index
      %swap3A_660 = tpu.vector_load %arg14[%swap3A_658, %swap3A_659] {strides = array<i32>} : memref<3x128xi32, #tpu.memory_space<vmem>>, vector<16xi32>,
      tpu.vector_store %arg14[%swap3A_658, %swap3A_659], %select_n3A_656 {strides = array<i32>} : memref<3x128xi32, #tpu.memory_space<vmem>>, vector<16xi32>,
      %get3A_661 = arith.constant 272 : index
      %get3A_662 = tpu.vector_load %arg12[%get3A_661] {strides = array<i32>} : memref<1024xi32, #tpu.memory_space<vmem>>, vector<16xi32>,
      %gather3A_663 = tpu.vector_load_idx %arg9[%get3A_662] : memref<40000xi32, #tpu.memory_space<vmem>>[vector<16xi32>], vector<16xi32>,
      %swap3A_664 = arith.constant 0 : i32
      %swap3A_665 = arith.index_cast %swap3A_664 : i32 to index
      %swap3A_666 = arith.constant 16 : index
      %swap3A_667 = tpu.vector_load %arg13[%swap3A_665, %swap3A_666] {strides = array<i32>} : memref<2x128xi32, #tpu.memory_space<vmem>>, vector<16xi32>,
      tpu.vector_store %arg13[%swap3A_665, %swap3A_666], %gather3A_663 {strides = array<i32>} : memref<2x128xi32, #tpu.memory_space<vmem>>, vector<16xi32>,
      %get3A_668 = arith.constant 272 : index
      %get3A_669 = tpu.vector_load %arg11[%get3A_668] {strides = array<i32>} : memref<1024xi32, #tpu.memory_space<vmem>>, vector<16xi32>,
      %sub3A_670 = vector.broadcast %mul3A_10 : i32 to vector<16xi32>
      %sub3A_671 = arith.subi %get3A_669, %sub3A_670 : vector<16xi32>
      %ge3A_672 = arith.constant 0 : i32
      %ge3A_673 = vector.broadcast %ge3A_672 : i32 to vector<16xi32>
      %ge3A_674 = arith.cmpi sge, %sub3A_671, %ge3A_673 : vector<16xi32>
      %lt3A_675 = arith.constant 25088 : i32
      %lt3A_676 = vector.broadcast %lt3A_675 : i32 to vector<16xi32>
      %lt3A_677 = arith.cmpi slt, %sub3A_671, %lt3A_676 : vector<16xi32>
      %and3A_678 = arith.andi %ge3A_674, %lt3A_677 : vector<16xi1>
      %jit3A_679 = arith.constant 25200 : i32
      %broadcast_in_dim3A_680 = vector.broadcast %jit3A_679 : i32 to vector<16xi32>
      %select_n3A_681 = arith.select %and3A_678, %sub3A_671, %broadcast_in_dim3A_680 : vector<16xi1>, vector<16xi32>
      %swap3A_682 = arith.constant 0 : i32
      %swap3A_683 = arith.index_cast %swap3A_682 : i32 to index
      %swap3A_684 = arith.constant 16 : index
      %swap3A_685 = tpu.vector_load %arg14[%swap3A_683, %swap3A_684] {strides = array<i32>} : memref<3x128xi32, #tpu.memory_space<vmem>>, vector<16xi32>,
      tpu.vector_store %arg14[%swap3A_683, %swap3A_684], %select_n3A_681 {strides = array<i32>} : memref<3x128xi32, #tpu.memory_space<vmem>>, vector<16xi32>,
      %get3A_686 = arith.constant 288 : index
      %get3A_687 = tpu.vector_load %arg12[%get3A_686] {strides = array<i32>} : memref<1024xi32, #tpu.memory_space<vmem>>, vector<16xi32>,
      %gather3A_688 = tpu.vector_load_idx %arg9[%get3A_687] : memref<40000xi32, #tpu.memory_space<vmem>>[vector<16xi32>], vector<16xi32>,
      %swap3A_689 = arith.constant 0 : i32
      %swap3A_690 = arith.index_cast %swap3A_689 : i32 to index
      %swap3A_691 = arith.constant 32 : index
      %swap3A_692 = tpu.vector_load %arg13[%swap3A_690, %swap3A_691] {strides = array<i32>} : memref<2x128xi32, #tpu.memory_space<vmem>>, vector<16xi32>,
      tpu.vector_store %arg13[%swap3A_690, %swap3A_691], %gather3A_688 {strides = array<i32>} : memref<2x128xi32, #tpu.memory_space<vmem>>, vector<16xi32>,
      %get3A_693 = arith.constant 288 : index
      %get3A_694 = tpu.vector_load %arg11[%get3A_693] {strides = array<i32>} : memref<1024xi32, #tpu.memory_space<vmem>>, vector<16xi32>,
      %sub3A_695 = vector.broadcast %mul3A_10 : i32 to vector<16xi32>
      %sub3A_696 = arith.subi %get3A_694, %sub3A_695 : vector<16xi32>
      %ge3A_697 = arith.constant 0 : i32
      %ge3A_698 = vector.broadcast %ge3A_697 : i32 to vector<16xi32>
      %ge3A_699 = arith.cmpi sge, %sub3A_696, %ge3A_698 : vector<16xi32>
      %lt3A_700 = arith.constant 25088 : i32
      %lt3A_701 = vector.broadcast %lt3A_700 : i32 to vector<16xi32>
      %lt3A_702 = arith.cmpi slt, %sub3A_696, %lt3A_701 : vector<16xi32>
      %and3A_703 = arith.andi %ge3A_699, %lt3A_702 : vector<16xi1>
      %jit3A_704 = arith.constant 25200 : i32
      %broadcast_in_dim3A_705 = vector.broadcast %jit3A_704 : i32 to vector<16xi32>
      %select_n3A_706 = arith.select %and3A_703, %sub3A_696, %broadcast_in_dim3A_705 : vector<16xi1>, vector<16xi32>
      %swap3A_707 = arith.constant 0 : i32
      %swap3A_708 = arith.index_cast %swap3A_707 : i32 to index
      %swap3A_709 = arith.constant 32 : index
      %swap3A_710 = tpu.vector_load %arg14[%swap3A_708, %swap3A_709] {strides = array<i32>} : memref<3x128xi32, #tpu.memory_space<vmem>>, vector<16xi32>,
      tpu.vector_store %arg14[%swap3A_708, %swap3A_709], %select_n3A_706 {strides = array<i32>} : memref<3x128xi32, #tpu.memory_space<vmem>>, vector<16xi32>,
      %get3A_711 = arith.constant 304 : index
      %get3A_712 = tpu.vector_load %arg12[%get3A_711] {strides = array<i32>} : memref<1024xi32, #tpu.memory_space<vmem>>, vector<16xi32>,
      %gather3A_713 = tpu.vector_load_idx %arg9[%get3A_712] : memref<40000xi32, #tpu.memory_space<vmem>>[vector<16xi32>], vector<16xi32>,
      %swap3A_714 = arith.constant 0 : i32
      %swap3A_715 = arith.index_cast %swap3A_714 : i32 to index
      %swap3A_716 = arith.constant 48 : index
      %swap3A_717 = tpu.vector_load %arg13[%swap3A_715, %swap3A_716] {strides = array<i32>} : memref<2x128xi32, #tpu.memory_space<vmem>>, vector<16xi32>,
      tpu.vector_store %arg13[%swap3A_715, %swap3A_716], %gather3A_713 {strides = array<i32>} : memref<2x128xi32, #tpu.memory_space<vmem>>, vector<16xi32>,
      %get3A_718 = arith.constant 304 : index
      %get3A_719 = tpu.vector_load %arg11[%get3A_718] {strides = array<i32>} : memref<1024xi32, #tpu.memory_space<vmem>>, vector<16xi32>,
      %sub3A_720 = vector.broadcast %mul3A_10 : i32 to vector<16xi32>
      %sub3A_721 = arith.subi %get3A_719, %sub3A_720 : vector<16xi32>
      %ge3A_722 = arith.constant 0 : i32
      %ge3A_723 = vector.broadcast %ge3A_722 : i32 to vector<16xi32>
      %ge3A_724 = arith.cmpi sge, %sub3A_721, %ge3A_723 : vector<16xi32>
      %lt3A_725 = arith.constant 25088 : i32
      %lt3A_726 = vector.broadcast %lt3A_725 : i32 to vector<16xi32>
      %lt3A_727 = arith.cmpi slt, %sub3A_721, %lt3A_726 : vector<16xi32>
      %and3A_728 = arith.andi %ge3A_724, %lt3A_727 : vector<16xi1>
      %jit3A_729 = arith.constant 25200 : i32
      %broadcast_in_dim3A_730 = vector.broadcast %jit3A_729 : i32 to vector<16xi32>
      %select_n3A_731 = arith.select %and3A_728, %sub3A_721, %broadcast_in_dim3A_730 : vector<16xi1>, vector<16xi32>
      %swap3A_732 = arith.constant 0 : i32
      %swap3A_733 = arith.index_cast %swap3A_732 : i32 to index
      %swap3A_734 = arith.constant 48 : index
      %swap3A_735 = tpu.vector_load %arg14[%swap3A_733, %swap3A_734] {strides = array<i32>} : memref<3x128xi32, #tpu.memory_space<vmem>>, vector<16xi32>,
      tpu.vector_store %arg14[%swap3A_733, %swap3A_734], %select_n3A_731 {strides = array<i32>} : memref<3x128xi32, #tpu.memory_space<vmem>>, vector<16xi32>,
      %get3A_736 = arith.constant 320 : index
      %get3A_737 = tpu.vector_load %arg12[%get3A_736] {strides = array<i32>} : memref<1024xi32, #tpu.memory_space<vmem>>, vector<16xi32>,
      %gather3A_738 = tpu.vector_load_idx %arg9[%get3A_737] : memref<40000xi32, #tpu.memory_space<vmem>>[vector<16xi32>], vector<16xi32>,
      %swap3A_739 = arith.constant 0 : i32
      %swap3A_740 = arith.index_cast %swap3A_739 : i32 to index
      %swap3A_741 = arith.constant 64 : index
      %swap3A_742 = tpu.vector_load %arg13[%swap3A_740, %swap3A_741] {strides = array<i32>} : memref<2x128xi32, #tpu.memory_space<vmem>>, vector<16xi32>,
      tpu.vector_store %arg13[%swap3A_740, %swap3A_741], %gather3A_738 {strides = array<i32>} : memref<2x128xi32, #tpu.memory_space<vmem>>, vector<16xi32>,
      %get3A_743 = arith.constant 320 : index
      %get3A_744 = tpu.vector_load %arg11[%get3A_743] {strides = array<i32>} : memref<1024xi32, #tpu.memory_space<vmem>>, vector<16xi32>,
      %sub3A_745 = vector.broadcast %mul3A_10 : i32 to vector<16xi32>
      %sub3A_746 = arith.subi %get3A_744, %sub3A_745 : vector<16xi32>
      %ge3A_747 = arith.constant 0 : i32
      %ge3A_748 = vector.broadcast %ge3A_747 : i32 to vector<16xi32>
      %ge3A_749 = arith.cmpi sge, %sub3A_746, %ge3A_748 : vector<16xi32>
      %lt3A_750 = arith.constant 25088 : i32
      %lt3A_751 = vector.broadcast %lt3A_750 : i32 to vector<16xi32>
      %lt3A_752 = arith.cmpi slt, %sub3A_746, %lt3A_751 : vector<16xi32>
      %and3A_753 = arith.andi %ge3A_749, %lt3A_752 : vector<16xi1>
      %jit3A_754 = arith.constant 25200 : i32
      %broadcast_in_dim3A_755 = vector.broadcast %jit3A_754 : i32 to vector<16xi32>
      %select_n3A_756 = arith.select %and3A_753, %sub3A_746, %broadcast_in_dim3A_755 : vector<16xi1>, vector<16xi32>
      %swap3A_757 = arith.constant 0 : i32
      %swap3A_758 = arith.index_cast %swap3A_757 : i32 to index
      %swap3A_759 = arith.constant 64 : index
      %swap3A_760 = tpu.vector_load %arg14[%swap3A_758, %swap3A_759] {strides = array<i32>} : memref<3x128xi32, #tpu.memory_space<vmem>>, vector<16xi32>,
      tpu.vector_store %arg14[%swap3A_758, %swap3A_759], %select_n3A_756 {strides = array<i32>} : memref<3x128xi32, #tpu.memory_space<vmem>>, vector<16xi32>,
      %get3A_761 = arith.constant 336 : index
      %get3A_762 = tpu.vector_load %arg12[%get3A_761] {strides = array<i32>} : memref<1024xi32, #tpu.memory_space<vmem>>, vector<16xi32>,
      %gather3A_763 = tpu.vector_load_idx %arg9[%get3A_762] : memref<40000xi32, #tpu.memory_space<vmem>>[vector<16xi32>], vector<16xi32>,
      %swap3A_764 = arith.constant 0 : i32
      %swap3A_765 = arith.index_cast %swap3A_764 : i32 to index
      %swap3A_766 = arith.constant 80 : index
      %swap3A_767 = tpu.vector_load %arg13[%swap3A_765, %swap3A_766] {strides = array<i32>} : memref<2x128xi32, #tpu.memory_space<vmem>>, vector<16xi32>,
      tpu.vector_store %arg13[%swap3A_765, %swap3A_766], %gather3A_763 {strides = array<i32>} : memref<2x128xi32, #tpu.memory_space<vmem>>, vector<16xi32>,
      %get3A_768 = arith.constant 336 : index
      %get3A_769 = tpu.vector_load %arg11[%get3A_768] {strides = array<i32>} : memref<1024xi32, #tpu.memory_space<vmem>>, vector<16xi32>,
      %sub3A_770 = vector.broadcast %mul3A_10 : i32 to vector<16xi32>
      %sub3A_771 = arith.subi %get3A_769, %sub3A_770 : vector<16xi32>
      %ge3A_772 = arith.constant 0 : i32
      %ge3A_773 = vector.broadcast %ge3A_772 : i32 to vector<16xi32>
      %ge3A_774 = arith.cmpi sge, %sub3A_771, %ge3A_773 : vector<16xi32>
      %lt3A_775 = arith.constant 25088 : i32
      %lt3A_776 = vector.broadcast %lt3A_775 : i32 to vector<16xi32>
      %lt3A_777 = arith.cmpi slt, %sub3A_771, %lt3A_776 : vector<16xi32>
      %and3A_778 = arith.andi %ge3A_774, %lt3A_777 : vector<16xi1>
      %jit3A_779 = arith.constant 25200 : i32
      %broadcast_in_dim3A_780 = vector.broadcast %jit3A_779 : i32 to vector<16xi32>
      %select_n3A_781 = arith.select %and3A_778, %sub3A_771, %broadcast_in_dim3A_780 : vector<16xi1>, vector<16xi32>
      %swap3A_782 = arith.constant 0 : i32
      %swap3A_783 = arith.index_cast %swap3A_782 : i32 to index
      %swap3A_784 = arith.constant 80 : index
      %swap3A_785 = tpu.vector_load %arg14[%swap3A_783, %swap3A_784] {strides = array<i32>} : memref<3x128xi32, #tpu.memory_space<vmem>>, vector<16xi32>,
      tpu.vector_store %arg14[%swap3A_783, %swap3A_784], %select_n3A_781 {strides = array<i32>} : memref<3x128xi32, #tpu.memory_space<vmem>>, vector<16xi32>,
      %get3A_786 = arith.constant 352 : index
      %get3A_787 = tpu.vector_load %arg12[%get3A_786] {strides = array<i32>} : memref<1024xi32, #tpu.memory_space<vmem>>, vector<16xi32>,
      %gather3A_788 = tpu.vector_load_idx %arg9[%get3A_787] : memref<40000xi32, #tpu.memory_space<vmem>>[vector<16xi32>], vector<16xi32>,
      %swap3A_789 = arith.constant 0 : i32
      %swap3A_790 = arith.index_cast %swap3A_789 : i32 to index
      %swap3A_791 = arith.constant 96 : index
      %swap3A_792 = tpu.vector_load %arg13[%swap3A_790, %swap3A_791] {strides = array<i32>} : memref<2x128xi32, #tpu.memory_space<vmem>>, vector<16xi32>,
      tpu.vector_store %arg13[%swap3A_790, %swap3A_791], %gather3A_788 {strides = array<i32>} : memref<2x128xi32, #tpu.memory_space<vmem>>, vector<16xi32>,
      %get3A_793 = arith.constant 352 : index
      %get3A_794 = tpu.vector_load %arg11[%get3A_793] {strides = array<i32>} : memref<1024xi32, #tpu.memory_space<vmem>>, vector<16xi32>,
      %sub3A_795 = vector.broadcast %mul3A_10 : i32 to vector<16xi32>
      %sub3A_796 = arith.subi %get3A_794, %sub3A_795 : vector<16xi32>
      %ge3A_797 = arith.constant 0 : i32
      %ge3A_798 = vector.broadcast %ge3A_797 : i32 to vector<16xi32>
      %ge3A_799 = arith.cmpi sge, %sub3A_796, %ge3A_798 : vector<16xi32>
      %lt3A_800 = arith.constant 25088 : i32
      %lt3A_801 = vector.broadcast %lt3A_800 : i32 to vector<16xi32>
      %lt3A_802 = arith.cmpi slt, %sub3A_796, %lt3A_801 : vector<16xi32>
      %and3A_803 = arith.andi %ge3A_799, %lt3A_802 : vector<16xi1>
      %jit3A_804 = arith.constant 25200 : i32
      %broadcast_in_dim3A_805 = vector.broadcast %jit3A_804 : i32 to vector<16xi32>
      %select_n3A_806 = arith.select %and3A_803, %sub3A_796, %broadcast_in_dim3A_805 : vector<16xi1>, vector<16xi32>
      %swap3A_807 = arith.constant 0 : i32
      %swap3A_808 = arith.index_cast %swap3A_807 : i32 to index
      %swap3A_809 = arith.constant 96 : index
      %swap3A_810 = tpu.vector_load %arg14[%swap3A_808, %swap3A_809] {strides = array<i32>} : memref<3x128xi32, #tpu.memory_space<vmem>>, vector<16xi32>,
      tpu.vector_store %arg14[%swap3A_808, %swap3A_809], %select_n3A_806 {strides = array<i32>} : memref<3x128xi32, #tpu.memory_space<vmem>>, vector<16xi32>,
      %get3A_811 = arith.constant 368 : index
      %get3A_812 = tpu.vector_load %arg12[%get3A_811] {strides = array<i32>} : memref<1024xi32, #tpu.memory_space<vmem>>, vector<16xi32>,
      %gather3A_813 = tpu.vector_load_idx %arg9[%get3A_812] : memref<40000xi32, #tpu.memory_space<vmem>>[vector<16xi32>], vector<16xi32>,
      %swap3A_814 = arith.constant 0 : i32
      %swap3A_815 = arith.index_cast %swap3A_814 : i32 to index
      %swap3A_816 = arith.constant 112 : index
      %swap3A_817 = tpu.vector_load %arg13[%swap3A_815, %swap3A_816] {strides = array<i32>} : memref<2x128xi32, #tpu.memory_space<vmem>>, vector<16xi32>,
      tpu.vector_store %arg13[%swap3A_815, %swap3A_816], %gather3A_813 {strides = array<i32>} : memref<2x128xi32, #tpu.memory_space<vmem>>, vector<16xi32>,
      %get3A_818 = arith.constant 368 : index
      %get3A_819 = tpu.vector_load %arg11[%get3A_818] {strides = array<i32>} : memref<1024xi32, #tpu.memory_space<vmem>>, vector<16xi32>,
      %sub3A_820 = vector.broadcast %mul3A_10 : i32 to vector<16xi32>
      %sub3A_821 = arith.subi %get3A_819, %sub3A_820 : vector<16xi32>
      %ge3A_822 = arith.constant 0 : i32
      %ge3A_823 = vector.broadcast %ge3A_822 : i32 to vector<16xi32>
      %ge3A_824 = arith.cmpi sge, %sub3A_821, %ge3A_823 : vector<16xi32>
      %lt3A_825 = arith.constant 25088 : i32
      %lt3A_826 = vector.broadcast %lt3A_825 : i32 to vector<16xi32>
      %lt3A_827 = arith.cmpi slt, %sub3A_821, %lt3A_826 : vector<16xi32>
      %and3A_828 = arith.andi %ge3A_824, %lt3A_827 : vector<16xi1>
      %jit3A_829 = arith.constant 25200 : i32
      %broadcast_in_dim3A_830 = vector.broadcast %jit3A_829 : i32 to vector<16xi32>
      %select_n3A_831 = arith.select %and3A_828, %sub3A_821, %broadcast_in_dim3A_830 : vector<16xi1>, vector<16xi32>
      %swap3A_832 = arith.constant 0 : i32
      %swap3A_833 = arith.index_cast %swap3A_832 : i32 to index
      %swap3A_834 = arith.constant 112 : index
      %swap3A_835 = tpu.vector_load %arg14[%swap3A_833, %swap3A_834] {strides = array<i32>} : memref<3x128xi32, #tpu.memory_space<vmem>>, vector<16xi32>,
      tpu.vector_store %arg14[%swap3A_833, %swap3A_834], %select_n3A_831 {strides = array<i32>} : memref<3x128xi32, #tpu.memory_space<vmem>>, vector<16xi32>,
      %dma_start3A_836 = arith.constant 0 : i32
      %dma_start3A_837 = arith.constant 0 : i32
      %dma_start3A_838 = tpu.memref_slice %arg13[%dma_start3A_836, %dma_start3A_837] : memref<2x128xi32, #tpu.memory_space<vmem>> -> memref<1x128xi32, #tpu.memory_space<vmem>>
      %dma_start3A_839 = tpu.memref_squeeze %dma_start3A_838 : memref<1x128xi32, #tpu.memory_space<vmem>> -> memref<128xi32, #tpu.memory_space<vmem>>
      %dma_start3A_840 = arith.constant 0 : i32
      %dma_start3A_841 = arith.constant 0 : i32
      %dma_start3A_842 = tpu.memref_slice %arg2[%dma_start3A_840, %dma_start3A_841] : memref<50000x64xbf16, #tpu.memory_space<hbm>> -> memref<50000x64xbf16, #tpu.memory_space<hbm>>
      tpu.enqueue_indirect_dma source(%dma_start3A_842 : memref<50000x64xbf16, #tpu.memory_space<hbm>>) target(%arg15 : memref<128x64xbf16, #tpu.memory_space<vmem>>) offsets(%dma_start3A_839 : memref<128xi32, #tpu.memory_space<vmem>>) semaphore(%arg18 : memref<!tpu.dma_semaphore, #tpu.memory_space<semaphore_mem>>)
      %dma_wait3A_843 = arith.constant 0 : i32
      %dma_wait3A_844 = arith.constant 0 : i32
      %dma_wait3A_845 = tpu.memref_slice %arg2[%dma_wait3A_843, %dma_wait3A_844] : memref<50000x64xbf16, #tpu.memory_space<hbm>> -> memref<128x64xbf16, #tpu.memory_space<hbm>>
      %dma_wait3A_846 = arith.constant 0 : i32
      %dma_wait3A_847 = arith.constant 0 : i32
      %dma_wait3A_848 = tpu.memref_slice %arg2[%dma_wait3A_846, %dma_wait3A_847] : memref<50000x64xbf16, #tpu.memory_space<hbm>> -> memref<128x64xbf16, #tpu.memory_space<hbm>>
      tpu.wait_dma2 semaphore(%arg21 : memref<!tpu.dma_semaphore, #tpu.memory_space<semaphore_mem>>) src(%dma_wait3A_848 : memref<128x64xbf16, #tpu.memory_space<hbm>>) dst(%arg16 : memref<128x64xbf16, #tpu.memory_space<vmem>>)
      %get3A_849 = arith.constant 384 : index
      %get3A_850 = tpu.vector_load %arg12[%get3A_849] {strides = array<i32>} : memref<1024xi32, #tpu.memory_space<vmem>>, vector<16xi32>,
      %gather3A_851 = tpu.vector_load_idx %arg9[%get3A_850] : memref<40000xi32, #tpu.memory_space<vmem>>[vector<16xi32>], vector<16xi32>,
      %swap3A_852 = arith.constant 1 : i32
      %swap3A_853 = arith.index_cast %swap3A_852 : i32 to index
      %swap3A_854 = arith.constant 0 : index
      %swap3A_855 = tpu.vector_load %arg13[%swap3A_853, %swap3A_854] {strides = array<i32>} : memref<2x128xi32, #tpu.memory_space<vmem>>, vector<16xi32>,
      tpu.vector_store %arg13[%swap3A_853, %swap3A_854], %gather3A_851 {strides = array<i32>} : memref<2x128xi32, #tpu.memory_space<vmem>>, vector<16xi32>,
      %get3A_856 = arith.constant 384 : index
      %get3A_857 = tpu.vector_load %arg11[%get3A_856] {strides = array<i32>} : memref<1024xi32, #tpu.memory_space<vmem>>, vector<16xi32>,
      %sub3A_858 = vector.broadcast %mul3A_10 : i32 to vector<16xi32>
      %sub3A_859 = arith.subi %get3A_857, %sub3A_858 : vector<16xi32>
      %ge3A_860 = arith.constant 0 : i32
      %ge3A_861 = vector.broadcast %ge3A_860 : i32 to vector<16xi32>
      %ge3A_862 = arith.cmpi sge, %sub3A_859, %ge3A_861 : vector<16xi32>
      %lt3A_863 = arith.constant 25088 : i32
      %lt3A_864 = vector.broadcast %lt3A_863 : i32 to vector<16xi32>
      %lt3A_865 = arith.cmpi slt, %sub3A_859, %lt3A_864 : vector<16xi32>
      %and3A_866 = arith.andi %ge3A_862, %lt3A_865 : vector<16xi1>
      %jit3A_867 = arith.constant 25200 : i32
      %broadcast_in_dim3A_868 = vector.broadcast %jit3A_867 : i32 to vector<16xi32>
      %select_n3A_869 = arith.select %and3A_866, %sub3A_859, %broadcast_in_dim3A_868 : vector<16xi1>, vector<16xi32>
      %swap3A_870 = arith.constant 1 : i32
      %swap3A_871 = arith.index_cast %swap3A_870 : i32 to index
      %swap3A_872 = arith.constant 0 : index
      %swap3A_873 = tpu.vector_load %arg14[%swap3A_871, %swap3A_872] {strides = array<i32>} : memref<3x128xi32, #tpu.memory_space<vmem>>, vector<16xi32>,
      tpu.vector_store %arg14[%swap3A_871, %swap3A_872], %select_n3A_869 {strides = array<i32>} : memref<3x128xi32, #tpu.memory_space<vmem>>, vector<16xi32>,
      %get3A_874 = arith.constant 400 : index
      %get3A_875 = tpu.vector_load %arg12[%get3A_874] {strides = array<i32>} : memref<1024xi32, #tpu.memory_space<vmem>>, vector<16xi32>,
      %gather3A_876 = tpu.vector_load_idx %arg9[%get3A_875] : memref<40000xi32, #tpu.memory_space<vmem>>[vector<16xi32>], vector<16xi32>,
      %swap3A_877 = arith.constant 1 : i32
      %swap3A_878 = arith.index_cast %swap3A_877 : i32 to index
      %swap3A_879 = arith.constant 16 : index
      %swap3A_880 = tpu.vector_load %arg13[%swap3A_878, %swap3A_879] {strides = array<i32>} : memref<2x128xi32, #tpu.memory_space<vmem>>, vector<16xi32>,
      tpu.vector_store %arg13[%swap3A_878, %swap3A_879], %gather3A_876 {strides = array<i32>} : memref<2x128xi32, #tpu.memory_space<vmem>>, vector<16xi32>,
      %get3A_881 = arith.constant 400 : index
      %get3A_882 = tpu.vector_load %arg11[%get3A_881] {strides = array<i32>} : memref<1024xi32, #tpu.memory_space<vmem>>, vector<16xi32>,
      %sub3A_883 = vector.broadcast %mul3A_10 : i32 to vector<16xi32>
      %sub3A_884 = arith.subi %get3A_882, %sub3A_883 : vector<16xi32>
      %ge3A_885 = arith.constant 0 : i32
      %ge3A_886 = vector.broadcast %ge3A_885 : i32 to vector<16xi32>
      %ge3A_887 = arith.cmpi sge, %sub3A_884, %ge3A_886 : vector<16xi32>
      %lt3A_888 = arith.constant 25088 : i32
      %lt3A_889 = vector.broadcast %lt3A_888 : i32 to vector<16xi32>
      %lt3A_890 = arith.cmpi slt, %sub3A_884, %lt3A_889 : vector<16xi32>
      %and3A_891 = arith.andi %ge3A_887, %lt3A_890 : vector<16xi1>
      %jit3A_892 = arith.constant 25200 : i32
      %broadcast_in_dim3A_893 = vector.broadcast %jit3A_892 : i32 to vector<16xi32>
      %select_n3A_894 = arith.select %and3A_891, %sub3A_884, %broadcast_in_dim3A_893 : vector<16xi1>, vector<16xi32>
      %swap3A_895 = arith.constant 1 : i32
      %swap3A_896 = arith.index_cast %swap3A_895 : i32 to index
      %swap3A_897 = arith.constant 16 : index
      %swap3A_898 = tpu.vector_load %arg14[%swap3A_896, %swap3A_897] {strides = array<i32>} : memref<3x128xi32, #tpu.memory_space<vmem>>, vector<16xi32>,
      tpu.vector_store %arg14[%swap3A_896, %swap3A_897], %select_n3A_894 {strides = array<i32>} : memref<3x128xi32, #tpu.memory_space<vmem>>, vector<16xi32>,
      %get3A_899 = arith.constant 416 : index
      %get3A_900 = tpu.vector_load %arg12[%get3A_899] {strides = array<i32>} : memref<1024xi32, #tpu.memory_space<vmem>>, vector<16xi32>,
      %gather3A_901 = tpu.vector_load_idx %arg9[%get3A_900] : memref<40000xi32, #tpu.memory_space<vmem>>[vector<16xi32>], vector<16xi32>,
      %swap3A_902 = arith.constant 1 : i32
      %swap3A_903 = arith.index_cast %swap3A_902 : i32 to index
      %swap3A_904 = arith.constant 32 : index
      %swap3A_905 = tpu.vector_load %arg13[%swap3A_903, %swap3A_904] {strides = array<i32>} : memref<2x128xi32, #tpu.memory_space<vmem>>, vector<16xi32>,
      tpu.vector_store %arg13[%swap3A_903, %swap3A_904], %gather3A_901 {strides = array<i32>} : memref<2x128xi32, #tpu.memory_space<vmem>>, vector<16xi32>,
      %get3A_906 = arith.constant 416 : index
      %get3A_907 = tpu.vector_load %arg11[%get3A_906] {strides = array<i32>} : memref<1024xi32, #tpu.memory_space<vmem>>, vector<16xi32>,
      %sub3A_908 = vector.broadcast %mul3A_10 : i32 to vector<16xi32>
      %sub3A_909 = arith.subi %get3A_907, %sub3A_908 : vector<16xi32>
      %ge3A_910 = arith.constant 0 : i32
      %ge3A_911 = vector.broadcast %ge3A_910 : i32 to vector<16xi32>
      %ge3A_912 = arith.cmpi sge, %sub3A_909, %ge3A_911 : vector<16xi32>
      %lt3A_913 = arith.constant 25088 : i32
      %lt3A_914 = vector.broadcast %lt3A_913 : i32 to vector<16xi32>
      %lt3A_915 = arith.cmpi slt, %sub3A_909, %lt3A_914 : vector<16xi32>
      %and3A_916 = arith.andi %ge3A_912, %lt3A_915 : vector<16xi1>
      %jit3A_917 = arith.constant 25200 : i32
      %broadcast_in_dim3A_918 = vector.broadcast %jit3A_917 : i32 to vector<16xi32>
      %select_n3A_919 = arith.select %and3A_916, %sub3A_909, %broadcast_in_dim3A_918 : vector<16xi1>, vector<16xi32>
      %swap3A_920 = arith.constant 1 : i32
      %swap3A_921 = arith.index_cast %swap3A_920 : i32 to index
      %swap3A_922 = arith.constant 32 : index
      %swap3A_923 = tpu.vector_load %arg14[%swap3A_921, %swap3A_922] {strides = array<i32>} : memref<3x128xi32, #tpu.memory_space<vmem>>, vector<16xi32>,
      tpu.vector_store %arg14[%swap3A_921, %swap3A_922], %select_n3A_919 {strides = array<i32>} : memref<3x128xi32, #tpu.memory_space<vmem>>, vector<16xi32>,
      %get3A_924 = arith.constant 432 : index
      %get3A_925 = tpu.vector_load %arg12[%get3A_924] {strides = array<i32>} : memref<1024xi32, #tpu.memory_space<vmem>>, vector<16xi32>,
      %gather3A_926 = tpu.vector_load_idx %arg9[%get3A_925] : memref<40000xi32, #tpu.memory_space<vmem>>[vector<16xi32>], vector<16xi32>,
      %swap3A_927 = arith.constant 1 : i32
      %swap3A_928 = arith.index_cast %swap3A_927 : i32 to index
      %swap3A_929 = arith.constant 48 : index
      %swap3A_930 = tpu.vector_load %arg13[%swap3A_928, %swap3A_929] {strides = array<i32>} : memref<2x128xi32, #tpu.memory_space<vmem>>, vector<16xi32>,
      tpu.vector_store %arg13[%swap3A_928, %swap3A_929], %gather3A_926 {strides = array<i32>} : memref<2x128xi32, #tpu.memory_space<vmem>>, vector<16xi32>,
      %get3A_931 = arith.constant 432 : index
      %get3A_932 = tpu.vector_load %arg11[%get3A_931] {strides = array<i32>} : memref<1024xi32, #tpu.memory_space<vmem>>, vector<16xi32>,
      %sub3A_933 = vector.broadcast %mul3A_10 : i32 to vector<16xi32>
      %sub3A_934 = arith.subi %get3A_932, %sub3A_933 : vector<16xi32>
      %ge3A_935 = arith.constant 0 : i32
      %ge3A_936 = vector.broadcast %ge3A_935 : i32 to vector<16xi32>
      %ge3A_937 = arith.cmpi sge, %sub3A_934, %ge3A_936 : vector<16xi32>
      %lt3A_938 = arith.constant 25088 : i32
      %lt3A_939 = vector.broadcast %lt3A_938 : i32 to vector<16xi32>
      %lt3A_940 = arith.cmpi slt, %sub3A_934, %lt3A_939 : vector<16xi32>
      %and3A_941 = arith.andi %ge3A_937, %lt3A_940 : vector<16xi1>
      %jit3A_942 = arith.constant 25200 : i32
      %broadcast_in_dim3A_943 = vector.broadcast %jit3A_942 : i32 to vector<16xi32>
      %select_n3A_944 = arith.select %and3A_941, %sub3A_934, %broadcast_in_dim3A_943 : vector<16xi1>, vector<16xi32>
      %swap3A_945 = arith.constant 1 : i32
      %swap3A_946 = arith.index_cast %swap3A_945 : i32 to index
      %swap3A_947 = arith.constant 48 : index
      %swap3A_948 = tpu.vector_load %arg14[%swap3A_946, %swap3A_947] {strides = array<i32>} : memref<3x128xi32, #tpu.memory_space<vmem>>, vector<16xi32>,
      tpu.vector_store %arg14[%swap3A_946, %swap3A_947], %select_n3A_944 {strides = array<i32>} : memref<3x128xi32, #tpu.memory_space<vmem>>, vector<16xi32>,
      %get3A_949 = arith.constant 448 : index
      %get3A_950 = tpu.vector_load %arg12[%get3A_949] {strides = array<i32>} : memref<1024xi32, #tpu.memory_space<vmem>>, vector<16xi32>,
      %gather3A_951 = tpu.vector_load_idx %arg9[%get3A_950] : memref<40000xi32, #tpu.memory_space<vmem>>[vector<16xi32>], vector<16xi32>,
      %swap3A_952 = arith.constant 1 : i32
      %swap3A_953 = arith.index_cast %swap3A_952 : i32 to index
      %swap3A_954 = arith.constant 64 : index
      %swap3A_955 = tpu.vector_load %arg13[%swap3A_953, %swap3A_954] {strides = array<i32>} : memref<2x128xi32, #tpu.memory_space<vmem>>, vector<16xi32>,
      tpu.vector_store %arg13[%swap3A_953, %swap3A_954], %gather3A_951 {strides = array<i32>} : memref<2x128xi32, #tpu.memory_space<vmem>>, vector<16xi32>,
      %get3A_956 = arith.constant 448 : index
      %get3A_957 = tpu.vector_load %arg11[%get3A_956] {strides = array<i32>} : memref<1024xi32, #tpu.memory_space<vmem>>, vector<16xi32>,
      %sub3A_958 = vector.broadcast %mul3A_10 : i32 to vector<16xi32>
      %sub3A_959 = arith.subi %get3A_957, %sub3A_958 : vector<16xi32>
      %ge3A_960 = arith.constant 0 : i32
      %ge3A_961 = vector.broadcast %ge3A_960 : i32 to vector<16xi32>
      %ge3A_962 = arith.cmpi sge, %sub3A_959, %ge3A_961 : vector<16xi32>
      %lt3A_963 = arith.constant 25088 : i32
      %lt3A_964 = vector.broadcast %lt3A_963 : i32 to vector<16xi32>
      %lt3A_965 = arith.cmpi slt, %sub3A_959, %lt3A_964 : vector<16xi32>
      %and3A_966 = arith.andi %ge3A_962, %lt3A_965 : vector<16xi1>
      %jit3A_967 = arith.constant 25200 : i32
      %broadcast_in_dim3A_968 = vector.broadcast %jit3A_967 : i32 to vector<16xi32>
      %select_n3A_969 = arith.select %and3A_966, %sub3A_959, %broadcast_in_dim3A_968 : vector<16xi1>, vector<16xi32>
      %swap3A_970 = arith.constant 1 : i32
      %swap3A_971 = arith.index_cast %swap3A_970 : i32 to index
      %swap3A_972 = arith.constant 64 : index
      %swap3A_973 = tpu.vector_load %arg14[%swap3A_971, %swap3A_972] {strides = array<i32>} : memref<3x128xi32, #tpu.memory_space<vmem>>, vector<16xi32>,
      tpu.vector_store %arg14[%swap3A_971, %swap3A_972], %select_n3A_969 {strides = array<i32>} : memref<3x128xi32, #tpu.memory_space<vmem>>, vector<16xi32>,
      %get3A_974 = arith.constant 464 : index
      %get3A_975 = tpu.vector_load %arg12[%get3A_974] {strides = array<i32>} : memref<1024xi32, #tpu.memory_space<vmem>>, vector<16xi32>,
      %gather3A_976 = tpu.vector_load_idx %arg9[%get3A_975] : memref<40000xi32, #tpu.memory_space<vmem>>[vector<16xi32>], vector<16xi32>,
      %swap3A_977 = arith.constant 1 : i32
      %swap3A_978 = arith.index_cast %swap3A_977 : i32 to index
      %swap3A_979 = arith.constant 80 : index
      %swap3A_980 = tpu.vector_load %arg13[%swap3A_978, %swap3A_979] {strides = array<i32>} : memref<2x128xi32, #tpu.memory_space<vmem>>, vector<16xi32>,
      tpu.vector_store %arg13[%swap3A_978, %swap3A_979], %gather3A_976 {strides = array<i32>} : memref<2x128xi32, #tpu.memory_space<vmem>>, vector<16xi32>,
      %get3A_981 = arith.constant 464 : index
      %get3A_982 = tpu.vector_load %arg11[%get3A_981] {strides = array<i32>} : memref<1024xi32, #tpu.memory_space<vmem>>, vector<16xi32>,
      %sub3A_983 = vector.broadcast %mul3A_10 : i32 to vector<16xi32>
      %sub3A_984 = arith.subi %get3A_982, %sub3A_983 : vector<16xi32>
      %ge3A_985 = arith.constant 0 : i32
      %ge3A_986 = vector.broadcast %ge3A_985 : i32 to vector<16xi32>
      %ge3A_987 = arith.cmpi sge, %sub3A_984, %ge3A_986 : vector<16xi32>
      %lt3A_988 = arith.constant 25088 : i32
      %lt3A_989 = vector.broadcast %lt3A_988 : i32 to vector<16xi32>
      %lt3A_990 = arith.cmpi slt, %sub3A_984, %lt3A_989 : vector<16xi32>
      %and3A_991 = arith.andi %ge3A_987, %lt3A_990 : vector<16xi1>
      %jit3A_992 = arith.constant 25200 : i32
      %broadcast_in_dim3A_993 = vector.broadcast %jit3A_992 : i32 to vector<16xi32>
      %select_n3A_994 = arith.select %and3A_991, %sub3A_984, %broadcast_in_dim3A_993 : vector<16xi1>, vector<16xi32>
      %swap3A_995 = arith.constant 1 : i32
      %swap3A_996 = arith.index_cast %swap3A_995 : i32 to index
      %swap3A_997 = arith.constant 80 : index
      %swap3A_998 = tpu.vector_load %arg14[%swap3A_996, %swap3A_997] {strides = array<i32>} : memref<3x128xi32, #tpu.memory_space<vmem>>, vector<16xi32>,
      tpu.vector_store %arg14[%swap3A_996, %swap3A_997], %select_n3A_994 {strides = array<i32>} : memref<3x128xi32, #tpu.memory_space<vmem>>, vector<16xi32>,
      %get3A_999 = arith.constant 480 : index
      %get3A_1000 = tpu.vector_load %arg12[%get3A_999] {strides = array<i32>} : memref<1024xi32, #tpu.memory_space<vmem>>, vector<16xi32>,
      %gather3A_1001 = tpu.vector_load_idx %arg9[%get3A_1000] : memref<40000xi32, #tpu.memory_space<vmem>>[vector<16xi32>], vector<16xi32>,
      %swap3A_1002 = arith.constant 1 : i32
      %swap3A_1003 = arith.index_cast %swap3A_1002 : i32 to index
      %swap3A_1004 = arith.constant 96 : index
      %swap3A_1005 = tpu.vector_load %arg13[%swap3A_1003, %swap3A_1004] {strides = array<i32>} : memref<2x128xi32, #tpu.memory_space<vmem>>, vector<16xi32>,
      tpu.vector_store %arg13[%swap3A_1003, %swap3A_1004], %gather3A_1001 {strides = array<i32>} : memref<2x128xi32, #tpu.memory_space<vmem>>, vector<16xi32>,
      %get3A_1006 = arith.constant 480 : index
      %get3A_1007 = tpu.vector_load %arg11[%get3A_1006] {strides = array<i32>} : memref<1024xi32, #tpu.memory_space<vmem>>, vector<16xi32>,
      %sub3A_1008 = vector.broadcast %mul3A_10 : i32 to vector<16xi32>
      %sub3A_1009 = arith.subi %get3A_1007, %sub3A_1008 : vector<16xi32>
      %ge3A_1010 = arith.constant 0 : i32
      %ge3A_1011 = vector.broadcast %ge3A_1010 : i32 to vector<16xi32>
      %ge3A_1012 = arith.cmpi sge, %sub3A_1009, %ge3A_1011 : vector<16xi32>
      %lt3A_1013 = arith.constant 25088 : i32
      %lt3A_1014 = vector.broadcast %lt3A_1013 : i32 to vector<16xi32>
      %lt3A_1015 = arith.cmpi slt, %sub3A_1009, %lt3A_1014 : vector<16xi32>
      %and3A_1016 = arith.andi %ge3A_1012, %lt3A_1015 : vector<16xi1>
      %jit3A_1017 = arith.constant 25200 : i32
      %broadcast_in_dim3A_1018 = vector.broadcast %jit3A_1017 : i32 to vector<16xi32>
      %select_n3A_1019 = arith.select %and3A_1016, %sub3A_1009, %broadcast_in_dim3A_1018 : vector<16xi1>, vector<16xi32>
      %swap3A_1020 = arith.constant 1 : i32
      %swap3A_1021 = arith.index_cast %swap3A_1020 : i32 to index
      %swap3A_1022 = arith.constant 96 : index
      %swap3A_1023 = tpu.vector_load %arg14[%swap3A_1021, %swap3A_1022] {strides = array<i32>} : memref<3x128xi32, #tpu.memory_space<vmem>>, vector<16xi32>,
      tpu.vector_store %arg14[%swap3A_1021, %swap3A_1022], %select_n3A_1019 {strides = array<i32>} : memref<3x128xi32, #tpu.memory_space<vmem>>, vector<16xi32>,
      %get3A_1024 = arith.constant 496 : index
      %get3A_1025 = tpu.vector_load %arg12[%get3A_1024] {strides = array<i32>} : memref<1024xi32, #tpu.memory_space<vmem>>, vector<16xi32>,
      %gather3A_1026 = tpu.vector_load_idx %arg9[%get3A_1025] : memref<40000xi32, #tpu.memory_space<vmem>>[vector<16xi32>], vector<16xi32>,
      %swap3A_1027 = arith.constant 1 : i32
      %swap3A_1028 = arith.index_cast %swap3A_1027 : i32 to index
      %swap3A_1029 = arith.constant 112 : index
      %swap3A_1030 = tpu.vector_load %arg13[%swap3A_1028, %swap3A_1029] {strides = array<i32>} : memref<2x128xi32, #tpu.memory_space<vmem>>, vector<16xi32>,
      tpu.vector_store %arg13[%swap3A_1028, %swap3A_1029], %gather3A_1026 {strides = array<i32>} : memref<2x128xi32, #tpu.memory_space<vmem>>, vector<16xi32>,
      %get3A_1031 = arith.constant 496 : index
      %get3A_1032 = tpu.vector_load %arg11[%get3A_1031] {strides = array<i32>} : memref<1024xi32, #tpu.memory_space<vmem>>, vector<16xi32>,
      %sub3A_1033 = vector.broadcast %mul3A_10 : i32 to vector<16xi32>
      %sub3A_1034 = arith.subi %get3A_1032, %sub3A_1033 : vector<16xi32>
      %ge3A_1035 = arith.constant 0 : i32
      %ge3A_1036 = vector.broadcast %ge3A_1035 : i32 to vector<16xi32>
      %ge3A_1037 = arith.cmpi sge, %sub3A_1034, %ge3A_1036 : vector<16xi32>
      %lt3A_1038 = arith.constant 25088 : i32
      %lt3A_1039 = vector.broadcast %lt3A_1038 : i32 to vector<16xi32>
      %lt3A_1040 = arith.cmpi slt, %sub3A_1034, %lt3A_1039 : vector<16xi32>
      %and3A_1041 = arith.andi %ge3A_1037, %lt3A_1040 : vector<16xi1>
      %jit3A_1042 = arith.constant 25200 : i32
      %broadcast_in_dim3A_1043 = vector.broadcast %jit3A_1042 : i32 to vector<16xi32>
      %select_n3A_1044 = arith.select %and3A_1041, %sub3A_1034, %broadcast_in_dim3A_1043 : vector<16xi1>, vector<16xi32>
      %swap3A_1045 = arith.constant 1 : i32
      %swap3A_1046 = arith.index_cast %swap3A_1045 : i32 to index
      %swap3A_1047 = arith.constant 112 : index
      %swap3A_1048 = tpu.vector_load %arg14[%swap3A_1046, %swap3A_1047] {strides = array<i32>} : memref<3x128xi32, #tpu.memory_space<vmem>>, vector<16xi32>,
      tpu.vector_store %arg14[%swap3A_1046, %swap3A_1047], %select_n3A_1044 {strides = array<i32>} : memref<3x128xi32, #tpu.memory_space<vmem>>, vector<16xi32>,
      %dma_start3A_1049 = arith.constant 1 : i32
      %dma_start3A_1050 = arith.constant 0 : i32
      %dma_start3A_1051 = tpu.memref_slice %arg13[%dma_start3A_1049, %dma_start3A_1050] : memref<2x128xi32, #tpu.memory_space<vmem>> -> memref<1x128xi32, #tpu.memory_space<vmem>>
      %dma_start3A_1052 = tpu.memref_squeeze %dma_start3A_1051 : memref<1x128xi32, #tpu.memory_space<vmem>> -> memref<128xi32, #tpu.memory_space<vmem>>
      %dma_start3A_1053 = arith.constant 0 : i32
      %dma_start3A_1054 = arith.constant 0 : i32
      %dma_start3A_1055 = tpu.memref_slice %arg2[%dma_start3A_1053, %dma_start3A_1054] : memref<50000x64xbf16, #tpu.memory_space<hbm>> -> memref<50000x64xbf16, #tpu.memory_space<hbm>>
      tpu.enqueue_indirect_dma source(%dma_start3A_1055 : memref<50000x64xbf16, #tpu.memory_space<hbm>>) target(%arg16 : memref<128x64xbf16, #tpu.memory_space<vmem>>) offsets(%dma_start3A_1052 : memref<128xi32, #tpu.memory_space<vmem>>) semaphore(%arg19 : memref<!tpu.dma_semaphore, #tpu.memory_space<semaphore_mem>>)
      %dma_wait3A_1056 = arith.constant 0 : i32
      %dma_wait3A_1057 = arith.constant 0 : i32
      %dma_wait3A_1058 = tpu.memref_slice %arg13[%dma_wait3A_1056, %dma_wait3A_1057] : memref<2x128xi32, #tpu.memory_space<vmem>> -> memref<1x128xi32, #tpu.memory_space<vmem>>
      %dma_wait3A_1059 = tpu.memref_squeeze %dma_wait3A_1058 : memref<1x128xi32, #tpu.memory_space<vmem>> -> memref<128xi32, #tpu.memory_space<vmem>>
      %dma_wait3A_1060 = arith.constant 0 : i32
      %dma_wait3A_1061 = arith.constant 0 : i32
      %dma_wait3A_1062 = tpu.memref_slice %arg2[%dma_wait3A_1060, %dma_wait3A_1061] : memref<50000x64xbf16, #tpu.memory_space<hbm>> -> memref<50000x64xbf16, #tpu.memory_space<hbm>>
      tpu.wait_indirect_dma semaphore(%arg18 : memref<!tpu.dma_semaphore, #tpu.memory_space<semaphore_mem>>) src(%dma_wait3A_1062 : memref<50000x64xbf16, #tpu.memory_space<hbm>>) dst(%arg15 : memref<128x64xbf16, #tpu.memory_space<vmem>>)
      %dma_start3A_1063 = arith.constant 0 : i32
      %dma_start3A_1064 = arith.constant 0 : i32
      %dma_start3A_1065 = tpu.memref_slice %arg14[%dma_start3A_1063, %dma_start3A_1064] : memref<3x128xi32, #tpu.memory_space<vmem>> -> memref<1x128xi32, #tpu.memory_space<vmem>>
      %dma_start3A_1066 = tpu.memref_squeeze %dma_start3A_1065 : memref<1x128xi32, #tpu.memory_space<vmem>> -> memref<128xi32, #tpu.memory_space<vmem>>
      %dma_start3A_1067 = arith.constant 0 : i32
      %dma_start3A_1068 = arith.constant 0 : i32
      %dma_start3A_1069 = tpu.memref_slice %arg17[%dma_start3A_1067, %dma_start3A_1068] : memref<25344x64xbf16, #tpu.memory_space<vmem_shared>> -> memref<25344x64xbf16, #tpu.memory_space<vmem_shared>>
      tpu.enqueue_indirect_dma source(%arg15 : memref<128x64xbf16, #tpu.memory_space<vmem>>) target(%dma_start3A_1069 : memref<25344x64xbf16, #tpu.memory_space<vmem_shared>>) offsets(%dma_start3A_1066 : memref<128xi32, #tpu.memory_space<vmem>>) semaphore(%arg20 : memref<!tpu.dma_semaphore, #tpu.memory_space<semaphore_mem>>) {add = true}
      %dma_wait3A_1070 = arith.constant 1 : i32
      %dma_wait3A_1071 = arith.constant 0 : i32
      %dma_wait3A_1072 = tpu.memref_slice %arg13[%dma_wait3A_1070, %dma_wait3A_1071] : memref<2x128xi32, #tpu.memory_space<vmem>> -> memref<1x128xi32, #tpu.memory_space<vmem>>
      %dma_wait3A_1073 = tpu.memref_squeeze %dma_wait3A_1072 : memref<1x128xi32, #tpu.memory_space<vmem>> -> memref<128xi32, #tpu.memory_space<vmem>>
      %dma_wait3A_1074 = arith.constant 0 : i32
      %dma_wait3A_1075 = arith.constant 0 : i32
      %dma_wait3A_1076 = tpu.memref_slice %arg2[%dma_wait3A_1074, %dma_wait3A_1075] : memref<50000x64xbf16, #tpu.memory_space<hbm>> -> memref<50000x64xbf16, #tpu.memory_space<hbm>>
      tpu.wait_indirect_dma semaphore(%arg19 : memref<!tpu.dma_semaphore, #tpu.memory_space<semaphore_mem>>) src(%dma_wait3A_1076 : memref<50000x64xbf16, #tpu.memory_space<hbm>>) dst(%arg16 : memref<128x64xbf16, #tpu.memory_space<vmem>>)
      %dma_start3A_1077 = arith.constant 1 : i32
      %dma_start3A_1078 = arith.constant 0 : i32
      %dma_start3A_1079 = tpu.memref_slice %arg14[%dma_start3A_1077, %dma_start3A_1078] : memref<3x128xi32, #tpu.memory_space<vmem>> -> memref<1x128xi32, #tpu.memory_space<vmem>>
      %dma_start3A_1080 = tpu.memref_squeeze %dma_start3A_1079 : memref<1x128xi32, #tpu.memory_space<vmem>> -> memref<128xi32, #tpu.memory_space<vmem>>
      %dma_start3A_1081 = arith.constant 0 : i32
      %dma_start3A_1082 = arith.constant 0 : i32
      %dma_start3A_1083 = tpu.memref_slice %arg17[%dma_start3A_1081, %dma_start3A_1082] : memref<25344x64xbf16, #tpu.memory_space<vmem_shared>> -> memref<25344x64xbf16, #tpu.memory_space<vmem_shared>>
      tpu.enqueue_indirect_dma source(%arg16 : memref<128x64xbf16, #tpu.memory_space<vmem>>) target(%dma_start3A_1083 : memref<25344x64xbf16, #tpu.memory_space<vmem_shared>>) offsets(%dma_start3A_1080 : memref<128xi32, #tpu.memory_space<vmem>>) semaphore(%arg21 : memref<!tpu.dma_semaphore, #tpu.memory_space<semaphore_mem>>) {add = true}
      %dma_wait3A_1084 = arith.constant 0 : i32
      %dma_wait3A_1085 = arith.constant 0 : i32
      %dma_wait3A_1086 = tpu.memref_slice %arg2[%dma_wait3A_1084, %dma_wait3A_1085] : memref<50000x64xbf16, #tpu.memory_space<hbm>> -> memref<128x64xbf16, #tpu.memory_space<hbm>>
      %dma_wait3A_1087 = arith.constant 0 : i32
      %dma_wait3A_1088 = arith.constant 0 : i32
      %dma_wait3A_1089 = tpu.memref_slice %arg2[%dma_wait3A_1087, %dma_wait3A_1088] : memref<50000x64xbf16, #tpu.memory_space<hbm>> -> memref<128x64xbf16, #tpu.memory_space<hbm>>
      tpu.wait_dma2 semaphore(%arg20 : memref<!tpu.dma_semaphore, #tpu.memory_space<semaphore_mem>>) src(%dma_wait3A_1089 : memref<128x64xbf16, #tpu.memory_space<hbm>>) dst(%arg15 : memref<128x64xbf16, #tpu.memory_space<vmem>>)
      %get3A_1090 = arith.constant 512 : index
      %get3A_1091 = tpu.vector_load %arg12[%get3A_1090] {strides = array<i32>} : memref<1024xi32, #tpu.memory_space<vmem>>, vector<16xi32>,
      %gather3A_1092 = tpu.vector_load_idx %arg9[%get3A_1091] : memref<40000xi32, #tpu.memory_space<vmem>>[vector<16xi32>], vector<16xi32>,
      %swap3A_1093 = arith.constant 0 : i32
      %swap3A_1094 = arith.index_cast %swap3A_1093 : i32 to index
      %swap3A_1095 = arith.constant 0 : index
      %swap3A_1096 = tpu.vector_load %arg13[%swap3A_1094, %swap3A_1095] {strides = array<i32>} : memref<2x128xi32, #tpu.memory_space<vmem>>, vector<16xi32>,
      tpu.vector_store %arg13[%swap3A_1094, %swap3A_1095], %gather3A_1092 {strides = array<i32>} : memref<2x128xi32, #tpu.memory_space<vmem>>, vector<16xi32>,
      %get3A_1097 = arith.constant 512 : index
      %get3A_1098 = tpu.vector_load %arg11[%get3A_1097] {strides = array<i32>} : memref<1024xi32, #tpu.memory_space<vmem>>, vector<16xi32>,
      %sub3A_1099 = vector.broadcast %mul3A_10 : i32 to vector<16xi32>
      %sub3A_1100 = arith.subi %get3A_1098, %sub3A_1099 : vector<16xi32>
      %ge3A_1101 = arith.constant 0 : i32
      %ge3A_1102 = vector.broadcast %ge3A_1101 : i32 to vector<16xi32>
      %ge3A_1103 = arith.cmpi sge, %sub3A_1100, %ge3A_1102 : vector<16xi32>
      %lt3A_1104 = arith.constant 25088 : i32
      %lt3A_1105 = vector.broadcast %lt3A_1104 : i32 to vector<16xi32>
      %lt3A_1106 = arith.cmpi slt, %sub3A_1100, %lt3A_1105 : vector<16xi32>
      %and3A_1107 = arith.andi %ge3A_1103, %lt3A_1106 : vector<16xi1>
      %jit3A_1108 = arith.constant 25200 : i32
      %broadcast_in_dim3A_1109 = vector.broadcast %jit3A_1108 : i32 to vector<16xi32>
      %select_n3A_1110 = arith.select %and3A_1107, %sub3A_1100, %broadcast_in_dim3A_1109 : vector<16xi1>, vector<16xi32>
      %swap3A_1111 = arith.constant 0 : i32
      %swap3A_1112 = arith.index_cast %swap3A_1111 : i32 to index
      %swap3A_1113 = arith.constant 0 : index
      %swap3A_1114 = tpu.vector_load %arg14[%swap3A_1112, %swap3A_1113] {strides = array<i32>} : memref<3x128xi32, #tpu.memory_space<vmem>>, vector<16xi32>,
      tpu.vector_store %arg14[%swap3A_1112, %swap3A_1113], %select_n3A_1110 {strides = array<i32>} : memref<3x128xi32, #tpu.memory_space<vmem>>, vector<16xi32>,
      %get3A_1115 = arith.constant 528 : index
      %get3A_1116 = tpu.vector_load %arg12[%get3A_1115] {strides = array<i32>} : memref<1024xi32, #tpu.memory_space<vmem>>, vector<16xi32>,
      %gather3A_1117 = tpu.vector_load_idx %arg9[%get3A_1116] : memref<40000xi32, #tpu.memory_space<vmem>>[vector<16xi32>], vector<16xi32>,
      %swap3A_1118 = arith.constant 0 : i32
      %swap3A_1119 = arith.index_cast %swap3A_1118 : i32 to index
      %swap3A_1120 = arith.constant 16 : index
      %swap3A_1121 = tpu.vector_load %arg13[%swap3A_1119, %swap3A_1120] {strides = array<i32>} : memref<2x128xi32, #tpu.memory_space<vmem>>, vector<16xi32>,
      tpu.vector_store %arg13[%swap3A_1119, %swap3A_1120], %gather3A_1117 {strides = array<i32>} : memref<2x128xi32, #tpu.memory_space<vmem>>, vector<16xi32>,
      %get3A_1122 = arith.constant 528 : index
      %get3A_1123 = tpu.vector_load %arg11[%get3A_1122] {strides = array<i32>} : memref<1024xi32, #tpu.memory_space<vmem>>, vector<16xi32>,
      %sub3A_1124 = vector.broadcast %mul3A_10 : i32 to vector<16xi32>
      %sub3A_1125 = arith.subi %get3A_1123, %sub3A_1124 : vector<16xi32>
      %ge3A_1126 = arith.constant 0 : i32
      %ge3A_1127 = vector.broadcast %ge3A_1126 : i32 to vector<16xi32>
      %ge3A_1128 = arith.cmpi sge, %sub3A_1125, %ge3A_1127 : vector<16xi32>
      %lt3A_1129 = arith.constant 25088 : i32
      %lt3A_1130 = vector.broadcast %lt3A_1129 : i32 to vector<16xi32>
      %lt3A_1131 = arith.cmpi slt, %sub3A_1125, %lt3A_1130 : vector<16xi32>
      %and3A_1132 = arith.andi %ge3A_1128, %lt3A_1131 : vector<16xi1>
      %jit3A_1133 = arith.constant 25200 : i32
      %broadcast_in_dim3A_1134 = vector.broadcast %jit3A_1133 : i32 to vector<16xi32>
      %select_n3A_1135 = arith.select %and3A_1132, %sub3A_1125, %broadcast_in_dim3A_1134 : vector<16xi1>, vector<16xi32>
      %swap3A_1136 = arith.constant 0 : i32
      %swap3A_1137 = arith.index_cast %swap3A_1136 : i32 to index
      %swap3A_1138 = arith.constant 16 : index
      %swap3A_1139 = tpu.vector_load %arg14[%swap3A_1137, %swap3A_1138] {strides = array<i32>} : memref<3x128xi32, #tpu.memory_space<vmem>>, vector<16xi32>,
      tpu.vector_store %arg14[%swap3A_1137, %swap3A_1138], %select_n3A_1135 {strides = array<i32>} : memref<3x128xi32, #tpu.memory_space<vmem>>, vector<16xi32>,
      %get3A_1140 = arith.constant 544 : index
      %get3A_1141 = tpu.vector_load %arg12[%get3A_1140] {strides = array<i32>} : memref<1024xi32, #tpu.memory_space<vmem>>, vector<16xi32>,
      %gather3A_1142 = tpu.vector_load_idx %arg9[%get3A_1141] : memref<40000xi32, #tpu.memory_space<vmem>>[vector<16xi32>], vector<16xi32>,
      %swap3A_1143 = arith.constant 0 : i32
      %swap3A_1144 = arith.index_cast %swap3A_1143 : i32 to index
      %swap3A_1145 = arith.constant 32 : index
      %swap3A_1146 = tpu.vector_load %arg13[%swap3A_1144, %swap3A_1145] {strides = array<i32>} : memref<2x128xi32, #tpu.memory_space<vmem>>, vector<16xi32>,
      tpu.vector_store %arg13[%swap3A_1144, %swap3A_1145], %gather3A_1142 {strides = array<i32>} : memref<2x128xi32, #tpu.memory_space<vmem>>, vector<16xi32>,
      %get3A_1147 = arith.constant 544 : index
      %get3A_1148 = tpu.vector_load %arg11[%get3A_1147] {strides = array<i32>} : memref<1024xi32, #tpu.memory_space<vmem>>, vector<16xi32>,
      %sub3A_1149 = vector.broadcast %mul3A_10 : i32 to vector<16xi32>
      %sub3A_1150 = arith.subi %get3A_1148, %sub3A_1149 : vector<16xi32>
      %ge3A_1151 = arith.constant 0 : i32
      %ge3A_1152 = vector.broadcast %ge3A_1151 : i32 to vector<16xi32>
      %ge3A_1153 = arith.cmpi sge, %sub3A_1150, %ge3A_1152 : vector<16xi32>
      %lt3A_1154 = arith.constant 25088 : i32
      %lt3A_1155 = vector.broadcast %lt3A_1154 : i32 to vector<16xi32>
      %lt3A_1156 = arith.cmpi slt, %sub3A_1150, %lt3A_1155 : vector<16xi32>
      %and3A_1157 = arith.andi %ge3A_1153, %lt3A_1156 : vector<16xi1>
      %jit3A_1158 = arith.constant 25200 : i32
      %broadcast_in_dim3A_1159 = vector.broadcast %jit3A_1158 : i32 to vector<16xi32>
      %select_n3A_1160 = arith.select %and3A_1157, %sub3A_1150, %broadcast_in_dim3A_1159 : vector<16xi1>, vector<16xi32>
      %swap3A_1161 = arith.constant 0 : i32
      %swap3A_1162 = arith.index_cast %swap3A_1161 : i32 to index
      %swap3A_1163 = arith.constant 32 : index
      %swap3A_1164 = tpu.vector_load %arg14[%swap3A_1162, %swap3A_1163] {strides = array<i32>} : memref<3x128xi32, #tpu.memory_space<vmem>>, vector<16xi32>,
      tpu.vector_store %arg14[%swap3A_1162, %swap3A_1163], %select_n3A_1160 {strides = array<i32>} : memref<3x128xi32, #tpu.memory_space<vmem>>, vector<16xi32>,
      %get3A_1165 = arith.constant 560 : index
      %get3A_1166 = tpu.vector_load %arg12[%get3A_1165] {strides = array<i32>} : memref<1024xi32, #tpu.memory_space<vmem>>, vector<16xi32>,
      %gather3A_1167 = tpu.vector_load_idx %arg9[%get3A_1166] : memref<40000xi32, #tpu.memory_space<vmem>>[vector<16xi32>], vector<16xi32>,
      %swap3A_1168 = arith.constant 0 : i32
      %swap3A_1169 = arith.index_cast %swap3A_1168 : i32 to index
      %swap3A_1170 = arith.constant 48 : index
      %swap3A_1171 = tpu.vector_load %arg13[%swap3A_1169, %swap3A_1170] {strides = array<i32>} : memref<2x128xi32, #tpu.memory_space<vmem>>, vector<16xi32>,
      tpu.vector_store %arg13[%swap3A_1169, %swap3A_1170], %gather3A_1167 {strides = array<i32>} : memref<2x128xi32, #tpu.memory_space<vmem>>, vector<16xi32>,
      %get3A_1172 = arith.constant 560 : index
      %get3A_1173 = tpu.vector_load %arg11[%get3A_1172] {strides = array<i32>} : memref<1024xi32, #tpu.memory_space<vmem>>, vector<16xi32>,
      %sub3A_1174 = vector.broadcast %mul3A_10 : i32 to vector<16xi32>
      %sub3A_1175 = arith.subi %get3A_1173, %sub3A_1174 : vector<16xi32>
      %ge3A_1176 = arith.constant 0 : i32
      %ge3A_1177 = vector.broadcast %ge3A_1176 : i32 to vector<16xi32>
      %ge3A_1178 = arith.cmpi sge, %sub3A_1175, %ge3A_1177 : vector<16xi32>
      %lt3A_1179 = arith.constant 25088 : i32
      %lt3A_1180 = vector.broadcast %lt3A_1179 : i32 to vector<16xi32>
      %lt3A_1181 = arith.cmpi slt, %sub3A_1175, %lt3A_1180 : vector<16xi32>
      %and3A_1182 = arith.andi %ge3A_1178, %lt3A_1181 : vector<16xi1>
      %jit3A_1183 = arith.constant 25200 : i32
      %broadcast_in_dim3A_1184 = vector.broadcast %jit3A_1183 : i32 to vector<16xi32>
      %select_n3A_1185 = arith.select %and3A_1182, %sub3A_1175, %broadcast_in_dim3A_1184 : vector<16xi1>, vector<16xi32>
      %swap3A_1186 = arith.constant 0 : i32
      %swap3A_1187 = arith.index_cast %swap3A_1186 : i32 to index
      %swap3A_1188 = arith.constant 48 : index
      %swap3A_1189 = tpu.vector_load %arg14[%swap3A_1187, %swap3A_1188] {strides = array<i32>} : memref<3x128xi32, #tpu.memory_space<vmem>>, vector<16xi32>,
      tpu.vector_store %arg14[%swap3A_1187, %swap3A_1188], %select_n3A_1185 {strides = array<i32>} : memref<3x128xi32, #tpu.memory_space<vmem>>, vector<16xi32>,
      %get3A_1190 = arith.constant 576 : index
      %get3A_1191 = tpu.vector_load %arg12[%get3A_1190] {strides = array<i32>} : memref<1024xi32, #tpu.memory_space<vmem>>, vector<16xi32>,
      %gather3A_1192 = tpu.vector_load_idx %arg9[%get3A_1191] : memref<40000xi32, #tpu.memory_space<vmem>>[vector<16xi32>], vector<16xi32>,
      %swap3A_1193 = arith.constant 0 : i32
      %swap3A_1194 = arith.index_cast %swap3A_1193 : i32 to index
      %swap3A_1195 = arith.constant 64 : index
      %swap3A_1196 = tpu.vector_load %arg13[%swap3A_1194, %swap3A_1195] {strides = array<i32>} : memref<2x128xi32, #tpu.memory_space<vmem>>, vector<16xi32>,
      tpu.vector_store %arg13[%swap3A_1194, %swap3A_1195], %gather3A_1192 {strides = array<i32>} : memref<2x128xi32, #tpu.memory_space<vmem>>, vector<16xi32>,
      %get3A_1197 = arith.constant 576 : index
      %get3A_1198 = tpu.vector_load %arg11[%get3A_1197] {strides = array<i32>} : memref<1024xi32, #tpu.memory_space<vmem>>, vector<16xi32>,
      %sub3A_1199 = vector.broadcast %mul3A_10 : i32 to vector<16xi32>
      %sub3A_1200 = arith.subi %get3A_1198, %sub3A_1199 : vector<16xi32>
      %ge3A_1201 = arith.constant 0 : i32
      %ge3A_1202 = vector.broadcast %ge3A_1201 : i32 to vector<16xi32>
      %ge3A_1203 = arith.cmpi sge, %sub3A_1200, %ge3A_1202 : vector<16xi32>
      %lt3A_1204 = arith.constant 25088 : i32
      %lt3A_1205 = vector.broadcast %lt3A_1204 : i32 to vector<16xi32>
      %lt3A_1206 = arith.cmpi slt, %sub3A_1200, %lt3A_1205 : vector<16xi32>
      %and3A_1207 = arith.andi %ge3A_1203, %lt3A_1206 : vector<16xi1>
      %jit3A_1208 = arith.constant 25200 : i32
      %broadcast_in_dim3A_1209 = vector.broadcast %jit3A_1208 : i32 to vector<16xi32>
      %select_n3A_1210 = arith.select %and3A_1207, %sub3A_1200, %broadcast_in_dim3A_1209 : vector<16xi1>, vector<16xi32>
      %swap3A_1211 = arith.constant 0 : i32
      %swap3A_1212 = arith.index_cast %swap3A_1211 : i32 to index
      %swap3A_1213 = arith.constant 64 : index
      %swap3A_1214 = tpu.vector_load %arg14[%swap3A_1212, %swap3A_1213] {strides = array<i32>} : memref<3x128xi32, #tpu.memory_space<vmem>>, vector<16xi32>,
      tpu.vector_store %arg14[%swap3A_1212, %swap3A_1213], %select_n3A_1210 {strides = array<i32>} : memref<3x128xi32, #tpu.memory_space<vmem>>, vector<16xi32>,
      %get3A_1215 = arith.constant 592 : index
      %get3A_1216 = tpu.vector_load %arg12[%get3A_1215] {strides = array<i32>} : memref<1024xi32, #tpu.memory_space<vmem>>, vector<16xi32>,
      %gather3A_1217 = tpu.vector_load_idx %arg9[%get3A_1216] : memref<40000xi32, #tpu.memory_space<vmem>>[vector<16xi32>], vector<16xi32>,
      %swap3A_1218 = arith.constant 0 : i32
      %swap3A_1219 = arith.index_cast %swap3A_1218 : i32 to index
      %swap3A_1220 = arith.constant 80 : index
      %swap3A_1221 = tpu.vector_load %arg13[%swap3A_1219, %swap3A_1220] {strides = array<i32>} : memref<2x128xi32, #tpu.memory_space<vmem>>, vector<16xi32>,
      tpu.vector_store %arg13[%swap3A_1219, %swap3A_1220], %gather3A_1217 {strides = array<i32>} : memref<2x128xi32, #tpu.memory_space<vmem>>, vector<16xi32>,
      %get3A_1222 = arith.constant 592 : index
      %get3A_1223 = tpu.vector_load %arg11[%get3A_1222] {strides = array<i32>} : memref<1024xi32, #tpu.memory_space<vmem>>, vector<16xi32>,
      %sub3A_1224 = vector.broadcast %mul3A_10 : i32 to vector<16xi32>
      %sub3A_1225 = arith.subi %get3A_1223, %sub3A_1224 : vector<16xi32>
      %ge3A_1226 = arith.constant 0 : i32
      %ge3A_1227 = vector.broadcast %ge3A_1226 : i32 to vector<16xi32>
      %ge3A_1228 = arith.cmpi sge, %sub3A_1225, %ge3A_1227 : vector<16xi32>
      %lt3A_1229 = arith.constant 25088 : i32
      %lt3A_1230 = vector.broadcast %lt3A_1229 : i32 to vector<16xi32>
      %lt3A_1231 = arith.cmpi slt, %sub3A_1225, %lt3A_1230 : vector<16xi32>
      %and3A_1232 = arith.andi %ge3A_1228, %lt3A_1231 : vector<16xi1>
      %jit3A_1233 = arith.constant 25200 : i32
      %broadcast_in_dim3A_1234 = vector.broadcast %jit3A_1233 : i32 to vector<16xi32>
      %select_n3A_1235 = arith.select %and3A_1232, %sub3A_1225, %broadcast_in_dim3A_1234 : vector<16xi1>, vector<16xi32>
      %swap3A_1236 = arith.constant 0 : i32
      %swap3A_1237 = arith.index_cast %swap3A_1236 : i32 to index
      %swap3A_1238 = arith.constant 80 : index
      %swap3A_1239 = tpu.vector_load %arg14[%swap3A_1237, %swap3A_1238] {strides = array<i32>} : memref<3x128xi32, #tpu.memory_space<vmem>>, vector<16xi32>,
      tpu.vector_store %arg14[%swap3A_1237, %swap3A_1238], %select_n3A_1235 {strides = array<i32>} : memref<3x128xi32, #tpu.memory_space<vmem>>, vector<16xi32>,
      %get3A_1240 = arith.constant 608 : index
      %get3A_1241 = tpu.vector_load %arg12[%get3A_1240] {strides = array<i32>} : memref<1024xi32, #tpu.memory_space<vmem>>, vector<16xi32>,
      %gather3A_1242 = tpu.vector_load_idx %arg9[%get3A_1241] : memref<40000xi32, #tpu.memory_space<vmem>>[vector<16xi32>], vector<16xi32>,
      %swap3A_1243 = arith.constant 0 : i32
      %swap3A_1244 = arith.index_cast %swap3A_1243 : i32 to index
      %swap3A_1245 = arith.constant 96 : index
      %swap3A_1246 = tpu.vector_load %arg13[%swap3A_1244, %swap3A_1245] {strides = array<i32>} : memref<2x128xi32, #tpu.memory_space<vmem>>, vector<16xi32>,
      tpu.vector_store %arg13[%swap3A_1244, %swap3A_1245], %gather3A_1242 {strides = array<i32>} : memref<2x128xi32, #tpu.memory_space<vmem>>, vector<16xi32>,
      %get3A_1247 = arith.constant 608 : index
      %get3A_1248 = tpu.vector_load %arg11[%get3A_1247] {strides = array<i32>} : memref<1024xi32, #tpu.memory_space<vmem>>, vector<16xi32>,
      %sub3A_1249 = vector.broadcast %mul3A_10 : i32 to vector<16xi32>
      %sub3A_1250 = arith.subi %get3A_1248, %sub3A_1249 : vector<16xi32>
      %ge3A_1251 = arith.constant 0 : i32
      %ge3A_1252 = vector.broadcast %ge3A_1251 : i32 to vector<16xi32>
      %ge3A_1253 = arith.cmpi sge, %sub3A_1250, %ge3A_1252 : vector<16xi32>
      %lt3A_1254 = arith.constant 25088 : i32
      %lt3A_1255 = vector.broadcast %lt3A_1254 : i32 to vector<16xi32>
      %lt3A_1256 = arith.cmpi slt, %sub3A_1250, %lt3A_1255 : vector<16xi32>
      %and3A_1257 = arith.andi %ge3A_1253, %lt3A_1256 : vector<16xi1>
      %jit3A_1258 = arith.constant 25200 : i32
      %broadcast_in_dim3A_1259 = vector.broadcast %jit3A_1258 : i32 to vector<16xi32>
      %select_n3A_1260 = arith.select %and3A_1257, %sub3A_1250, %broadcast_in_dim3A_1259 : vector<16xi1>, vector<16xi32>
      %swap3A_1261 = arith.constant 0 : i32
      %swap3A_1262 = arith.index_cast %swap3A_1261 : i32 to index
      %swap3A_1263 = arith.constant 96 : index
      %swap3A_1264 = tpu.vector_load %arg14[%swap3A_1262, %swap3A_1263] {strides = array<i32>} : memref<3x128xi32, #tpu.memory_space<vmem>>, vector<16xi32>,
      tpu.vector_store %arg14[%swap3A_1262, %swap3A_1263], %select_n3A_1260 {strides = array<i32>} : memref<3x128xi32, #tpu.memory_space<vmem>>, vector<16xi32>,
      %get3A_1265 = arith.constant 624 : index
      %get3A_1266 = tpu.vector_load %arg12[%get3A_1265] {strides = array<i32>} : memref<1024xi32, #tpu.memory_space<vmem>>, vector<16xi32>,
      %gather3A_1267 = tpu.vector_load_idx %arg9[%get3A_1266] : memref<40000xi32, #tpu.memory_space<vmem>>[vector<16xi32>], vector<16xi32>,
      %swap3A_1268 = arith.constant 0 : i32
      %swap3A_1269 = arith.index_cast %swap3A_1268 : i32 to index
      %swap3A_1270 = arith.constant 112 : index
      %swap3A_1271 = tpu.vector_load %arg13[%swap3A_1269, %swap3A_1270] {strides = array<i32>} : memref<2x128xi32, #tpu.memory_space<vmem>>, vector<16xi32>,
      tpu.vector_store %arg13[%swap3A_1269, %swap3A_1270], %gather3A_1267 {strides = array<i32>} : memref<2x128xi32, #tpu.memory_space<vmem>>, vector<16xi32>,
      %get3A_1272 = arith.constant 624 : index
      %get3A_1273 = tpu.vector_load %arg11[%get3A_1272] {strides = array<i32>} : memref<1024xi32, #tpu.memory_space<vmem>>, vector<16xi32>,
      %sub3A_1274 = vector.broadcast %mul3A_10 : i32 to vector<16xi32>
      %sub3A_1275 = arith.subi %get3A_1273, %sub3A_1274 : vector<16xi32>
      %ge3A_1276 = arith.constant 0 : i32
      %ge3A_1277 = vector.broadcast %ge3A_1276 : i32 to vector<16xi32>
      %ge3A_1278 = arith.cmpi sge, %sub3A_1275, %ge3A_1277 : vector<16xi32>
      %lt3A_1279 = arith.constant 25088 : i32
      %lt3A_1280 = vector.broadcast %lt3A_1279 : i32 to vector<16xi32>
      %lt3A_1281 = arith.cmpi slt, %sub3A_1275, %lt3A_1280 : vector<16xi32>
      %and3A_1282 = arith.andi %ge3A_1278, %lt3A_1281 : vector<16xi1>
      %jit3A_1283 = arith.constant 25200 : i32
      %broadcast_in_dim3A_1284 = vector.broadcast %jit3A_1283 : i32 to vector<16xi32>
      %select_n3A_1285 = arith.select %and3A_1282, %sub3A_1275, %broadcast_in_dim3A_1284 : vector<16xi1>, vector<16xi32>
      %swap3A_1286 = arith.constant 0 : i32
      %swap3A_1287 = arith.index_cast %swap3A_1286 : i32 to index
      %swap3A_1288 = arith.constant 112 : index
      %swap3A_1289 = tpu.vector_load %arg14[%swap3A_1287, %swap3A_1288] {strides = array<i32>} : memref<3x128xi32, #tpu.memory_space<vmem>>, vector<16xi32>,
      tpu.vector_store %arg14[%swap3A_1287, %swap3A_1288], %select_n3A_1285 {strides = array<i32>} : memref<3x128xi32, #tpu.memory_space<vmem>>, vector<16xi32>,
      %dma_start3A_1290 = arith.constant 0 : i32
      %dma_start3A_1291 = arith.constant 0 : i32
      %dma_start3A_1292 = tpu.memref_slice %arg13[%dma_start3A_1290, %dma_start3A_1291] : memref<2x128xi32, #tpu.memory_space<vmem>> -> memref<1x128xi32, #tpu.memory_space<vmem>>
      %dma_start3A_1293 = tpu.memref_squeeze %dma_start3A_1292 : memref<1x128xi32, #tpu.memory_space<vmem>> -> memref<128xi32, #tpu.memory_space<vmem>>
      %dma_start3A_1294 = arith.constant 0 : i32
      %dma_start3A_1295 = arith.constant 0 : i32
      %dma_start3A_1296 = tpu.memref_slice %arg2[%dma_start3A_1294, %dma_start3A_1295] : memref<50000x64xbf16, #tpu.memory_space<hbm>> -> memref<50000x64xbf16, #tpu.memory_space<hbm>>
      tpu.enqueue_indirect_dma source(%dma_start3A_1296 : memref<50000x64xbf16, #tpu.memory_space<hbm>>) target(%arg15 : memref<128x64xbf16, #tpu.memory_space<vmem>>) offsets(%dma_start3A_1293 : memref<128xi32, #tpu.memory_space<vmem>>) semaphore(%arg18 : memref<!tpu.dma_semaphore, #tpu.memory_space<semaphore_mem>>)
      %dma_wait3A_1297 = arith.constant 0 : i32
      %dma_wait3A_1298 = arith.constant 0 : i32
      %dma_wait3A_1299 = tpu.memref_slice %arg2[%dma_wait3A_1297, %dma_wait3A_1298] : memref<50000x64xbf16, #tpu.memory_space<hbm>> -> memref<128x64xbf16, #tpu.memory_space<hbm>>
      %dma_wait3A_1300 = arith.constant 0 : i32
      %dma_wait3A_1301 = arith.constant 0 : i32
      %dma_wait3A_1302 = tpu.memref_slice %arg2[%dma_wait3A_1300, %dma_wait3A_1301] : memref<50000x64xbf16, #tpu.memory_space<hbm>> -> memref<128x64xbf16, #tpu.memory_space<hbm>>
      tpu.wait_dma2 semaphore(%arg21 : memref<!tpu.dma_semaphore, #tpu.memory_space<semaphore_mem>>) src(%dma_wait3A_1302 : memref<128x64xbf16, #tpu.memory_space<hbm>>) dst(%arg16 : memref<128x64xbf16, #tpu.memory_space<vmem>>)
      %get3A_1303 = arith.constant 640 : index
      %get3A_1304 = tpu.vector_load %arg12[%get3A_1303] {strides = array<i32>} : memref<1024xi32, #tpu.memory_space<vmem>>, vector<16xi32>,
      %gather3A_1305 = tpu.vector_load_idx %arg9[%get3A_1304] : memref<40000xi32, #tpu.memory_space<vmem>>[vector<16xi32>], vector<16xi32>,
      %swap3A_1306 = arith.constant 1 : i32
      %swap3A_1307 = arith.index_cast %swap3A_1306 : i32 to index
      %swap3A_1308 = arith.constant 0 : index
      %swap3A_1309 = tpu.vector_load %arg13[%swap3A_1307, %swap3A_1308] {strides = array<i32>} : memref<2x128xi32, #tpu.memory_space<vmem>>, vector<16xi32>,
      tpu.vector_store %arg13[%swap3A_1307, %swap3A_1308], %gather3A_1305 {strides = array<i32>} : memref<2x128xi32, #tpu.memory_space<vmem>>, vector<16xi32>,
      %get3A_1310 = arith.constant 640 : index
      %get3A_1311 = tpu.vector_load %arg11[%get3A_1310] {strides = array<i32>} : memref<1024xi32, #tpu.memory_space<vmem>>, vector<16xi32>,
      %sub3A_1312 = vector.broadcast %mul3A_10 : i32 to vector<16xi32>
      %sub3A_1313 = arith.subi %get3A_1311, %sub3A_1312 : vector<16xi32>
      %ge3A_1314 = arith.constant 0 : i32
      %ge3A_1315 = vector.broadcast %ge3A_1314 : i32 to vector<16xi32>
      %ge3A_1316 = arith.cmpi sge, %sub3A_1313, %ge3A_1315 : vector<16xi32>
      %lt3A_1317 = arith.constant 25088 : i32
      %lt3A_1318 = vector.broadcast %lt3A_1317 : i32 to vector<16xi32>
      %lt3A_1319 = arith.cmpi slt, %sub3A_1313, %lt3A_1318 : vector<16xi32>
      %and3A_1320 = arith.andi %ge3A_1316, %lt3A_1319 : vector<16xi1>
      %jit3A_1321 = arith.constant 25200 : i32
      %broadcast_in_dim3A_1322 = vector.broadcast %jit3A_1321 : i32 to vector<16xi32>
      %select_n3A_1323 = arith.select %and3A_1320, %sub3A_1313, %broadcast_in_dim3A_1322 : vector<16xi1>, vector<16xi32>
      %swap3A_1324 = arith.constant 1 : i32
      %swap3A_1325 = arith.index_cast %swap3A_1324 : i32 to index
      %swap3A_1326 = arith.constant 0 : index
      %swap3A_1327 = tpu.vector_load %arg14[%swap3A_1325, %swap3A_1326] {strides = array<i32>} : memref<3x128xi32, #tpu.memory_space<vmem>>, vector<16xi32>,
      tpu.vector_store %arg14[%swap3A_1325, %swap3A_1326], %select_n3A_1323 {strides = array<i32>} : memref<3x128xi32, #tpu.memory_space<vmem>>, vector<16xi32>,
      %get3A_1328 = arith.constant 656 : index
      %get3A_1329 = tpu.vector_load %arg12[%get3A_1328] {strides = array<i32>} : memref<1024xi32, #tpu.memory_space<vmem>>, vector<16xi32>,
      %gather3A_1330 = tpu.vector_load_idx %arg9[%get3A_1329] : memref<40000xi32, #tpu.memory_space<vmem>>[vector<16xi32>], vector<16xi32>,
      %swap3A_1331 = arith.constant 1 : i32
      %swap3A_1332 = arith.index_cast %swap3A_1331 : i32 to index
      %swap3A_1333 = arith.constant 16 : index
      %swap3A_1334 = tpu.vector_load %arg13[%swap3A_1332, %swap3A_1333] {strides = array<i32>} : memref<2x128xi32, #tpu.memory_space<vmem>>, vector<16xi32>,
      tpu.vector_store %arg13[%swap3A_1332, %swap3A_1333], %gather3A_1330 {strides = array<i32>} : memref<2x128xi32, #tpu.memory_space<vmem>>, vector<16xi32>,
      %get3A_1335 = arith.constant 656 : index
      %get3A_1336 = tpu.vector_load %arg11[%get3A_1335] {strides = array<i32>} : memref<1024xi32, #tpu.memory_space<vmem>>, vector<16xi32>,
      %sub3A_1337 = vector.broadcast %mul3A_10 : i32 to vector<16xi32>
      %sub3A_1338 = arith.subi %get3A_1336, %sub3A_1337 : vector<16xi32>
      %ge3A_1339 = arith.constant 0 : i32
      %ge3A_1340 = vector.broadcast %ge3A_1339 : i32 to vector<16xi32>
      %ge3A_1341 = arith.cmpi sge, %sub3A_1338, %ge3A_1340 : vector<16xi32>
      %lt3A_1342 = arith.constant 25088 : i32
      %lt3A_1343 = vector.broadcast %lt3A_1342 : i32 to vector<16xi32>
      %lt3A_1344 = arith.cmpi slt, %sub3A_1338, %lt3A_1343 : vector<16xi32>
      %and3A_1345 = arith.andi %ge3A_1341, %lt3A_1344 : vector<16xi1>
      %jit3A_1346 = arith.constant 25200 : i32
      %broadcast_in_dim3A_1347 = vector.broadcast %jit3A_1346 : i32 to vector<16xi32>
      %select_n3A_1348 = arith.select %and3A_1345, %sub3A_1338, %broadcast_in_dim3A_1347 : vector<16xi1>, vector<16xi32>
      %swap3A_1349 = arith.constant 1 : i32
      %swap3A_1350 = arith.index_cast %swap3A_1349 : i32 to index
      %swap3A_1351 = arith.constant 16 : index
      %swap3A_1352 = tpu.vector_load %arg14[%swap3A_1350, %swap3A_1351] {strides = array<i32>} : memref<3x128xi32, #tpu.memory_space<vmem>>, vector<16xi32>,
      tpu.vector_store %arg14[%swap3A_1350, %swap3A_1351], %select_n3A_1348 {strides = array<i32>} : memref<3x128xi32, #tpu.memory_space<vmem>>, vector<16xi32>,
      %get3A_1353 = arith.constant 672 : index
      %get3A_1354 = tpu.vector_load %arg12[%get3A_1353] {strides = array<i32>} : memref<1024xi32, #tpu.memory_space<vmem>>, vector<16xi32>,
      %gather3A_1355 = tpu.vector_load_idx %arg9[%get3A_1354] : memref<40000xi32, #tpu.memory_space<vmem>>[vector<16xi32>], vector<16xi32>,
      %swap3A_1356 = arith.constant 1 : i32
      %swap3A_1357 = arith.index_cast %swap3A_1356 : i32 to index
      %swap3A_1358 = arith.constant 32 : index
      %swap3A_1359 = tpu.vector_load %arg13[%swap3A_1357, %swap3A_1358] {strides = array<i32>} : memref<2x128xi32, #tpu.memory_space<vmem>>, vector<16xi32>,
      tpu.vector_store %arg13[%swap3A_1357, %swap3A_1358], %gather3A_1355 {strides = array<i32>} : memref<2x128xi32, #tpu.memory_space<vmem>>, vector<16xi32>,
      %get3A_1360 = arith.constant 672 : index
      %get3A_1361 = tpu.vector_load %arg11[%get3A_1360] {strides = array<i32>} : memref<1024xi32, #tpu.memory_space<vmem>>, vector<16xi32>,
      %sub3A_1362 = vector.broadcast %mul3A_10 : i32 to vector<16xi32>
      %sub3A_1363 = arith.subi %get3A_1361, %sub3A_1362 : vector<16xi32>
      %ge3A_1364 = arith.constant 0 : i32
      %ge3A_1365 = vector.broadcast %ge3A_1364 : i32 to vector<16xi32>
      %ge3A_1366 = arith.cmpi sge, %sub3A_1363, %ge3A_1365 : vector<16xi32>
      %lt3A_1367 = arith.constant 25088 : i32
      %lt3A_1368 = vector.broadcast %lt3A_1367 : i32 to vector<16xi32>
      %lt3A_1369 = arith.cmpi slt, %sub3A_1363, %lt3A_1368 : vector<16xi32>
      %and3A_1370 = arith.andi %ge3A_1366, %lt3A_1369 : vector<16xi1>
      %jit3A_1371 = arith.constant 25200 : i32
      %broadcast_in_dim3A_1372 = vector.broadcast %jit3A_1371 : i32 to vector<16xi32>
      %select_n3A_1373 = arith.select %and3A_1370, %sub3A_1363, %broadcast_in_dim3A_1372 : vector<16xi1>, vector<16xi32>
      %swap3A_1374 = arith.constant 1 : i32
      %swap3A_1375 = arith.index_cast %swap3A_1374 : i32 to index
      %swap3A_1376 = arith.constant 32 : index
      %swap3A_1377 = tpu.vector_load %arg14[%swap3A_1375, %swap3A_1376] {strides = array<i32>} : memref<3x128xi32, #tpu.memory_space<vmem>>, vector<16xi32>,
      tpu.vector_store %arg14[%swap3A_1375, %swap3A_1376], %select_n3A_1373 {strides = array<i32>} : memref<3x128xi32, #tpu.memory_space<vmem>>, vector<16xi32>,
      %get3A_1378 = arith.constant 688 : index
      %get3A_1379 = tpu.vector_load %arg12[%get3A_1378] {strides = array<i32>} : memref<1024xi32, #tpu.memory_space<vmem>>, vector<16xi32>,
      %gather3A_1380 = tpu.vector_load_idx %arg9[%get3A_1379] : memref<40000xi32, #tpu.memory_space<vmem>>[vector<16xi32>], vector<16xi32>,
      %swap3A_1381 = arith.constant 1 : i32
      %swap3A_1382 = arith.index_cast %swap3A_1381 : i32 to index
      %swap3A_1383 = arith.constant 48 : index
      %swap3A_1384 = tpu.vector_load %arg13[%swap3A_1382, %swap3A_1383] {strides = array<i32>} : memref<2x128xi32, #tpu.memory_space<vmem>>, vector<16xi32>,
      tpu.vector_store %arg13[%swap3A_1382, %swap3A_1383], %gather3A_1380 {strides = array<i32>} : memref<2x128xi32, #tpu.memory_space<vmem>>, vector<16xi32>,
      %get3A_1385 = arith.constant 688 : index
      %get3A_1386 = tpu.vector_load %arg11[%get3A_1385] {strides = array<i32>} : memref<1024xi32, #tpu.memory_space<vmem>>, vector<16xi32>,
      %sub3A_1387 = vector.broadcast %mul3A_10 : i32 to vector<16xi32>
      %sub3A_1388 = arith.subi %get3A_1386, %sub3A_1387 : vector<16xi32>
      %ge3A_1389 = arith.constant 0 : i32
      %ge3A_1390 = vector.broadcast %ge3A_1389 : i32 to vector<16xi32>
      %ge3A_1391 = arith.cmpi sge, %sub3A_1388, %ge3A_1390 : vector<16xi32>
      %lt3A_1392 = arith.constant 25088 : i32
      %lt3A_1393 = vector.broadcast %lt3A_1392 : i32 to vector<16xi32>
      %lt3A_1394 = arith.cmpi slt, %sub3A_1388, %lt3A_1393 : vector<16xi32>
      %and3A_1395 = arith.andi %ge3A_1391, %lt3A_1394 : vector<16xi1>
      %jit3A_1396 = arith.constant 25200 : i32
      %broadcast_in_dim3A_1397 = vector.broadcast %jit3A_1396 : i32 to vector<16xi32>
      %select_n3A_1398 = arith.select %and3A_1395, %sub3A_1388, %broadcast_in_dim3A_1397 : vector<16xi1>, vector<16xi32>
      %swap3A_1399 = arith.constant 1 : i32
      %swap3A_1400 = arith.index_cast %swap3A_1399 : i32 to index
      %swap3A_1401 = arith.constant 48 : index
      %swap3A_1402 = tpu.vector_load %arg14[%swap3A_1400, %swap3A_1401] {strides = array<i32>} : memref<3x128xi32, #tpu.memory_space<vmem>>, vector<16xi32>,
      tpu.vector_store %arg14[%swap3A_1400, %swap3A_1401], %select_n3A_1398 {strides = array<i32>} : memref<3x128xi32, #tpu.memory_space<vmem>>, vector<16xi32>,
      %get3A_1403 = arith.constant 704 : index
      %get3A_1404 = tpu.vector_load %arg12[%get3A_1403] {strides = array<i32>} : memref<1024xi32, #tpu.memory_space<vmem>>, vector<16xi32>,
      %gather3A_1405 = tpu.vector_load_idx %arg9[%get3A_1404] : memref<40000xi32, #tpu.memory_space<vmem>>[vector<16xi32>], vector<16xi32>,
      %swap3A_1406 = arith.constant 1 : i32
      %swap3A_1407 = arith.index_cast %swap3A_1406 : i32 to index
      %swap3A_1408 = arith.constant 64 : index
      %swap3A_1409 = tpu.vector_load %arg13[%swap3A_1407, %swap3A_1408] {strides = array<i32>} : memref<2x128xi32, #tpu.memory_space<vmem>>, vector<16xi32>,
      tpu.vector_store %arg13[%swap3A_1407, %swap3A_1408], %gather3A_1405 {strides = array<i32>} : memref<2x128xi32, #tpu.memory_space<vmem>>, vector<16xi32>,
      %get3A_1410 = arith.constant 704 : index
      %get3A_1411 = tpu.vector_load %arg11[%get3A_1410] {strides = array<i32>} : memref<1024xi32, #tpu.memory_space<vmem>>, vector<16xi32>,
      %sub3A_1412 = vector.broadcast %mul3A_10 : i32 to vector<16xi32>
      %sub3A_1413 = arith.subi %get3A_1411, %sub3A_1412 : vector<16xi32>
      %ge3A_1414 = arith.constant 0 : i32
      %ge3A_1415 = vector.broadcast %ge3A_1414 : i32 to vector<16xi32>
      %ge3A_1416 = arith.cmpi sge, %sub3A_1413, %ge3A_1415 : vector<16xi32>
      %lt3A_1417 = arith.constant 25088 : i32
      %lt3A_1418 = vector.broadcast %lt3A_1417 : i32 to vector<16xi32>
      %lt3A_1419 = arith.cmpi slt, %sub3A_1413, %lt3A_1418 : vector<16xi32>
      %and3A_1420 = arith.andi %ge3A_1416, %lt3A_1419 : vector<16xi1>
      %jit3A_1421 = arith.constant 25200 : i32
      %broadcast_in_dim3A_1422 = vector.broadcast %jit3A_1421 : i32 to vector<16xi32>
      %select_n3A_1423 = arith.select %and3A_1420, %sub3A_1413, %broadcast_in_dim3A_1422 : vector<16xi1>, vector<16xi32>
      %swap3A_1424 = arith.constant 1 : i32
      %swap3A_1425 = arith.index_cast %swap3A_1424 : i32 to index
      %swap3A_1426 = arith.constant 64 : index
      %swap3A_1427 = tpu.vector_load %arg14[%swap3A_1425, %swap3A_1426] {strides = array<i32>} : memref<3x128xi32, #tpu.memory_space<vmem>>, vector<16xi32>,
      tpu.vector_store %arg14[%swap3A_1425, %swap3A_1426], %select_n3A_1423 {strides = array<i32>} : memref<3x128xi32, #tpu.memory_space<vmem>>, vector<16xi32>,
      %get3A_1428 = arith.constant 720 : index
      %get3A_1429 = tpu.vector_load %arg12[%get3A_1428] {strides = array<i32>} : memref<1024xi32, #tpu.memory_space<vmem>>, vector<16xi32>,
      %gather3A_1430 = tpu.vector_load_idx %arg9[%get3A_1429] : memref<40000xi32, #tpu.memory_space<vmem>>[vector<16xi32>], vector<16xi32>,
      %swap3A_1431 = arith.constant 1 : i32
      %swap3A_1432 = arith.index_cast %swap3A_1431 : i32 to index
      %swap3A_1433 = arith.constant 80 : index
      %swap3A_1434 = tpu.vector_load %arg13[%swap3A_1432, %swap3A_1433] {strides = array<i32>} : memref<2x128xi32, #tpu.memory_space<vmem>>, vector<16xi32>,
      tpu.vector_store %arg13[%swap3A_1432, %swap3A_1433], %gather3A_1430 {strides = array<i32>} : memref<2x128xi32, #tpu.memory_space<vmem>>, vector<16xi32>,
      %get3A_1435 = arith.constant 720 : index
      %get3A_1436 = tpu.vector_load %arg11[%get3A_1435] {strides = array<i32>} : memref<1024xi32, #tpu.memory_space<vmem>>, vector<16xi32>,
      %sub3A_1437 = vector.broadcast %mul3A_10 : i32 to vector<16xi32>
      %sub3A_1438 = arith.subi %get3A_1436, %sub3A_1437 : vector<16xi32>
      %ge3A_1439 = arith.constant 0 : i32
      %ge3A_1440 = vector.broadcast %ge3A_1439 : i32 to vector<16xi32>
      %ge3A_1441 = arith.cmpi sge, %sub3A_1438, %ge3A_1440 : vector<16xi32>
      %lt3A_1442 = arith.constant 25088 : i32
      %lt3A_1443 = vector.broadcast %lt3A_1442 : i32 to vector<16xi32>
      %lt3A_1444 = arith.cmpi slt, %sub3A_1438, %lt3A_1443 : vector<16xi32>
      %and3A_1445 = arith.andi %ge3A_1441, %lt3A_1444 : vector<16xi1>
      %jit3A_1446 = arith.constant 25200 : i32
      %broadcast_in_dim3A_1447 = vector.broadcast %jit3A_1446 : i32 to vector<16xi32>
      %select_n3A_1448 = arith.select %and3A_1445, %sub3A_1438, %broadcast_in_dim3A_1447 : vector<16xi1>, vector<16xi32>
      %swap3A_1449 = arith.constant 1 : i32
      %swap3A_1450 = arith.index_cast %swap3A_1449 : i32 to index
      %swap3A_1451 = arith.constant 80 : index
      %swap3A_1452 = tpu.vector_load %arg14[%swap3A_1450, %swap3A_1451] {strides = array<i32>} : memref<3x128xi32, #tpu.memory_space<vmem>>, vector<16xi32>,
      tpu.vector_store %arg14[%swap3A_1450, %swap3A_1451], %select_n3A_1448 {strides = array<i32>} : memref<3x128xi32, #tpu.memory_space<vmem>>, vector<16xi32>,
      %get3A_1453 = arith.constant 736 : index
      %get3A_1454 = tpu.vector_load %arg12[%get3A_1453] {strides = array<i32>} : memref<1024xi32, #tpu.memory_space<vmem>>, vector<16xi32>,
      %gather3A_1455 = tpu.vector_load_idx %arg9[%get3A_1454] : memref<40000xi32, #tpu.memory_space<vmem>>[vector<16xi32>], vector<16xi32>,
      %swap3A_1456 = arith.constant 1 : i32
      %swap3A_1457 = arith.index_cast %swap3A_1456 : i32 to index
      %swap3A_1458 = arith.constant 96 : index
      %swap3A_1459 = tpu.vector_load %arg13[%swap3A_1457, %swap3A_1458] {strides = array<i32>} : memref<2x128xi32, #tpu.memory_space<vmem>>, vector<16xi32>,
      tpu.vector_store %arg13[%swap3A_1457, %swap3A_1458], %gather3A_1455 {strides = array<i32>} : memref<2x128xi32, #tpu.memory_space<vmem>>, vector<16xi32>,
      %get3A_1460 = arith.constant 736 : index
      %get3A_1461 = tpu.vector_load %arg11[%get3A_1460] {strides = array<i32>} : memref<1024xi32, #tpu.memory_space<vmem>>, vector<16xi32>,
      %sub3A_1462 = vector.broadcast %mul3A_10 : i32 to vector<16xi32>
      %sub3A_1463 = arith.subi %get3A_1461, %sub3A_1462 : vector<16xi32>
      %ge3A_1464 = arith.constant 0 : i32
      %ge3A_1465 = vector.broadcast %ge3A_1464 : i32 to vector<16xi32>
      %ge3A_1466 = arith.cmpi sge, %sub3A_1463, %ge3A_1465 : vector<16xi32>
      %lt3A_1467 = arith.constant 25088 : i32
      %lt3A_1468 = vector.broadcast %lt3A_1467 : i32 to vector<16xi32>
      %lt3A_1469 = arith.cmpi slt, %sub3A_1463, %lt3A_1468 : vector<16xi32>
      %and3A_1470 = arith.andi %ge3A_1466, %lt3A_1469 : vector<16xi1>
      %jit3A_1471 = arith.constant 25200 : i32
      %broadcast_in_dim3A_1472 = vector.broadcast %jit3A_1471 : i32 to vector<16xi32>
      %select_n3A_1473 = arith.select %and3A_1470, %sub3A_1463, %broadcast_in_dim3A_1472 : vector<16xi1>, vector<16xi32>
      %swap3A_1474 = arith.constant 1 : i32
      %swap3A_1475 = arith.index_cast %swap3A_1474 : i32 to index
      %swap3A_1476 = arith.constant 96 : index
      %swap3A_1477 = tpu.vector_load %arg14[%swap3A_1475, %swap3A_1476] {strides = array<i32>} : memref<3x128xi32, #tpu.memory_space<vmem>>, vector<16xi32>,
      tpu.vector_store %arg14[%swap3A_1475, %swap3A_1476], %select_n3A_1473 {strides = array<i32>} : memref<3x128xi32, #tpu.memory_space<vmem>>, vector<16xi32>,
      %get3A_1478 = arith.constant 752 : index
      %get3A_1479 = tpu.vector_load %arg12[%get3A_1478] {strides = array<i32>} : memref<1024xi32, #tpu.memory_space<vmem>>, vector<16xi32>,
      %gather3A_1480 = tpu.vector_load_idx %arg9[%get3A_1479] : memref<40000xi32, #tpu.memory_space<vmem>>[vector<16xi32>], vector<16xi32>,
      %swap3A_1481 = arith.constant 1 : i32
      %swap3A_1482 = arith.index_cast %swap3A_1481 : i32 to index
      %swap3A_1483 = arith.constant 112 : index
      %swap3A_1484 = tpu.vector_load %arg13[%swap3A_1482, %swap3A_1483] {strides = array<i32>} : memref<2x128xi32, #tpu.memory_space<vmem>>, vector<16xi32>,
      tpu.vector_store %arg13[%swap3A_1482, %swap3A_1483], %gather3A_1480 {strides = array<i32>} : memref<2x128xi32, #tpu.memory_space<vmem>>, vector<16xi32>,
      %get3A_1485 = arith.constant 752 : index
      %get3A_1486 = tpu.vector_load %arg11[%get3A_1485] {strides = array<i32>} : memref<1024xi32, #tpu.memory_space<vmem>>, vector<16xi32>,
      %sub3A_1487 = vector.broadcast %mul3A_10 : i32 to vector<16xi32>
      %sub3A_1488 = arith.subi %get3A_1486, %sub3A_1487 : vector<16xi32>
      %ge3A_1489 = arith.constant 0 : i32
      %ge3A_1490 = vector.broadcast %ge3A_1489 : i32 to vector<16xi32>
      %ge3A_1491 = arith.cmpi sge, %sub3A_1488, %ge3A_1490 : vector<16xi32>
      %lt3A_1492 = arith.constant 25088 : i32
      %lt3A_1493 = vector.broadcast %lt3A_1492 : i32 to vector<16xi32>
      %lt3A_1494 = arith.cmpi slt, %sub3A_1488, %lt3A_1493 : vector<16xi32>
      %and3A_1495 = arith.andi %ge3A_1491, %lt3A_1494 : vector<16xi1>
      %jit3A_1496 = arith.constant 25200 : i32
      %broadcast_in_dim3A_1497 = vector.broadcast %jit3A_1496 : i32 to vector<16xi32>
      %select_n3A_1498 = arith.select %and3A_1495, %sub3A_1488, %broadcast_in_dim3A_1497 : vector<16xi1>, vector<16xi32>
      %swap3A_1499 = arith.constant 1 : i32
      %swap3A_1500 = arith.index_cast %swap3A_1499 : i32 to index
      %swap3A_1501 = arith.constant 112 : index
      %swap3A_1502 = tpu.vector_load %arg14[%swap3A_1500, %swap3A_1501] {strides = array<i32>} : memref<3x128xi32, #tpu.memory_space<vmem>>, vector<16xi32>,
      tpu.vector_store %arg14[%swap3A_1500, %swap3A_1501], %select_n3A_1498 {strides = array<i32>} : memref<3x128xi32, #tpu.memory_space<vmem>>, vector<16xi32>,
      %dma_start3A_1503 = arith.constant 1 : i32
      %dma_start3A_1504 = arith.constant 0 : i32
      %dma_start3A_1505 = tpu.memref_slice %arg13[%dma_start3A_1503, %dma_start3A_1504] : memref<2x128xi32, #tpu.memory_space<vmem>> -> memref<1x128xi32, #tpu.memory_space<vmem>>
      %dma_start3A_1506 = tpu.memref_squeeze %dma_start3A_1505 : memref<1x128xi32, #tpu.memory_space<vmem>> -> memref<128xi32, #tpu.memory_space<vmem>>
      %dma_start3A_1507 = arith.constant 0 : i32
      %dma_start3A_1508 = arith.constant 0 : i32
      %dma_start3A_1509 = tpu.memref_slice %arg2[%dma_start3A_1507, %dma_start3A_1508] : memref<50000x64xbf16, #tpu.memory_space<hbm>> -> memref<50000x64xbf16, #tpu.memory_space<hbm>>
      tpu.enqueue_indirect_dma source(%dma_start3A_1509 : memref<50000x64xbf16, #tpu.memory_space<hbm>>) target(%arg16 : memref<128x64xbf16, #tpu.memory_space<vmem>>) offsets(%dma_start3A_1506 : memref<128xi32, #tpu.memory_space<vmem>>) semaphore(%arg19 : memref<!tpu.dma_semaphore, #tpu.memory_space<semaphore_mem>>)
      %dma_wait3A_1510 = arith.constant 0 : i32
      %dma_wait3A_1511 = arith.constant 0 : i32
      %dma_wait3A_1512 = tpu.memref_slice %arg13[%dma_wait3A_1510, %dma_wait3A_1511] : memref<2x128xi32, #tpu.memory_space<vmem>> -> memref<1x128xi32, #tpu.memory_space<vmem>>
      %dma_wait3A_1513 = tpu.memref_squeeze %dma_wait3A_1512 : memref<1x128xi32, #tpu.memory_space<vmem>> -> memref<128xi32, #tpu.memory_space<vmem>>
      %dma_wait3A_1514 = arith.constant 0 : i32
      %dma_wait3A_1515 = arith.constant 0 : i32
      %dma_wait3A_1516 = tpu.memref_slice %arg2[%dma_wait3A_1514, %dma_wait3A_1515] : memref<50000x64xbf16, #tpu.memory_space<hbm>> -> memref<50000x64xbf16, #tpu.memory_space<hbm>>
      tpu.wait_indirect_dma semaphore(%arg18 : memref<!tpu.dma_semaphore, #tpu.memory_space<semaphore_mem>>) src(%dma_wait3A_1516 : memref<50000x64xbf16, #tpu.memory_space<hbm>>) dst(%arg15 : memref<128x64xbf16, #tpu.memory_space<vmem>>)
      %dma_start3A_1517 = arith.constant 0 : i32
      %dma_start3A_1518 = arith.constant 0 : i32
      %dma_start3A_1519 = tpu.memref_slice %arg14[%dma_start3A_1517, %dma_start3A_1518] : memref<3x128xi32, #tpu.memory_space<vmem>> -> memref<1x128xi32, #tpu.memory_space<vmem>>
      %dma_start3A_1520 = tpu.memref_squeeze %dma_start3A_1519 : memref<1x128xi32, #tpu.memory_space<vmem>> -> memref<128xi32, #tpu.memory_space<vmem>>
      %dma_start3A_1521 = arith.constant 0 : i32
      %dma_start3A_1522 = arith.constant 0 : i32
      %dma_start3A_1523 = tpu.memref_slice %arg17[%dma_start3A_1521, %dma_start3A_1522] : memref<25344x64xbf16, #tpu.memory_space<vmem_shared>> -> memref<25344x64xbf16, #tpu.memory_space<vmem_shared>>
      tpu.enqueue_indirect_dma source(%arg15 : memref<128x64xbf16, #tpu.memory_space<vmem>>) target(%dma_start3A_1523 : memref<25344x64xbf16, #tpu.memory_space<vmem_shared>>) offsets(%dma_start3A_1520 : memref<128xi32, #tpu.memory_space<vmem>>) semaphore(%arg20 : memref<!tpu.dma_semaphore, #tpu.memory_space<semaphore_mem>>) {add = true}
      %dma_wait3A_1524 = arith.constant 1 : i32
      %dma_wait3A_1525 = arith.constant 0 : i32
      %dma_wait3A_1526 = tpu.memref_slice %arg13[%dma_wait3A_1524, %dma_wait3A_1525] : memref<2x128xi32, #tpu.memory_space<vmem>> -> memref<1x128xi32, #tpu.memory_space<vmem>>
      %dma_wait3A_1527 = tpu.memref_squeeze %dma_wait3A_1526 : memref<1x128xi32, #tpu.memory_space<vmem>> -> memref<128xi32, #tpu.memory_space<vmem>>
      %dma_wait3A_1528 = arith.constant 0 : i32
      %dma_wait3A_1529 = arith.constant 0 : i32
      %dma_wait3A_1530 = tpu.memref_slice %arg2[%dma_wait3A_1528, %dma_wait3A_1529] : memref<50000x64xbf16, #tpu.memory_space<hbm>> -> memref<50000x64xbf16, #tpu.memory_space<hbm>>
      tpu.wait_indirect_dma semaphore(%arg19 : memref<!tpu.dma_semaphore, #tpu.memory_space<semaphore_mem>>) src(%dma_wait3A_1530 : memref<50000x64xbf16, #tpu.memory_space<hbm>>) dst(%arg16 : memref<128x64xbf16, #tpu.memory_space<vmem>>)
      %dma_start3A_1531 = arith.constant 1 : i32
      %dma_start3A_1532 = arith.constant 0 : i32
      %dma_start3A_1533 = tpu.memref_slice %arg14[%dma_start3A_1531, %dma_start3A_1532] : memref<3x128xi32, #tpu.memory_space<vmem>> -> memref<1x128xi32, #tpu.memory_space<vmem>>
      %dma_start3A_1534 = tpu.memref_squeeze %dma_start3A_1533 : memref<1x128xi32, #tpu.memory_space<vmem>> -> memref<128xi32, #tpu.memory_space<vmem>>
      %dma_start3A_1535 = arith.constant 0 : i32
      %dma_start3A_1536 = arith.constant 0 : i32
      %dma_start3A_1537 = tpu.memref_slice %arg17[%dma_start3A_1535, %dma_start3A_1536] : memref<25344x64xbf16, #tpu.memory_space<vmem_shared>> -> memref<25344x64xbf16, #tpu.memory_space<vmem_shared>>
      tpu.enqueue_indirect_dma source(%arg16 : memref<128x64xbf16, #tpu.memory_space<vmem>>) target(%dma_start3A_1537 : memref<25344x64xbf16, #tpu.memory_space<vmem_shared>>) offsets(%dma_start3A_1534 : memref<128xi32, #tpu.memory_space<vmem>>) semaphore(%arg21 : memref<!tpu.dma_semaphore, #tpu.memory_space<semaphore_mem>>) {add = true}
      %dma_wait3A_1538 = arith.constant 0 : i32
      %dma_wait3A_1539 = arith.constant 0 : i32
      %dma_wait3A_1540 = tpu.memref_slice %arg2[%dma_wait3A_1538, %dma_wait3A_1539] : memref<50000x64xbf16, #tpu.memory_space<hbm>> -> memref<128x64xbf16, #tpu.memory_space<hbm>>
      %dma_wait3A_1541 = arith.constant 0 : i32
      %dma_wait3A_1542 = arith.constant 0 : i32
      %dma_wait3A_1543 = tpu.memref_slice %arg2[%dma_wait3A_1541, %dma_wait3A_1542] : memref<50000x64xbf16, #tpu.memory_space<hbm>> -> memref<128x64xbf16, #tpu.memory_space<hbm>>
      tpu.wait_dma2 semaphore(%arg20 : memref<!tpu.dma_semaphore, #tpu.memory_space<semaphore_mem>>) src(%dma_wait3A_1543 : memref<128x64xbf16, #tpu.memory_space<hbm>>) dst(%arg15 : memref<128x64xbf16, #tpu.memory_space<vmem>>)
      %get3A_1544 = arith.constant 768 : index
      %get3A_1545 = tpu.vector_load %arg12[%get3A_1544] {strides = array<i32>} : memref<1024xi32, #tpu.memory_space<vmem>>, vector<16xi32>,
      %gather3A_1546 = tpu.vector_load_idx %arg9[%get3A_1545] : memref<40000xi32, #tpu.memory_space<vmem>>[vector<16xi32>], vector<16xi32>,
      %swap3A_1547 = arith.constant 0 : i32
      %swap3A_1548 = arith.index_cast %swap3A_1547 : i32 to index
      %swap3A_1549 = arith.constant 0 : index
      %swap3A_1550 = tpu.vector_load %arg13[%swap3A_1548, %swap3A_1549] {strides = array<i32>} : memref<2x128xi32, #tpu.memory_space<vmem>>, vector<16xi32>,
      tpu.vector_store %arg13[%swap3A_1548, %swap3A_1549], %gather3A_1546 {strides = array<i32>} : memref<2x128xi32, #tpu.memory_space<vmem>>, vector<16xi32>,
      %get3A_1551 = arith.constant 768 : index
      %get3A_1552 = tpu.vector_load %arg11[%get3A_1551] {strides = array<i32>} : memref<1024xi32, #tpu.memory_space<vmem>>, vector<16xi32>,
      %sub3A_1553 = vector.broadcast %mul3A_10 : i32 to vector<16xi32>
      %sub3A_1554 = arith.subi %get3A_1552, %sub3A_1553 : vector<16xi32>
      %ge3A_1555 = arith.constant 0 : i32
      %ge3A_1556 = vector.broadcast %ge3A_1555 : i32 to vector<16xi32>
      %ge3A_1557 = arith.cmpi sge, %sub3A_1554, %ge3A_1556 : vector<16xi32>
      %lt3A_1558 = arith.constant 25088 : i32
      %lt3A_1559 = vector.broadcast %lt3A_1558 : i32 to vector<16xi32>
      %lt3A_1560 = arith.cmpi slt, %sub3A_1554, %lt3A_1559 : vector<16xi32>
      %and3A_1561 = arith.andi %ge3A_1557, %lt3A_1560 : vector<16xi1>
      %jit3A_1562 = arith.constant 25200 : i32
      %broadcast_in_dim3A_1563 = vector.broadcast %jit3A_1562 : i32 to vector<16xi32>
      %select_n3A_1564 = arith.select %and3A_1561, %sub3A_1554, %broadcast_in_dim3A_1563 : vector<16xi1>, vector<16xi32>
      %swap3A_1565 = arith.constant 0 : i32
      %swap3A_1566 = arith.index_cast %swap3A_1565 : i32 to index
      %swap3A_1567 = arith.constant 0 : index
      %swap3A_1568 = tpu.vector_load %arg14[%swap3A_1566, %swap3A_1567] {strides = array<i32>} : memref<3x128xi32, #tpu.memory_space<vmem>>, vector<16xi32>,
      tpu.vector_store %arg14[%swap3A_1566, %swap3A_1567], %select_n3A_1564 {strides = array<i32>} : memref<3x128xi32, #tpu.memory_space<vmem>>, vector<16xi32>,
      %get3A_1569 = arith.constant 784 : index
      %get3A_1570 = tpu.vector_load %arg12[%get3A_1569] {strides = array<i32>} : memref<1024xi32, #tpu.memory_space<vmem>>, vector<16xi32>,
      %gather3A_1571 = tpu.vector_load_idx %arg9[%get3A_1570] : memref<40000xi32, #tpu.memory_space<vmem>>[vector<16xi32>], vector<16xi32>,
      %swap3A_1572 = arith.constant 0 : i32
      %swap3A_1573 = arith.index_cast %swap3A_1572 : i32 to index
      %swap3A_1574 = arith.constant 16 : index
      %swap3A_1575 = tpu.vector_load %arg13[%swap3A_1573, %swap3A_1574] {strides = array<i32>} : memref<2x128xi32, #tpu.memory_space<vmem>>, vector<16xi32>,
      tpu.vector_store %arg13[%swap3A_1573, %swap3A_1574], %gather3A_1571 {strides = array<i32>} : memref<2x128xi32, #tpu.memory_space<vmem>>, vector<16xi32>,
      %get3A_1576 = arith.constant 784 : index
      %get3A_1577 = tpu.vector_load %arg11[%get3A_1576] {strides = array<i32>} : memref<1024xi32, #tpu.memory_space<vmem>>, vector<16xi32>,
      %sub3A_1578 = vector.broadcast %mul3A_10 : i32 to vector<16xi32>
      %sub3A_1579 = arith.subi %get3A_1577, %sub3A_1578 : vector<16xi32>
      %ge3A_1580 = arith.constant 0 : i32
      %ge3A_1581 = vector.broadcast %ge3A_1580 : i32 to vector<16xi32>
      %ge3A_1582 = arith.cmpi sge, %sub3A_1579, %ge3A_1581 : vector<16xi32>
      %lt3A_1583 = arith.constant 25088 : i32
      %lt3A_1584 = vector.broadcast %lt3A_1583 : i32 to vector<16xi32>
      %lt3A_1585 = arith.cmpi slt, %sub3A_1579, %lt3A_1584 : vector<16xi32>
      %and3A_1586 = arith.andi %ge3A_1582, %lt3A_1585 : vector<16xi1>
      %jit3A_1587 = arith.constant 25200 : i32
      %broadcast_in_dim3A_1588 = vector.broadcast %jit3A_1587 : i32 to vector<16xi32>
      %select_n3A_1589 = arith.select %and3A_1586, %sub3A_1579, %broadcast_in_dim3A_1588 : vector<16xi1>, vector<16xi32>
      %swap3A_1590 = arith.constant 0 : i32
      %swap3A_1591 = arith.index_cast %swap3A_1590 : i32 to index
      %swap3A_1592 = arith.constant 16 : index
      %swap3A_1593 = tpu.vector_load %arg14[%swap3A_1591, %swap3A_1592] {strides = array<i32>} : memref<3x128xi32, #tpu.memory_space<vmem>>, vector<16xi32>,
      tpu.vector_store %arg14[%swap3A_1591, %swap3A_1592], %select_n3A_1589 {strides = array<i32>} : memref<3x128xi32, #tpu.memory_space<vmem>>, vector<16xi32>,
      %get3A_1594 = arith.constant 800 : index
      %get3A_1595 = tpu.vector_load %arg12[%get3A_1594] {strides = array<i32>} : memref<1024xi32, #tpu.memory_space<vmem>>, vector<16xi32>,
      %gather3A_1596 = tpu.vector_load_idx %arg9[%get3A_1595] : memref<40000xi32, #tpu.memory_space<vmem>>[vector<16xi32>], vector<16xi32>,
      %swap3A_1597 = arith.constant 0 : i32
      %swap3A_1598 = arith.index_cast %swap3A_1597 : i32 to index
      %swap3A_1599 = arith.constant 32 : index
      %swap3A_1600 = tpu.vector_load %arg13[%swap3A_1598, %swap3A_1599] {strides = array<i32>} : memref<2x128xi32, #tpu.memory_space<vmem>>, vector<16xi32>,
      tpu.vector_store %arg13[%swap3A_1598, %swap3A_1599], %gather3A_1596 {strides = array<i32>} : memref<2x128xi32, #tpu.memory_space<vmem>>, vector<16xi32>,
      %get3A_1601 = arith.constant 800 : index
      %get3A_1602 = tpu.vector_load %arg11[%get3A_1601] {strides = array<i32>} : memref<1024xi32, #tpu.memory_space<vmem>>, vector<16xi32>,
      %sub3A_1603 = vector.broadcast %mul3A_10 : i32 to vector<16xi32>
      %sub3A_1604 = arith.subi %get3A_1602, %sub3A_1603 : vector<16xi32>
      %ge3A_1605 = arith.constant 0 : i32
      %ge3A_1606 = vector.broadcast %ge3A_1605 : i32 to vector<16xi32>
      %ge3A_1607 = arith.cmpi sge, %sub3A_1604, %ge3A_1606 : vector<16xi32>
      %lt3A_1608 = arith.constant 25088 : i32
      %lt3A_1609 = vector.broadcast %lt3A_1608 : i32 to vector<16xi32>
      %lt3A_1610 = arith.cmpi slt, %sub3A_1604, %lt3A_1609 : vector<16xi32>
      %and3A_1611 = arith.andi %ge3A_1607, %lt3A_1610 : vector<16xi1>
      %jit3A_1612 = arith.constant 25200 : i32
      %broadcast_in_dim3A_1613 = vector.broadcast %jit3A_1612 : i32 to vector<16xi32>
      %select_n3A_1614 = arith.select %and3A_1611, %sub3A_1604, %broadcast_in_dim3A_1613 : vector<16xi1>, vector<16xi32>
      %swap3A_1615 = arith.constant 0 : i32
      %swap3A_1616 = arith.index_cast %swap3A_1615 : i32 to index
      %swap3A_1617 = arith.constant 32 : index
      %swap3A_1618 = tpu.vector_load %arg14[%swap3A_1616, %swap3A_1617] {strides = array<i32>} : memref<3x128xi32, #tpu.memory_space<vmem>>, vector<16xi32>,
      tpu.vector_store %arg14[%swap3A_1616, %swap3A_1617], %select_n3A_1614 {strides = array<i32>} : memref<3x128xi32, #tpu.memory_space<vmem>>, vector<16xi32>,
      %get3A_1619 = arith.constant 816 : index
      %get3A_1620 = tpu.vector_load %arg12[%get3A_1619] {strides = array<i32>} : memref<1024xi32, #tpu.memory_space<vmem>>, vector<16xi32>,
      %gather3A_1621 = tpu.vector_load_idx %arg9[%get3A_1620] : memref<40000xi32, #tpu.memory_space<vmem>>[vector<16xi32>], vector<16xi32>,
      %swap3A_1622 = arith.constant 0 : i32
      %swap3A_1623 = arith.index_cast %swap3A_1622 : i32 to index
      %swap3A_1624 = arith.constant 48 : index
      %swap3A_1625 = tpu.vector_load %arg13[%swap3A_1623, %swap3A_1624] {strides = array<i32>} : memref<2x128xi32, #tpu.memory_space<vmem>>, vector<16xi32>,
      tpu.vector_store %arg13[%swap3A_1623, %swap3A_1624], %gather3A_1621 {strides = array<i32>} : memref<2x128xi32, #tpu.memory_space<vmem>>, vector<16xi32>,
      %get3A_1626 = arith.constant 816 : index
      %get3A_1627 = tpu.vector_load %arg11[%get3A_1626] {strides = array<i32>} : memref<1024xi32, #tpu.memory_space<vmem>>, vector<16xi32>,
      %sub3A_1628 = vector.broadcast %mul3A_10 : i32 to vector<16xi32>
      %sub3A_1629 = arith.subi %get3A_1627, %sub3A_1628 : vector<16xi32>
      %ge3A_1630 = arith.constant 0 : i32
      %ge3A_1631 = vector.broadcast %ge3A_1630 : i32 to vector<16xi32>
      %ge3A_1632 = arith.cmpi sge, %sub3A_1629, %ge3A_1631 : vector<16xi32>
      %lt3A_1633 = arith.constant 25088 : i32
      %lt3A_1634 = vector.broadcast %lt3A_1633 : i32 to vector<16xi32>
      %lt3A_1635 = arith.cmpi slt, %sub3A_1629, %lt3A_1634 : vector<16xi32>
      %and3A_1636 = arith.andi %ge3A_1632, %lt3A_1635 : vector<16xi1>
      %jit3A_1637 = arith.constant 25200 : i32
      %broadcast_in_dim3A_1638 = vector.broadcast %jit3A_1637 : i32 to vector<16xi32>
      %select_n3A_1639 = arith.select %and3A_1636, %sub3A_1629, %broadcast_in_dim3A_1638 : vector<16xi1>, vector<16xi32>
      %swap3A_1640 = arith.constant 0 : i32
      %swap3A_1641 = arith.index_cast %swap3A_1640 : i32 to index
      %swap3A_1642 = arith.constant 48 : index
      %swap3A_1643 = tpu.vector_load %arg14[%swap3A_1641, %swap3A_1642] {strides = array<i32>} : memref<3x128xi32, #tpu.memory_space<vmem>>, vector<16xi32>,
      tpu.vector_store %arg14[%swap3A_1641, %swap3A_1642], %select_n3A_1639 {strides = array<i32>} : memref<3x128xi32, #tpu.memory_space<vmem>>, vector<16xi32>,
      %get3A_1644 = arith.constant 832 : index
      %get3A_1645 = tpu.vector_load %arg12[%get3A_1644] {strides = array<i32>} : memref<1024xi32, #tpu.memory_space<vmem>>, vector<16xi32>,
      %gather3A_1646 = tpu.vector_load_idx %arg9[%get3A_1645] : memref<40000xi32, #tpu.memory_space<vmem>>[vector<16xi32>], vector<16xi32>,
      %swap3A_1647 = arith.constant 0 : i32
      %swap3A_1648 = arith.index_cast %swap3A_1647 : i32 to index
      %swap3A_1649 = arith.constant 64 : index
      %swap3A_1650 = tpu.vector_load %arg13[%swap3A_1648, %swap3A_1649] {strides = array<i32>} : memref<2x128xi32, #tpu.memory_space<vmem>>, vector<16xi32>,
      tpu.vector_store %arg13[%swap3A_1648, %swap3A_1649], %gather3A_1646 {strides = array<i32>} : memref<2x128xi32, #tpu.memory_space<vmem>>, vector<16xi32>,
      %get3A_1651 = arith.constant 832 : index
      %get3A_1652 = tpu.vector_load %arg11[%get3A_1651] {strides = array<i32>} : memref<1024xi32, #tpu.memory_space<vmem>>, vector<16xi32>,
      %sub3A_1653 = vector.broadcast %mul3A_10 : i32 to vector<16xi32>
      %sub3A_1654 = arith.subi %get3A_1652, %sub3A_1653 : vector<16xi32>
      %ge3A_1655 = arith.constant 0 : i32
      %ge3A_1656 = vector.broadcast %ge3A_1655 : i32 to vector<16xi32>
      %ge3A_1657 = arith.cmpi sge, %sub3A_1654, %ge3A_1656 : vector<16xi32>
      %lt3A_1658 = arith.constant 25088 : i32
      %lt3A_1659 = vector.broadcast %lt3A_1658 : i32 to vector<16xi32>
      %lt3A_1660 = arith.cmpi slt, %sub3A_1654, %lt3A_1659 : vector<16xi32>
      %and3A_1661 = arith.andi %ge3A_1657, %lt3A_1660 : vector<16xi1>
      %jit3A_1662 = arith.constant 25200 : i32
      %broadcast_in_dim3A_1663 = vector.broadcast %jit3A_1662 : i32 to vector<16xi32>
      %select_n3A_1664 = arith.select %and3A_1661, %sub3A_1654, %broadcast_in_dim3A_1663 : vector<16xi1>, vector<16xi32>
      %swap3A_1665 = arith.constant 0 : i32
      %swap3A_1666 = arith.index_cast %swap3A_1665 : i32 to index
      %swap3A_1667 = arith.constant 64 : index
      %swap3A_1668 = tpu.vector_load %arg14[%swap3A_1666, %swap3A_1667] {strides = array<i32>} : memref<3x128xi32, #tpu.memory_space<vmem>>, vector<16xi32>,
      tpu.vector_store %arg14[%swap3A_1666, %swap3A_1667], %select_n3A_1664 {strides = array<i32>} : memref<3x128xi32, #tpu.memory_space<vmem>>, vector<16xi32>,
      %get3A_1669 = arith.constant 848 : index
      %get3A_1670 = tpu.vector_load %arg12[%get3A_1669] {strides = array<i32>} : memref<1024xi32, #tpu.memory_space<vmem>>, vector<16xi32>,
      %gather3A_1671 = tpu.vector_load_idx %arg9[%get3A_1670] : memref<40000xi32, #tpu.memory_space<vmem>>[vector<16xi32>], vector<16xi32>,
      %swap3A_1672 = arith.constant 0 : i32
      %swap3A_1673 = arith.index_cast %swap3A_1672 : i32 to index
      %swap3A_1674 = arith.constant 80 : index
      %swap3A_1675 = tpu.vector_load %arg13[%swap3A_1673, %swap3A_1674] {strides = array<i32>} : memref<2x128xi32, #tpu.memory_space<vmem>>, vector<16xi32>,
      tpu.vector_store %arg13[%swap3A_1673, %swap3A_1674], %gather3A_1671 {strides = array<i32>} : memref<2x128xi32, #tpu.memory_space<vmem>>, vector<16xi32>,
      %get3A_1676 = arith.constant 848 : index
      %get3A_1677 = tpu.vector_load %arg11[%get3A_1676] {strides = array<i32>} : memref<1024xi32, #tpu.memory_space<vmem>>, vector<16xi32>,
      %sub3A_1678 = vector.broadcast %mul3A_10 : i32 to vector<16xi32>
      %sub3A_1679 = arith.subi %get3A_1677, %sub3A_1678 : vector<16xi32>
      %ge3A_1680 = arith.constant 0 : i32
      %ge3A_1681 = vector.broadcast %ge3A_1680 : i32 to vector<16xi32>
      %ge3A_1682 = arith.cmpi sge, %sub3A_1679, %ge3A_1681 : vector<16xi32>
      %lt3A_1683 = arith.constant 25088 : i32
      %lt3A_1684 = vector.broadcast %lt3A_1683 : i32 to vector<16xi32>
      %lt3A_1685 = arith.cmpi slt, %sub3A_1679, %lt3A_1684 : vector<16xi32>
      %and3A_1686 = arith.andi %ge3A_1682, %lt3A_1685 : vector<16xi1>
      %jit3A_1687 = arith.constant 25200 : i32
      %broadcast_in_dim3A_1688 = vector.broadcast %jit3A_1687 : i32 to vector<16xi32>
      %select_n3A_1689 = arith.select %and3A_1686, %sub3A_1679, %broadcast_in_dim3A_1688 : vector<16xi1>, vector<16xi32>
      %swap3A_1690 = arith.constant 0 : i32
      %swap3A_1691 = arith.index_cast %swap3A_1690 : i32 to index
      %swap3A_1692 = arith.constant 80 : index
      %swap3A_1693 = tpu.vector_load %arg14[%swap3A_1691, %swap3A_1692] {strides = array<i32>} : memref<3x128xi32, #tpu.memory_space<vmem>>, vector<16xi32>,
      tpu.vector_store %arg14[%swap3A_1691, %swap3A_1692], %select_n3A_1689 {strides = array<i32>} : memref<3x128xi32, #tpu.memory_space<vmem>>, vector<16xi32>,
      %get3A_1694 = arith.constant 864 : index
      %get3A_1695 = tpu.vector_load %arg12[%get3A_1694] {strides = array<i32>} : memref<1024xi32, #tpu.memory_space<vmem>>, vector<16xi32>,
      %gather3A_1696 = tpu.vector_load_idx %arg9[%get3A_1695] : memref<40000xi32, #tpu.memory_space<vmem>>[vector<16xi32>], vector<16xi32>,
      %swap3A_1697 = arith.constant 0 : i32
      %swap3A_1698 = arith.index_cast %swap3A_1697 : i32 to index
      %swap3A_1699 = arith.constant 96 : index
      %swap3A_1700 = tpu.vector_load %arg13[%swap3A_1698, %swap3A_1699] {strides = array<i32>} : memref<2x128xi32, #tpu.memory_space<vmem>>, vector<16xi32>,
      tpu.vector_store %arg13[%swap3A_1698, %swap3A_1699], %gather3A_1696 {strides = array<i32>} : memref<2x128xi32, #tpu.memory_space<vmem>>, vector<16xi32>,
      %get3A_1701 = arith.constant 864 : index
      %get3A_1702 = tpu.vector_load %arg11[%get3A_1701] {strides = array<i32>} : memref<1024xi32, #tpu.memory_space<vmem>>, vector<16xi32>,
      %sub3A_1703 = vector.broadcast %mul3A_10 : i32 to vector<16xi32>
      %sub3A_1704 = arith.subi %get3A_1702, %sub3A_1703 : vector<16xi32>
      %ge3A_1705 = arith.constant 0 : i32
      %ge3A_1706 = vector.broadcast %ge3A_1705 : i32 to vector<16xi32>
      %ge3A_1707 = arith.cmpi sge, %sub3A_1704, %ge3A_1706 : vector<16xi32>
      %lt3A_1708 = arith.constant 25088 : i32
      %lt3A_1709 = vector.broadcast %lt3A_1708 : i32 to vector<16xi32>
      %lt3A_1710 = arith.cmpi slt, %sub3A_1704, %lt3A_1709 : vector<16xi32>
      %and3A_1711 = arith.andi %ge3A_1707, %lt3A_1710 : vector<16xi1>
      %jit3A_1712 = arith.constant 25200 : i32
      %broadcast_in_dim3A_1713 = vector.broadcast %jit3A_1712 : i32 to vector<16xi32>
      %select_n3A_1714 = arith.select %and3A_1711, %sub3A_1704, %broadcast_in_dim3A_1713 : vector<16xi1>, vector<16xi32>
      %swap3A_1715 = arith.constant 0 : i32
      %swap3A_1716 = arith.index_cast %swap3A_1715 : i32 to index
      %swap3A_1717 = arith.constant 96 : index
      %swap3A_1718 = tpu.vector_load %arg14[%swap3A_1716, %swap3A_1717] {strides = array<i32>} : memref<3x128xi32, #tpu.memory_space<vmem>>, vector<16xi32>,
      tpu.vector_store %arg14[%swap3A_1716, %swap3A_1717], %select_n3A_1714 {strides = array<i32>} : memref<3x128xi32, #tpu.memory_space<vmem>>, vector<16xi32>,
      %get3A_1719 = arith.constant 880 : index
      %get3A_1720 = tpu.vector_load %arg12[%get3A_1719] {strides = array<i32>} : memref<1024xi32, #tpu.memory_space<vmem>>, vector<16xi32>,
      %gather3A_1721 = tpu.vector_load_idx %arg9[%get3A_1720] : memref<40000xi32, #tpu.memory_space<vmem>>[vector<16xi32>], vector<16xi32>,
      %swap3A_1722 = arith.constant 0 : i32
      %swap3A_1723 = arith.index_cast %swap3A_1722 : i32 to index
      %swap3A_1724 = arith.constant 112 : index
      %swap3A_1725 = tpu.vector_load %arg13[%swap3A_1723, %swap3A_1724] {strides = array<i32>} : memref<2x128xi32, #tpu.memory_space<vmem>>, vector<16xi32>,
      tpu.vector_store %arg13[%swap3A_1723, %swap3A_1724], %gather3A_1721 {strides = array<i32>} : memref<2x128xi32, #tpu.memory_space<vmem>>, vector<16xi32>,
      %get3A_1726 = arith.constant 880 : index
      %get3A_1727 = tpu.vector_load %arg11[%get3A_1726] {strides = array<i32>} : memref<1024xi32, #tpu.memory_space<vmem>>, vector<16xi32>,
      %sub3A_1728 = vector.broadcast %mul3A_10 : i32 to vector<16xi32>
      %sub3A_1729 = arith.subi %get3A_1727, %sub3A_1728 : vector<16xi32>
      %ge3A_1730 = arith.constant 0 : i32
      %ge3A_1731 = vector.broadcast %ge3A_1730 : i32 to vector<16xi32>
      %ge3A_1732 = arith.cmpi sge, %sub3A_1729, %ge3A_1731 : vector<16xi32>
      %lt3A_1733 = arith.constant 25088 : i32
      %lt3A_1734 = vector.broadcast %lt3A_1733 : i32 to vector<16xi32>
      %lt3A_1735 = arith.cmpi slt, %sub3A_1729, %lt3A_1734 : vector<16xi32>
      %and3A_1736 = arith.andi %ge3A_1732, %lt3A_1735 : vector<16xi1>
      %jit3A_1737 = arith.constant 25200 : i32
      %broadcast_in_dim3A_1738 = vector.broadcast %jit3A_1737 : i32 to vector<16xi32>
      %select_n3A_1739 = arith.select %and3A_1736, %sub3A_1729, %broadcast_in_dim3A_1738 : vector<16xi1>, vector<16xi32>
      %swap3A_1740 = arith.constant 0 : i32
      %swap3A_1741 = arith.index_cast %swap3A_1740 : i32 to index
      %swap3A_1742 = arith.constant 112 : index
      %swap3A_1743 = tpu.vector_load %arg14[%swap3A_1741, %swap3A_1742] {strides = array<i32>} : memref<3x128xi32, #tpu.memory_space<vmem>>, vector<16xi32>,
      tpu.vector_store %arg14[%swap3A_1741, %swap3A_1742], %select_n3A_1739 {strides = array<i32>} : memref<3x128xi32, #tpu.memory_space<vmem>>, vector<16xi32>,
      %dma_start3A_1744 = arith.constant 0 : i32
      %dma_start3A_1745 = arith.constant 0 : i32
      %dma_start3A_1746 = tpu.memref_slice %arg13[%dma_start3A_1744, %dma_start3A_1745] : memref<2x128xi32, #tpu.memory_space<vmem>> -> memref<1x128xi32, #tpu.memory_space<vmem>>
      %dma_start3A_1747 = tpu.memref_squeeze %dma_start3A_1746 : memref<1x128xi32, #tpu.memory_space<vmem>> -> memref<128xi32, #tpu.memory_space<vmem>>
      %dma_start3A_1748 = arith.constant 0 : i32
      %dma_start3A_1749 = arith.constant 0 : i32
      %dma_start3A_1750 = tpu.memref_slice %arg2[%dma_start3A_1748, %dma_start3A_1749] : memref<50000x64xbf16, #tpu.memory_space<hbm>> -> memref<50000x64xbf16, #tpu.memory_space<hbm>>
      tpu.enqueue_indirect_dma source(%dma_start3A_1750 : memref<50000x64xbf16, #tpu.memory_space<hbm>>) target(%arg15 : memref<128x64xbf16, #tpu.memory_space<vmem>>) offsets(%dma_start3A_1747 : memref<128xi32, #tpu.memory_space<vmem>>) semaphore(%arg18 : memref<!tpu.dma_semaphore, #tpu.memory_space<semaphore_mem>>)
      %dma_wait3A_1751 = arith.constant 0 : i32
      %dma_wait3A_1752 = arith.constant 0 : i32
      %dma_wait3A_1753 = tpu.memref_slice %arg2[%dma_wait3A_1751, %dma_wait3A_1752] : memref<50000x64xbf16, #tpu.memory_space<hbm>> -> memref<128x64xbf16, #tpu.memory_space<hbm>>
      %dma_wait3A_1754 = arith.constant 0 : i32
      %dma_wait3A_1755 = arith.constant 0 : i32
      %dma_wait3A_1756 = tpu.memref_slice %arg2[%dma_wait3A_1754, %dma_wait3A_1755] : memref<50000x64xbf16, #tpu.memory_space<hbm>> -> memref<128x64xbf16, #tpu.memory_space<hbm>>
      tpu.wait_dma2 semaphore(%arg21 : memref<!tpu.dma_semaphore, #tpu.memory_space<semaphore_mem>>) src(%dma_wait3A_1756 : memref<128x64xbf16, #tpu.memory_space<hbm>>) dst(%arg16 : memref<128x64xbf16, #tpu.memory_space<vmem>>)
      %get3A_1757 = arith.constant 896 : index
      %get3A_1758 = tpu.vector_load %arg12[%get3A_1757] {strides = array<i32>} : memref<1024xi32, #tpu.memory_space<vmem>>, vector<16xi32>,
      %gather3A_1759 = tpu.vector_load_idx %arg9[%get3A_1758] : memref<40000xi32, #tpu.memory_space<vmem>>[vector<16xi32>], vector<16xi32>,
      %swap3A_1760 = arith.constant 1 : i32
      %swap3A_1761 = arith.index_cast %swap3A_1760 : i32 to index
      %swap3A_1762 = arith.constant 0 : index
      %swap3A_1763 = tpu.vector_load %arg13[%swap3A_1761, %swap3A_1762] {strides = array<i32>} : memref<2x128xi32, #tpu.memory_space<vmem>>, vector<16xi32>,
      tpu.vector_store %arg13[%swap3A_1761, %swap3A_1762], %gather3A_1759 {strides = array<i32>} : memref<2x128xi32, #tpu.memory_space<vmem>>, vector<16xi32>,
      %get3A_1764 = arith.constant 896 : index
      %get3A_1765 = tpu.vector_load %arg11[%get3A_1764] {strides = array<i32>} : memref<1024xi32, #tpu.memory_space<vmem>>, vector<16xi32>,
      %sub3A_1766 = vector.broadcast %mul3A_10 : i32 to vector<16xi32>
      %sub3A_1767 = arith.subi %get3A_1765, %sub3A_1766 : vector<16xi32>
      %ge3A_1768 = arith.constant 0 : i32
      %ge3A_1769 = vector.broadcast %ge3A_1768 : i32 to vector<16xi32>
      %ge3A_1770 = arith.cmpi sge, %sub3A_1767, %ge3A_1769 : vector<16xi32>
      %lt3A_1771 = arith.constant 25088 : i32
      %lt3A_1772 = vector.broadcast %lt3A_1771 : i32 to vector<16xi32>
      %lt3A_1773 = arith.cmpi slt, %sub3A_1767, %lt3A_1772 : vector<16xi32>
      %and3A_1774 = arith.andi %ge3A_1770, %lt3A_1773 : vector<16xi1>
      %jit3A_1775 = arith.constant 25200 : i32
      %broadcast_in_dim3A_1776 = vector.broadcast %jit3A_1775 : i32 to vector<16xi32>
      %select_n3A_1777 = arith.select %and3A_1774, %sub3A_1767, %broadcast_in_dim3A_1776 : vector<16xi1>, vector<16xi32>
      %swap3A_1778 = arith.constant 1 : i32
      %swap3A_1779 = arith.index_cast %swap3A_1778 : i32 to index
      %swap3A_1780 = arith.constant 0 : index
      %swap3A_1781 = tpu.vector_load %arg14[%swap3A_1779, %swap3A_1780] {strides = array<i32>} : memref<3x128xi32, #tpu.memory_space<vmem>>, vector<16xi32>,
      tpu.vector_store %arg14[%swap3A_1779, %swap3A_1780], %select_n3A_1777 {strides = array<i32>} : memref<3x128xi32, #tpu.memory_space<vmem>>, vector<16xi32>,
      %get3A_1782 = arith.constant 912 : index
      %get3A_1783 = tpu.vector_load %arg12[%get3A_1782] {strides = array<i32>} : memref<1024xi32, #tpu.memory_space<vmem>>, vector<16xi32>,
      %gather3A_1784 = tpu.vector_load_idx %arg9[%get3A_1783] : memref<40000xi32, #tpu.memory_space<vmem>>[vector<16xi32>], vector<16xi32>,
      %swap3A_1785 = arith.constant 1 : i32
      %swap3A_1786 = arith.index_cast %swap3A_1785 : i32 to index
      %swap3A_1787 = arith.constant 16 : index
      %swap3A_1788 = tpu.vector_load %arg13[%swap3A_1786, %swap3A_1787] {strides = array<i32>} : memref<2x128xi32, #tpu.memory_space<vmem>>, vector<16xi32>,
      tpu.vector_store %arg13[%swap3A_1786, %swap3A_1787], %gather3A_1784 {strides = array<i32>} : memref<2x128xi32, #tpu.memory_space<vmem>>, vector<16xi32>,
      %get3A_1789 = arith.constant 912 : index
      %get3A_1790 = tpu.vector_load %arg11[%get3A_1789] {strides = array<i32>} : memref<1024xi32, #tpu.memory_space<vmem>>, vector<16xi32>,
      %sub3A_1791 = vector.broadcast %mul3A_10 : i32 to vector<16xi32>
      %sub3A_1792 = arith.subi %get3A_1790, %sub3A_1791 : vector<16xi32>
      %ge3A_1793 = arith.constant 0 : i32
      %ge3A_1794 = vector.broadcast %ge3A_1793 : i32 to vector<16xi32>
      %ge3A_1795 = arith.cmpi sge, %sub3A_1792, %ge3A_1794 : vector<16xi32>
      %lt3A_1796 = arith.constant 25088 : i32
      %lt3A_1797 = vector.broadcast %lt3A_1796 : i32 to vector<16xi32>
      %lt3A_1798 = arith.cmpi slt, %sub3A_1792, %lt3A_1797 : vector<16xi32>
      %and3A_1799 = arith.andi %ge3A_1795, %lt3A_1798 : vector<16xi1>
      %jit3A_1800 = arith.constant 25200 : i32
      %broadcast_in_dim3A_1801 = vector.broadcast %jit3A_1800 : i32 to vector<16xi32>
      %select_n3A_1802 = arith.select %and3A_1799, %sub3A_1792, %broadcast_in_dim3A_1801 : vector<16xi1>, vector<16xi32>
      %swap3A_1803 = arith.constant 1 : i32
      %swap3A_1804 = arith.index_cast %swap3A_1803 : i32 to index
      %swap3A_1805 = arith.constant 16 : index
      %swap3A_1806 = tpu.vector_load %arg14[%swap3A_1804, %swap3A_1805] {strides = array<i32>} : memref<3x128xi32, #tpu.memory_space<vmem>>, vector<16xi32>,
      tpu.vector_store %arg14[%swap3A_1804, %swap3A_1805], %select_n3A_1802 {strides = array<i32>} : memref<3x128xi32, #tpu.memory_space<vmem>>, vector<16xi32>,
      %get3A_1807 = arith.constant 928 : index
      %get3A_1808 = tpu.vector_load %arg12[%get3A_1807] {strides = array<i32>} : memref<1024xi32, #tpu.memory_space<vmem>>, vector<16xi32>,
      %gather3A_1809 = tpu.vector_load_idx %arg9[%get3A_1808] : memref<40000xi32, #tpu.memory_space<vmem>>[vector<16xi32>], vector<16xi32>,
      %swap3A_1810 = arith.constant 1 : i32
      %swap3A_1811 = arith.index_cast %swap3A_1810 : i32 to index
      %swap3A_1812 = arith.constant 32 : index
      %swap3A_1813 = tpu.vector_load %arg13[%swap3A_1811, %swap3A_1812] {strides = array<i32>} : memref<2x128xi32, #tpu.memory_space<vmem>>, vector<16xi32>,
      tpu.vector_store %arg13[%swap3A_1811, %swap3A_1812], %gather3A_1809 {strides = array<i32>} : memref<2x128xi32, #tpu.memory_space<vmem>>, vector<16xi32>,
      %get3A_1814 = arith.constant 928 : index
      %get3A_1815 = tpu.vector_load %arg11[%get3A_1814] {strides = array<i32>} : memref<1024xi32, #tpu.memory_space<vmem>>, vector<16xi32>,
      %sub3A_1816 = vector.broadcast %mul3A_10 : i32 to vector<16xi32>
      %sub3A_1817 = arith.subi %get3A_1815, %sub3A_1816 : vector<16xi32>
      %ge3A_1818 = arith.constant 0 : i32
      %ge3A_1819 = vector.broadcast %ge3A_1818 : i32 to vector<16xi32>
      %ge3A_1820 = arith.cmpi sge, %sub3A_1817, %ge3A_1819 : vector<16xi32>
      %lt3A_1821 = arith.constant 25088 : i32
      %lt3A_1822 = vector.broadcast %lt3A_1821 : i32 to vector<16xi32>
      %lt3A_1823 = arith.cmpi slt, %sub3A_1817, %lt3A_1822 : vector<16xi32>
      %and3A_1824 = arith.andi %ge3A_1820, %lt3A_1823 : vector<16xi1>
      %jit3A_1825 = arith.constant 25200 : i32
      %broadcast_in_dim3A_1826 = vector.broadcast %jit3A_1825 : i32 to vector<16xi32>
      %select_n3A_1827 = arith.select %and3A_1824, %sub3A_1817, %broadcast_in_dim3A_1826 : vector<16xi1>, vector<16xi32>
      %swap3A_1828 = arith.constant 1 : i32
      %swap3A_1829 = arith.index_cast %swap3A_1828 : i32 to index
      %swap3A_1830 = arith.constant 32 : index
      %swap3A_1831 = tpu.vector_load %arg14[%swap3A_1829, %swap3A_1830] {strides = array<i32>} : memref<3x128xi32, #tpu.memory_space<vmem>>, vector<16xi32>,
      tpu.vector_store %arg14[%swap3A_1829, %swap3A_1830], %select_n3A_1827 {strides = array<i32>} : memref<3x128xi32, #tpu.memory_space<vmem>>, vector<16xi32>,
      %get3A_1832 = arith.constant 944 : index
      %get3A_1833 = tpu.vector_load %arg12[%get3A_1832] {strides = array<i32>} : memref<1024xi32, #tpu.memory_space<vmem>>, vector<16xi32>,
      %gather3A_1834 = tpu.vector_load_idx %arg9[%get3A_1833] : memref<40000xi32, #tpu.memory_space<vmem>>[vector<16xi32>], vector<16xi32>,
      %swap3A_1835 = arith.constant 1 : i32
      %swap3A_1836 = arith.index_cast %swap3A_1835 : i32 to index
      %swap3A_1837 = arith.constant 48 : index
      %swap3A_1838 = tpu.vector_load %arg13[%swap3A_1836, %swap3A_1837] {strides = array<i32>} : memref<2x128xi32, #tpu.memory_space<vmem>>, vector<16xi32>,
      tpu.vector_store %arg13[%swap3A_1836, %swap3A_1837], %gather3A_1834 {strides = array<i32>} : memref<2x128xi32, #tpu.memory_space<vmem>>, vector<16xi32>,
      %get3A_1839 = arith.constant 944 : index
      %get3A_1840 = tpu.vector_load %arg11[%get3A_1839] {strides = array<i32>} : memref<1024xi32, #tpu.memory_space<vmem>>, vector<16xi32>,
      %sub3A_1841 = vector.broadcast %mul3A_10 : i32 to vector<16xi32>
      %sub3A_1842 = arith.subi %get3A_1840, %sub3A_1841 : vector<16xi32>
      %ge3A_1843 = arith.constant 0 : i32
      %ge3A_1844 = vector.broadcast %ge3A_1843 : i32 to vector<16xi32>
      %ge3A_1845 = arith.cmpi sge, %sub3A_1842, %ge3A_1844 : vector<16xi32>
      %lt3A_1846 = arith.constant 25088 : i32
      %lt3A_1847 = vector.broadcast %lt3A_1846 : i32 to vector<16xi32>
      %lt3A_1848 = arith.cmpi slt, %sub3A_1842, %lt3A_1847 : vector<16xi32>
      %and3A_1849 = arith.andi %ge3A_1845, %lt3A_1848 : vector<16xi1>
      %jit3A_1850 = arith.constant 25200 : i32
      %broadcast_in_dim3A_1851 = vector.broadcast %jit3A_1850 : i32 to vector<16xi32>
      %select_n3A_1852 = arith.select %and3A_1849, %sub3A_1842, %broadcast_in_dim3A_1851 : vector<16xi1>, vector<16xi32>
      %swap3A_1853 = arith.constant 1 : i32
      %swap3A_1854 = arith.index_cast %swap3A_1853 : i32 to index
      %swap3A_1855 = arith.constant 48 : index
      %swap3A_1856 = tpu.vector_load %arg14[%swap3A_1854, %swap3A_1855] {strides = array<i32>} : memref<3x128xi32, #tpu.memory_space<vmem>>, vector<16xi32>,
      tpu.vector_store %arg14[%swap3A_1854, %swap3A_1855], %select_n3A_1852 {strides = array<i32>} : memref<3x128xi32, #tpu.memory_space<vmem>>, vector<16xi32>,
      %get3A_1857 = arith.constant 960 : index
      %get3A_1858 = tpu.vector_load %arg12[%get3A_1857] {strides = array<i32>} : memref<1024xi32, #tpu.memory_space<vmem>>, vector<16xi32>,
      %gather3A_1859 = tpu.vector_load_idx %arg9[%get3A_1858] : memref<40000xi32, #tpu.memory_space<vmem>>[vector<16xi32>], vector<16xi32>,
      %swap3A_1860 = arith.constant 1 : i32
      %swap3A_1861 = arith.index_cast %swap3A_1860 : i32 to index
      %swap3A_1862 = arith.constant 64 : index
      %swap3A_1863 = tpu.vector_load %arg13[%swap3A_1861, %swap3A_1862] {strides = array<i32>} : memref<2x128xi32, #tpu.memory_space<vmem>>, vector<16xi32>,
      tpu.vector_store %arg13[%swap3A_1861, %swap3A_1862], %gather3A_1859 {strides = array<i32>} : memref<2x128xi32, #tpu.memory_space<vmem>>, vector<16xi32>,
      %get3A_1864 = arith.constant 960 : index
      %get3A_1865 = tpu.vector_load %arg11[%get3A_1864] {strides = array<i32>} : memref<1024xi32, #tpu.memory_space<vmem>>, vector<16xi32>,
      %sub3A_1866 = vector.broadcast %mul3A_10 : i32 to vector<16xi32>
      %sub3A_1867 = arith.subi %get3A_1865, %sub3A_1866 : vector<16xi32>
      %ge3A_1868 = arith.constant 0 : i32
      %ge3A_1869 = vector.broadcast %ge3A_1868 : i32 to vector<16xi32>
      %ge3A_1870 = arith.cmpi sge, %sub3A_1867, %ge3A_1869 : vector<16xi32>
      %lt3A_1871 = arith.constant 25088 : i32
      %lt3A_1872 = vector.broadcast %lt3A_1871 : i32 to vector<16xi32>
      %lt3A_1873 = arith.cmpi slt, %sub3A_1867, %lt3A_1872 : vector<16xi32>
      %and3A_1874 = arith.andi %ge3A_1870, %lt3A_1873 : vector<16xi1>
      %jit3A_1875 = arith.constant 25200 : i32
      %broadcast_in_dim3A_1876 = vector.broadcast %jit3A_1875 : i32 to vector<16xi32>
      %select_n3A_1877 = arith.select %and3A_1874, %sub3A_1867, %broadcast_in_dim3A_1876 : vector<16xi1>, vector<16xi32>
      %swap3A_1878 = arith.constant 1 : i32
      %swap3A_1879 = arith.index_cast %swap3A_1878 : i32 to index
      %swap3A_1880 = arith.constant 64 : index
      %swap3A_1881 = tpu.vector_load %arg14[%swap3A_1879, %swap3A_1880] {strides = array<i32>} : memref<3x128xi32, #tpu.memory_space<vmem>>, vector<16xi32>,
      tpu.vector_store %arg14[%swap3A_1879, %swap3A_1880], %select_n3A_1877 {strides = array<i32>} : memref<3x128xi32, #tpu.memory_space<vmem>>, vector<16xi32>,
      %get3A_1882 = arith.constant 976 : index
      %get3A_1883 = tpu.vector_load %arg12[%get3A_1882] {strides = array<i32>} : memref<1024xi32, #tpu.memory_space<vmem>>, vector<16xi32>,
      %gather3A_1884 = tpu.vector_load_idx %arg9[%get3A_1883] : memref<40000xi32, #tpu.memory_space<vmem>>[vector<16xi32>], vector<16xi32>,
      %swap3A_1885 = arith.constant 1 : i32
      %swap3A_1886 = arith.index_cast %swap3A_1885 : i32 to index
      %swap3A_1887 = arith.constant 80 : index
      %swap3A_1888 = tpu.vector_load %arg13[%swap3A_1886, %swap3A_1887] {strides = array<i32>} : memref<2x128xi32, #tpu.memory_space<vmem>>, vector<16xi32>,
      tpu.vector_store %arg13[%swap3A_1886, %swap3A_1887], %gather3A_1884 {strides = array<i32>} : memref<2x128xi32, #tpu.memory_space<vmem>>, vector<16xi32>,
      %get3A_1889 = arith.constant 976 : index
      %get3A_1890 = tpu.vector_load %arg11[%get3A_1889] {strides = array<i32>} : memref<1024xi32, #tpu.memory_space<vmem>>, vector<16xi32>,
      %sub3A_1891 = vector.broadcast %mul3A_10 : i32 to vector<16xi32>
      %sub3A_1892 = arith.subi %get3A_1890, %sub3A_1891 : vector<16xi32>
      %ge3A_1893 = arith.constant 0 : i32
      %ge3A_1894 = vector.broadcast %ge3A_1893 : i32 to vector<16xi32>
      %ge3A_1895 = arith.cmpi sge, %sub3A_1892, %ge3A_1894 : vector<16xi32>
      %lt3A_1896 = arith.constant 25088 : i32
      %lt3A_1897 = vector.broadcast %lt3A_1896 : i32 to vector<16xi32>
      %lt3A_1898 = arith.cmpi slt, %sub3A_1892, %lt3A_1897 : vector<16xi32>
      %and3A_1899 = arith.andi %ge3A_1895, %lt3A_1898 : vector<16xi1>
      %jit3A_1900 = arith.constant 25200 : i32
      %broadcast_in_dim3A_1901 = vector.broadcast %jit3A_1900 : i32 to vector<16xi32>
      %select_n3A_1902 = arith.select %and3A_1899, %sub3A_1892, %broadcast_in_dim3A_1901 : vector<16xi1>, vector<16xi32>
      %swap3A_1903 = arith.constant 1 : i32
      %swap3A_1904 = arith.index_cast %swap3A_1903 : i32 to index
      %swap3A_1905 = arith.constant 80 : index
      %swap3A_1906 = tpu.vector_load %arg14[%swap3A_1904, %swap3A_1905] {strides = array<i32>} : memref<3x128xi32, #tpu.memory_space<vmem>>, vector<16xi32>,
      tpu.vector_store %arg14[%swap3A_1904, %swap3A_1905], %select_n3A_1902 {strides = array<i32>} : memref<3x128xi32, #tpu.memory_space<vmem>>, vector<16xi32>,
      %get3A_1907 = arith.constant 992 : index
      %get3A_1908 = tpu.vector_load %arg12[%get3A_1907] {strides = array<i32>} : memref<1024xi32, #tpu.memory_space<vmem>>, vector<16xi32>,
      %gather3A_1909 = tpu.vector_load_idx %arg9[%get3A_1908] : memref<40000xi32, #tpu.memory_space<vmem>>[vector<16xi32>], vector<16xi32>,
      %swap3A_1910 = arith.constant 1 : i32
      %swap3A_1911 = arith.index_cast %swap3A_1910 : i32 to index
      %swap3A_1912 = arith.constant 96 : index
      %swap3A_1913 = tpu.vector_load %arg13[%swap3A_1911, %swap3A_1912] {strides = array<i32>} : memref<2x128xi32, #tpu.memory_space<vmem>>, vector<16xi32>,
      tpu.vector_store %arg13[%swap3A_1911, %swap3A_1912], %gather3A_1909 {strides = array<i32>} : memref<2x128xi32, #tpu.memory_space<vmem>>, vector<16xi32>,
      %get3A_1914 = arith.constant 992 : index
      %get3A_1915 = tpu.vector_load %arg11[%get3A_1914] {strides = array<i32>} : memref<1024xi32, #tpu.memory_space<vmem>>, vector<16xi32>,
      %sub3A_1916 = vector.broadcast %mul3A_10 : i32 to vector<16xi32>
      %sub3A_1917 = arith.subi %get3A_1915, %sub3A_1916 : vector<16xi32>
      %ge3A_1918 = arith.constant 0 : i32
      %ge3A_1919 = vector.broadcast %ge3A_1918 : i32 to vector<16xi32>
      %ge3A_1920 = arith.cmpi sge, %sub3A_1917, %ge3A_1919 : vector<16xi32>
      %lt3A_1921 = arith.constant 25088 : i32
      %lt3A_1922 = vector.broadcast %lt3A_1921 : i32 to vector<16xi32>
      %lt3A_1923 = arith.cmpi slt, %sub3A_1917, %lt3A_1922 : vector<16xi32>
      %and3A_1924 = arith.andi %ge3A_1920, %lt3A_1923 : vector<16xi1>
      %jit3A_1925 = arith.constant 25200 : i32
      %broadcast_in_dim3A_1926 = vector.broadcast %jit3A_1925 : i32 to vector<16xi32>
      %select_n3A_1927 = arith.select %and3A_1924, %sub3A_1917, %broadcast_in_dim3A_1926 : vector<16xi1>, vector<16xi32>
      %swap3A_1928 = arith.constant 1 : i32
      %swap3A_1929 = arith.index_cast %swap3A_1928 : i32 to index
      %swap3A_1930 = arith.constant 96 : index
      %swap3A_1931 = tpu.vector_load %arg14[%swap3A_1929, %swap3A_1930] {strides = array<i32>} : memref<3x128xi32, #tpu.memory_space<vmem>>, vector<16xi32>,
      tpu.vector_store %arg14[%swap3A_1929, %swap3A_1930], %select_n3A_1927 {strides = array<i32>} : memref<3x128xi32, #tpu.memory_space<vmem>>, vector<16xi32>,
      %get3A_1932 = arith.constant 1008 : index
      %get3A_1933 = tpu.vector_load %arg12[%get3A_1932] {strides = array<i32>} : memref<1024xi32, #tpu.memory_space<vmem>>, vector<16xi32>,
      %gather3A_1934 = tpu.vector_load_idx %arg9[%get3A_1933] : memref<40000xi32, #tpu.memory_space<vmem>>[vector<16xi32>], vector<16xi32>,
      %swap3A_1935 = arith.constant 1 : i32
      %swap3A_1936 = arith.index_cast %swap3A_1935 : i32 to index
      %swap3A_1937 = arith.constant 112 : index
      %swap3A_1938 = tpu.vector_load %arg13[%swap3A_1936, %swap3A_1937] {strides = array<i32>} : memref<2x128xi32, #tpu.memory_space<vmem>>, vector<16xi32>,
      tpu.vector_store %arg13[%swap3A_1936, %swap3A_1937], %gather3A_1934 {strides = array<i32>} : memref<2x128xi32, #tpu.memory_space<vmem>>, vector<16xi32>,
      %get3A_1939 = arith.constant 1008 : index
      %get3A_1940 = tpu.vector_load %arg11[%get3A_1939] {strides = array<i32>} : memref<1024xi32, #tpu.memory_space<vmem>>, vector<16xi32>,
      %sub3A_1941 = vector.broadcast %mul3A_10 : i32 to vector<16xi32>
      %sub3A_1942 = arith.subi %get3A_1940, %sub3A_1941 : vector<16xi32>
      %ge3A_1943 = arith.constant 0 : i32
      %ge3A_1944 = vector.broadcast %ge3A_1943 : i32 to vector<16xi32>
      %ge3A_1945 = arith.cmpi sge, %sub3A_1942, %ge3A_1944 : vector<16xi32>
      %lt3A_1946 = arith.constant 25088 : i32
      %lt3A_1947 = vector.broadcast %lt3A_1946 : i32 to vector<16xi32>
      %lt3A_1948 = arith.cmpi slt, %sub3A_1942, %lt3A_1947 : vector<16xi32>
      %and3A_1949 = arith.andi %ge3A_1945, %lt3A_1948 : vector<16xi1>
      %jit3A_1950 = arith.constant 25200 : i32
      %broadcast_in_dim3A_1951 = vector.broadcast %jit3A_1950 : i32 to vector<16xi32>
      %select_n3A_1952 = arith.select %and3A_1949, %sub3A_1942, %broadcast_in_dim3A_1951 : vector<16xi1>, vector<16xi32>
      %swap3A_1953 = arith.constant 1 : i32
      %swap3A_1954 = arith.index_cast %swap3A_1953 : i32 to index
      %swap3A_1955 = arith.constant 112 : index
      %swap3A_1956 = tpu.vector_load %arg14[%swap3A_1954, %swap3A_1955] {strides = array<i32>} : memref<3x128xi32, #tpu.memory_space<vmem>>, vector<16xi32>,
      tpu.vector_store %arg14[%swap3A_1954, %swap3A_1955], %select_n3A_1952 {strides = array<i32>} : memref<3x128xi32, #tpu.memory_space<vmem>>, vector<16xi32>,
      %dma_start3A_1957 = arith.constant 1 : i32
      %dma_start3A_1958 = arith.constant 0 : i32
      %dma_start3A_1959 = tpu.memref_slice %arg13[%dma_start3A_1957, %dma_start3A_1958] : memref<2x128xi32, #tpu.memory_space<vmem>> -> memref<1x128xi32, #tpu.memory_space<vmem>>
      %dma_start3A_1960 = tpu.memref_squeeze %dma_start3A_1959 : memref<1x128xi32, #tpu.memory_space<vmem>> -> memref<128xi32, #tpu.memory_space<vmem>>
      %dma_start3A_1961 = arith.constant 0 : i32
      %dma_start3A_1962 = arith.constant 0 : i32
      %dma_start3A_1963 = tpu.memref_slice %arg2[%dma_start3A_1961, %dma_start3A_1962] : memref<50000x64xbf16, #tpu.memory_space<hbm>> -> memref<50000x64xbf16, #tpu.memory_space<hbm>>
      tpu.enqueue_indirect_dma source(%dma_start3A_1963 : memref<50000x64xbf16, #tpu.memory_space<hbm>>) target(%arg16 : memref<128x64xbf16, #tpu.memory_space<vmem>>) offsets(%dma_start3A_1960 : memref<128xi32, #tpu.memory_space<vmem>>) semaphore(%arg19 : memref<!tpu.dma_semaphore, #tpu.memory_space<semaphore_mem>>)
      %dma_wait3A_1964 = arith.constant 0 : i32
      %dma_wait3A_1965 = arith.constant 0 : i32
      %dma_wait3A_1966 = tpu.memref_slice %arg13[%dma_wait3A_1964, %dma_wait3A_1965] : memref<2x128xi32, #tpu.memory_space<vmem>> -> memref<1x128xi32, #tpu.memory_space<vmem>>
      %dma_wait3A_1967 = tpu.memref_squeeze %dma_wait3A_1966 : memref<1x128xi32, #tpu.memory_space<vmem>> -> memref<128xi32, #tpu.memory_space<vmem>>
      %dma_wait3A_1968 = arith.constant 0 : i32
      %dma_wait3A_1969 = arith.constant 0 : i32
      %dma_wait3A_1970 = tpu.memref_slice %arg2[%dma_wait3A_1968, %dma_wait3A_1969] : memref<50000x64xbf16, #tpu.memory_space<hbm>> -> memref<50000x64xbf16, #tpu.memory_space<hbm>>
      tpu.wait_indirect_dma semaphore(%arg18 : memref<!tpu.dma_semaphore, #tpu.memory_space<semaphore_mem>>) src(%dma_wait3A_1970 : memref<50000x64xbf16, #tpu.memory_space<hbm>>) dst(%arg15 : memref<128x64xbf16, #tpu.memory_space<vmem>>)
      %dma_start3A_1971 = arith.constant 0 : i32
      %dma_start3A_1972 = arith.constant 0 : i32
      %dma_start3A_1973 = tpu.memref_slice %arg14[%dma_start3A_1971, %dma_start3A_1972] : memref<3x128xi32, #tpu.memory_space<vmem>> -> memref<1x128xi32, #tpu.memory_space<vmem>>
      %dma_start3A_1974 = tpu.memref_squeeze %dma_start3A_1973 : memref<1x128xi32, #tpu.memory_space<vmem>> -> memref<128xi32, #tpu.memory_space<vmem>>
      %dma_start3A_1975 = arith.constant 0 : i32
      %dma_start3A_1976 = arith.constant 0 : i32
      %dma_start3A_1977 = tpu.memref_slice %arg17[%dma_start3A_1975, %dma_start3A_1976] : memref<25344x64xbf16, #tpu.memory_space<vmem_shared>> -> memref<25344x64xbf16, #tpu.memory_space<vmem_shared>>
      tpu.enqueue_indirect_dma source(%arg15 : memref<128x64xbf16, #tpu.memory_space<vmem>>) target(%dma_start3A_1977 : memref<25344x64xbf16, #tpu.memory_space<vmem_shared>>) offsets(%dma_start3A_1974 : memref<128xi32, #tpu.memory_space<vmem>>) semaphore(%arg20 : memref<!tpu.dma_semaphore, #tpu.memory_space<semaphore_mem>>) {add = true}
      %dma_wait3A_1978 = arith.constant 1 : i32
      %dma_wait3A_1979 = arith.constant 0 : i32
      %dma_wait3A_1980 = tpu.memref_slice %arg13[%dma_wait3A_1978, %dma_wait3A_1979] : memref<2x128xi32, #tpu.memory_space<vmem>> -> memref<1x128xi32, #tpu.memory_space<vmem>>
      %dma_wait3A_1981 = tpu.memref_squeeze %dma_wait3A_1980 : memref<1x128xi32, #tpu.memory_space<vmem>> -> memref<128xi32, #tpu.memory_space<vmem>>
      %dma_wait3A_1982 = arith.constant 0 : i32
      %dma_wait3A_1983 = arith.constant 0 : i32
      %dma_wait3A_1984 = tpu.memref_slice %arg2[%dma_wait3A_1982, %dma_wait3A_1983] : memref<50000x64xbf16, #tpu.memory_space<hbm>> -> memref<50000x64xbf16, #tpu.memory_space<hbm>>
      tpu.wait_indirect_dma semaphore(%arg19 : memref<!tpu.dma_semaphore, #tpu.memory_space<semaphore_mem>>) src(%dma_wait3A_1984 : memref<50000x64xbf16, #tpu.memory_space<hbm>>) dst(%arg16 : memref<128x64xbf16, #tpu.memory_space<vmem>>)
      %dma_start3A_1985 = arith.constant 1 : i32
      %dma_start3A_1986 = arith.constant 0 : i32
      %dma_start3A_1987 = tpu.memref_slice %arg14[%dma_start3A_1985, %dma_start3A_1986] : memref<3x128xi32, #tpu.memory_space<vmem>> -> memref<1x128xi32, #tpu.memory_space<vmem>>
      %dma_start3A_1988 = tpu.memref_squeeze %dma_start3A_1987 : memref<1x128xi32, #tpu.memory_space<vmem>> -> memref<128xi32, #tpu.memory_space<vmem>>
      %dma_start3A_1989 = arith.constant 0 : i32
      %dma_start3A_1990 = arith.constant 0 : i32
      %dma_start3A_1991 = tpu.memref_slice %arg17[%dma_start3A_1989, %dma_start3A_1990] : memref<25344x64xbf16, #tpu.memory_space<vmem_shared>> -> memref<25344x64xbf16, #tpu.memory_space<vmem_shared>>
      tpu.enqueue_indirect_dma source(%arg16 : memref<128x64xbf16, #tpu.memory_space<vmem>>) target(%dma_start3A_1991 : memref<25344x64xbf16, #tpu.memory_space<vmem_shared>>) offsets(%dma_start3A_1988 : memref<128xi32, #tpu.memory_space<vmem>>) semaphore(%arg21 : memref<!tpu.dma_semaphore, #tpu.memory_space<semaphore_mem>>) {add = true}
    }
    %while3A_154 = arith.constant 1 : i32
    scf.for %while3A_172 = %while3A_152 to %while3A_148 step %while3A_154  : i32 {
      %mul3A_173 = arith.constant 8 : i32
      %mul3A_174 = arith.muli %while3A_172, %mul3A_173 : i32
      %add3A_175 = arith.addi %add3A_62, %mul3A_174 : i32
      %mul3A_176 = arith.constant 128 : i32
      %mul3A_177 = arith.muli %add3A_175, %mul3A_176 : i32
      %multiple_of3A_178 = tpu.assume_multiple %mul3A_177, 128 : i32
      "tpu.region"() ({
        %run_scoped3A = tpu.sem_alloc : memref<!tpu.dma_semaphore, #tpu.memory_space<semaphore_mem>>
        %dma_start3A_1992 = tpu.memref_slice %arg4[%multiple_of3A_178] : memref<816384xi32, #tpu.memory_space<hbm>> -> memref<1024xi32, #tpu.memory_space<hbm>>
        %dma_start3A_1993 = tpu.memref_slice %arg4[%multiple_of3A_178] : memref<816384xi32, #tpu.memory_space<hbm>> -> memref<1024xi32, #tpu.memory_space<hbm>>
        tpu.enqueue_dma source(%dma_start3A_1993 : memref<1024xi32, #tpu.memory_space<hbm>>) target(%arg11 : memref<1024xi32, #tpu.memory_space<vmem>>) target_semaphore(%run_scoped3A : memref<!tpu.dma_semaphore, #tpu.memory_space<semaphore_mem>>)
        %dma_wait3A_1994 = tpu.memref_slice %arg4[%multiple_of3A_178] : memref<816384xi32, #tpu.memory_space<hbm>> -> memref<1024xi32, #tpu.memory_space<hbm>>
        %dma_wait3A_1995 = tpu.memref_slice %arg4[%multiple_of3A_178] : memref<816384xi32, #tpu.memory_space<hbm>> -> memref<1024xi32, #tpu.memory_space<hbm>>
        tpu.wait_dma2 semaphore(%run_scoped3A : memref<!tpu.dma_semaphore, #tpu.memory_space<semaphore_mem>>) src(%dma_wait3A_1995 : memref<1024xi32, #tpu.memory_space<hbm>>) dst(%arg11 : memref<1024xi32, #tpu.memory_space<vmem>>)
        tpu.yield
      }) : () -> ()
      "tpu.region"() ({
        %run_scoped3A = tpu.sem_alloc : memref<!tpu.dma_semaphore, #tpu.memory_space<semaphore_mem>>
        %dma_start3A_1992 = tpu.memref_slice %arg5[%multiple_of3A_178] : memref<816384xi32, #tpu.memory_space<hbm>> -> memref<1024xi32, #tpu.memory_space<hbm>>
        %dma_start3A_1993 = tpu.memref_slice %arg5[%multiple_of3A_178] : memref<816384xi32, #tpu.memory_space<hbm>> -> memref<1024xi32, #tpu.memory_space<hbm>>
        tpu.enqueue_dma source(%dma_start3A_1993 : memref<1024xi32, #tpu.memory_space<hbm>>) target(%arg12 : memref<1024xi32, #tpu.memory_space<vmem>>) target_semaphore(%run_scoped3A : memref<!tpu.dma_semaphore, #tpu.memory_space<semaphore_mem>>)
        %dma_wait3A_1994 = tpu.memref_slice %arg5[%multiple_of3A_178] : memref<816384xi32, #tpu.memory_space<hbm>> -> memref<1024xi32, #tpu.memory_space<hbm>>
        %dma_wait3A_1995 = tpu.memref_slice %arg5[%multiple_of3A_178] : memref<816384xi32, #tpu.memory_space<hbm>> -> memref<1024xi32, #tpu.memory_space<hbm>>
        tpu.wait_dma2 semaphore(%run_scoped3A : memref<!tpu.dma_semaphore, #tpu.memory_space<semaphore_mem>>) src(%dma_wait3A_1995 : memref<1024xi32, #tpu.memory_space<hbm>>) dst(%arg12 : memref<1024xi32, #tpu.memory_space<vmem>>)
        tpu.yield
      }) : () -> ()
      %dma_wait3A_179 = arith.constant 0 : i32
      %dma_wait3A_180 = arith.constant 0 : i32
      %dma_wait3A_181 = tpu.memref_slice %arg2[%dma_wait3A_179, %dma_wait3A_180] : memref<50000x64xbf16, #tpu.memory_space<hbm>> -> memref<128x64xbf16, #tpu.memory_space<hbm>>
      %dma_wait3A_182 = arith.constant 0 : i32
      %dma_wait3A_183 = arith.constant 0 : i32
      %dma_wait3A_184 = tpu.memref_slice %arg2[%dma_wait3A_182, %dma_wait3A_183] : memref<50000x64xbf16, #tpu.memory_space<hbm>> -> memref<128x64xbf16, #tpu.memory_space<hbm>>
      tpu.wait_dma2 semaphore(%arg20 : memref<!tpu.dma_semaphore, #tpu.memory_space<semaphore_mem>>) src(%dma_wait3A_184 : memref<128x64xbf16, #tpu.memory_space<hbm>>) dst(%arg15 : memref<128x64xbf16, #tpu.memory_space<vmem>>)
      %get3A_185 = arith.constant 0 : index
      %get3A_186 = tpu.vector_load %arg12[%get3A_185] {strides = array<i32>} : memref<1024xi32, #tpu.memory_space<vmem>>, vector<16xi32>,
      %gather3A = tpu.vector_load_idx %arg9[%get3A_186] : memref<40000xi32, #tpu.memory_space<vmem>>[vector<16xi32>], vector<16xi32>,
      %swap3A_187 = arith.constant 0 : i32
      %swap3A_188 = arith.index_cast %swap3A_187 : i32 to index
      %swap3A_189 = arith.constant 0 : index
      %swap3A_190 = tpu.vector_load %arg13[%swap3A_188, %swap3A_189] {strides = array<i32>} : memref<2x128xi32, #tpu.memory_space<vmem>>, vector<16xi32>,
      tpu.vector_store %arg13[%swap3A_188, %swap3A_189], %gather3A {strides = array<i32>} : memref<2x128xi32, #tpu.memory_space<vmem>>, vector<16xi32>,
      %get3A_191 = arith.constant 0 : index
      %get3A_192 = tpu.vector_load %arg11[%get3A_191] {strides = array<i32>} : memref<1024xi32, #tpu.memory_space<vmem>>, vector<16xi32>,
      %sub3A_193 = vector.broadcast %mul3A_10 : i32 to vector<16xi32>
      %sub3A_194 = arith.subi %get3A_192, %sub3A_193 : vector<16xi32>
      %ge3A = arith.constant 0 : i32
      %ge3A_195 = vector.broadcast %ge3A : i32 to vector<16xi32>
      %ge3A_196 = arith.cmpi sge, %sub3A_194, %ge3A_195 : vector<16xi32>
      %lt3A = arith.constant 25088 : i32
      %lt3A_197 = vector.broadcast %lt3A : i32 to vector<16xi32>
      %lt3A_198 = arith.cmpi slt, %sub3A_194, %lt3A_197 : vector<16xi32>
      %and3A_199 = arith.andi %ge3A_196, %lt3A_198 : vector<16xi1>
      %jit3A_200 = arith.constant 25200 : i32
      %broadcast_in_dim3A_201 = vector.broadcast %jit3A_200 : i32 to vector<16xi32>
      %select_n3A_202 = arith.select %and3A_199, %sub3A_194, %broadcast_in_dim3A_201 : vector<16xi1>, vector<16xi32>
      %swap3A_203 = arith.constant 0 : i32
      %swap3A_204 = arith.index_cast %swap3A_203 : i32 to index
      %swap3A_205 = arith.constant 0 : index
      %swap3A_206 = tpu.vector_load %arg14[%swap3A_204, %swap3A_205] {strides = array<i32>} : memref<3x128xi32, #tpu.memory_space<vmem>>, vector<16xi32>,
      tpu.vector_store %arg14[%swap3A_204, %swap3A_205], %select_n3A_202 {strides = array<i32>} : memref<3x128xi32, #tpu.memory_space<vmem>>, vector<16xi32>,
      %get3A_207 = arith.constant 16 : index
      %get3A_208 = tpu.vector_load %arg12[%get3A_207] {strides = array<i32>} : memref<1024xi32, #tpu.memory_space<vmem>>, vector<16xi32>,
      %gather3A_209 = tpu.vector_load_idx %arg9[%get3A_208] : memref<40000xi32, #tpu.memory_space<vmem>>[vector<16xi32>], vector<16xi32>,
      %swap3A_210 = arith.constant 0 : i32
      %swap3A_211 = arith.index_cast %swap3A_210 : i32 to index
      %swap3A_212 = arith.constant 16 : index
      %swap3A_213 = tpu.vector_load %arg13[%swap3A_211, %swap3A_212] {strides = array<i32>} : memref<2x128xi32, #tpu.memory_space<vmem>>, vector<16xi32>,
      tpu.vector_store %arg13[%swap3A_211, %swap3A_212], %gather3A_209 {strides = array<i32>} : memref<2x128xi32, #tpu.memory_space<vmem>>, vector<16xi32>,
      %get3A_214 = arith.constant 16 : index
      %get3A_215 = tpu.vector_load %arg11[%get3A_214] {strides = array<i32>} : memref<1024xi32, #tpu.memory_space<vmem>>, vector<16xi32>,
      %sub3A_216 = vector.broadcast %mul3A_10 : i32 to vector<16xi32>
      %sub3A_217 = arith.subi %get3A_215, %sub3A_216 : vector<16xi32>
      %ge3A_218 = arith.constant 0 : i32
      %ge3A_219 = vector.broadcast %ge3A_218 : i32 to vector<16xi32>
      %ge3A_220 = arith.cmpi sge, %sub3A_217, %ge3A_219 : vector<16xi32>
      %lt3A_221 = arith.constant 25088 : i32
      %lt3A_222 = vector.broadcast %lt3A_221 : i32 to vector<16xi32>
      %lt3A_223 = arith.cmpi slt, %sub3A_217, %lt3A_222 : vector<16xi32>
      %and3A_224 = arith.andi %ge3A_220, %lt3A_223 : vector<16xi1>
      %jit3A_225 = arith.constant 25200 : i32
      %broadcast_in_dim3A_226 = vector.broadcast %jit3A_225 : i32 to vector<16xi32>
      %select_n3A_227 = arith.select %and3A_224, %sub3A_217, %broadcast_in_dim3A_226 : vector<16xi1>, vector<16xi32>
      %swap3A_228 = arith.constant 0 : i32
      %swap3A_229 = arith.index_cast %swap3A_228 : i32 to index
      %swap3A_230 = arith.constant 16 : index
      %swap3A_231 = tpu.vector_load %arg14[%swap3A_229, %swap3A_230] {strides = array<i32>} : memref<3x128xi32, #tpu.memory_space<vmem>>, vector<16xi32>,
      tpu.vector_store %arg14[%swap3A_229, %swap3A_230], %select_n3A_227 {strides = array<i32>} : memref<3x128xi32, #tpu.memory_space<vmem>>, vector<16xi32>,
      %get3A_232 = arith.constant 32 : index
      %get3A_233 = tpu.vector_load %arg12[%get3A_232] {strides = array<i32>} : memref<1024xi32, #tpu.memory_space<vmem>>, vector<16xi32>,
      %gather3A_234 = tpu.vector_load_idx %arg9[%get3A_233] : memref<40000xi32, #tpu.memory_space<vmem>>[vector<16xi32>], vector<16xi32>,
      %swap3A_235 = arith.constant 0 : i32
      %swap3A_236 = arith.index_cast %swap3A_235 : i32 to index
      %swap3A_237 = arith.constant 32 : index
      %swap3A_238 = tpu.vector_load %arg13[%swap3A_236, %swap3A_237] {strides = array<i32>} : memref<2x128xi32, #tpu.memory_space<vmem>>, vector<16xi32>,
      tpu.vector_store %arg13[%swap3A_236, %swap3A_237], %gather3A_234 {strides = array<i32>} : memref<2x128xi32, #tpu.memory_space<vmem>>, vector<16xi32>,
      %get3A_239 = arith.constant 32 : index
      %get3A_240 = tpu.vector_load %arg11[%get3A_239] {strides = array<i32>} : memref<1024xi32, #tpu.memory_space<vmem>>, vector<16xi32>,
      %sub3A_241 = vector.broadcast %mul3A_10 : i32 to vector<16xi32>
      %sub3A_242 = arith.subi %get3A_240, %sub3A_241 : vector<16xi32>
      %ge3A_243 = arith.constant 0 : i32
      %ge3A_244 = vector.broadcast %ge3A_243 : i32 to vector<16xi32>
      %ge3A_245 = arith.cmpi sge, %sub3A_242, %ge3A_244 : vector<16xi32>
      %lt3A_246 = arith.constant 25088 : i32
      %lt3A_247 = vector.broadcast %lt3A_246 : i32 to vector<16xi32>
      %lt3A_248 = arith.cmpi slt, %sub3A_242, %lt3A_247 : vector<16xi32>
      %and3A_249 = arith.andi %ge3A_245, %lt3A_248 : vector<16xi1>
      %jit3A_250 = arith.constant 25200 : i32
      %broadcast_in_dim3A_251 = vector.broadcast %jit3A_250 : i32 to vector<16xi32>
      %select_n3A_252 = arith.select %and3A_249, %sub3A_242, %broadcast_in_dim3A_251 : vector<16xi1>, vector<16xi32>
      %swap3A_253 = arith.constant 0 : i32
      %swap3A_254 = arith.index_cast %swap3A_253 : i32 to index
      %swap3A_255 = arith.constant 32 : index
      %swap3A_256 = tpu.vector_load %arg14[%swap3A_254, %swap3A_255] {strides = array<i32>} : memref<3x128xi32, #tpu.memory_space<vmem>>, vector<16xi32>,
      tpu.vector_store %arg14[%swap3A_254, %swap3A_255], %select_n3A_252 {strides = array<i32>} : memref<3x128xi32, #tpu.memory_space<vmem>>, vector<16xi32>,
      %get3A_257 = arith.constant 48 : index
      %get3A_258 = tpu.vector_load %arg12[%get3A_257] {strides = array<i32>} : memref<1024xi32, #tpu.memory_space<vmem>>, vector<16xi32>,
      %gather3A_259 = tpu.vector_load_idx %arg9[%get3A_258] : memref<40000xi32, #tpu.memory_space<vmem>>[vector<16xi32>], vector<16xi32>,
      %swap3A_260 = arith.constant 0 : i32
      %swap3A_261 = arith.index_cast %swap3A_260 : i32 to index
      %swap3A_262 = arith.constant 48 : index
      %swap3A_263 = tpu.vector_load %arg13[%swap3A_261, %swap3A_262] {strides = array<i32>} : memref<2x128xi32, #tpu.memory_space<vmem>>, vector<16xi32>,
      tpu.vector_store %arg13[%swap3A_261, %swap3A_262], %gather3A_259 {strides = array<i32>} : memref<2x128xi32, #tpu.memory_space<vmem>>, vector<16xi32>,
      %get3A_264 = arith.constant 48 : index
      %get3A_265 = tpu.vector_load %arg11[%get3A_264] {strides = array<i32>} : memref<1024xi32, #tpu.memory_space<vmem>>, vector<16xi32>,
      %sub3A_266 = vector.broadcast %mul3A_10 : i32 to vector<16xi32>
      %sub3A_267 = arith.subi %get3A_265, %sub3A_266 : vector<16xi32>
      %ge3A_268 = arith.constant 0 : i32
      %ge3A_269 = vector.broadcast %ge3A_268 : i32 to vector<16xi32>
      %ge3A_270 = arith.cmpi sge, %sub3A_267, %ge3A_269 : vector<16xi32>
      %lt3A_271 = arith.constant 25088 : i32
      %lt3A_272 = vector.broadcast %lt3A_271 : i32 to vector<16xi32>
      %lt3A_273 = arith.cmpi slt, %sub3A_267, %lt3A_272 : vector<16xi32>
      %and3A_274 = arith.andi %ge3A_270, %lt3A_273 : vector<16xi1>
      %jit3A_275 = arith.constant 25200 : i32
      %broadcast_in_dim3A_276 = vector.broadcast %jit3A_275 : i32 to vector<16xi32>
      %select_n3A_277 = arith.select %and3A_274, %sub3A_267, %broadcast_in_dim3A_276 : vector<16xi1>, vector<16xi32>
      %swap3A_278 = arith.constant 0 : i32
      %swap3A_279 = arith.index_cast %swap3A_278 : i32 to index
      %swap3A_280 = arith.constant 48 : index
      %swap3A_281 = tpu.vector_load %arg14[%swap3A_279, %swap3A_280] {strides = array<i32>} : memref<3x128xi32, #tpu.memory_space<vmem>>, vector<16xi32>,
      tpu.vector_store %arg14[%swap3A_279, %swap3A_280], %select_n3A_277 {strides = array<i32>} : memref<3x128xi32, #tpu.memory_space<vmem>>, vector<16xi32>,
      %get3A_282 = arith.constant 64 : index
      %get3A_283 = tpu.vector_load %arg12[%get3A_282] {strides = array<i32>} : memref<1024xi32, #tpu.memory_space<vmem>>, vector<16xi32>,
      %gather3A_284 = tpu.vector_load_idx %arg9[%get3A_283] : memref<40000xi32, #tpu.memory_space<vmem>>[vector<16xi32>], vector<16xi32>,
      %swap3A_285 = arith.constant 0 : i32
      %swap3A_286 = arith.index_cast %swap3A_285 : i32 to index
      %swap3A_287 = arith.constant 64 : index
      %swap3A_288 = tpu.vector_load %arg13[%swap3A_286, %swap3A_287] {strides = array<i32>} : memref<2x128xi32, #tpu.memory_space<vmem>>, vector<16xi32>,
      tpu.vector_store %arg13[%swap3A_286, %swap3A_287], %gather3A_284 {strides = array<i32>} : memref<2x128xi32, #tpu.memory_space<vmem>>, vector<16xi32>,
      %get3A_289 = arith.constant 64 : index
      %get3A_290 = tpu.vector_load %arg11[%get3A_289] {strides = array<i32>} : memref<1024xi32, #tpu.memory_space<vmem>>, vector<16xi32>,
      %sub3A_291 = vector.broadcast %mul3A_10 : i32 to vector<16xi32>
      %sub3A_292 = arith.subi %get3A_290, %sub3A_291 : vector<16xi32>
      %ge3A_293 = arith.constant 0 : i32
      %ge3A_294 = vector.broadcast %ge3A_293 : i32 to vector<16xi32>
      %ge3A_295 = arith.cmpi sge, %sub3A_292, %ge3A_294 : vector<16xi32>
      %lt3A_296 = arith.constant 25088 : i32
      %lt3A_297 = vector.broadcast %lt3A_296 : i32 to vector<16xi32>
      %lt3A_298 = arith.cmpi slt, %sub3A_292, %lt3A_297 : vector<16xi32>
      %and3A_299 = arith.andi %ge3A_295, %lt3A_298 : vector<16xi1>
      %jit3A_300 = arith.constant 25200 : i32
      %broadcast_in_dim3A_301 = vector.broadcast %jit3A_300 : i32 to vector<16xi32>
      %select_n3A_302 = arith.select %and3A_299, %sub3A_292, %broadcast_in_dim3A_301 : vector<16xi1>, vector<16xi32>
      %swap3A_303 = arith.constant 0 : i32
      %swap3A_304 = arith.index_cast %swap3A_303 : i32 to index
      %swap3A_305 = arith.constant 64 : index
      %swap3A_306 = tpu.vector_load %arg14[%swap3A_304, %swap3A_305] {strides = array<i32>} : memref<3x128xi32, #tpu.memory_space<vmem>>, vector<16xi32>,
      tpu.vector_store %arg14[%swap3A_304, %swap3A_305], %select_n3A_302 {strides = array<i32>} : memref<3x128xi32, #tpu.memory_space<vmem>>, vector<16xi32>,
      %get3A_307 = arith.constant 80 : index
      %get3A_308 = tpu.vector_load %arg12[%get3A_307] {strides = array<i32>} : memref<1024xi32, #tpu.memory_space<vmem>>, vector<16xi32>,
      %gather3A_309 = tpu.vector_load_idx %arg9[%get3A_308] : memref<40000xi32, #tpu.memory_space<vmem>>[vector<16xi32>], vector<16xi32>,
      %swap3A_310 = arith.constant 0 : i32
      %swap3A_311 = arith.index_cast %swap3A_310 : i32 to index
      %swap3A_312 = arith.constant 80 : index
      %swap3A_313 = tpu.vector_load %arg13[%swap3A_311, %swap3A_312] {strides = array<i32>} : memref<2x128xi32, #tpu.memory_space<vmem>>, vector<16xi32>,
      tpu.vector_store %arg13[%swap3A_311, %swap3A_312], %gather3A_309 {strides = array<i32>} : memref<2x128xi32, #tpu.memory_space<vmem>>, vector<16xi32>,
      %get3A_314 = arith.constant 80 : index
      %get3A_315 = tpu.vector_load %arg11[%get3A_314] {strides = array<i32>} : memref<1024xi32, #tpu.memory_space<vmem>>, vector<16xi32>,
      %sub3A_316 = vector.broadcast %mul3A_10 : i32 to vector<16xi32>
      %sub3A_317 = arith.subi %get3A_315, %sub3A_316 : vector<16xi32>
      %ge3A_318 = arith.constant 0 : i32
      %ge3A_319 = vector.broadcast %ge3A_318 : i32 to vector<16xi32>
      %ge3A_320 = arith.cmpi sge, %sub3A_317, %ge3A_319 : vector<16xi32>
      %lt3A_321 = arith.constant 25088 : i32
      %lt3A_322 = vector.broadcast %lt3A_321 : i32 to vector<16xi32>
      %lt3A_323 = arith.cmpi slt, %sub3A_317, %lt3A_322 : vector<16xi32>
      %and3A_324 = arith.andi %ge3A_320, %lt3A_323 : vector<16xi1>
      %jit3A_325 = arith.constant 25200 : i32
      %broadcast_in_dim3A_326 = vector.broadcast %jit3A_325 : i32 to vector<16xi32>
      %select_n3A_327 = arith.select %and3A_324, %sub3A_317, %broadcast_in_dim3A_326 : vector<16xi1>, vector<16xi32>
      %swap3A_328 = arith.constant 0 : i32
      %swap3A_329 = arith.index_cast %swap3A_328 : i32 to index
      %swap3A_330 = arith.constant 80 : index
      %swap3A_331 = tpu.vector_load %arg14[%swap3A_329, %swap3A_330] {strides = array<i32>} : memref<3x128xi32, #tpu.memory_space<vmem>>, vector<16xi32>,
      tpu.vector_store %arg14[%swap3A_329, %swap3A_330], %select_n3A_327 {strides = array<i32>} : memref<3x128xi32, #tpu.memory_space<vmem>>, vector<16xi32>,
      %get3A_332 = arith.constant 96 : index
      %get3A_333 = tpu.vector_load %arg12[%get3A_332] {strides = array<i32>} : memref<1024xi32, #tpu.memory_space<vmem>>, vector<16xi32>,
      %gather3A_334 = tpu.vector_load_idx %arg9[%get3A_333] : memref<40000xi32, #tpu.memory_space<vmem>>[vector<16xi32>], vector<16xi32>,
      %swap3A_335 = arith.constant 0 : i32
      %swap3A_336 = arith.index_cast %swap3A_335 : i32 to index
      %swap3A_337 = arith.constant 96 : index
      %swap3A_338 = tpu.vector_load %arg13[%swap3A_336, %swap3A_337] {strides = array<i32>} : memref<2x128xi32, #tpu.memory_space<vmem>>, vector<16xi32>,
      tpu.vector_store %arg13[%swap3A_336, %swap3A_337], %gather3A_334 {strides = array<i32>} : memref<2x128xi32, #tpu.memory_space<vmem>>, vector<16xi32>,
      %get3A_339 = arith.constant 96 : index
      %get3A_340 = tpu.vector_load %arg11[%get3A_339] {strides = array<i32>} : memref<1024xi32, #tpu.memory_space<vmem>>, vector<16xi32>,
      %sub3A_341 = vector.broadcast %mul3A_10 : i32 to vector<16xi32>
      %sub3A_342 = arith.subi %get3A_340, %sub3A_341 : vector<16xi32>
      %ge3A_343 = arith.constant 0 : i32
      %ge3A_344 = vector.broadcast %ge3A_343 : i32 to vector<16xi32>
      %ge3A_345 = arith.cmpi sge, %sub3A_342, %ge3A_344 : vector<16xi32>
      %lt3A_346 = arith.constant 25088 : i32
      %lt3A_347 = vector.broadcast %lt3A_346 : i32 to vector<16xi32>
      %lt3A_348 = arith.cmpi slt, %sub3A_342, %lt3A_347 : vector<16xi32>
      %and3A_349 = arith.andi %ge3A_345, %lt3A_348 : vector<16xi1>
      %jit3A_350 = arith.constant 25200 : i32
      %broadcast_in_dim3A_351 = vector.broadcast %jit3A_350 : i32 to vector<16xi32>
      %select_n3A_352 = arith.select %and3A_349, %sub3A_342, %broadcast_in_dim3A_351 : vector<16xi1>, vector<16xi32>
      %swap3A_353 = arith.constant 0 : i32
      %swap3A_354 = arith.index_cast %swap3A_353 : i32 to index
      %swap3A_355 = arith.constant 96 : index
      %swap3A_356 = tpu.vector_load %arg14[%swap3A_354, %swap3A_355] {strides = array<i32>} : memref<3x128xi32, #tpu.memory_space<vmem>>, vector<16xi32>,
      tpu.vector_store %arg14[%swap3A_354, %swap3A_355], %select_n3A_352 {strides = array<i32>} : memref<3x128xi32, #tpu.memory_space<vmem>>, vector<16xi32>,
      %get3A_357 = arith.constant 112 : index
      %get3A_358 = tpu.vector_load %arg12[%get3A_357] {strides = array<i32>} : memref<1024xi32, #tpu.memory_space<vmem>>, vector<16xi32>,
      %gather3A_359 = tpu.vector_load_idx %arg9[%get3A_358] : memref<40000xi32, #tpu.memory_space<vmem>>[vector<16xi32>], vector<16xi32>,
      %swap3A_360 = arith.constant 0 : i32
      %swap3A_361 = arith.index_cast %swap3A_360 : i32 to index
      %swap3A_362 = arith.constant 112 : index
      %swap3A_363 = tpu.vector_load %arg13[%swap3A_361, %swap3A_362] {strides = array<i32>} : memref<2x128xi32, #tpu.memory_space<vmem>>, vector<16xi32>,
      tpu.vector_store %arg13[%swap3A_361, %swap3A_362], %gather3A_359 {strides = array<i32>} : memref<2x128xi32, #tpu.memory_space<vmem>>, vector<16xi32>,
      %get3A_364 = arith.constant 112 : index
      %get3A_365 = tpu.vector_load %arg11[%get3A_364] {strides = array<i32>} : memref<1024xi32, #tpu.memory_space<vmem>>, vector<16xi32>,
      %sub3A_366 = vector.broadcast %mul3A_10 : i32 to vector<16xi32>
      %sub3A_367 = arith.subi %get3A_365, %sub3A_366 : vector<16xi32>
      %ge3A_368 = arith.constant 0 : i32
      %ge3A_369 = vector.broadcast %ge3A_368 : i32 to vector<16xi32>
      %ge3A_370 = arith.cmpi sge, %sub3A_367, %ge3A_369 : vector<16xi32>
      %lt3A_371 = arith.constant 25088 : i32
      %lt3A_372 = vector.broadcast %lt3A_371 : i32 to vector<16xi32>
      %lt3A_373 = arith.cmpi slt, %sub3A_367, %lt3A_372 : vector<16xi32>
      %and3A_374 = arith.andi %ge3A_370, %lt3A_373 : vector<16xi1>
      %jit3A_375 = arith.constant 25200 : i32
      %broadcast_in_dim3A_376 = vector.broadcast %jit3A_375 : i32 to vector<16xi32>
      %select_n3A_377 = arith.select %and3A_374, %sub3A_367, %broadcast_in_dim3A_376 : vector<16xi1>, vector<16xi32>
      %swap3A_378 = arith.constant 0 : i32
      %swap3A_379 = arith.index_cast %swap3A_378 : i32 to index
      %swap3A_380 = arith.constant 112 : index
      %swap3A_381 = tpu.vector_load %arg14[%swap3A_379, %swap3A_380] {strides = array<i32>} : memref<3x128xi32, #tpu.memory_space<vmem>>, vector<16xi32>,
      tpu.vector_store %arg14[%swap3A_379, %swap3A_380], %select_n3A_377 {strides = array<i32>} : memref<3x128xi32, #tpu.memory_space<vmem>>, vector<16xi32>,
      %dma_start3A_382 = arith.constant 0 : i32
      %dma_start3A_383 = arith.constant 0 : i32
      %dma_start3A_384 = tpu.memref_slice %arg13[%dma_start3A_382, %dma_start3A_383] : memref<2x128xi32, #tpu.memory_space<vmem>> -> memref<1x128xi32, #tpu.memory_space<vmem>>
      %dma_start3A_385 = tpu.memref_squeeze %dma_start3A_384 : memref<1x128xi32, #tpu.memory_space<vmem>> -> memref<128xi32, #tpu.memory_space<vmem>>
      %dma_start3A_386 = arith.constant 0 : i32
      %dma_start3A_387 = arith.constant 0 : i32
      %dma_start3A_388 = tpu.memref_slice %arg2[%dma_start3A_386, %dma_start3A_387] : memref<50000x64xbf16, #tpu.memory_space<hbm>> -> memref<50000x64xbf16, #tpu.memory_space<hbm>>
      tpu.enqueue_indirect_dma source(%dma_start3A_388 : memref<50000x64xbf16, #tpu.memory_space<hbm>>) target(%arg15 : memref<128x64xbf16, #tpu.memory_space<vmem>>) offsets(%dma_start3A_385 : memref<128xi32, #tpu.memory_space<vmem>>) semaphore(%arg18 : memref<!tpu.dma_semaphore, #tpu.memory_space<semaphore_mem>>)
      %dma_wait3A_389 = arith.constant 0 : i32
      %dma_wait3A_390 = arith.constant 0 : i32
      %dma_wait3A_391 = tpu.memref_slice %arg2[%dma_wait3A_389, %dma_wait3A_390] : memref<50000x64xbf16, #tpu.memory_space<hbm>> -> memref<128x64xbf16, #tpu.memory_space<hbm>>
      %dma_wait3A_392 = arith.constant 0 : i32
      %dma_wait3A_393 = arith.constant 0 : i32
      %dma_wait3A_394 = tpu.memref_slice %arg2[%dma_wait3A_392, %dma_wait3A_393] : memref<50000x64xbf16, #tpu.memory_space<hbm>> -> memref<128x64xbf16, #tpu.memory_space<hbm>>
      tpu.wait_dma2 semaphore(%arg21 : memref<!tpu.dma_semaphore, #tpu.memory_space<semaphore_mem>>) src(%dma_wait3A_394 : memref<128x64xbf16, #tpu.memory_space<hbm>>) dst(%arg16 : memref<128x64xbf16, #tpu.memory_space<vmem>>)
      %get3A_395 = arith.constant 128 : index
      %get3A_396 = tpu.vector_load %arg12[%get3A_395] {strides = array<i32>} : memref<1024xi32, #tpu.memory_space<vmem>>, vector<16xi32>,
      %gather3A_397 = tpu.vector_load_idx %arg9[%get3A_396] : memref<40000xi32, #tpu.memory_space<vmem>>[vector<16xi32>], vector<16xi32>,
      %swap3A_398 = arith.constant 1 : i32
      %swap3A_399 = arith.index_cast %swap3A_398 : i32 to index
      %swap3A_400 = arith.constant 0 : index
      %swap3A_401 = tpu.vector_load %arg13[%swap3A_399, %swap3A_400] {strides = array<i32>} : memref<2x128xi32, #tpu.memory_space<vmem>>, vector<16xi32>,
      tpu.vector_store %arg13[%swap3A_399, %swap3A_400], %gather3A_397 {strides = array<i32>} : memref<2x128xi32, #tpu.memory_space<vmem>>, vector<16xi32>,
      %get3A_402 = arith.constant 128 : index
      %get3A_403 = tpu.vector_load %arg11[%get3A_402] {strides = array<i32>} : memref<1024xi32, #tpu.memory_space<vmem>>, vector<16xi32>,
      %sub3A_404 = vector.broadcast %mul3A_10 : i32 to vector<16xi32>
      %sub3A_405 = arith.subi %get3A_403, %sub3A_404 : vector<16xi32>
      %ge3A_406 = arith.constant 0 : i32
      %ge3A_407 = vector.broadcast %ge3A_406 : i32 to vector<16xi32>
      %ge3A_408 = arith.cmpi sge, %sub3A_405, %ge3A_407 : vector<16xi32>
      %lt3A_409 = arith.constant 25088 : i32
      %lt3A_410 = vector.broadcast %lt3A_409 : i32 to vector<16xi32>
      %lt3A_411 = arith.cmpi slt, %sub3A_405, %lt3A_410 : vector<16xi32>
      %and3A_412 = arith.andi %ge3A_408, %lt3A_411 : vector<16xi1>
      %jit3A_413 = arith.constant 25200 : i32
      %broadcast_in_dim3A_414 = vector.broadcast %jit3A_413 : i32 to vector<16xi32>
      %select_n3A_415 = arith.select %and3A_412, %sub3A_405, %broadcast_in_dim3A_414 : vector<16xi1>, vector<16xi32>
      %swap3A_416 = arith.constant 1 : i32
      %swap3A_417 = arith.index_cast %swap3A_416 : i32 to index
      %swap3A_418 = arith.constant 0 : index
      %swap3A_419 = tpu.vector_load %arg14[%swap3A_417, %swap3A_418] {strides = array<i32>} : memref<3x128xi32, #tpu.memory_space<vmem>>, vector<16xi32>,
      tpu.vector_store %arg14[%swap3A_417, %swap3A_418], %select_n3A_415 {strides = array<i32>} : memref<3x128xi32, #tpu.memory_space<vmem>>, vector<16xi32>,
      %get3A_420 = arith.constant 144 : index
      %get3A_421 = tpu.vector_load %arg12[%get3A_420] {strides = array<i32>} : memref<1024xi32, #tpu.memory_space<vmem>>, vector<16xi32>,
      %gather3A_422 = tpu.vector_load_idx %arg9[%get3A_421] : memref<40000xi32, #tpu.memory_space<vmem>>[vector<16xi32>], vector<16xi32>,
      %swap3A_423 = arith.constant 1 : i32
      %swap3A_424 = arith.index_cast %swap3A_423 : i32 to index
      %swap3A_425 = arith.constant 16 : index
      %swap3A_426 = tpu.vector_load %arg13[%swap3A_424, %swap3A_425] {strides = array<i32>} : memref<2x128xi32, #tpu.memory_space<vmem>>, vector<16xi32>,
      tpu.vector_store %arg13[%swap3A_424, %swap3A_425], %gather3A_422 {strides = array<i32>} : memref<2x128xi32, #tpu.memory_space<vmem>>, vector<16xi32>,
      %get3A_427 = arith.constant 144 : index
      %get3A_428 = tpu.vector_load %arg11[%get3A_427] {strides = array<i32>} : memref<1024xi32, #tpu.memory_space<vmem>>, vector<16xi32>,
      %sub3A_429 = vector.broadcast %mul3A_10 : i32 to vector<16xi32>
      %sub3A_430 = arith.subi %get3A_428, %sub3A_429 : vector<16xi32>
      %ge3A_431 = arith.constant 0 : i32
      %ge3A_432 = vector.broadcast %ge3A_431 : i32 to vector<16xi32>
      %ge3A_433 = arith.cmpi sge, %sub3A_430, %ge3A_432 : vector<16xi32>
      %lt3A_434 = arith.constant 25088 : i32
      %lt3A_435 = vector.broadcast %lt3A_434 : i32 to vector<16xi32>
      %lt3A_436 = arith.cmpi slt, %sub3A_430, %lt3A_435 : vector<16xi32>
      %and3A_437 = arith.andi %ge3A_433, %lt3A_436 : vector<16xi1>
      %jit3A_438 = arith.constant 25200 : i32
      %broadcast_in_dim3A_439 = vector.broadcast %jit3A_438 : i32 to vector<16xi32>
      %select_n3A_440 = arith.select %and3A_437, %sub3A_430, %broadcast_in_dim3A_439 : vector<16xi1>, vector<16xi32>
      %swap3A_441 = arith.constant 1 : i32
      %swap3A_442 = arith.index_cast %swap3A_441 : i32 to index
      %swap3A_443 = arith.constant 16 : index
      %swap3A_444 = tpu.vector_load %arg14[%swap3A_442, %swap3A_443] {strides = array<i32>} : memref<3x128xi32, #tpu.memory_space<vmem>>, vector<16xi32>,
      tpu.vector_store %arg14[%swap3A_442, %swap3A_443], %select_n3A_440 {strides = array<i32>} : memref<3x128xi32, #tpu.memory_space<vmem>>, vector<16xi32>,
      %get3A_445 = arith.constant 160 : index
      %get3A_446 = tpu.vector_load %arg12[%get3A_445] {strides = array<i32>} : memref<1024xi32, #tpu.memory_space<vmem>>, vector<16xi32>,
      %gather3A_447 = tpu.vector_load_idx %arg9[%get3A_446] : memref<40000xi32, #tpu.memory_space<vmem>>[vector<16xi32>], vector<16xi32>,
      %swap3A_448 = arith.constant 1 : i32
      %swap3A_449 = arith.index_cast %swap3A_448 : i32 to index
      %swap3A_450 = arith.constant 32 : index
      %swap3A_451 = tpu.vector_load %arg13[%swap3A_449, %swap3A_450] {strides = array<i32>} : memref<2x128xi32, #tpu.memory_space<vmem>>, vector<16xi32>,
      tpu.vector_store %arg13[%swap3A_449, %swap3A_450], %gather3A_447 {strides = array<i32>} : memref<2x128xi32, #tpu.memory_space<vmem>>, vector<16xi32>,
      %get3A_452 = arith.constant 160 : index
      %get3A_453 = tpu.vector_load %arg11[%get3A_452] {strides = array<i32>} : memref<1024xi32, #tpu.memory_space<vmem>>, vector<16xi32>,
      %sub3A_454 = vector.broadcast %mul3A_10 : i32 to vector<16xi32>
      %sub3A_455 = arith.subi %get3A_453, %sub3A_454 : vector<16xi32>
      %ge3A_456 = arith.constant 0 : i32
      %ge3A_457 = vector.broadcast %ge3A_456 : i32 to vector<16xi32>
      %ge3A_458 = arith.cmpi sge, %sub3A_455, %ge3A_457 : vector<16xi32>
      %lt3A_459 = arith.constant 25088 : i32
      %lt3A_460 = vector.broadcast %lt3A_459 : i32 to vector<16xi32>
      %lt3A_461 = arith.cmpi slt, %sub3A_455, %lt3A_460 : vector<16xi32>
      %and3A_462 = arith.andi %ge3A_458, %lt3A_461 : vector<16xi1>
      %jit3A_463 = arith.constant 25200 : i32
      %broadcast_in_dim3A_464 = vector.broadcast %jit3A_463 : i32 to vector<16xi32>
      %select_n3A_465 = arith.select %and3A_462, %sub3A_455, %broadcast_in_dim3A_464 : vector<16xi1>, vector<16xi32>
      %swap3A_466 = arith.constant 1 : i32
      %swap3A_467 = arith.index_cast %swap3A_466 : i32 to index
      %swap3A_468 = arith.constant 32 : index
      %swap3A_469 = tpu.vector_load %arg14[%swap3A_467, %swap3A_468] {strides = array<i32>} : memref<3x128xi32, #tpu.memory_space<vmem>>, vector<16xi32>,
      tpu.vector_store %arg14[%swap3A_467, %swap3A_468], %select_n3A_465 {strides = array<i32>} : memref<3x128xi32, #tpu.memory_space<vmem>>, vector<16xi32>,
      %get3A_470 = arith.constant 176 : index
      %get3A_471 = tpu.vector_load %arg12[%get3A_470] {strides = array<i32>} : memref<1024xi32, #tpu.memory_space<vmem>>, vector<16xi32>,
      %gather3A_472 = tpu.vector_load_idx %arg9[%get3A_471] : memref<40000xi32, #tpu.memory_space<vmem>>[vector<16xi32>], vector<16xi32>,
      %swap3A_473 = arith.constant 1 : i32
      %swap3A_474 = arith.index_cast %swap3A_473 : i32 to index
      %swap3A_475 = arith.constant 48 : index
      %swap3A_476 = tpu.vector_load %arg13[%swap3A_474, %swap3A_475] {strides = array<i32>} : memref<2x128xi32, #tpu.memory_space<vmem>>, vector<16xi32>,
      tpu.vector_store %arg13[%swap3A_474, %swap3A_475], %gather3A_472 {strides = array<i32>} : memref<2x128xi32, #tpu.memory_space<vmem>>, vector<16xi32>,
      %get3A_477 = arith.constant 176 : index
      %get3A_478 = tpu.vector_load %arg11[%get3A_477] {strides = array<i32>} : memref<1024xi32, #tpu.memory_space<vmem>>, vector<16xi32>,
      %sub3A_479 = vector.broadcast %mul3A_10 : i32 to vector<16xi32>
      %sub3A_480 = arith.subi %get3A_478, %sub3A_479 : vector<16xi32>
      %ge3A_481 = arith.constant 0 : i32
      %ge3A_482 = vector.broadcast %ge3A_481 : i32 to vector<16xi32>
      %ge3A_483 = arith.cmpi sge, %sub3A_480, %ge3A_482 : vector<16xi32>
      %lt3A_484 = arith.constant 25088 : i32
      %lt3A_485 = vector.broadcast %lt3A_484 : i32 to vector<16xi32>
      %lt3A_486 = arith.cmpi slt, %sub3A_480, %lt3A_485 : vector<16xi32>
      %and3A_487 = arith.andi %ge3A_483, %lt3A_486 : vector<16xi1>
      %jit3A_488 = arith.constant 25200 : i32
      %broadcast_in_dim3A_489 = vector.broadcast %jit3A_488 : i32 to vector<16xi32>
      %select_n3A_490 = arith.select %and3A_487, %sub3A_480, %broadcast_in_dim3A_489 : vector<16xi1>, vector<16xi32>
      %swap3A_491 = arith.constant 1 : i32
      %swap3A_492 = arith.index_cast %swap3A_491 : i32 to index
      %swap3A_493 = arith.constant 48 : index
      %swap3A_494 = tpu.vector_load %arg14[%swap3A_492, %swap3A_493] {strides = array<i32>} : memref<3x128xi32, #tpu.memory_space<vmem>>, vector<16xi32>,
      tpu.vector_store %arg14[%swap3A_492, %swap3A_493], %select_n3A_490 {strides = array<i32>} : memref<3x128xi32, #tpu.memory_space<vmem>>, vector<16xi32>,
      %get3A_495 = arith.constant 192 : index
      %get3A_496 = tpu.vector_load %arg12[%get3A_495] {strides = array<i32>} : memref<1024xi32, #tpu.memory_space<vmem>>, vector<16xi32>,
      %gather3A_497 = tpu.vector_load_idx %arg9[%get3A_496] : memref<40000xi32, #tpu.memory_space<vmem>>[vector<16xi32>], vector<16xi32>,
      %swap3A_498 = arith.constant 1 : i32
      %swap3A_499 = arith.index_cast %swap3A_498 : i32 to index
      %swap3A_500 = arith.constant 64 : index
      %swap3A_501 = tpu.vector_load %arg13[%swap3A_499, %swap3A_500] {strides = array<i32>} : memref<2x128xi32, #tpu.memory_space<vmem>>, vector<16xi32>,
      tpu.vector_store %arg13[%swap3A_499, %swap3A_500], %gather3A_497 {strides = array<i32>} : memref<2x128xi32, #tpu.memory_space<vmem>>, vector<16xi32>,
      %get3A_502 = arith.constant 192 : index
      %get3A_503 = tpu.vector_load %arg11[%get3A_502] {strides = array<i32>} : memref<1024xi32, #tpu.memory_space<vmem>>, vector<16xi32>,
      %sub3A_504 = vector.broadcast %mul3A_10 : i32 to vector<16xi32>
      %sub3A_505 = arith.subi %get3A_503, %sub3A_504 : vector<16xi32>
      %ge3A_506 = arith.constant 0 : i32
      %ge3A_507 = vector.broadcast %ge3A_506 : i32 to vector<16xi32>
      %ge3A_508 = arith.cmpi sge, %sub3A_505, %ge3A_507 : vector<16xi32>
      %lt3A_509 = arith.constant 25088 : i32
      %lt3A_510 = vector.broadcast %lt3A_509 : i32 to vector<16xi32>
      %lt3A_511 = arith.cmpi slt, %sub3A_505, %lt3A_510 : vector<16xi32>
      %and3A_512 = arith.andi %ge3A_508, %lt3A_511 : vector<16xi1>
      %jit3A_513 = arith.constant 25200 : i32
      %broadcast_in_dim3A_514 = vector.broadcast %jit3A_513 : i32 to vector<16xi32>
      %select_n3A_515 = arith.select %and3A_512, %sub3A_505, %broadcast_in_dim3A_514 : vector<16xi1>, vector<16xi32>
      %swap3A_516 = arith.constant 1 : i32
      %swap3A_517 = arith.index_cast %swap3A_516 : i32 to index
      %swap3A_518 = arith.constant 64 : index
      %swap3A_519 = tpu.vector_load %arg14[%swap3A_517, %swap3A_518] {strides = array<i32>} : memref<3x128xi32, #tpu.memory_space<vmem>>, vector<16xi32>,
      tpu.vector_store %arg14[%swap3A_517, %swap3A_518], %select_n3A_515 {strides = array<i32>} : memref<3x128xi32, #tpu.memory_space<vmem>>, vector<16xi32>,
      %get3A_520 = arith.constant 208 : index
      %get3A_521 = tpu.vector_load %arg12[%get3A_520] {strides = array<i32>} : memref<1024xi32, #tpu.memory_space<vmem>>, vector<16xi32>,
      %gather3A_522 = tpu.vector_load_idx %arg9[%get3A_521] : memref<40000xi32, #tpu.memory_space<vmem>>[vector<16xi32>], vector<16xi32>,
      %swap3A_523 = arith.constant 1 : i32
      %swap3A_524 = arith.index_cast %swap3A_523 : i32 to index
      %swap3A_525 = arith.constant 80 : index
      %swap3A_526 = tpu.vector_load %arg13[%swap3A_524, %swap3A_525] {strides = array<i32>} : memref<2x128xi32, #tpu.memory_space<vmem>>, vector<16xi32>,
      tpu.vector_store %arg13[%swap3A_524, %swap3A_525], %gather3A_522 {strides = array<i32>} : memref<2x128xi32, #tpu.memory_space<vmem>>, vector<16xi32>,
      %get3A_527 = arith.constant 208 : index
      %get3A_528 = tpu.vector_load %arg11[%get3A_527] {strides = array<i32>} : memref<1024xi32, #tpu.memory_space<vmem>>, vector<16xi32>,
      %sub3A_529 = vector.broadcast %mul3A_10 : i32 to vector<16xi32>
      %sub3A_530 = arith.subi %get3A_528, %sub3A_529 : vector<16xi32>
      %ge3A_531 = arith.constant 0 : i32
      %ge3A_532 = vector.broadcast %ge3A_531 : i32 to vector<16xi32>
      %ge3A_533 = arith.cmpi sge, %sub3A_530, %ge3A_532 : vector<16xi32>
      %lt3A_534 = arith.constant 25088 : i32
      %lt3A_535 = vector.broadcast %lt3A_534 : i32 to vector<16xi32>
      %lt3A_536 = arith.cmpi slt, %sub3A_530, %lt3A_535 : vector<16xi32>
      %and3A_537 = arith.andi %ge3A_533, %lt3A_536 : vector<16xi1>
      %jit3A_538 = arith.constant 25200 : i32
      %broadcast_in_dim3A_539 = vector.broadcast %jit3A_538 : i32 to vector<16xi32>
      %select_n3A_540 = arith.select %and3A_537, %sub3A_530, %broadcast_in_dim3A_539 : vector<16xi1>, vector<16xi32>
      %swap3A_541 = arith.constant 1 : i32
      %swap3A_542 = arith.index_cast %swap3A_541 : i32 to index
      %swap3A_543 = arith.constant 80 : index
      %swap3A_544 = tpu.vector_load %arg14[%swap3A_542, %swap3A_543] {strides = array<i32>} : memref<3x128xi32, #tpu.memory_space<vmem>>, vector<16xi32>,
      tpu.vector_store %arg14[%swap3A_542, %swap3A_543], %select_n3A_540 {strides = array<i32>} : memref<3x128xi32, #tpu.memory_space<vmem>>, vector<16xi32>,
      %get3A_545 = arith.constant 224 : index
      %get3A_546 = tpu.vector_load %arg12[%get3A_545] {strides = array<i32>} : memref<1024xi32, #tpu.memory_space<vmem>>, vector<16xi32>,
      %gather3A_547 = tpu.vector_load_idx %arg9[%get3A_546] : memref<40000xi32, #tpu.memory_space<vmem>>[vector<16xi32>], vector<16xi32>,
      %swap3A_548 = arith.constant 1 : i32
      %swap3A_549 = arith.index_cast %swap3A_548 : i32 to index
      %swap3A_550 = arith.constant 96 : index
      %swap3A_551 = tpu.vector_load %arg13[%swap3A_549, %swap3A_550] {strides = array<i32>} : memref<2x128xi32, #tpu.memory_space<vmem>>, vector<16xi32>,
      tpu.vector_store %arg13[%swap3A_549, %swap3A_550], %gather3A_547 {strides = array<i32>} : memref<2x128xi32, #tpu.memory_space<vmem>>, vector<16xi32>,
      %get3A_552 = arith.constant 224 : index
      %get3A_553 = tpu.vector_load %arg11[%get3A_552] {strides = array<i32>} : memref<1024xi32, #tpu.memory_space<vmem>>, vector<16xi32>,
      %sub3A_554 = vector.broadcast %mul3A_10 : i32 to vector<16xi32>
      %sub3A_555 = arith.subi %get3A_553, %sub3A_554 : vector<16xi32>
      %ge3A_556 = arith.constant 0 : i32
      %ge3A_557 = vector.broadcast %ge3A_556 : i32 to vector<16xi32>
      %ge3A_558 = arith.cmpi sge, %sub3A_555, %ge3A_557 : vector<16xi32>
      %lt3A_559 = arith.constant 25088 : i32
      %lt3A_560 = vector.broadcast %lt3A_559 : i32 to vector<16xi32>
      %lt3A_561 = arith.cmpi slt, %sub3A_555, %lt3A_560 : vector<16xi32>
      %and3A_562 = arith.andi %ge3A_558, %lt3A_561 : vector<16xi1>
      %jit3A_563 = arith.constant 25200 : i32
      %broadcast_in_dim3A_564 = vector.broadcast %jit3A_563 : i32 to vector<16xi32>
      %select_n3A_565 = arith.select %and3A_562, %sub3A_555, %broadcast_in_dim3A_564 : vector<16xi1>, vector<16xi32>
      %swap3A_566 = arith.constant 1 : i32
      %swap3A_567 = arith.index_cast %swap3A_566 : i32 to index
      %swap3A_568 = arith.constant 96 : index
      %swap3A_569 = tpu.vector_load %arg14[%swap3A_567, %swap3A_568] {strides = array<i32>} : memref<3x128xi32, #tpu.memory_space<vmem>>, vector<16xi32>,
      tpu.vector_store %arg14[%swap3A_567, %swap3A_568], %select_n3A_565 {strides = array<i32>} : memref<3x128xi32, #tpu.memory_space<vmem>>, vector<16xi32>,
      %get3A_570 = arith.constant 240 : index
      %get3A_571 = tpu.vector_load %arg12[%get3A_570] {strides = array<i32>} : memref<1024xi32, #tpu.memory_space<vmem>>, vector<16xi32>,
      %gather3A_572 = tpu.vector_load_idx %arg9[%get3A_571] : memref<40000xi32, #tpu.memory_space<vmem>>[vector<16xi32>], vector<16xi32>,
      %swap3A_573 = arith.constant 1 : i32
      %swap3A_574 = arith.index_cast %swap3A_573 : i32 to index
      %swap3A_575 = arith.constant 112 : index
      %swap3A_576 = tpu.vector_load %arg13[%swap3A_574, %swap3A_575] {strides = array<i32>} : memref<2x128xi32, #tpu.memory_space<vmem>>, vector<16xi32>,
      tpu.vector_store %arg13[%swap3A_574, %swap3A_575], %gather3A_572 {strides = array<i32>} : memref<2x128xi32, #tpu.memory_space<vmem>>, vector<16xi32>,
      %get3A_577 = arith.constant 240 : index
      %get3A_578 = tpu.vector_load %arg11[%get3A_577] {strides = array<i32>} : memref<1024xi32, #tpu.memory_space<vmem>>, vector<16xi32>,
      %sub3A_579 = vector.broadcast %mul3A_10 : i32 to vector<16xi32>
      %sub3A_580 = arith.subi %get3A_578, %sub3A_579 : vector<16xi32>
      %ge3A_581 = arith.constant 0 : i32
      %ge3A_582 = vector.broadcast %ge3A_581 : i32 to vector<16xi32>
      %ge3A_583 = arith.cmpi sge, %sub3A_580, %ge3A_582 : vector<16xi32>
      %lt3A_584 = arith.constant 25088 : i32
      %lt3A_585 = vector.broadcast %lt3A_584 : i32 to vector<16xi32>
      %lt3A_586 = arith.cmpi slt, %sub3A_580, %lt3A_585 : vector<16xi32>
      %and3A_587 = arith.andi %ge3A_583, %lt3A_586 : vector<16xi1>
      %jit3A_588 = arith.constant 25200 : i32
      %broadcast_in_dim3A_589 = vector.broadcast %jit3A_588 : i32 to vector<16xi32>
      %select_n3A_590 = arith.select %and3A_587, %sub3A_580, %broadcast_in_dim3A_589 : vector<16xi1>, vector<16xi32>
      %swap3A_591 = arith.constant 1 : i32
      %swap3A_592 = arith.index_cast %swap3A_591 : i32 to index
      %swap3A_593 = arith.constant 112 : index
      %swap3A_594 = tpu.vector_load %arg14[%swap3A_592, %swap3A_593] {strides = array<i32>} : memref<3x128xi32, #tpu.memory_space<vmem>>, vector<16xi32>,
      tpu.vector_store %arg14[%swap3A_592, %swap3A_593], %select_n3A_590 {strides = array<i32>} : memref<3x128xi32, #tpu.memory_space<vmem>>, vector<16xi32>,
      %dma_start3A_595 = arith.constant 1 : i32
      %dma_start3A_596 = arith.constant 0 : i32
      %dma_start3A_597 = tpu.memref_slice %arg13[%dma_start3A_595, %dma_start3A_596] : memref<2x128xi32, #tpu.memory_space<vmem>> -> memref<1x128xi32, #tpu.memory_space<vmem>>
      %dma_start3A_598 = tpu.memref_squeeze %dma_start3A_597 : memref<1x128xi32, #tpu.memory_space<vmem>> -> memref<128xi32, #tpu.memory_space<vmem>>
      %dma_start3A_599 = arith.constant 0 : i32
      %dma_start3A_600 = arith.constant 0 : i32
      %dma_start3A_601 = tpu.memref_slice %arg2[%dma_start3A_599, %dma_start3A_600] : memref<50000x64xbf16, #tpu.memory_space<hbm>> -> memref<50000x64xbf16, #tpu.memory_space<hbm>>
      tpu.enqueue_indirect_dma source(%dma_start3A_601 : memref<50000x64xbf16, #tpu.memory_space<hbm>>) target(%arg16 : memref<128x64xbf16, #tpu.memory_space<vmem>>) offsets(%dma_start3A_598 : memref<128xi32, #tpu.memory_space<vmem>>) semaphore(%arg19 : memref<!tpu.dma_semaphore, #tpu.memory_space<semaphore_mem>>)
      %dma_wait3A_602 = arith.constant 0 : i32
      %dma_wait3A_603 = arith.constant 0 : i32
      %dma_wait3A_604 = tpu.memref_slice %arg13[%dma_wait3A_602, %dma_wait3A_603] : memref<2x128xi32, #tpu.memory_space<vmem>> -> memref<1x128xi32, #tpu.memory_space<vmem>>
      %dma_wait3A_605 = tpu.memref_squeeze %dma_wait3A_604 : memref<1x128xi32, #tpu.memory_space<vmem>> -> memref<128xi32, #tpu.memory_space<vmem>>
      %dma_wait3A_606 = arith.constant 0 : i32
      %dma_wait3A_607 = arith.constant 0 : i32
      %dma_wait3A_608 = tpu.memref_slice %arg2[%dma_wait3A_606, %dma_wait3A_607] : memref<50000x64xbf16, #tpu.memory_space<hbm>> -> memref<50000x64xbf16, #tpu.memory_space<hbm>>
      tpu.wait_indirect_dma semaphore(%arg18 : memref<!tpu.dma_semaphore, #tpu.memory_space<semaphore_mem>>) src(%dma_wait3A_608 : memref<50000x64xbf16, #tpu.memory_space<hbm>>) dst(%arg15 : memref<128x64xbf16, #tpu.memory_space<vmem>>)
      %dma_start3A_609 = arith.constant 0 : i32
      %dma_start3A_610 = arith.constant 0 : i32
      %dma_start3A_611 = tpu.memref_slice %arg14[%dma_start3A_609, %dma_start3A_610] : memref<3x128xi32, #tpu.memory_space<vmem>> -> memref<1x128xi32, #tpu.memory_space<vmem>>
      %dma_start3A_612 = tpu.memref_squeeze %dma_start3A_611 : memref<1x128xi32, #tpu.memory_space<vmem>> -> memref<128xi32, #tpu.memory_space<vmem>>
      %dma_start3A_613 = arith.constant 0 : i32
      %dma_start3A_614 = arith.constant 0 : i32
      %dma_start3A_615 = tpu.memref_slice %arg17[%dma_start3A_613, %dma_start3A_614] : memref<25344x64xbf16, #tpu.memory_space<vmem_shared>> -> memref<25344x64xbf16, #tpu.memory_space<vmem_shared>>
      tpu.enqueue_indirect_dma source(%arg15 : memref<128x64xbf16, #tpu.memory_space<vmem>>) target(%dma_start3A_615 : memref<25344x64xbf16, #tpu.memory_space<vmem_shared>>) offsets(%dma_start3A_612 : memref<128xi32, #tpu.memory_space<vmem>>) semaphore(%arg20 : memref<!tpu.dma_semaphore, #tpu.memory_space<semaphore_mem>>) {add = true}
      %dma_wait3A_616 = arith.constant 1 : i32
      %dma_wait3A_617 = arith.constant 0 : i32
      %dma_wait3A_618 = tpu.memref_slice %arg13[%dma_wait3A_616, %dma_wait3A_617] : memref<2x128xi32, #tpu.memory_space<vmem>> -> memref<1x128xi32, #tpu.memory_space<vmem>>
      %dma_wait3A_619 = tpu.memref_squeeze %dma_wait3A_618 : memref<1x128xi32, #tpu.memory_space<vmem>> -> memref<128xi32, #tpu.memory_space<vmem>>
      %dma_wait3A_620 = arith.constant 0 : i32
      %dma_wait3A_621 = arith.constant 0 : i32
      %dma_wait3A_622 = tpu.memref_slice %arg2[%dma_wait3A_620, %dma_wait3A_621] : memref<50000x64xbf16, #tpu.memory_space<hbm>> -> memref<50000x64xbf16, #tpu.memory_space<hbm>>
      tpu.wait_indirect_dma semaphore(%arg19 : memref<!tpu.dma_semaphore, #tpu.memory_space<semaphore_mem>>) src(%dma_wait3A_622 : memref<50000x64xbf16, #tpu.memory_space<hbm>>) dst(%arg16 : memref<128x64xbf16, #tpu.memory_space<vmem>>)
      %dma_start3A_623 = arith.constant 1 : i32
      %dma_start3A_624 = arith.constant 0 : i32
      %dma_start3A_625 = tpu.memref_slice %arg14[%dma_start3A_623, %dma_start3A_624] : memref<3x128xi32, #tpu.memory_space<vmem>> -> memref<1x128xi32, #tpu.memory_space<vmem>>
      %dma_start3A_626 = tpu.memref_squeeze %dma_start3A_625 : memref<1x128xi32, #tpu.memory_space<vmem>> -> memref<128xi32, #tpu.memory_space<vmem>>
      %dma_start3A_627 = arith.constant 0 : i32
      %dma_start3A_628 = arith.constant 0 : i32
      %dma_start3A_629 = tpu.memref_slice %arg17[%dma_start3A_627, %dma_start3A_628] : memref<25344x64xbf16, #tpu.memory_space<vmem_shared>> -> memref<25344x64xbf16, #tpu.memory_space<vmem_shared>>
      tpu.enqueue_indirect_dma source(%arg16 : memref<128x64xbf16, #tpu.memory_space<vmem>>) target(%dma_start3A_629 : memref<25344x64xbf16, #tpu.memory_space<vmem_shared>>) offsets(%dma_start3A_626 : memref<128xi32, #tpu.memory_space<vmem>>) semaphore(%arg21 : memref<!tpu.dma_semaphore, #tpu.memory_space<semaphore_mem>>) {add = true}
      %dma_wait3A_630 = arith.constant 0 : i32
      %dma_wait3A_631 = arith.constant 0 : i32
      %dma_wait3A_632 = tpu.memref_slice %arg2[%dma_wait3A_630, %dma_wait3A_631] : memref<50000x64xbf16, #tpu.memory_space<hbm>> -> memref<128x64xbf16, #tpu.memory_space<hbm>>
      %dma_wait3A_633 = arith.constant 0 : i32
      %dma_wait3A_634 = arith.constant 0 : i32
      %dma_wait3A_635 = tpu.memref_slice %arg2[%dma_wait3A_633, %dma_wait3A_634] : memref<50000x64xbf16, #tpu.memory_space<hbm>> -> memref<128x64xbf16, #tpu.memory_space<hbm>>
      tpu.wait_dma2 semaphore(%arg20 : memref<!tpu.dma_semaphore, #tpu.memory_space<semaphore_mem>>) src(%dma_wait3A_635 : memref<128x64xbf16, #tpu.memory_space<hbm>>) dst(%arg15 : memref<128x64xbf16, #tpu.memory_space<vmem>>)
      %get3A_636 = arith.constant 256 : index
      %get3A_637 = tpu.vector_load %arg12[%get3A_636] {strides = array<i32>} : memref<1024xi32, #tpu.memory_space<vmem>>, vector<16xi32>,
      %gather3A_638 = tpu.vector_load_idx %arg9[%get3A_637] : memref<40000xi32, #tpu.memory_space<vmem>>[vector<16xi32>], vector<16xi32>,
      %swap3A_639 = arith.constant 0 : i32
      %swap3A_640 = arith.index_cast %swap3A_639 : i32 to index
      %swap3A_641 = arith.constant 0 : index
      %swap3A_642 = tpu.vector_load %arg13[%swap3A_640, %swap3A_641] {strides = array<i32>} : memref<2x128xi32, #tpu.memory_space<vmem>>, vector<16xi32>,
      tpu.vector_store %arg13[%swap3A_640, %swap3A_641], %gather3A_638 {strides = array<i32>} : memref<2x128xi32, #tpu.memory_space<vmem>>, vector<16xi32>,
      %get3A_643 = arith.constant 256 : index
      %get3A_644 = tpu.vector_load %arg11[%get3A_643] {strides = array<i32>} : memref<1024xi32, #tpu.memory_space<vmem>>, vector<16xi32>,
      %sub3A_645 = vector.broadcast %mul3A_10 : i32 to vector<16xi32>
      %sub3A_646 = arith.subi %get3A_644, %sub3A_645 : vector<16xi32>
      %ge3A_647 = arith.constant 0 : i32
      %ge3A_648 = vector.broadcast %ge3A_647 : i32 to vector<16xi32>
      %ge3A_649 = arith.cmpi sge, %sub3A_646, %ge3A_648 : vector<16xi32>
      %lt3A_650 = arith.constant 25088 : i32
      %lt3A_651 = vector.broadcast %lt3A_650 : i32 to vector<16xi32>
      %lt3A_652 = arith.cmpi slt, %sub3A_646, %lt3A_651 : vector<16xi32>
      %and3A_653 = arith.andi %ge3A_649, %lt3A_652 : vector<16xi1>
      %jit3A_654 = arith.constant 25200 : i32
      %broadcast_in_dim3A_655 = vector.broadcast %jit3A_654 : i32 to vector<16xi32>
      %select_n3A_656 = arith.select %and3A_653, %sub3A_646, %broadcast_in_dim3A_655 : vector<16xi1>, vector<16xi32>
      %swap3A_657 = arith.constant 0 : i32
      %swap3A_658 = arith.index_cast %swap3A_657 : i32 to index
      %swap3A_659 = arith.constant 0 : index
      %swap3A_660 = tpu.vector_load %arg14[%swap3A_658, %swap3A_659] {strides = array<i32>} : memref<3x128xi32, #tpu.memory_space<vmem>>, vector<16xi32>,
      tpu.vector_store %arg14[%swap3A_658, %swap3A_659], %select_n3A_656 {strides = array<i32>} : memref<3x128xi32, #tpu.memory_space<vmem>>, vector<16xi32>,
      %get3A_661 = arith.constant 272 : index
      %get3A_662 = tpu.vector_load %arg12[%get3A_661] {strides = array<i32>} : memref<1024xi32, #tpu.memory_space<vmem>>, vector<16xi32>,
      %gather3A_663 = tpu.vector_load_idx %arg9[%get3A_662] : memref<40000xi32, #tpu.memory_space<vmem>>[vector<16xi32>], vector<16xi32>,
      %swap3A_664 = arith.constant 0 : i32
      %swap3A_665 = arith.index_cast %swap3A_664 : i32 to index
      %swap3A_666 = arith.constant 16 : index
      %swap3A_667 = tpu.vector_load %arg13[%swap3A_665, %swap3A_666] {strides = array<i32>} : memref<2x128xi32, #tpu.memory_space<vmem>>, vector<16xi32>,
      tpu.vector_store %arg13[%swap3A_665, %swap3A_666], %gather3A_663 {strides = array<i32>} : memref<2x128xi32, #tpu.memory_space<vmem>>, vector<16xi32>,
      %get3A_668 = arith.constant 272 : index
      %get3A_669 = tpu.vector_load %arg11[%get3A_668] {strides = array<i32>} : memref<1024xi32, #tpu.memory_space<vmem>>, vector<16xi32>,
      %sub3A_670 = vector.broadcast %mul3A_10 : i32 to vector<16xi32>
      %sub3A_671 = arith.subi %get3A_669, %sub3A_670 : vector<16xi32>
      %ge3A_672 = arith.constant 0 : i32
      %ge3A_673 = vector.broadcast %ge3A_672 : i32 to vector<16xi32>
      %ge3A_674 = arith.cmpi sge, %sub3A_671, %ge3A_673 : vector<16xi32>
      %lt3A_675 = arith.constant 25088 : i32
      %lt3A_676 = vector.broadcast %lt3A_675 : i32 to vector<16xi32>
      %lt3A_677 = arith.cmpi slt, %sub3A_671, %lt3A_676 : vector<16xi32>
      %and3A_678 = arith.andi %ge3A_674, %lt3A_677 : vector<16xi1>
      %jit3A_679 = arith.constant 25200 : i32
      %broadcast_in_dim3A_680 = vector.broadcast %jit3A_679 : i32 to vector<16xi32>
      %select_n3A_681 = arith.select %and3A_678, %sub3A_671, %broadcast_in_dim3A_680 : vector<16xi1>, vector<16xi32>
      %swap3A_682 = arith.constant 0 : i32
      %swap3A_683 = arith.index_cast %swap3A_682 : i32 to index
      %swap3A_684 = arith.constant 16 : index
      %swap3A_685 = tpu.vector_load %arg14[%swap3A_683, %swap3A_684] {strides = array<i32>} : memref<3x128xi32, #tpu.memory_space<vmem>>, vector<16xi32>,
      tpu.vector_store %arg14[%swap3A_683, %swap3A_684], %select_n3A_681 {strides = array<i32>} : memref<3x128xi32, #tpu.memory_space<vmem>>, vector<16xi32>,
      %get3A_686 = arith.constant 288 : index
      %get3A_687 = tpu.vector_load %arg12[%get3A_686] {strides = array<i32>} : memref<1024xi32, #tpu.memory_space<vmem>>, vector<16xi32>,
      %gather3A_688 = tpu.vector_load_idx %arg9[%get3A_687] : memref<40000xi32, #tpu.memory_space<vmem>>[vector<16xi32>], vector<16xi32>,
      %swap3A_689 = arith.constant 0 : i32
      %swap3A_690 = arith.index_cast %swap3A_689 : i32 to index
      %swap3A_691 = arith.constant 32 : index
      %swap3A_692 = tpu.vector_load %arg13[%swap3A_690, %swap3A_691] {strides = array<i32>} : memref<2x128xi32, #tpu.memory_space<vmem>>, vector<16xi32>,
      tpu.vector_store %arg13[%swap3A_690, %swap3A_691], %gather3A_688 {strides = array<i32>} : memref<2x128xi32, #tpu.memory_space<vmem>>, vector<16xi32>,
      %get3A_693 = arith.constant 288 : index
      %get3A_694 = tpu.vector_load %arg11[%get3A_693] {strides = array<i32>} : memref<1024xi32, #tpu.memory_space<vmem>>, vector<16xi32>,
      %sub3A_695 = vector.broadcast %mul3A_10 : i32 to vector<16xi32>
      %sub3A_696 = arith.subi %get3A_694, %sub3A_695 : vector<16xi32>
      %ge3A_697 = arith.constant 0 : i32
      %ge3A_698 = vector.broadcast %ge3A_697 : i32 to vector<16xi32>
      %ge3A_699 = arith.cmpi sge, %sub3A_696, %ge3A_698 : vector<16xi32>
      %lt3A_700 = arith.constant 25088 : i32
      %lt3A_701 = vector.broadcast %lt3A_700 : i32 to vector<16xi32>
      %lt3A_702 = arith.cmpi slt, %sub3A_696, %lt3A_701 : vector<16xi32>
      %and3A_703 = arith.andi %ge3A_699, %lt3A_702 : vector<16xi1>
      %jit3A_704 = arith.constant 25200 : i32
      %broadcast_in_dim3A_705 = vector.broadcast %jit3A_704 : i32 to vector<16xi32>
      %select_n3A_706 = arith.select %and3A_703, %sub3A_696, %broadcast_in_dim3A_705 : vector<16xi1>, vector<16xi32>
      %swap3A_707 = arith.constant 0 : i32
      %swap3A_708 = arith.index_cast %swap3A_707 : i32 to index
      %swap3A_709 = arith.constant 32 : index
      %swap3A_710 = tpu.vector_load %arg14[%swap3A_708, %swap3A_709] {strides = array<i32>} : memref<3x128xi32, #tpu.memory_space<vmem>>, vector<16xi32>,
      tpu.vector_store %arg14[%swap3A_708, %swap3A_709], %select_n3A_706 {strides = array<i32>} : memref<3x128xi32, #tpu.memory_space<vmem>>, vector<16xi32>,
      %get3A_711 = arith.constant 304 : index
      %get3A_712 = tpu.vector_load %arg12[%get3A_711] {strides = array<i32>} : memref<1024xi32, #tpu.memory_space<vmem>>, vector<16xi32>,
      %gather3A_713 = tpu.vector_load_idx %arg9[%get3A_712] : memref<40000xi32, #tpu.memory_space<vmem>>[vector<16xi32>], vector<16xi32>,
      %swap3A_714 = arith.constant 0 : i32
      %swap3A_715 = arith.index_cast %swap3A_714 : i32 to index
      %swap3A_716 = arith.constant 48 : index
      %swap3A_717 = tpu.vector_load %arg13[%swap3A_715, %swap3A_716] {strides = array<i32>} : memref<2x128xi32, #tpu.memory_space<vmem>>, vector<16xi32>,
      tpu.vector_store %arg13[%swap3A_715, %swap3A_716], %gather3A_713 {strides = array<i32>} : memref<2x128xi32, #tpu.memory_space<vmem>>, vector<16xi32>,
      %get3A_718 = arith.constant 304 : index
      %get3A_719 = tpu.vector_load %arg11[%get3A_718] {strides = array<i32>} : memref<1024xi32, #tpu.memory_space<vmem>>, vector<16xi32>,
      %sub3A_720 = vector.broadcast %mul3A_10 : i32 to vector<16xi32>
      %sub3A_721 = arith.subi %get3A_719, %sub3A_720 : vector<16xi32>
      %ge3A_722 = arith.constant 0 : i32
      %ge3A_723 = vector.broadcast %ge3A_722 : i32 to vector<16xi32>
      %ge3A_724 = arith.cmpi sge, %sub3A_721, %ge3A_723 : vector<16xi32>
      %lt3A_725 = arith.constant 25088 : i32
      %lt3A_726 = vector.broadcast %lt3A_725 : i32 to vector<16xi32>
      %lt3A_727 = arith.cmpi slt, %sub3A_721, %lt3A_726 : vector<16xi32>
      %and3A_728 = arith.andi %ge3A_724, %lt3A_727 : vector<16xi1>
      %jit3A_729 = arith.constant 25200 : i32
      %broadcast_in_dim3A_730 = vector.broadcast %jit3A_729 : i32 to vector<16xi32>
      %select_n3A_731 = arith.select %and3A_728, %sub3A_721, %broadcast_in_dim3A_730 : vector<16xi1>, vector<16xi32>
      %swap3A_732 = arith.constant 0 : i32
      %swap3A_733 = arith.index_cast %swap3A_732 : i32 to index
      %swap3A_734 = arith.constant 48 : index
      %swap3A_735 = tpu.vector_load %arg14[%swap3A_733, %swap3A_734] {strides = array<i32>} : memref<3x128xi32, #tpu.memory_space<vmem>>, vector<16xi32>,
      tpu.vector_store %arg14[%swap3A_733, %swap3A_734], %select_n3A_731 {strides = array<i32>} : memref<3x128xi32, #tpu.memory_space<vmem>>, vector<16xi32>,
      %get3A_736 = arith.constant 320 : index
      %get3A_737 = tpu.vector_load %arg12[%get3A_736] {strides = array<i32>} : memref<1024xi32, #tpu.memory_space<vmem>>, vector<16xi32>,
      %gather3A_738 = tpu.vector_load_idx %arg9[%get3A_737] : memref<40000xi32, #tpu.memory_space<vmem>>[vector<16xi32>], vector<16xi32>,
      %swap3A_739 = arith.constant 0 : i32
      %swap3A_740 = arith.index_cast %swap3A_739 : i32 to index
      %swap3A_741 = arith.constant 64 : index
      %swap3A_742 = tpu.vector_load %arg13[%swap3A_740, %swap3A_741] {strides = array<i32>} : memref<2x128xi32, #tpu.memory_space<vmem>>, vector<16xi32>,
      tpu.vector_store %arg13[%swap3A_740, %swap3A_741], %gather3A_738 {strides = array<i32>} : memref<2x128xi32, #tpu.memory_space<vmem>>, vector<16xi32>,
      %get3A_743 = arith.constant 320 : index
      %get3A_744 = tpu.vector_load %arg11[%get3A_743] {strides = array<i32>} : memref<1024xi32, #tpu.memory_space<vmem>>, vector<16xi32>,
      %sub3A_745 = vector.broadcast %mul3A_10 : i32 to vector<16xi32>
      %sub3A_746 = arith.subi %get3A_744, %sub3A_745 : vector<16xi32>
      %ge3A_747 = arith.constant 0 : i32
      %ge3A_748 = vector.broadcast %ge3A_747 : i32 to vector<16xi32>
      %ge3A_749 = arith.cmpi sge, %sub3A_746, %ge3A_748 : vector<16xi32>
      %lt3A_750 = arith.constant 25088 : i32
      %lt3A_751 = vector.broadcast %lt3A_750 : i32 to vector<16xi32>
      %lt3A_752 = arith.cmpi slt, %sub3A_746, %lt3A_751 : vector<16xi32>
      %and3A_753 = arith.andi %ge3A_749, %lt3A_752 : vector<16xi1>
      %jit3A_754 = arith.constant 25200 : i32
      %broadcast_in_dim3A_755 = vector.broadcast %jit3A_754 : i32 to vector<16xi32>
      %select_n3A_756 = arith.select %and3A_753, %sub3A_746, %broadcast_in_dim3A_755 : vector<16xi1>, vector<16xi32>
      %swap3A_757 = arith.constant 0 : i32
      %swap3A_758 = arith.index_cast %swap3A_757 : i32 to index
      %swap3A_759 = arith.constant 64 : index
      %swap3A_760 = tpu.vector_load %arg14[%swap3A_758, %swap3A_759] {strides = array<i32>} : memref<3x128xi32, #tpu.memory_space<vmem>>, vector<16xi32>,
      tpu.vector_store %arg14[%swap3A_758, %swap3A_759], %select_n3A_756 {strides = array<i32>} : memref<3x128xi32, #tpu.memory_space<vmem>>, vector<16xi32>,
      %get3A_761 = arith.constant 336 : index
      %get3A_762 = tpu.vector_load %arg12[%get3A_761] {strides = array<i32>} : memref<1024xi32, #tpu.memory_space<vmem>>, vector<16xi32>,
      %gather3A_763 = tpu.vector_load_idx %arg9[%get3A_762] : memref<40000xi32, #tpu.memory_space<vmem>>[vector<16xi32>], vector<16xi32>,
      %swap3A_764 = arith.constant 0 : i32
      %swap3A_765 = arith.index_cast %swap3A_764 : i32 to index
      %swap3A_766 = arith.constant 80 : index
      %swap3A_767 = tpu.vector_load %arg13[%swap3A_765, %swap3A_766] {strides = array<i32>} : memref<2x128xi32, #tpu.memory_space<vmem>>, vector<16xi32>,
      tpu.vector_store %arg13[%swap3A_765, %swap3A_766], %gather3A_763 {strides = array<i32>} : memref<2x128xi32, #tpu.memory_space<vmem>>, vector<16xi32>,
      %get3A_768 = arith.constant 336 : index
      %get3A_769 = tpu.vector_load %arg11[%get3A_768] {strides = array<i32>} : memref<1024xi32, #tpu.memory_space<vmem>>, vector<16xi32>,
      %sub3A_770 = vector.broadcast %mul3A_10 : i32 to vector<16xi32>
      %sub3A_771 = arith.subi %get3A_769, %sub3A_770 : vector<16xi32>
      %ge3A_772 = arith.constant 0 : i32
      %ge3A_773 = vector.broadcast %ge3A_772 : i32 to vector<16xi32>
      %ge3A_774 = arith.cmpi sge, %sub3A_771, %ge3A_773 : vector<16xi32>
      %lt3A_775 = arith.constant 25088 : i32
      %lt3A_776 = vector.broadcast %lt3A_775 : i32 to vector<16xi32>
      %lt3A_777 = arith.cmpi slt, %sub3A_771, %lt3A_776 : vector<16xi32>
      %and3A_778 = arith.andi %ge3A_774, %lt3A_777 : vector<16xi1>
      %jit3A_779 = arith.constant 25200 : i32
      %broadcast_in_dim3A_780 = vector.broadcast %jit3A_779 : i32 to vector<16xi32>
      %select_n3A_781 = arith.select %and3A_778, %sub3A_771, %broadcast_in_dim3A_780 : vector<16xi1>, vector<16xi32>
      %swap3A_782 = arith.constant 0 : i32
      %swap3A_783 = arith.index_cast %swap3A_782 : i32 to index
      %swap3A_784 = arith.constant 80 : index
      %swap3A_785 = tpu.vector_load %arg14[%swap3A_783, %swap3A_784] {strides = array<i32>} : memref<3x128xi32, #tpu.memory_space<vmem>>, vector<16xi32>,
      tpu.vector_store %arg14[%swap3A_783, %swap3A_784], %select_n3A_781 {strides = array<i32>} : memref<3x128xi32, #tpu.memory_space<vmem>>, vector<16xi32>,
      %get3A_786 = arith.constant 352 : index
      %get3A_787 = tpu.vector_load %arg12[%get3A_786] {strides = array<i32>} : memref<1024xi32, #tpu.memory_space<vmem>>, vector<16xi32>,
      %gather3A_788 = tpu.vector_load_idx %arg9[%get3A_787] : memref<40000xi32, #tpu.memory_space<vmem>>[vector<16xi32>], vector<16xi32>,
      %swap3A_789 = arith.constant 0 : i32
      %swap3A_790 = arith.index_cast %swap3A_789 : i32 to index
      %swap3A_791 = arith.constant 96 : index
      %swap3A_792 = tpu.vector_load %arg13[%swap3A_790, %swap3A_791] {strides = array<i32>} : memref<2x128xi32, #tpu.memory_space<vmem>>, vector<16xi32>,
      tpu.vector_store %arg13[%swap3A_790, %swap3A_791], %gather3A_788 {strides = array<i32>} : memref<2x128xi32, #tpu.memory_space<vmem>>, vector<16xi32>,
      %get3A_793 = arith.constant 352 : index
      %get3A_794 = tpu.vector_load %arg11[%get3A_793] {strides = array<i32>} : memref<1024xi32, #tpu.memory_space<vmem>>, vector<16xi32>,
      %sub3A_795 = vector.broadcast %mul3A_10 : i32 to vector<16xi32>
      %sub3A_796 = arith.subi %get3A_794, %sub3A_795 : vector<16xi32>
      %ge3A_797 = arith.constant 0 : i32
      %ge3A_798 = vector.broadcast %ge3A_797 : i32 to vector<16xi32>
      %ge3A_799 = arith.cmpi sge, %sub3A_796, %ge3A_798 : vector<16xi32>
      %lt3A_800 = arith.constant 25088 : i32
      %lt3A_801 = vector.broadcast %lt3A_800 : i32 to vector<16xi32>
      %lt3A_802 = arith.cmpi slt, %sub3A_796, %lt3A_801 : vector<16xi32>
      %and3A_803 = arith.andi %ge3A_799, %lt3A_802 : vector<16xi1>
      %jit3A_804 = arith.constant 25200 : i32
      %broadcast_in_dim3A_805 = vector.broadcast %jit3A_804 : i32 to vector<16xi32>
      %select_n3A_806 = arith.select %and3A_803, %sub3A_796, %broadcast_in_dim3A_805 : vector<16xi1>, vector<16xi32>
      %swap3A_807 = arith.constant 0 : i32
      %swap3A_808 = arith.index_cast %swap3A_807 : i32 to index
      %swap3A_809 = arith.constant 96 : index
      %swap3A_810 = tpu.vector_load %arg14[%swap3A_808, %swap3A_809] {strides = array<i32>} : memref<3x128xi32, #tpu.memory_space<vmem>>, vector<16xi32>,
      tpu.vector_store %arg14[%swap3A_808, %swap3A_809], %select_n3A_806 {strides = array<i32>} : memref<3x128xi32, #tpu.memory_space<vmem>>, vector<16xi32>,
      %get3A_811 = arith.constant 368 : index
      %get3A_812 = tpu.vector_load %arg12[%get3A_811] {strides = array<i32>} : memref<1024xi32, #tpu.memory_space<vmem>>, vector<16xi32>,
      %gather3A_813 = tpu.vector_load_idx %arg9[%get3A_812] : memref<40000xi32, #tpu.memory_space<vmem>>[vector<16xi32>], vector<16xi32>,
      %swap3A_814 = arith.constant 0 : i32
      %swap3A_815 = arith.index_cast %swap3A_814 : i32 to index
      %swap3A_816 = arith.constant 112 : index
      %swap3A_817 = tpu.vector_load %arg13[%swap3A_815, %swap3A_816] {strides = array<i32>} : memref<2x128xi32, #tpu.memory_space<vmem>>, vector<16xi32>,
      tpu.vector_store %arg13[%swap3A_815, %swap3A_816], %gather3A_813 {strides = array<i32>} : memref<2x128xi32, #tpu.memory_space<vmem>>, vector<16xi32>,
      %get3A_818 = arith.constant 368 : index
      %get3A_819 = tpu.vector_load %arg11[%get3A_818] {strides = array<i32>} : memref<1024xi32, #tpu.memory_space<vmem>>, vector<16xi32>,
      %sub3A_820 = vector.broadcast %mul3A_10 : i32 to vector<16xi32>
      %sub3A_821 = arith.subi %get3A_819, %sub3A_820 : vector<16xi32>
      %ge3A_822 = arith.constant 0 : i32
      %ge3A_823 = vector.broadcast %ge3A_822 : i32 to vector<16xi32>
      %ge3A_824 = arith.cmpi sge, %sub3A_821, %ge3A_823 : vector<16xi32>
      %lt3A_825 = arith.constant 25088 : i32
      %lt3A_826 = vector.broadcast %lt3A_825 : i32 to vector<16xi32>
      %lt3A_827 = arith.cmpi slt, %sub3A_821, %lt3A_826 : vector<16xi32>
      %and3A_828 = arith.andi %ge3A_824, %lt3A_827 : vector<16xi1>
      %jit3A_829 = arith.constant 25200 : i32
      %broadcast_in_dim3A_830 = vector.broadcast %jit3A_829 : i32 to vector<16xi32>
      %select_n3A_831 = arith.select %and3A_828, %sub3A_821, %broadcast_in_dim3A_830 : vector<16xi1>, vector<16xi32>
      %swap3A_832 = arith.constant 0 : i32
      %swap3A_833 = arith.index_cast %swap3A_832 : i32 to index
      %swap3A_834 = arith.constant 112 : index
      %swap3A_835 = tpu.vector_load %arg14[%swap3A_833, %swap3A_834] {strides = array<i32>} : memref<3x128xi32, #tpu.memory_space<vmem>>, vector<16xi32>,
      tpu.vector_store %arg14[%swap3A_833, %swap3A_834], %select_n3A_831 {strides = array<i32>} : memref<3x128xi32, #tpu.memory_space<vmem>>, vector<16xi32>,
      %dma_start3A_836 = arith.constant 0 : i32
      %dma_start3A_837 = arith.constant 0 : i32
      %dma_start3A_838 = tpu.memref_slice %arg13[%dma_start3A_836, %dma_start3A_837] : memref<2x128xi32, #tpu.memory_space<vmem>> -> memref<1x128xi32, #tpu.memory_space<vmem>>
      %dma_start3A_839 = tpu.memref_squeeze %dma_start3A_838 : memref<1x128xi32, #tpu.memory_space<vmem>> -> memref<128xi32, #tpu.memory_space<vmem>>
      %dma_start3A_840 = arith.constant 0 : i32
      %dma_start3A_841 = arith.constant 0 : i32
      %dma_start3A_842 = tpu.memref_slice %arg2[%dma_start3A_840, %dma_start3A_841] : memref<50000x64xbf16, #tpu.memory_space<hbm>> -> memref<50000x64xbf16, #tpu.memory_space<hbm>>
      tpu.enqueue_indirect_dma source(%dma_start3A_842 : memref<50000x64xbf16, #tpu.memory_space<hbm>>) target(%arg15 : memref<128x64xbf16, #tpu.memory_space<vmem>>) offsets(%dma_start3A_839 : memref<128xi32, #tpu.memory_space<vmem>>) semaphore(%arg18 : memref<!tpu.dma_semaphore, #tpu.memory_space<semaphore_mem>>)
      %dma_wait3A_843 = arith.constant 0 : i32
      %dma_wait3A_844 = arith.constant 0 : i32
      %dma_wait3A_845 = tpu.memref_slice %arg2[%dma_wait3A_843, %dma_wait3A_844] : memref<50000x64xbf16, #tpu.memory_space<hbm>> -> memref<128x64xbf16, #tpu.memory_space<hbm>>
      %dma_wait3A_846 = arith.constant 0 : i32
      %dma_wait3A_847 = arith.constant 0 : i32
      %dma_wait3A_848 = tpu.memref_slice %arg2[%dma_wait3A_846, %dma_wait3A_847] : memref<50000x64xbf16, #tpu.memory_space<hbm>> -> memref<128x64xbf16, #tpu.memory_space<hbm>>
      tpu.wait_dma2 semaphore(%arg21 : memref<!tpu.dma_semaphore, #tpu.memory_space<semaphore_mem>>) src(%dma_wait3A_848 : memref<128x64xbf16, #tpu.memory_space<hbm>>) dst(%arg16 : memref<128x64xbf16, #tpu.memory_space<vmem>>)
      %get3A_849 = arith.constant 384 : index
      %get3A_850 = tpu.vector_load %arg12[%get3A_849] {strides = array<i32>} : memref<1024xi32, #tpu.memory_space<vmem>>, vector<16xi32>,
      %gather3A_851 = tpu.vector_load_idx %arg9[%get3A_850] : memref<40000xi32, #tpu.memory_space<vmem>>[vector<16xi32>], vector<16xi32>,
      %swap3A_852 = arith.constant 1 : i32
      %swap3A_853 = arith.index_cast %swap3A_852 : i32 to index
      %swap3A_854 = arith.constant 0 : index
      %swap3A_855 = tpu.vector_load %arg13[%swap3A_853, %swap3A_854] {strides = array<i32>} : memref<2x128xi32, #tpu.memory_space<vmem>>, vector<16xi32>,
      tpu.vector_store %arg13[%swap3A_853, %swap3A_854], %gather3A_851 {strides = array<i32>} : memref<2x128xi32, #tpu.memory_space<vmem>>, vector<16xi32>,
      %get3A_856 = arith.constant 384 : index
      %get3A_857 = tpu.vector_load %arg11[%get3A_856] {strides = array<i32>} : memref<1024xi32, #tpu.memory_space<vmem>>, vector<16xi32>,
      %sub3A_858 = vector.broadcast %mul3A_10 : i32 to vector<16xi32>
      %sub3A_859 = arith.subi %get3A_857, %sub3A_858 : vector<16xi32>
      %ge3A_860 = arith.constant 0 : i32
      %ge3A_861 = vector.broadcast %ge3A_860 : i32 to vector<16xi32>
      %ge3A_862 = arith.cmpi sge, %sub3A_859, %ge3A_861 : vector<16xi32>
      %lt3A_863 = arith.constant 25088 : i32
      %lt3A_864 = vector.broadcast %lt3A_863 : i32 to vector<16xi32>
      %lt3A_865 = arith.cmpi slt, %sub3A_859, %lt3A_864 : vector<16xi32>
      %and3A_866 = arith.andi %ge3A_862, %lt3A_865 : vector<16xi1>
      %jit3A_867 = arith.constant 25200 : i32
      %broadcast_in_dim3A_868 = vector.broadcast %jit3A_867 : i32 to vector<16xi32>
      %select_n3A_869 = arith.select %and3A_866, %sub3A_859, %broadcast_in_dim3A_868 : vector<16xi1>, vector<16xi32>
      %swap3A_870 = arith.constant 1 : i32
      %swap3A_871 = arith.index_cast %swap3A_870 : i32 to index
      %swap3A_872 = arith.constant 0 : index
      %swap3A_873 = tpu.vector_load %arg14[%swap3A_871, %swap3A_872] {strides = array<i32>} : memref<3x128xi32, #tpu.memory_space<vmem>>, vector<16xi32>,
      tpu.vector_store %arg14[%swap3A_871, %swap3A_872], %select_n3A_869 {strides = array<i32>} : memref<3x128xi32, #tpu.memory_space<vmem>>, vector<16xi32>,
      %get3A_874 = arith.constant 400 : index
      %get3A_875 = tpu.vector_load %arg12[%get3A_874] {strides = array<i32>} : memref<1024xi32, #tpu.memory_space<vmem>>, vector<16xi32>,
      %gather3A_876 = tpu.vector_load_idx %arg9[%get3A_875] : memref<40000xi32, #tpu.memory_space<vmem>>[vector<16xi32>], vector<16xi32>,
      %swap3A_877 = arith.constant 1 : i32
      %swap3A_878 = arith.index_cast %swap3A_877 : i32 to index
      %swap3A_879 = arith.constant 16 : index
      %swap3A_880 = tpu.vector_load %arg13[%swap3A_878, %swap3A_879] {strides = array<i32>} : memref<2x128xi32, #tpu.memory_space<vmem>>, vector<16xi32>,
      tpu.vector_store %arg13[%swap3A_878, %swap3A_879], %gather3A_876 {strides = array<i32>} : memref<2x128xi32, #tpu.memory_space<vmem>>, vector<16xi32>,
      %get3A_881 = arith.constant 400 : index
      %get3A_882 = tpu.vector_load %arg11[%get3A_881] {strides = array<i32>} : memref<1024xi32, #tpu.memory_space<vmem>>, vector<16xi32>,
      %sub3A_883 = vector.broadcast %mul3A_10 : i32 to vector<16xi32>
      %sub3A_884 = arith.subi %get3A_882, %sub3A_883 : vector<16xi32>
      %ge3A_885 = arith.constant 0 : i32
      %ge3A_886 = vector.broadcast %ge3A_885 : i32 to vector<16xi32>
      %ge3A_887 = arith.cmpi sge, %sub3A_884, %ge3A_886 : vector<16xi32>
      %lt3A_888 = arith.constant 25088 : i32
      %lt3A_889 = vector.broadcast %lt3A_888 : i32 to vector<16xi32>
      %lt3A_890 = arith.cmpi slt, %sub3A_884, %lt3A_889 : vector<16xi32>
      %and3A_891 = arith.andi %ge3A_887, %lt3A_890 : vector<16xi1>
      %jit3A_892 = arith.constant 25200 : i32
      %broadcast_in_dim3A_893 = vector.broadcast %jit3A_892 : i32 to vector<16xi32>
      %select_n3A_894 = arith.select %and3A_891, %sub3A_884, %broadcast_in_dim3A_893 : vector<16xi1>, vector<16xi32>
      %swap3A_895 = arith.constant 1 : i32
      %swap3A_896 = arith.index_cast %swap3A_895 : i32 to index
      %swap3A_897 = arith.constant 16 : index
      %swap3A_898 = tpu.vector_load %arg14[%swap3A_896, %swap3A_897] {strides = array<i32>} : memref<3x128xi32, #tpu.memory_space<vmem>>, vector<16xi32>,
      tpu.vector_store %arg14[%swap3A_896, %swap3A_897], %select_n3A_894 {strides = array<i32>} : memref<3x128xi32, #tpu.memory_space<vmem>>, vector<16xi32>,
      %get3A_899 = arith.constant 416 : index
      %get3A_900 = tpu.vector_load %arg12[%get3A_899] {strides = array<i32>} : memref<1024xi32, #tpu.memory_space<vmem>>, vector<16xi32>,
      %gather3A_901 = tpu.vector_load_idx %arg9[%get3A_900] : memref<40000xi32, #tpu.memory_space<vmem>>[vector<16xi32>], vector<16xi32>,
      %swap3A_902 = arith.constant 1 : i32
      %swap3A_903 = arith.index_cast %swap3A_902 : i32 to index
      %swap3A_904 = arith.constant 32 : index
      %swap3A_905 = tpu.vector_load %arg13[%swap3A_903, %swap3A_904] {strides = array<i32>} : memref<2x128xi32, #tpu.memory_space<vmem>>, vector<16xi32>,
      tpu.vector_store %arg13[%swap3A_903, %swap3A_904], %gather3A_901 {strides = array<i32>} : memref<2x128xi32, #tpu.memory_space<vmem>>, vector<16xi32>,
      %get3A_906 = arith.constant 416 : index
      %get3A_907 = tpu.vector_load %arg11[%get3A_906] {strides = array<i32>} : memref<1024xi32, #tpu.memory_space<vmem>>, vector<16xi32>,
      %sub3A_908 = vector.broadcast %mul3A_10 : i32 to vector<16xi32>
      %sub3A_909 = arith.subi %get3A_907, %sub3A_908 : vector<16xi32>
      %ge3A_910 = arith.constant 0 : i32
      %ge3A_911 = vector.broadcast %ge3A_910 : i32 to vector<16xi32>
      %ge3A_912 = arith.cmpi sge, %sub3A_909, %ge3A_911 : vector<16xi32>
      %lt3A_913 = arith.constant 25088 : i32
      %lt3A_914 = vector.broadcast %lt3A_913 : i32 to vector<16xi32>
      %lt3A_915 = arith.cmpi slt, %sub3A_909, %lt3A_914 : vector<16xi32>
      %and3A_916 = arith.andi %ge3A_912, %lt3A_915 : vector<16xi1>
      %jit3A_917 = arith.constant 25200 : i32
      %broadcast_in_dim3A_918 = vector.broadcast %jit3A_917 : i32 to vector<16xi32>
      %select_n3A_919 = arith.select %and3A_916, %sub3A_909, %broadcast_in_dim3A_918 : vector<16xi1>, vector<16xi32>
      %swap3A_920 = arith.constant 1 : i32
      %swap3A_921 = arith.index_cast %swap3A_920 : i32 to index
      %swap3A_922 = arith.constant 32 : index
      %swap3A_923 = tpu.vector_load %arg14[%swap3A_921, %swap3A_922] {strides = array<i32>} : memref<3x128xi32, #tpu.memory_space<vmem>>, vector<16xi32>,
      tpu.vector_store %arg14[%swap3A_921, %swap3A_922], %select_n3A_919 {strides = array<i32>} : memref<3x128xi32, #tpu.memory_space<vmem>>, vector<16xi32>,
      %get3A_924 = arith.constant 432 : index
      %get3A_925 = tpu.vector_load %arg12[%get3A_924] {strides = array<i32>} : memref<1024xi32, #tpu.memory_space<vmem>>, vector<16xi32>,
      %gather3A_926 = tpu.vector_load_idx %arg9[%get3A_925] : memref<40000xi32, #tpu.memory_space<vmem>>[vector<16xi32>], vector<16xi32>,
      %swap3A_927 = arith.constant 1 : i32
      %swap3A_928 = arith.index_cast %swap3A_927 : i32 to index
      %swap3A_929 = arith.constant 48 : index
      %swap3A_930 = tpu.vector_load %arg13[%swap3A_928, %swap3A_929] {strides = array<i32>} : memref<2x128xi32, #tpu.memory_space<vmem>>, vector<16xi32>,
      tpu.vector_store %arg13[%swap3A_928, %swap3A_929], %gather3A_926 {strides = array<i32>} : memref<2x128xi32, #tpu.memory_space<vmem>>, vector<16xi32>,
      %get3A_931 = arith.constant 432 : index
      %get3A_932 = tpu.vector_load %arg11[%get3A_931] {strides = array<i32>} : memref<1024xi32, #tpu.memory_space<vmem>>, vector<16xi32>,
      %sub3A_933 = vector.broadcast %mul3A_10 : i32 to vector<16xi32>
      %sub3A_934 = arith.subi %get3A_932, %sub3A_933 : vector<16xi32>
      %ge3A_935 = arith.constant 0 : i32
      %ge3A_936 = vector.broadcast %ge3A_935 : i32 to vector<16xi32>
      %ge3A_937 = arith.cmpi sge, %sub3A_934, %ge3A_936 : vector<16xi32>
      %lt3A_938 = arith.constant 25088 : i32
      %lt3A_939 = vector.broadcast %lt3A_938 : i32 to vector<16xi32>
      %lt3A_940 = arith.cmpi slt, %sub3A_934, %lt3A_939 : vector<16xi32>
      %and3A_941 = arith.andi %ge3A_937, %lt3A_940 : vector<16xi1>
      %jit3A_942 = arith.constant 25200 : i32
      %broadcast_in_dim3A_943 = vector.broadcast %jit3A_942 : i32 to vector<16xi32>
      %select_n3A_944 = arith.select %and3A_941, %sub3A_934, %broadcast_in_dim3A_943 : vector<16xi1>, vector<16xi32>
      %swap3A_945 = arith.constant 1 : i32
      %swap3A_946 = arith.index_cast %swap3A_945 : i32 to index
      %swap3A_947 = arith.constant 48 : index
      %swap3A_948 = tpu.vector_load %arg14[%swap3A_946, %swap3A_947] {strides = array<i32>} : memref<3x128xi32, #tpu.memory_space<vmem>>, vector<16xi32>,
      tpu.vector_store %arg14[%swap3A_946, %swap3A_947], %select_n3A_944 {strides = array<i32>} : memref<3x128xi32, #tpu.memory_space<vmem>>, vector<16xi32>,
      %get3A_949 = arith.constant 448 : index
      %get3A_950 = tpu.vector_load %arg12[%get3A_949] {strides = array<i32>} : memref<1024xi32, #tpu.memory_space<vmem>>, vector<16xi32>,
      %gather3A_951 = tpu.vector_load_idx %arg9[%get3A_950] : memref<40000xi32, #tpu.memory_space<vmem>>[vector<16xi32>], vector<16xi32>,
      %swap3A_952 = arith.constant 1 : i32
      %swap3A_953 = arith.index_cast %swap3A_952 : i32 to index
      %swap3A_954 = arith.constant 64 : index
      %swap3A_955 = tpu.vector_load %arg13[%swap3A_953, %swap3A_954] {strides = array<i32>} : memref<2x128xi32, #tpu.memory_space<vmem>>, vector<16xi32>,
      tpu.vector_store %arg13[%swap3A_953, %swap3A_954], %gather3A_951 {strides = array<i32>} : memref<2x128xi32, #tpu.memory_space<vmem>>, vector<16xi32>,
      %get3A_956 = arith.constant 448 : index
      %get3A_957 = tpu.vector_load %arg11[%get3A_956] {strides = array<i32>} : memref<1024xi32, #tpu.memory_space<vmem>>, vector<16xi32>,
      %sub3A_958 = vector.broadcast %mul3A_10 : i32 to vector<16xi32>
      %sub3A_959 = arith.subi %get3A_957, %sub3A_958 : vector<16xi32>
      %ge3A_960 = arith.constant 0 : i32
      %ge3A_961 = vector.broadcast %ge3A_960 : i32 to vector<16xi32>
      %ge3A_962 = arith.cmpi sge, %sub3A_959, %ge3A_961 : vector<16xi32>
      %lt3A_963 = arith.constant 25088 : i32
      %lt3A_964 = vector.broadcast %lt3A_963 : i32 to vector<16xi32>
      %lt3A_965 = arith.cmpi slt, %sub3A_959, %lt3A_964 : vector<16xi32>
      %and3A_966 = arith.andi %ge3A_962, %lt3A_965 : vector<16xi1>
      %jit3A_967 = arith.constant 25200 : i32
      %broadcast_in_dim3A_968 = vector.broadcast %jit3A_967 : i32 to vector<16xi32>
      %select_n3A_969 = arith.select %and3A_966, %sub3A_959, %broadcast_in_dim3A_968 : vector<16xi1>, vector<16xi32>
      %swap3A_970 = arith.constant 1 : i32
      %swap3A_971 = arith.index_cast %swap3A_970 : i32 to index
      %swap3A_972 = arith.constant 64 : index
      %swap3A_973 = tpu.vector_load %arg14[%swap3A_971, %swap3A_972] {strides = array<i32>} : memref<3x128xi32, #tpu.memory_space<vmem>>, vector<16xi32>,
      tpu.vector_store %arg14[%swap3A_971, %swap3A_972], %select_n3A_969 {strides = array<i32>} : memref<3x128xi32, #tpu.memory_space<vmem>>, vector<16xi32>,
      %get3A_974 = arith.constant 464 : index
      %get3A_975 = tpu.vector_load %arg12[%get3A_974] {strides = array<i32>} : memref<1024xi32, #tpu.memory_space<vmem>>, vector<16xi32>,
      %gather3A_976 = tpu.vector_load_idx %arg9[%get3A_975] : memref<40000xi32, #tpu.memory_space<vmem>>[vector<16xi32>], vector<16xi32>,
      %swap3A_977 = arith.constant 1 : i32
      %swap3A_978 = arith.index_cast %swap3A_977 : i32 to index
      %swap3A_979 = arith.constant 80 : index
      %swap3A_980 = tpu.vector_load %arg13[%swap3A_978, %swap3A_979] {strides = array<i32>} : memref<2x128xi32, #tpu.memory_space<vmem>>, vector<16xi32>,
      tpu.vector_store %arg13[%swap3A_978, %swap3A_979], %gather3A_976 {strides = array<i32>} : memref<2x128xi32, #tpu.memory_space<vmem>>, vector<16xi32>,
      %get3A_981 = arith.constant 464 : index
      %get3A_982 = tpu.vector_load %arg11[%get3A_981] {strides = array<i32>} : memref<1024xi32, #tpu.memory_space<vmem>>, vector<16xi32>,
      %sub3A_983 = vector.broadcast %mul3A_10 : i32 to vector<16xi32>
      %sub3A_984 = arith.subi %get3A_982, %sub3A_983 : vector<16xi32>
      %ge3A_985 = arith.constant 0 : i32
      %ge3A_986 = vector.broadcast %ge3A_985 : i32 to vector<16xi32>
      %ge3A_987 = arith.cmpi sge, %sub3A_984, %ge3A_986 : vector<16xi32>
      %lt3A_988 = arith.constant 25088 : i32
      %lt3A_989 = vector.broadcast %lt3A_988 : i32 to vector<16xi32>
      %lt3A_990 = arith.cmpi slt, %sub3A_984, %lt3A_989 : vector<16xi32>
      %and3A_991 = arith.andi %ge3A_987, %lt3A_990 : vector<16xi1>
      %jit3A_992 = arith.constant 25200 : i32
      %broadcast_in_dim3A_993 = vector.broadcast %jit3A_992 : i32 to vector<16xi32>
      %select_n3A_994 = arith.select %and3A_991, %sub3A_984, %broadcast_in_dim3A_993 : vector<16xi1>, vector<16xi32>
      %swap3A_995 = arith.constant 1 : i32
      %swap3A_996 = arith.index_cast %swap3A_995 : i32 to index
      %swap3A_997 = arith.constant 80 : index
      %swap3A_998 = tpu.vector_load %arg14[%swap3A_996, %swap3A_997] {strides = array<i32>} : memref<3x128xi32, #tpu.memory_space<vmem>>, vector<16xi32>,
      tpu.vector_store %arg14[%swap3A_996, %swap3A_997], %select_n3A_994 {strides = array<i32>} : memref<3x128xi32, #tpu.memory_space<vmem>>, vector<16xi32>,
      %get3A_999 = arith.constant 480 : index
      %get3A_1000 = tpu.vector_load %arg12[%get3A_999] {strides = array<i32>} : memref<1024xi32, #tpu.memory_space<vmem>>, vector<16xi32>,
      %gather3A_1001 = tpu.vector_load_idx %arg9[%get3A_1000] : memref<40000xi32, #tpu.memory_space<vmem>>[vector<16xi32>], vector<16xi32>,
      %swap3A_1002 = arith.constant 1 : i32
      %swap3A_1003 = arith.index_cast %swap3A_1002 : i32 to index
      %swap3A_1004 = arith.constant 96 : index
      %swap3A_1005 = tpu.vector_load %arg13[%swap3A_1003, %swap3A_1004] {strides = array<i32>} : memref<2x128xi32, #tpu.memory_space<vmem>>, vector<16xi32>,
      tpu.vector_store %arg13[%swap3A_1003, %swap3A_1004], %gather3A_1001 {strides = array<i32>} : memref<2x128xi32, #tpu.memory_space<vmem>>, vector<16xi32>,
      %get3A_1006 = arith.constant 480 : index
      %get3A_1007 = tpu.vector_load %arg11[%get3A_1006] {strides = array<i32>} : memref<1024xi32, #tpu.memory_space<vmem>>, vector<16xi32>,
      %sub3A_1008 = vector.broadcast %mul3A_10 : i32 to vector<16xi32>
      %sub3A_1009 = arith.subi %get3A_1007, %sub3A_1008 : vector<16xi32>
      %ge3A_1010 = arith.constant 0 : i32
      %ge3A_1011 = vector.broadcast %ge3A_1010 : i32 to vector<16xi32>
      %ge3A_1012 = arith.cmpi sge, %sub3A_1009, %ge3A_1011 : vector<16xi32>
      %lt3A_1013 = arith.constant 25088 : i32
      %lt3A_1014 = vector.broadcast %lt3A_1013 : i32 to vector<16xi32>
      %lt3A_1015 = arith.cmpi slt, %sub3A_1009, %lt3A_1014 : vector<16xi32>
      %and3A_1016 = arith.andi %ge3A_1012, %lt3A_1015 : vector<16xi1>
      %jit3A_1017 = arith.constant 25200 : i32
      %broadcast_in_dim3A_1018 = vector.broadcast %jit3A_1017 : i32 to vector<16xi32>
      %select_n3A_1019 = arith.select %and3A_1016, %sub3A_1009, %broadcast_in_dim3A_1018 : vector<16xi1>, vector<16xi32>
      %swap3A_1020 = arith.constant 1 : i32
      %swap3A_1021 = arith.index_cast %swap3A_1020 : i32 to index
      %swap3A_1022 = arith.constant 96 : index
      %swap3A_1023 = tpu.vector_load %arg14[%swap3A_1021, %swap3A_1022] {strides = array<i32>} : memref<3x128xi32, #tpu.memory_space<vmem>>, vector<16xi32>,
      tpu.vector_store %arg14[%swap3A_1021, %swap3A_1022], %select_n3A_1019 {strides = array<i32>} : memref<3x128xi32, #tpu.memory_space<vmem>>, vector<16xi32>,
      %get3A_1024 = arith.constant 496 : index
      %get3A_1025 = tpu.vector_load %arg12[%get3A_1024] {strides = array<i32>} : memref<1024xi32, #tpu.memory_space<vmem>>, vector<16xi32>,
      %gather3A_1026 = tpu.vector_load_idx %arg9[%get3A_1025] : memref<40000xi32, #tpu.memory_space<vmem>>[vector<16xi32>], vector<16xi32>,
      %swap3A_1027 = arith.constant 1 : i32
      %swap3A_1028 = arith.index_cast %swap3A_1027 : i32 to index
      %swap3A_1029 = arith.constant 112 : index
      %swap3A_1030 = tpu.vector_load %arg13[%swap3A_1028, %swap3A_1029] {strides = array<i32>} : memref<2x128xi32, #tpu.memory_space<vmem>>, vector<16xi32>,
      tpu.vector_store %arg13[%swap3A_1028, %swap3A_1029], %gather3A_1026 {strides = array<i32>} : memref<2x128xi32, #tpu.memory_space<vmem>>, vector<16xi32>,
      %get3A_1031 = arith.constant 496 : index
      %get3A_1032 = tpu.vector_load %arg11[%get3A_1031] {strides = array<i32>} : memref<1024xi32, #tpu.memory_space<vmem>>, vector<16xi32>,
      %sub3A_1033 = vector.broadcast %mul3A_10 : i32 to vector<16xi32>
      %sub3A_1034 = arith.subi %get3A_1032, %sub3A_1033 : vector<16xi32>
      %ge3A_1035 = arith.constant 0 : i32
      %ge3A_1036 = vector.broadcast %ge3A_1035 : i32 to vector<16xi32>
      %ge3A_1037 = arith.cmpi sge, %sub3A_1034, %ge3A_1036 : vector<16xi32>
      %lt3A_1038 = arith.constant 25088 : i32
      %lt3A_1039 = vector.broadcast %lt3A_1038 : i32 to vector<16xi32>
      %lt3A_1040 = arith.cmpi slt, %sub3A_1034, %lt3A_1039 : vector<16xi32>
      %and3A_1041 = arith.andi %ge3A_1037, %lt3A_1040 : vector<16xi1>
      %jit3A_1042 = arith.constant 25200 : i32
      %broadcast_in_dim3A_1043 = vector.broadcast %jit3A_1042 : i32 to vector<16xi32>
      %select_n3A_1044 = arith.select %and3A_1041, %sub3A_1034, %broadcast_in_dim3A_1043 : vector<16xi1>, vector<16xi32>
      %swap3A_1045 = arith.constant 1 : i32
      %swap3A_1046 = arith.index_cast %swap3A_1045 : i32 to index
      %swap3A_1047 = arith.constant 112 : index
      %swap3A_1048 = tpu.vector_load %arg14[%swap3A_1046, %swap3A_1047] {strides = array<i32>} : memref<3x128xi32, #tpu.memory_space<vmem>>, vector<16xi32>,
      tpu.vector_store %arg14[%swap3A_1046, %swap3A_1047], %select_n3A_1044 {strides = array<i32>} : memref<3x128xi32, #tpu.memory_space<vmem>>, vector<16xi32>,
      %dma_start3A_1049 = arith.constant 1 : i32
      %dma_start3A_1050 = arith.constant 0 : i32
      %dma_start3A_1051 = tpu.memref_slice %arg13[%dma_start3A_1049, %dma_start3A_1050] : memref<2x128xi32, #tpu.memory_space<vmem>> -> memref<1x128xi32, #tpu.memory_space<vmem>>
      %dma_start3A_1052 = tpu.memref_squeeze %dma_start3A_1051 : memref<1x128xi32, #tpu.memory_space<vmem>> -> memref<128xi32, #tpu.memory_space<vmem>>
      %dma_start3A_1053 = arith.constant 0 : i32
      %dma_start3A_1054 = arith.constant 0 : i32
      %dma_start3A_1055 = tpu.memref_slice %arg2[%dma_start3A_1053, %dma_start3A_1054] : memref<50000x64xbf16, #tpu.memory_space<hbm>> -> memref<50000x64xbf16, #tpu.memory_space<hbm>>
      tpu.enqueue_indirect_dma source(%dma_start3A_1055 : memref<50000x64xbf16, #tpu.memory_space<hbm>>) target(%arg16 : memref<128x64xbf16, #tpu.memory_space<vmem>>) offsets(%dma_start3A_1052 : memref<128xi32, #tpu.memory_space<vmem>>) semaphore(%arg19 : memref<!tpu.dma_semaphore, #tpu.memory_space<semaphore_mem>>)
      %dma_wait3A_1056 = arith.constant 0 : i32
      %dma_wait3A_1057 = arith.constant 0 : i32
      %dma_wait3A_1058 = tpu.memref_slice %arg13[%dma_wait3A_1056, %dma_wait3A_1057] : memref<2x128xi32, #tpu.memory_space<vmem>> -> memref<1x128xi32, #tpu.memory_space<vmem>>
      %dma_wait3A_1059 = tpu.memref_squeeze %dma_wait3A_1058 : memref<1x128xi32, #tpu.memory_space<vmem>> -> memref<128xi32, #tpu.memory_space<vmem>>
      %dma_wait3A_1060 = arith.constant 0 : i32
      %dma_wait3A_1061 = arith.constant 0 : i32
      %dma_wait3A_1062 = tpu.memref_slice %arg2[%dma_wait3A_1060, %dma_wait3A_1061] : memref<50000x64xbf16, #tpu.memory_space<hbm>> -> memref<50000x64xbf16, #tpu.memory_space<hbm>>
      tpu.wait_indirect_dma semaphore(%arg18 : memref<!tpu.dma_semaphore, #tpu.memory_space<semaphore_mem>>) src(%dma_wait3A_1062 : memref<50000x64xbf16, #tpu.memory_space<hbm>>) dst(%arg15 : memref<128x64xbf16, #tpu.memory_space<vmem>>)
      %dma_start3A_1063 = arith.constant 0 : i32
      %dma_start3A_1064 = arith.constant 0 : i32
      %dma_start3A_1065 = tpu.memref_slice %arg14[%dma_start3A_1063, %dma_start3A_1064] : memref<3x128xi32, #tpu.memory_space<vmem>> -> memref<1x128xi32, #tpu.memory_space<vmem>>
      %dma_start3A_1066 = tpu.memref_squeeze %dma_start3A_1065 : memref<1x128xi32, #tpu.memory_space<vmem>> -> memref<128xi32, #tpu.memory_space<vmem>>
      %dma_start3A_1067 = arith.constant 0 : i32
      %dma_start3A_1068 = arith.constant 0 : i32
      %dma_start3A_1069 = tpu.memref_slice %arg17[%dma_start3A_1067, %dma_start3A_1068] : memref<25344x64xbf16, #tpu.memory_space<vmem_shared>> -> memref<25344x64xbf16, #tpu.memory_space<vmem_shared>>
      tpu.enqueue_indirect_dma source(%arg15 : memref<128x64xbf16, #tpu.memory_space<vmem>>) target(%dma_start3A_1069 : memref<25344x64xbf16, #tpu.memory_space<vmem_shared>>) offsets(%dma_start3A_1066 : memref<128xi32, #tpu.memory_space<vmem>>) semaphore(%arg20 : memref<!tpu.dma_semaphore, #tpu.memory_space<semaphore_mem>>) {add = true}
      %dma_wait3A_1070 = arith.constant 1 : i32
      %dma_wait3A_1071 = arith.constant 0 : i32
      %dma_wait3A_1072 = tpu.memref_slice %arg13[%dma_wait3A_1070, %dma_wait3A_1071] : memref<2x128xi32, #tpu.memory_space<vmem>> -> memref<1x128xi32, #tpu.memory_space<vmem>>
      %dma_wait3A_1073 = tpu.memref_squeeze %dma_wait3A_1072 : memref<1x128xi32, #tpu.memory_space<vmem>> -> memref<128xi32, #tpu.memory_space<vmem>>
      %dma_wait3A_1074 = arith.constant 0 : i32
      %dma_wait3A_1075 = arith.constant 0 : i32
      %dma_wait3A_1076 = tpu.memref_slice %arg2[%dma_wait3A_1074, %dma_wait3A_1075] : memref<50000x64xbf16, #tpu.memory_space<hbm>> -> memref<50000x64xbf16, #tpu.memory_space<hbm>>
      tpu.wait_indirect_dma semaphore(%arg19 : memref<!tpu.dma_semaphore, #tpu.memory_space<semaphore_mem>>) src(%dma_wait3A_1076 : memref<50000x64xbf16, #tpu.memory_space<hbm>>) dst(%arg16 : memref<128x64xbf16, #tpu.memory_space<vmem>>)
      %dma_start3A_1077 = arith.constant 1 : i32
      %dma_start3A_1078 = arith.constant 0 : i32
      %dma_start3A_1079 = tpu.memref_slice %arg14[%dma_start3A_1077, %dma_start3A_1078] : memref<3x128xi32, #tpu.memory_space<vmem>> -> memref<1x128xi32, #tpu.memory_space<vmem>>
      %dma_start3A_1080 = tpu.memref_squeeze %dma_start3A_1079 : memref<1x128xi32, #tpu.memory_space<vmem>> -> memref<128xi32, #tpu.memory_space<vmem>>
      %dma_start3A_1081 = arith.constant 0 : i32
      %dma_start3A_1082 = arith.constant 0 : i32
      %dma_start3A_1083 = tpu.memref_slice %arg17[%dma_start3A_1081, %dma_start3A_1082] : memref<25344x64xbf16, #tpu.memory_space<vmem_shared>> -> memref<25344x64xbf16, #tpu.memory_space<vmem_shared>>
      tpu.enqueue_indirect_dma source(%arg16 : memref<128x64xbf16, #tpu.memory_space<vmem>>) target(%dma_start3A_1083 : memref<25344x64xbf16, #tpu.memory_space<vmem_shared>>) offsets(%dma_start3A_1080 : memref<128xi32, #tpu.memory_space<vmem>>) semaphore(%arg21 : memref<!tpu.dma_semaphore, #tpu.memory_space<semaphore_mem>>) {add = true}
      %dma_wait3A_1084 = arith.constant 0 : i32
      %dma_wait3A_1085 = arith.constant 0 : i32
      %dma_wait3A_1086 = tpu.memref_slice %arg2[%dma_wait3A_1084, %dma_wait3A_1085] : memref<50000x64xbf16, #tpu.memory_space<hbm>> -> memref<128x64xbf16, #tpu.memory_space<hbm>>
      %dma_wait3A_1087 = arith.constant 0 : i32
      %dma_wait3A_1088 = arith.constant 0 : i32
      %dma_wait3A_1089 = tpu.memref_slice %arg2[%dma_wait3A_1087, %dma_wait3A_1088] : memref<50000x64xbf16, #tpu.memory_space<hbm>> -> memref<128x64xbf16, #tpu.memory_space<hbm>>
      tpu.wait_dma2 semaphore(%arg20 : memref<!tpu.dma_semaphore, #tpu.memory_space<semaphore_mem>>) src(%dma_wait3A_1089 : memref<128x64xbf16, #tpu.memory_space<hbm>>) dst(%arg15 : memref<128x64xbf16, #tpu.memory_space<vmem>>)
      %get3A_1090 = arith.constant 512 : index
      %get3A_1091 = tpu.vector_load %arg12[%get3A_1090] {strides = array<i32>} : memref<1024xi32, #tpu.memory_space<vmem>>, vector<16xi32>,
      %gather3A_1092 = tpu.vector_load_idx %arg9[%get3A_1091] : memref<40000xi32, #tpu.memory_space<vmem>>[vector<16xi32>], vector<16xi32>,
      %swap3A_1093 = arith.constant 0 : i32
      %swap3A_1094 = arith.index_cast %swap3A_1093 : i32 to index
      %swap3A_1095 = arith.constant 0 : index
      %swap3A_1096 = tpu.vector_load %arg13[%swap3A_1094, %swap3A_1095] {strides = array<i32>} : memref<2x128xi32, #tpu.memory_space<vmem>>, vector<16xi32>,
      tpu.vector_store %arg13[%swap3A_1094, %swap3A_1095], %gather3A_1092 {strides = array<i32>} : memref<2x128xi32, #tpu.memory_space<vmem>>, vector<16xi32>,
      %get3A_1097 = arith.constant 512 : index
      %get3A_1098 = tpu.vector_load %arg11[%get3A_1097] {strides = array<i32>} : memref<1024xi32, #tpu.memory_space<vmem>>, vector<16xi32>,
      %sub3A_1099 = vector.broadcast %mul3A_10 : i32 to vector<16xi32>
      %sub3A_1100 = arith.subi %get3A_1098, %sub3A_1099 : vector<16xi32>
      %ge3A_1101 = arith.constant 0 : i32
      %ge3A_1102 = vector.broadcast %ge3A_1101 : i32 to vector<16xi32>
      %ge3A_1103 = arith.cmpi sge, %sub3A_1100, %ge3A_1102 : vector<16xi32>
      %lt3A_1104 = arith.constant 25088 : i32
      %lt3A_1105 = vector.broadcast %lt3A_1104 : i32 to vector<16xi32>
      %lt3A_1106 = arith.cmpi slt, %sub3A_1100, %lt3A_1105 : vector<16xi32>
      %and3A_1107 = arith.andi %ge3A_1103, %lt3A_1106 : vector<16xi1>
      %jit3A_1108 = arith.constant 25200 : i32
      %broadcast_in_dim3A_1109 = vector.broadcast %jit3A_1108 : i32 to vector<16xi32>
      %select_n3A_1110 = arith.select %and3A_1107, %sub3A_1100, %broadcast_in_dim3A_1109 : vector<16xi1>, vector<16xi32>
      %swap3A_1111 = arith.constant 0 : i32
      %swap3A_1112 = arith.index_cast %swap3A_1111 : i32 to index
      %swap3A_1113 = arith.constant 0 : index
      %swap3A_1114 = tpu.vector_load %arg14[%swap3A_1112, %swap3A_1113] {strides = array<i32>} : memref<3x128xi32, #tpu.memory_space<vmem>>, vector<16xi32>,
      tpu.vector_store %arg14[%swap3A_1112, %swap3A_1113], %select_n3A_1110 {strides = array<i32>} : memref<3x128xi32, #tpu.memory_space<vmem>>, vector<16xi32>,
      %get3A_1115 = arith.constant 528 : index
      %get3A_1116 = tpu.vector_load %arg12[%get3A_1115] {strides = array<i32>} : memref<1024xi32, #tpu.memory_space<vmem>>, vector<16xi32>,
      %gather3A_1117 = tpu.vector_load_idx %arg9[%get3A_1116] : memref<40000xi32, #tpu.memory_space<vmem>>[vector<16xi32>], vector<16xi32>,
      %swap3A_1118 = arith.constant 0 : i32
      %swap3A_1119 = arith.index_cast %swap3A_1118 : i32 to index
      %swap3A_1120 = arith.constant 16 : index
      %swap3A_1121 = tpu.vector_load %arg13[%swap3A_1119, %swap3A_1120] {strides = array<i32>} : memref<2x128xi32, #tpu.memory_space<vmem>>, vector<16xi32>,
      tpu.vector_store %arg13[%swap3A_1119, %swap3A_1120], %gather3A_1117 {strides = array<i32>} : memref<2x128xi32, #tpu.memory_space<vmem>>, vector<16xi32>,
      %get3A_1122 = arith.constant 528 : index
      %get3A_1123 = tpu.vector_load %arg11[%get3A_1122] {strides = array<i32>} : memref<1024xi32, #tpu.memory_space<vmem>>, vector<16xi32>,
      %sub3A_1124 = vector.broadcast %mul3A_10 : i32 to vector<16xi32>
      %sub3A_1125 = arith.subi %get3A_1123, %sub3A_1124 : vector<16xi32>
      %ge3A_1126 = arith.constant 0 : i32
      %ge3A_1127 = vector.broadcast %ge3A_1126 : i32 to vector<16xi32>
      %ge3A_1128 = arith.cmpi sge, %sub3A_1125, %ge3A_1127 : vector<16xi32>
      %lt3A_1129 = arith.constant 25088 : i32
      %lt3A_1130 = vector.broadcast %lt3A_1129 : i32 to vector<16xi32>
      %lt3A_1131 = arith.cmpi slt, %sub3A_1125, %lt3A_1130 : vector<16xi32>
      %and3A_1132 = arith.andi %ge3A_1128, %lt3A_1131 : vector<16xi1>
      %jit3A_1133 = arith.constant 25200 : i32
      %broadcast_in_dim3A_1134 = vector.broadcast %jit3A_1133 : i32 to vector<16xi32>
      %select_n3A_1135 = arith.select %and3A_1132, %sub3A_1125, %broadcast_in_dim3A_1134 : vector<16xi1>, vector<16xi32>
      %swap3A_1136 = arith.constant 0 : i32
      %swap3A_1137 = arith.index_cast %swap3A_1136 : i32 to index
      %swap3A_1138 = arith.constant 16 : index
      %swap3A_1139 = tpu.vector_load %arg14[%swap3A_1137, %swap3A_1138] {strides = array<i32>} : memref<3x128xi32, #tpu.memory_space<vmem>>, vector<16xi32>,
      tpu.vector_store %arg14[%swap3A_1137, %swap3A_1138], %select_n3A_1135 {strides = array<i32>} : memref<3x128xi32, #tpu.memory_space<vmem>>, vector<16xi32>,
      %get3A_1140 = arith.constant 544 : index
      %get3A_1141 = tpu.vector_load %arg12[%get3A_1140] {strides = array<i32>} : memref<1024xi32, #tpu.memory_space<vmem>>, vector<16xi32>,
      %gather3A_1142 = tpu.vector_load_idx %arg9[%get3A_1141] : memref<40000xi32, #tpu.memory_space<vmem>>[vector<16xi32>], vector<16xi32>,
      %swap3A_1143 = arith.constant 0 : i32
      %swap3A_1144 = arith.index_cast %swap3A_1143 : i32 to index
      %swap3A_1145 = arith.constant 32 : index
      %swap3A_1146 = tpu.vector_load %arg13[%swap3A_1144, %swap3A_1145] {strides = array<i32>} : memref<2x128xi32, #tpu.memory_space<vmem>>, vector<16xi32>,
      tpu.vector_store %arg13[%swap3A_1144, %swap3A_1145], %gather3A_1142 {strides = array<i32>} : memref<2x128xi32, #tpu.memory_space<vmem>>, vector<16xi32>,
      %get3A_1147 = arith.constant 544 : index
      %get3A_1148 = tpu.vector_load %arg11[%get3A_1147] {strides = array<i32>} : memref<1024xi32, #tpu.memory_space<vmem>>, vector<16xi32>,
      %sub3A_1149 = vector.broadcast %mul3A_10 : i32 to vector<16xi32>
      %sub3A_1150 = arith.subi %get3A_1148, %sub3A_1149 : vector<16xi32>
      %ge3A_1151 = arith.constant 0 : i32
      %ge3A_1152 = vector.broadcast %ge3A_1151 : i32 to vector<16xi32>
      %ge3A_1153 = arith.cmpi sge, %sub3A_1150, %ge3A_1152 : vector<16xi32>
      %lt3A_1154 = arith.constant 25088 : i32
      %lt3A_1155 = vector.broadcast %lt3A_1154 : i32 to vector<16xi32>
      %lt3A_1156 = arith.cmpi slt, %sub3A_1150, %lt3A_1155 : vector<16xi32>
      %and3A_1157 = arith.andi %ge3A_1153, %lt3A_1156 : vector<16xi1>
      %jit3A_1158 = arith.constant 25200 : i32
      %broadcast_in_dim3A_1159 = vector.broadcast %jit3A_1158 : i32 to vector<16xi32>
      %select_n3A_1160 = arith.select %and3A_1157, %sub3A_1150, %broadcast_in_dim3A_1159 : vector<16xi1>, vector<16xi32>
      %swap3A_1161 = arith.constant 0 : i32
      %swap3A_1162 = arith.index_cast %swap3A_1161 : i32 to index
      %swap3A_1163 = arith.constant 32 : index
      %swap3A_1164 = tpu.vector_load %arg14[%swap3A_1162, %swap3A_1163] {strides = array<i32>} : memref<3x128xi32, #tpu.memory_space<vmem>>, vector<16xi32>,
      tpu.vector_store %arg14[%swap3A_1162, %swap3A_1163], %select_n3A_1160 {strides = array<i32>} : memref<3x128xi32, #tpu.memory_space<vmem>>, vector<16xi32>,
      %get3A_1165 = arith.constant 560 : index
      %get3A_1166 = tpu.vector_load %arg12[%get3A_1165] {strides = array<i32>} : memref<1024xi32, #tpu.memory_space<vmem>>, vector<16xi32>,
      %gather3A_1167 = tpu.vector_load_idx %arg9[%get3A_1166] : memref<40000xi32, #tpu.memory_space<vmem>>[vector<16xi32>], vector<16xi32>,
      %swap3A_1168 = arith.constant 0 : i32
      %swap3A_1169 = arith.index_cast %swap3A_1168 : i32 to index
      %swap3A_1170 = arith.constant 48 : index
      %swap3A_1171 = tpu.vector_load %arg13[%swap3A_1169, %swap3A_1170] {strides = array<i32>} : memref<2x128xi32, #tpu.memory_space<vmem>>, vector<16xi32>,
      tpu.vector_store %arg13[%swap3A_1169, %swap3A_1170], %gather3A_1167 {strides = array<i32>} : memref<2x128xi32, #tpu.memory_space<vmem>>, vector<16xi32>,
      %get3A_1172 = arith.constant 560 : index
      %get3A_1173 = tpu.vector_load %arg11[%get3A_1172] {strides = array<i32>} : memref<1024xi32, #tpu.memory_space<vmem>>, vector<16xi32>,
      %sub3A_1174 = vector.broadcast %mul3A_10 : i32 to vector<16xi32>
      %sub3A_1175 = arith.subi %get3A_1173, %sub3A_1174 : vector<16xi32>
      %ge3A_1176 = arith.constant 0 : i32
      %ge3A_1177 = vector.broadcast %ge3A_1176 : i32 to vector<16xi32>
      %ge3A_1178 = arith.cmpi sge, %sub3A_1175, %ge3A_1177 : vector<16xi32>
      %lt3A_1179 = arith.constant 25088 : i32
      %lt3A_1180 = vector.broadcast %lt3A_1179 : i32 to vector<16xi32>
      %lt3A_1181 = arith.cmpi slt, %sub3A_1175, %lt3A_1180 : vector<16xi32>
      %and3A_1182 = arith.andi %ge3A_1178, %lt3A_1181 : vector<16xi1>
      %jit3A_1183 = arith.constant 25200 : i32
      %broadcast_in_dim3A_1184 = vector.broadcast %jit3A_1183 : i32 to vector<16xi32>
      %select_n3A_1185 = arith.select %and3A_1182, %sub3A_1175, %broadcast_in_dim3A_1184 : vector<16xi1>, vector<16xi32>
      %swap3A_1186 = arith.constant 0 : i32
      %swap3A_1187 = arith.index_cast %swap3A_1186 : i32 to index
      %swap3A_1188 = arith.constant 48 : index
      %swap3A_1189 = tpu.vector_load %arg14[%swap3A_1187, %swap3A_1188] {strides = array<i32>} : memref<3x128xi32, #tpu.memory_space<vmem>>, vector<16xi32>,
      tpu.vector_store %arg14[%swap3A_1187, %swap3A_1188], %select_n3A_1185 {strides = array<i32>} : memref<3x128xi32, #tpu.memory_space<vmem>>, vector<16xi32>,
      %get3A_1190 = arith.constant 576 : index
      %get3A_1191 = tpu.vector_load %arg12[%get3A_1190] {strides = array<i32>} : memref<1024xi32, #tpu.memory_space<vmem>>, vector<16xi32>,
      %gather3A_1192 = tpu.vector_load_idx %arg9[%get3A_1191] : memref<40000xi32, #tpu.memory_space<vmem>>[vector<16xi32>], vector<16xi32>,
      %swap3A_1193 = arith.constant 0 : i32
      %swap3A_1194 = arith.index_cast %swap3A_1193 : i32 to index
      %swap3A_1195 = arith.constant 64 : index
      %swap3A_1196 = tpu.vector_load %arg13[%swap3A_1194, %swap3A_1195] {strides = array<i32>} : memref<2x128xi32, #tpu.memory_space<vmem>>, vector<16xi32>,
      tpu.vector_store %arg13[%swap3A_1194, %swap3A_1195], %gather3A_1192 {strides = array<i32>} : memref<2x128xi32, #tpu.memory_space<vmem>>, vector<16xi32>,
      %get3A_1197 = arith.constant 576 : index
      %get3A_1198 = tpu.vector_load %arg11[%get3A_1197] {strides = array<i32>} : memref<1024xi32, #tpu.memory_space<vmem>>, vector<16xi32>,
      %sub3A_1199 = vector.broadcast %mul3A_10 : i32 to vector<16xi32>
      %sub3A_1200 = arith.subi %get3A_1198, %sub3A_1199 : vector<16xi32>
      %ge3A_1201 = arith.constant 0 : i32
      %ge3A_1202 = vector.broadcast %ge3A_1201 : i32 to vector<16xi32>
      %ge3A_1203 = arith.cmpi sge, %sub3A_1200, %ge3A_1202 : vector<16xi32>
      %lt3A_1204 = arith.constant 25088 : i32
      %lt3A_1205 = vector.broadcast %lt3A_1204 : i32 to vector<16xi32>
      %lt3A_1206 = arith.cmpi slt, %sub3A_1200, %lt3A_1205 : vector<16xi32>
      %and3A_1207 = arith.andi %ge3A_1203, %lt3A_1206 : vector<16xi1>
      %jit3A_1208 = arith.constant 25200 : i32
      %broadcast_in_dim3A_1209 = vector.broadcast %jit3A_1208 : i32 to vector<16xi32>
      %select_n3A_1210 = arith.select %and3A_1207, %sub3A_1200, %broadcast_in_dim3A_1209 : vector<16xi1>, vector<16xi32>
      %swap3A_1211 = arith.constant 0 : i32
      %swap3A_1212 = arith.index_cast %swap3A_1211 : i32 to index
      %swap3A_1213 = arith.constant 64 : index
      %swap3A_1214 = tpu.vector_load %arg14[%swap3A_1212, %swap3A_1213] {strides = array<i32>} : memref<3x128xi32, #tpu.memory_space<vmem>>, vector<16xi32>,
      tpu.vector_store %arg14[%swap3A_1212, %swap3A_1213], %select_n3A_1210 {strides = array<i32>} : memref<3x128xi32, #tpu.memory_space<vmem>>, vector<16xi32>,
      %get3A_1215 = arith.constant 592 : index
      %get3A_1216 = tpu.vector_load %arg12[%get3A_1215] {strides = array<i32>} : memref<1024xi32, #tpu.memory_space<vmem>>, vector<16xi32>,
      %gather3A_1217 = tpu.vector_load_idx %arg9[%get3A_1216] : memref<40000xi32, #tpu.memory_space<vmem>>[vector<16xi32>], vector<16xi32>,
      %swap3A_1218 = arith.constant 0 : i32
      %swap3A_1219 = arith.index_cast %swap3A_1218 : i32 to index
      %swap3A_1220 = arith.constant 80 : index
      %swap3A_1221 = tpu.vector_load %arg13[%swap3A_1219, %swap3A_1220] {strides = array<i32>} : memref<2x128xi32, #tpu.memory_space<vmem>>, vector<16xi32>,
      tpu.vector_store %arg13[%swap3A_1219, %swap3A_1220], %gather3A_1217 {strides = array<i32>} : memref<2x128xi32, #tpu.memory_space<vmem>>, vector<16xi32>,
      %get3A_1222 = arith.constant 592 : index
      %get3A_1223 = tpu.vector_load %arg11[%get3A_1222] {strides = array<i32>} : memref<1024xi32, #tpu.memory_space<vmem>>, vector<16xi32>,
      %sub3A_1224 = vector.broadcast %mul3A_10 : i32 to vector<16xi32>
      %sub3A_1225 = arith.subi %get3A_1223, %sub3A_1224 : vector<16xi32>
      %ge3A_1226 = arith.constant 0 : i32
      %ge3A_1227 = vector.broadcast %ge3A_1226 : i32 to vector<16xi32>
      %ge3A_1228 = arith.cmpi sge, %sub3A_1225, %ge3A_1227 : vector<16xi32>
      %lt3A_1229 = arith.constant 25088 : i32
      %lt3A_1230 = vector.broadcast %lt3A_1229 : i32 to vector<16xi32>
      %lt3A_1231 = arith.cmpi slt, %sub3A_1225, %lt3A_1230 : vector<16xi32>
      %and3A_1232 = arith.andi %ge3A_1228, %lt3A_1231 : vector<16xi1>
      %jit3A_1233 = arith.constant 25200 : i32
      %broadcast_in_dim3A_1234 = vector.broadcast %jit3A_1233 : i32 to vector<16xi32>
      %select_n3A_1235 = arith.select %and3A_1232, %sub3A_1225, %broadcast_in_dim3A_1234 : vector<16xi1>, vector<16xi32>
      %swap3A_1236 = arith.constant 0 : i32
      %swap3A_1237 = arith.index_cast %swap3A_1236 : i32 to index
      %swap3A_1238 = arith.constant 80 : index
      %swap3A_1239 = tpu.vector_load %arg14[%swap3A_1237, %swap3A_1238] {strides = array<i32>} : memref<3x128xi32, #tpu.memory_space<vmem>>, vector<16xi32>,
      tpu.vector_store %arg14[%swap3A_1237, %swap3A_1238], %select_n3A_1235 {strides = array<i32>} : memref<3x128xi32, #tpu.memory_space<vmem>>, vector<16xi32>,
      %get3A_1240 = arith.constant 608 : index
      %get3A_1241 = tpu.vector_load %arg12[%get3A_1240] {strides = array<i32>} : memref<1024xi32, #tpu.memory_space<vmem>>, vector<16xi32>,
      %gather3A_1242 = tpu.vector_load_idx %arg9[%get3A_1241] : memref<40000xi32, #tpu.memory_space<vmem>>[vector<16xi32>], vector<16xi32>,
      %swap3A_1243 = arith.constant 0 : i32
      %swap3A_1244 = arith.index_cast %swap3A_1243 : i32 to index
      %swap3A_1245 = arith.constant 96 : index
      %swap3A_1246 = tpu.vector_load %arg13[%swap3A_1244, %swap3A_1245] {strides = array<i32>} : memref<2x128xi32, #tpu.memory_space<vmem>>, vector<16xi32>,
      tpu.vector_store %arg13[%swap3A_1244, %swap3A_1245], %gather3A_1242 {strides = array<i32>} : memref<2x128xi32, #tpu.memory_space<vmem>>, vector<16xi32>,
      %get3A_1247 = arith.constant 608 : index
      %get3A_1248 = tpu.vector_load %arg11[%get3A_1247] {strides = array<i32>} : memref<1024xi32, #tpu.memory_space<vmem>>, vector<16xi32>,
      %sub3A_1249 = vector.broadcast %mul3A_10 : i32 to vector<16xi32>
      %sub3A_1250 = arith.subi %get3A_1248, %sub3A_1249 : vector<16xi32>
      %ge3A_1251 = arith.constant 0 : i32
      %ge3A_1252 = vector.broadcast %ge3A_1251 : i32 to vector<16xi32>
      %ge3A_1253 = arith.cmpi sge, %sub3A_1250, %ge3A_1252 : vector<16xi32>
      %lt3A_1254 = arith.constant 25088 : i32
      %lt3A_1255 = vector.broadcast %lt3A_1254 : i32 to vector<16xi32>
      %lt3A_1256 = arith.cmpi slt, %sub3A_1250, %lt3A_1255 : vector<16xi32>
      %and3A_1257 = arith.andi %ge3A_1253, %lt3A_1256 : vector<16xi1>
      %jit3A_1258 = arith.constant 25200 : i32
      %broadcast_in_dim3A_1259 = vector.broadcast %jit3A_1258 : i32 to vector<16xi32>
      %select_n3A_1260 = arith.select %and3A_1257, %sub3A_1250, %broadcast_in_dim3A_1259 : vector<16xi1>, vector<16xi32>
      %swap3A_1261 = arith.constant 0 : i32
      %swap3A_1262 = arith.index_cast %swap3A_1261 : i32 to index
      %swap3A_1263 = arith.constant 96 : index
      %swap3A_1264 = tpu.vector_load %arg14[%swap3A_1262, %swap3A_1263] {strides = array<i32>} : memref<3x128xi32, #tpu.memory_space<vmem>>, vector<16xi32>,
      tpu.vector_store %arg14[%swap3A_1262, %swap3A_1263], %select_n3A_1260 {strides = array<i32>} : memref<3x128xi32, #tpu.memory_space<vmem>>, vector<16xi32>,
      %get3A_1265 = arith.constant 624 : index
      %get3A_1266 = tpu.vector_load %arg12[%get3A_1265] {strides = array<i32>} : memref<1024xi32, #tpu.memory_space<vmem>>, vector<16xi32>,
      %gather3A_1267 = tpu.vector_load_idx %arg9[%get3A_1266] : memref<40000xi32, #tpu.memory_space<vmem>>[vector<16xi32>], vector<16xi32>,
      %swap3A_1268 = arith.constant 0 : i32
      %swap3A_1269 = arith.index_cast %swap3A_1268 : i32 to index
      %swap3A_1270 = arith.constant 112 : index
      %swap3A_1271 = tpu.vector_load %arg13[%swap3A_1269, %swap3A_1270] {strides = array<i32>} : memref<2x128xi32, #tpu.memory_space<vmem>>, vector<16xi32>,
      tpu.vector_store %arg13[%swap3A_1269, %swap3A_1270], %gather3A_1267 {strides = array<i32>} : memref<2x128xi32, #tpu.memory_space<vmem>>, vector<16xi32>,
      %get3A_1272 = arith.constant 624 : index
      %get3A_1273 = tpu.vector_load %arg11[%get3A_1272] {strides = array<i32>} : memref<1024xi32, #tpu.memory_space<vmem>>, vector<16xi32>,
      %sub3A_1274 = vector.broadcast %mul3A_10 : i32 to vector<16xi32>
      %sub3A_1275 = arith.subi %get3A_1273, %sub3A_1274 : vector<16xi32>
      %ge3A_1276 = arith.constant 0 : i32
      %ge3A_1277 = vector.broadcast %ge3A_1276 : i32 to vector<16xi32>
      %ge3A_1278 = arith.cmpi sge, %sub3A_1275, %ge3A_1277 : vector<16xi32>
      %lt3A_1279 = arith.constant 25088 : i32
      %lt3A_1280 = vector.broadcast %lt3A_1279 : i32 to vector<16xi32>
      %lt3A_1281 = arith.cmpi slt, %sub3A_1275, %lt3A_1280 : vector<16xi32>
      %and3A_1282 = arith.andi %ge3A_1278, %lt3A_1281 : vector<16xi1>
      %jit3A_1283 = arith.constant 25200 : i32
      %broadcast_in_dim3A_1284 = vector.broadcast %jit3A_1283 : i32 to vector<16xi32>
      %select_n3A_1285 = arith.select %and3A_1282, %sub3A_1275, %broadcast_in_dim3A_1284 : vector<16xi1>, vector<16xi32>
      %swap3A_1286 = arith.constant 0 : i32
      %swap3A_1287 = arith.index_cast %swap3A_1286 : i32 to index
      %swap3A_1288 = arith.constant 112 : index
      %swap3A_1289 = tpu.vector_load %arg14[%swap3A_1287, %swap3A_1288] {strides = array<i32>} : memref<3x128xi32, #tpu.memory_space<vmem>>, vector<16xi32>,
      tpu.vector_store %arg14[%swap3A_1287, %swap3A_1288], %select_n3A_1285 {strides = array<i32>} : memref<3x128xi32, #tpu.memory_space<vmem>>, vector<16xi32>,
      %dma_start3A_1290 = arith.constant 0 : i32
      %dma_start3A_1291 = arith.constant 0 : i32
      %dma_start3A_1292 = tpu.memref_slice %arg13[%dma_start3A_1290, %dma_start3A_1291] : memref<2x128xi32, #tpu.memory_space<vmem>> -> memref<1x128xi32, #tpu.memory_space<vmem>>
      %dma_start3A_1293 = tpu.memref_squeeze %dma_start3A_1292 : memref<1x128xi32, #tpu.memory_space<vmem>> -> memref<128xi32, #tpu.memory_space<vmem>>
      %dma_start3A_1294 = arith.constant 0 : i32
      %dma_start3A_1295 = arith.constant 0 : i32
      %dma_start3A_1296 = tpu.memref_slice %arg2[%dma_start3A_1294, %dma_start3A_1295] : memref<50000x64xbf16, #tpu.memory_space<hbm>> -> memref<50000x64xbf16, #tpu.memory_space<hbm>>
      tpu.enqueue_indirect_dma source(%dma_start3A_1296 : memref<50000x64xbf16, #tpu.memory_space<hbm>>) target(%arg15 : memref<128x64xbf16, #tpu.memory_space<vmem>>) offsets(%dma_start3A_1293 : memref<128xi32, #tpu.memory_space<vmem>>) semaphore(%arg18 : memref<!tpu.dma_semaphore, #tpu.memory_space<semaphore_mem>>)
      %dma_wait3A_1297 = arith.constant 0 : i32
      %dma_wait3A_1298 = arith.constant 0 : i32
      %dma_wait3A_1299 = tpu.memref_slice %arg2[%dma_wait3A_1297, %dma_wait3A_1298] : memref<50000x64xbf16, #tpu.memory_space<hbm>> -> memref<128x64xbf16, #tpu.memory_space<hbm>>
      %dma_wait3A_1300 = arith.constant 0 : i32
      %dma_wait3A_1301 = arith.constant 0 : i32
      %dma_wait3A_1302 = tpu.memref_slice %arg2[%dma_wait3A_1300, %dma_wait3A_1301] : memref<50000x64xbf16, #tpu.memory_space<hbm>> -> memref<128x64xbf16, #tpu.memory_space<hbm>>
      tpu.wait_dma2 semaphore(%arg21 : memref<!tpu.dma_semaphore, #tpu.memory_space<semaphore_mem>>) src(%dma_wait3A_1302 : memref<128x64xbf16, #tpu.memory_space<hbm>>) dst(%arg16 : memref<128x64xbf16, #tpu.memory_space<vmem>>)
      %get3A_1303 = arith.constant 640 : index
      %get3A_1304 = tpu.vector_load %arg12[%get3A_1303] {strides = array<i32>} : memref<1024xi32, #tpu.memory_space<vmem>>, vector<16xi32>,
      %gather3A_1305 = tpu.vector_load_idx %arg9[%get3A_1304] : memref<40000xi32, #tpu.memory_space<vmem>>[vector<16xi32>], vector<16xi32>,
      %swap3A_1306 = arith.constant 1 : i32
      %swap3A_1307 = arith.index_cast %swap3A_1306 : i32 to index
      %swap3A_1308 = arith.constant 0 : index
      %swap3A_1309 = tpu.vector_load %arg13[%swap3A_1307, %swap3A_1308] {strides = array<i32>} : memref<2x128xi32, #tpu.memory_space<vmem>>, vector<16xi32>,
      tpu.vector_store %arg13[%swap3A_1307, %swap3A_1308], %gather3A_1305 {strides = array<i32>} : memref<2x128xi32, #tpu.memory_space<vmem>>, vector<16xi32>,
      %get3A_1310 = arith.constant 640 : index
      %get3A_1311 = tpu.vector_load %arg11[%get3A_1310] {strides = array<i32>} : memref<1024xi32, #tpu.memory_space<vmem>>, vector<16xi32>,
      %sub3A_1312 = vector.broadcast %mul3A_10 : i32 to vector<16xi32>
      %sub3A_1313 = arith.subi %get3A_1311, %sub3A_1312 : vector<16xi32>
      %ge3A_1314 = arith.constant 0 : i32
      %ge3A_1315 = vector.broadcast %ge3A_1314 : i32 to vector<16xi32>
      %ge3A_1316 = arith.cmpi sge, %sub3A_1313, %ge3A_1315 : vector<16xi32>
      %lt3A_1317 = arith.constant 25088 : i32
      %lt3A_1318 = vector.broadcast %lt3A_1317 : i32 to vector<16xi32>
      %lt3A_1319 = arith.cmpi slt, %sub3A_1313, %lt3A_1318 : vector<16xi32>
      %and3A_1320 = arith.andi %ge3A_1316, %lt3A_1319 : vector<16xi1>
      %jit3A_1321 = arith.constant 25200 : i32
      %broadcast_in_dim3A_1322 = vector.broadcast %jit3A_1321 : i32 to vector<16xi32>
      %select_n3A_1323 = arith.select %and3A_1320, %sub3A_1313, %broadcast_in_dim3A_1322 : vector<16xi1>, vector<16xi32>
      %swap3A_1324 = arith.constant 1 : i32
      %swap3A_1325 = arith.index_cast %swap3A_1324 : i32 to index
      %swap3A_1326 = arith.constant 0 : index
      %swap3A_1327 = tpu.vector_load %arg14[%swap3A_1325, %swap3A_1326] {strides = array<i32>} : memref<3x128xi32, #tpu.memory_space<vmem>>, vector<16xi32>,
      tpu.vector_store %arg14[%swap3A_1325, %swap3A_1326], %select_n3A_1323 {strides = array<i32>} : memref<3x128xi32, #tpu.memory_space<vmem>>, vector<16xi32>,
      %get3A_1328 = arith.constant 656 : index
      %get3A_1329 = tpu.vector_load %arg12[%get3A_1328] {strides = array<i32>} : memref<1024xi32, #tpu.memory_space<vmem>>, vector<16xi32>,
      %gather3A_1330 = tpu.vector_load_idx %arg9[%get3A_1329] : memref<40000xi32, #tpu.memory_space<vmem>>[vector<16xi32>], vector<16xi32>,
      %swap3A_1331 = arith.constant 1 : i32
      %swap3A_1332 = arith.index_cast %swap3A_1331 : i32 to index
      %swap3A_1333 = arith.constant 16 : index
      %swap3A_1334 = tpu.vector_load %arg13[%swap3A_1332, %swap3A_1333] {strides = array<i32>} : memref<2x128xi32, #tpu.memory_space<vmem>>, vector<16xi32>,
      tpu.vector_store %arg13[%swap3A_1332, %swap3A_1333], %gather3A_1330 {strides = array<i32>} : memref<2x128xi32, #tpu.memory_space<vmem>>, vector<16xi32>,
      %get3A_1335 = arith.constant 656 : index
      %get3A_1336 = tpu.vector_load %arg11[%get3A_1335] {strides = array<i32>} : memref<1024xi32, #tpu.memory_space<vmem>>, vector<16xi32>,
      %sub3A_1337 = vector.broadcast %mul3A_10 : i32 to vector<16xi32>
      %sub3A_1338 = arith.subi %get3A_1336, %sub3A_1337 : vector<16xi32>
      %ge3A_1339 = arith.constant 0 : i32
      %ge3A_1340 = vector.broadcast %ge3A_1339 : i32 to vector<16xi32>
      %ge3A_1341 = arith.cmpi sge, %sub3A_1338, %ge3A_1340 : vector<16xi32>
      %lt3A_1342 = arith.constant 25088 : i32
      %lt3A_1343 = vector.broadcast %lt3A_1342 : i32 to vector<16xi32>
      %lt3A_1344 = arith.cmpi slt, %sub3A_1338, %lt3A_1343 : vector<16xi32>
      %and3A_1345 = arith.andi %ge3A_1341, %lt3A_1344 : vector<16xi1>
      %jit3A_1346 = arith.constant 25200 : i32
      %broadcast_in_dim3A_1347 = vector.broadcast %jit3A_1346 : i32 to vector<16xi32>
      %select_n3A_1348 = arith.select %and3A_1345, %sub3A_1338, %broadcast_in_dim3A_1347 : vector<16xi1>, vector<16xi32>
      %swap3A_1349 = arith.constant 1 : i32
      %swap3A_1350 = arith.index_cast %swap3A_1349 : i32 to index
      %swap3A_1351 = arith.constant 16 : index
      %swap3A_1352 = tpu.vector_load %arg14[%swap3A_1350, %swap3A_1351] {strides = array<i32>} : memref<3x128xi32, #tpu.memory_space<vmem>>, vector<16xi32>,
      tpu.vector_store %arg14[%swap3A_1350, %swap3A_1351], %select_n3A_1348 {strides = array<i32>} : memref<3x128xi32, #tpu.memory_space<vmem>>, vector<16xi32>,
      %get3A_1353 = arith.constant 672 : index
      %get3A_1354 = tpu.vector_load %arg12[%get3A_1353] {strides = array<i32>} : memref<1024xi32, #tpu.memory_space<vmem>>, vector<16xi32>,
      %gather3A_1355 = tpu.vector_load_idx %arg9[%get3A_1354] : memref<40000xi32, #tpu.memory_space<vmem>>[vector<16xi32>], vector<16xi32>,
      %swap3A_1356 = arith.constant 1 : i32
      %swap3A_1357 = arith.index_cast %swap3A_1356 : i32 to index
      %swap3A_1358 = arith.constant 32 : index
      %swap3A_1359 = tpu.vector_load %arg13[%swap3A_1357, %swap3A_1358] {strides = array<i32>} : memref<2x128xi32, #tpu.memory_space<vmem>>, vector<16xi32>,
      tpu.vector_store %arg13[%swap3A_1357, %swap3A_1358], %gather3A_1355 {strides = array<i32>} : memref<2x128xi32, #tpu.memory_space<vmem>>, vector<16xi32>,
      %get3A_1360 = arith.constant 672 : index
      %get3A_1361 = tpu.vector_load %arg11[%get3A_1360] {strides = array<i32>} : memref<1024xi32, #tpu.memory_space<vmem>>, vector<16xi32>,
      %sub3A_1362 = vector.broadcast %mul3A_10 : i32 to vector<16xi32>
      %sub3A_1363 = arith.subi %get3A_1361, %sub3A_1362 : vector<16xi32>
      %ge3A_1364 = arith.constant 0 : i32
      %ge3A_1365 = vector.broadcast %ge3A_1364 : i32 to vector<16xi32>
      %ge3A_1366 = arith.cmpi sge, %sub3A_1363, %ge3A_1365 : vector<16xi32>
      %lt3A_1367 = arith.constant 25088 : i32
      %lt3A_1368 = vector.broadcast %lt3A_1367 : i32 to vector<16xi32>
      %lt3A_1369 = arith.cmpi slt, %sub3A_1363, %lt3A_1368 : vector<16xi32>
      %and3A_1370 = arith.andi %ge3A_1366, %lt3A_1369 : vector<16xi1>
      %jit3A_1371 = arith.constant 25200 : i32
      %broadcast_in_dim3A_1372 = vector.broadcast %jit3A_1371 : i32 to vector<16xi32>
      %select_n3A_1373 = arith.select %and3A_1370, %sub3A_1363, %broadcast_in_dim3A_1372 : vector<16xi1>, vector<16xi32>
      %swap3A_1374 = arith.constant 1 : i32
      %swap3A_1375 = arith.index_cast %swap3A_1374 : i32 to index
      %swap3A_1376 = arith.constant 32 : index
      %swap3A_1377 = tpu.vector_load %arg14[%swap3A_1375, %swap3A_1376] {strides = array<i32>} : memref<3x128xi32, #tpu.memory_space<vmem>>, vector<16xi32>,
      tpu.vector_store %arg14[%swap3A_1375, %swap3A_1376], %select_n3A_1373 {strides = array<i32>} : memref<3x128xi32, #tpu.memory_space<vmem>>, vector<16xi32>,
      %get3A_1378 = arith.constant 688 : index
      %get3A_1379 = tpu.vector_load %arg12[%get3A_1378] {strides = array<i32>} : memref<1024xi32, #tpu.memory_space<vmem>>, vector<16xi32>,
      %gather3A_1380 = tpu.vector_load_idx %arg9[%get3A_1379] : memref<40000xi32, #tpu.memory_space<vmem>>[vector<16xi32>], vector<16xi32>,
      %swap3A_1381 = arith.constant 1 : i32
      %swap3A_1382 = arith.index_cast %swap3A_1381 : i32 to index
      %swap3A_1383 = arith.constant 48 : index
      %swap3A_1384 = tpu.vector_load %arg13[%swap3A_1382, %swap3A_1383] {strides = array<i32>} : memref<2x128xi32, #tpu.memory_space<vmem>>, vector<16xi32>,
      tpu.vector_store %arg13[%swap3A_1382, %swap3A_1383], %gather3A_1380 {strides = array<i32>} : memref<2x128xi32, #tpu.memory_space<vmem>>, vector<16xi32>,
      %get3A_1385 = arith.constant 688 : index
      %get3A_1386 = tpu.vector_load %arg11[%get3A_1385] {strides = array<i32>} : memref<1024xi32, #tpu.memory_space<vmem>>, vector<16xi32>,
      %sub3A_1387 = vector.broadcast %mul3A_10 : i32 to vector<16xi32>
      %sub3A_1388 = arith.subi %get3A_1386, %sub3A_1387 : vector<16xi32>
      %ge3A_1389 = arith.constant 0 : i32
      %ge3A_1390 = vector.broadcast %ge3A_1389 : i32 to vector<16xi32>
      %ge3A_1391 = arith.cmpi sge, %sub3A_1388, %ge3A_1390 : vector<16xi32>
      %lt3A_1392 = arith.constant 25088 : i32
      %lt3A_1393 = vector.broadcast %lt3A_1392 : i32 to vector<16xi32>
      %lt3A_1394 = arith.cmpi slt, %sub3A_1388, %lt3A_1393 : vector<16xi32>
      %and3A_1395 = arith.andi %ge3A_1391, %lt3A_1394 : vector<16xi1>
      %jit3A_1396 = arith.constant 25200 : i32
      %broadcast_in_dim3A_1397 = vector.broadcast %jit3A_1396 : i32 to vector<16xi32>
      %select_n3A_1398 = arith.select %and3A_1395, %sub3A_1388, %broadcast_in_dim3A_1397 : vector<16xi1>, vector<16xi32>
      %swap3A_1399 = arith.constant 1 : i32
      %swap3A_1400 = arith.index_cast %swap3A_1399 : i32 to index
      %swap3A_1401 = arith.constant 48 : index
      %swap3A_1402 = tpu.vector_load %arg14[%swap3A_1400, %swap3A_1401] {strides = array<i32>} : memref<3x128xi32, #tpu.memory_space<vmem>>, vector<16xi32>,
      tpu.vector_store %arg14[%swap3A_1400, %swap3A_1401], %select_n3A_1398 {strides = array<i32>} : memref<3x128xi32, #tpu.memory_space<vmem>>, vector<16xi32>,
      %get3A_1403 = arith.constant 704 : index
      %get3A_1404 = tpu.vector_load %arg12[%get3A_1403] {strides = array<i32>} : memref<1024xi32, #tpu.memory_space<vmem>>, vector<16xi32>,
      %gather3A_1405 = tpu.vector_load_idx %arg9[%get3A_1404] : memref<40000xi32, #tpu.memory_space<vmem>>[vector<16xi32>], vector<16xi32>,
      %swap3A_1406 = arith.constant 1 : i32
      %swap3A_1407 = arith.index_cast %swap3A_1406 : i32 to index
      %swap3A_1408 = arith.constant 64 : index
      %swap3A_1409 = tpu.vector_load %arg13[%swap3A_1407, %swap3A_1408] {strides = array<i32>} : memref<2x128xi32, #tpu.memory_space<vmem>>, vector<16xi32>,
      tpu.vector_store %arg13[%swap3A_1407, %swap3A_1408], %gather3A_1405 {strides = array<i32>} : memref<2x128xi32, #tpu.memory_space<vmem>>, vector<16xi32>,
      %get3A_1410 = arith.constant 704 : index
      %get3A_1411 = tpu.vector_load %arg11[%get3A_1410] {strides = array<i32>} : memref<1024xi32, #tpu.memory_space<vmem>>, vector<16xi32>,
      %sub3A_1412 = vector.broadcast %mul3A_10 : i32 to vector<16xi32>
      %sub3A_1413 = arith.subi %get3A_1411, %sub3A_1412 : vector<16xi32>
      %ge3A_1414 = arith.constant 0 : i32
      %ge3A_1415 = vector.broadcast %ge3A_1414 : i32 to vector<16xi32>
      %ge3A_1416 = arith.cmpi sge, %sub3A_1413, %ge3A_1415 : vector<16xi32>
      %lt3A_1417 = arith.constant 25088 : i32
      %lt3A_1418 = vector.broadcast %lt3A_1417 : i32 to vector<16xi32>
      %lt3A_1419 = arith.cmpi slt, %sub3A_1413, %lt3A_1418 : vector<16xi32>
      %and3A_1420 = arith.andi %ge3A_1416, %lt3A_1419 : vector<16xi1>
      %jit3A_1421 = arith.constant 25200 : i32
      %broadcast_in_dim3A_1422 = vector.broadcast %jit3A_1421 : i32 to vector<16xi32>
      %select_n3A_1423 = arith.select %and3A_1420, %sub3A_1413, %broadcast_in_dim3A_1422 : vector<16xi1>, vector<16xi32>
      %swap3A_1424 = arith.constant 1 : i32
      %swap3A_1425 = arith.index_cast %swap3A_1424 : i32 to index
      %swap3A_1426 = arith.constant 64 : index
      %swap3A_1427 = tpu.vector_load %arg14[%swap3A_1425, %swap3A_1426] {strides = array<i32>} : memref<3x128xi32, #tpu.memory_space<vmem>>, vector<16xi32>,
      tpu.vector_store %arg14[%swap3A_1425, %swap3A_1426], %select_n3A_1423 {strides = array<i32>} : memref<3x128xi32, #tpu.memory_space<vmem>>, vector<16xi32>,
      %get3A_1428 = arith.constant 720 : index
      %get3A_1429 = tpu.vector_load %arg12[%get3A_1428] {strides = array<i32>} : memref<1024xi32, #tpu.memory_space<vmem>>, vector<16xi32>,
      %gather3A_1430 = tpu.vector_load_idx %arg9[%get3A_1429] : memref<40000xi32, #tpu.memory_space<vmem>>[vector<16xi32>], vector<16xi32>,
      %swap3A_1431 = arith.constant 1 : i32
      %swap3A_1432 = arith.index_cast %swap3A_1431 : i32 to index
      %swap3A_1433 = arith.constant 80 : index
      %swap3A_1434 = tpu.vector_load %arg13[%swap3A_1432, %swap3A_1433] {strides = array<i32>} : memref<2x128xi32, #tpu.memory_space<vmem>>, vector<16xi32>,
      tpu.vector_store %arg13[%swap3A_1432, %swap3A_1433], %gather3A_1430 {strides = array<i32>} : memref<2x128xi32, #tpu.memory_space<vmem>>, vector<16xi32>,
      %get3A_1435 = arith.constant 720 : index
      %get3A_1436 = tpu.vector_load %arg11[%get3A_1435] {strides = array<i32>} : memref<1024xi32, #tpu.memory_space<vmem>>, vector<16xi32>,
      %sub3A_1437 = vector.broadcast %mul3A_10 : i32 to vector<16xi32>
      %sub3A_1438 = arith.subi %get3A_1436, %sub3A_1437 : vector<16xi32>
      %ge3A_1439 = arith.constant 0 : i32
      %ge3A_1440 = vector.broadcast %ge3A_1439 : i32 to vector<16xi32>
      %ge3A_1441 = arith.cmpi sge, %sub3A_1438, %ge3A_1440 : vector<16xi32>
      %lt3A_1442 = arith.constant 25088 : i32
      %lt3A_1443 = vector.broadcast %lt3A_1442 : i32 to vector<16xi32>
      %lt3A_1444 = arith.cmpi slt, %sub3A_1438, %lt3A_1443 : vector<16xi32>
      %and3A_1445 = arith.andi %ge3A_1441, %lt3A_1444 : vector<16xi1>
      %jit3A_1446 = arith.constant 25200 : i32
      %broadcast_in_dim3A_1447 = vector.broadcast %jit3A_1446 : i32 to vector<16xi32>
      %select_n3A_1448 = arith.select %and3A_1445, %sub3A_1438, %broadcast_in_dim3A_1447 : vector<16xi1>, vector<16xi32>
      %swap3A_1449 = arith.constant 1 : i32
      %swap3A_1450 = arith.index_cast %swap3A_1449 : i32 to index
      %swap3A_1451 = arith.constant 80 : index
      %swap3A_1452 = tpu.vector_load %arg14[%swap3A_1450, %swap3A_1451] {strides = array<i32>} : memref<3x128xi32, #tpu.memory_space<vmem>>, vector<16xi32>,
      tpu.vector_store %arg14[%swap3A_1450, %swap3A_1451], %select_n3A_1448 {strides = array<i32>} : memref<3x128xi32, #tpu.memory_space<vmem>>, vector<16xi32>,
      %get3A_1453 = arith.constant 736 : index
      %get3A_1454 = tpu.vector_load %arg12[%get3A_1453] {strides = array<i32>} : memref<1024xi32, #tpu.memory_space<vmem>>, vector<16xi32>,
      %gather3A_1455 = tpu.vector_load_idx %arg9[%get3A_1454] : memref<40000xi32, #tpu.memory_space<vmem>>[vector<16xi32>], vector<16xi32>,
      %swap3A_1456 = arith.constant 1 : i32
      %swap3A_1457 = arith.index_cast %swap3A_1456 : i32 to index
      %swap3A_1458 = arith.constant 96 : index
      %swap3A_1459 = tpu.vector_load %arg13[%swap3A_1457, %swap3A_1458] {strides = array<i32>} : memref<2x128xi32, #tpu.memory_space<vmem>>, vector<16xi32>,
      tpu.vector_store %arg13[%swap3A_1457, %swap3A_1458], %gather3A_1455 {strides = array<i32>} : memref<2x128xi32, #tpu.memory_space<vmem>>, vector<16xi32>,
      %get3A_1460 = arith.constant 736 : index
      %get3A_1461 = tpu.vector_load %arg11[%get3A_1460] {strides = array<i32>} : memref<1024xi32, #tpu.memory_space<vmem>>, vector<16xi32>,
      %sub3A_1462 = vector.broadcast %mul3A_10 : i32 to vector<16xi32>
      %sub3A_1463 = arith.subi %get3A_1461, %sub3A_1462 : vector<16xi32>
      %ge3A_1464 = arith.constant 0 : i32
      %ge3A_1465 = vector.broadcast %ge3A_1464 : i32 to vector<16xi32>
      %ge3A_1466 = arith.cmpi sge, %sub3A_1463, %ge3A_1465 : vector<16xi32>
      %lt3A_1467 = arith.constant 25088 : i32
      %lt3A_1468 = vector.broadcast %lt3A_1467 : i32 to vector<16xi32>
      %lt3A_1469 = arith.cmpi slt, %sub3A_1463, %lt3A_1468 : vector<16xi32>
      %and3A_1470 = arith.andi %ge3A_1466, %lt3A_1469 : vector<16xi1>
      %jit3A_1471 = arith.constant 25200 : i32
      %broadcast_in_dim3A_1472 = vector.broadcast %jit3A_1471 : i32 to vector<16xi32>
      %select_n3A_1473 = arith.select %and3A_1470, %sub3A_1463, %broadcast_in_dim3A_1472 : vector<16xi1>, vector<16xi32>
      %swap3A_1474 = arith.constant 1 : i32
      %swap3A_1475 = arith.index_cast %swap3A_1474 : i32 to index
      %swap3A_1476 = arith.constant 96 : index
      %swap3A_1477 = tpu.vector_load %arg14[%swap3A_1475, %swap3A_1476] {strides = array<i32>} : memref<3x128xi32, #tpu.memory_space<vmem>>, vector<16xi32>,
      tpu.vector_store %arg14[%swap3A_1475, %swap3A_1476], %select_n3A_1473 {strides = array<i32>} : memref<3x128xi32, #tpu.memory_space<vmem>>, vector<16xi32>,
      %get3A_1478 = arith.constant 752 : index
      %get3A_1479 = tpu.vector_load %arg12[%get3A_1478] {strides = array<i32>} : memref<1024xi32, #tpu.memory_space<vmem>>, vector<16xi32>,
      %gather3A_1480 = tpu.vector_load_idx %arg9[%get3A_1479] : memref<40000xi32, #tpu.memory_space<vmem>>[vector<16xi32>], vector<16xi32>,
      %swap3A_1481 = arith.constant 1 : i32
      %swap3A_1482 = arith.index_cast %swap3A_1481 : i32 to index
      %swap3A_1483 = arith.constant 112 : index
      %swap3A_1484 = tpu.vector_load %arg13[%swap3A_1482, %swap3A_1483] {strides = array<i32>} : memref<2x128xi32, #tpu.memory_space<vmem>>, vector<16xi32>,
      tpu.vector_store %arg13[%swap3A_1482, %swap3A_1483], %gather3A_1480 {strides = array<i32>} : memref<2x128xi32, #tpu.memory_space<vmem>>, vector<16xi32>,
      %get3A_1485 = arith.constant 752 : index
      %get3A_1486 = tpu.vector_load %arg11[%get3A_1485] {strides = array<i32>} : memref<1024xi32, #tpu.memory_space<vmem>>, vector<16xi32>,
      %sub3A_1487 = vector.broadcast %mul3A_10 : i32 to vector<16xi32>
      %sub3A_1488 = arith.subi %get3A_1486, %sub3A_1487 : vector<16xi32>
      %ge3A_1489 = arith.constant 0 : i32
      %ge3A_1490 = vector.broadcast %ge3A_1489 : i32 to vector<16xi32>
      %ge3A_1491 = arith.cmpi sge, %sub3A_1488, %ge3A_1490 : vector<16xi32>
      %lt3A_1492 = arith.constant 25088 : i32
      %lt3A_1493 = vector.broadcast %lt3A_1492 : i32 to vector<16xi32>
      %lt3A_1494 = arith.cmpi slt, %sub3A_1488, %lt3A_1493 : vector<16xi32>
      %and3A_1495 = arith.andi %ge3A_1491, %lt3A_1494 : vector<16xi1>
      %jit3A_1496 = arith.constant 25200 : i32
      %broadcast_in_dim3A_1497 = vector.broadcast %jit3A_1496 : i32 to vector<16xi32>
      %select_n3A_1498 = arith.select %and3A_1495, %sub3A_1488, %broadcast_in_dim3A_1497 : vector<16xi1>, vector<16xi32>
      %swap3A_1499 = arith.constant 1 : i32
      %swap3A_1500 = arith.index_cast %swap3A_1499 : i32 to index
      %swap3A_1501 = arith.constant 112 : index
      %swap3A_1502 = tpu.vector_load %arg14[%swap3A_1500, %swap3A_1501] {strides = array<i32>} : memref<3x128xi32, #tpu.memory_space<vmem>>, vector<16xi32>,
      tpu.vector_store %arg14[%swap3A_1500, %swap3A_1501], %select_n3A_1498 {strides = array<i32>} : memref<3x128xi32, #tpu.memory_space<vmem>>, vector<16xi32>,
      %dma_start3A_1503 = arith.constant 1 : i32
      %dma_start3A_1504 = arith.constant 0 : i32
      %dma_start3A_1505 = tpu.memref_slice %arg13[%dma_start3A_1503, %dma_start3A_1504] : memref<2x128xi32, #tpu.memory_space<vmem>> -> memref<1x128xi32, #tpu.memory_space<vmem>>
      %dma_start3A_1506 = tpu.memref_squeeze %dma_start3A_1505 : memref<1x128xi32, #tpu.memory_space<vmem>> -> memref<128xi32, #tpu.memory_space<vmem>>
      %dma_start3A_1507 = arith.constant 0 : i32
      %dma_start3A_1508 = arith.constant 0 : i32
      %dma_start3A_1509 = tpu.memref_slice %arg2[%dma_start3A_1507, %dma_start3A_1508] : memref<50000x64xbf16, #tpu.memory_space<hbm>> -> memref<50000x64xbf16, #tpu.memory_space<hbm>>
      tpu.enqueue_indirect_dma source(%dma_start3A_1509 : memref<50000x64xbf16, #tpu.memory_space<hbm>>) target(%arg16 : memref<128x64xbf16, #tpu.memory_space<vmem>>) offsets(%dma_start3A_1506 : memref<128xi32, #tpu.memory_space<vmem>>) semaphore(%arg19 : memref<!tpu.dma_semaphore, #tpu.memory_space<semaphore_mem>>)
      %dma_wait3A_1510 = arith.constant 0 : i32
      %dma_wait3A_1511 = arith.constant 0 : i32
      %dma_wait3A_1512 = tpu.memref_slice %arg13[%dma_wait3A_1510, %dma_wait3A_1511] : memref<2x128xi32, #tpu.memory_space<vmem>> -> memref<1x128xi32, #tpu.memory_space<vmem>>
      %dma_wait3A_1513 = tpu.memref_squeeze %dma_wait3A_1512 : memref<1x128xi32, #tpu.memory_space<vmem>> -> memref<128xi32, #tpu.memory_space<vmem>>
      %dma_wait3A_1514 = arith.constant 0 : i32
      %dma_wait3A_1515 = arith.constant 0 : i32
      %dma_wait3A_1516 = tpu.memref_slice %arg2[%dma_wait3A_1514, %dma_wait3A_1515] : memref<50000x64xbf16, #tpu.memory_space<hbm>> -> memref<50000x64xbf16, #tpu.memory_space<hbm>>
      tpu.wait_indirect_dma semaphore(%arg18 : memref<!tpu.dma_semaphore, #tpu.memory_space<semaphore_mem>>) src(%dma_wait3A_1516 : memref<50000x64xbf16, #tpu.memory_space<hbm>>) dst(%arg15 : memref<128x64xbf16, #tpu.memory_space<vmem>>)
      %dma_start3A_1517 = arith.constant 0 : i32
      %dma_start3A_1518 = arith.constant 0 : i32
      %dma_start3A_1519 = tpu.memref_slice %arg14[%dma_start3A_1517, %dma_start3A_1518] : memref<3x128xi32, #tpu.memory_space<vmem>> -> memref<1x128xi32, #tpu.memory_space<vmem>>
      %dma_start3A_1520 = tpu.memref_squeeze %dma_start3A_1519 : memref<1x128xi32, #tpu.memory_space<vmem>> -> memref<128xi32, #tpu.memory_space<vmem>>
      %dma_start3A_1521 = arith.constant 0 : i32
      %dma_start3A_1522 = arith.constant 0 : i32
      %dma_start3A_1523 = tpu.memref_slice %arg17[%dma_start3A_1521, %dma_start3A_1522] : memref<25344x64xbf16, #tpu.memory_space<vmem_shared>> -> memref<25344x64xbf16, #tpu.memory_space<vmem_shared>>
      tpu.enqueue_indirect_dma source(%arg15 : memref<128x64xbf16, #tpu.memory_space<vmem>>) target(%dma_start3A_1523 : memref<25344x64xbf16, #tpu.memory_space<vmem_shared>>) offsets(%dma_start3A_1520 : memref<128xi32, #tpu.memory_space<vmem>>) semaphore(%arg20 : memref<!tpu.dma_semaphore, #tpu.memory_space<semaphore_mem>>) {add = true}
      %dma_wait3A_1524 = arith.constant 1 : i32
      %dma_wait3A_1525 = arith.constant 0 : i32
      %dma_wait3A_1526 = tpu.memref_slice %arg13[%dma_wait3A_1524, %dma_wait3A_1525] : memref<2x128xi32, #tpu.memory_space<vmem>> -> memref<1x128xi32, #tpu.memory_space<vmem>>
      %dma_wait3A_1527 = tpu.memref_squeeze %dma_wait3A_1526 : memref<1x128xi32, #tpu.memory_space<vmem>> -> memref<128xi32, #tpu.memory_space<vmem>>
      %dma_wait3A_1528 = arith.constant 0 : i32
      %dma_wait3A_1529 = arith.constant 0 : i32
      %dma_wait3A_1530 = tpu.memref_slice %arg2[%dma_wait3A_1528, %dma_wait3A_1529] : memref<50000x64xbf16, #tpu.memory_space<hbm>> -> memref<50000x64xbf16, #tpu.memory_space<hbm>>
      tpu.wait_indirect_dma semaphore(%arg19 : memref<!tpu.dma_semaphore, #tpu.memory_space<semaphore_mem>>) src(%dma_wait3A_1530 : memref<50000x64xbf16, #tpu.memory_space<hbm>>) dst(%arg16 : memref<128x64xbf16, #tpu.memory_space<vmem>>)
      %dma_start3A_1531 = arith.constant 1 : i32
      %dma_start3A_1532 = arith.constant 0 : i32
      %dma_start3A_1533 = tpu.memref_slice %arg14[%dma_start3A_1531, %dma_start3A_1532] : memref<3x128xi32, #tpu.memory_space<vmem>> -> memref<1x128xi32, #tpu.memory_space<vmem>>
      %dma_start3A_1534 = tpu.memref_squeeze %dma_start3A_1533 : memref<1x128xi32, #tpu.memory_space<vmem>> -> memref<128xi32, #tpu.memory_space<vmem>>
      %dma_start3A_1535 = arith.constant 0 : i32
      %dma_start3A_1536 = arith.constant 0 : i32
      %dma_start3A_1537 = tpu.memref_slice %arg17[%dma_start3A_1535, %dma_start3A_1536] : memref<25344x64xbf16, #tpu.memory_space<vmem_shared>> -> memref<25344x64xbf16, #tpu.memory_space<vmem_shared>>
      tpu.enqueue_indirect_dma source(%arg16 : memref<128x64xbf16, #tpu.memory_space<vmem>>) target(%dma_start3A_1537 : memref<25344x64xbf16, #tpu.memory_space<vmem_shared>>) offsets(%dma_start3A_1534 : memref<128xi32, #tpu.memory_space<vmem>>) semaphore(%arg21 : memref<!tpu.dma_semaphore, #tpu.memory_space<semaphore_mem>>) {add = true}
      %dma_wait3A_1538 = arith.constant 0 : i32
      %dma_wait3A_1539 = arith.constant 0 : i32
      %dma_wait3A_1540 = tpu.memref_slice %arg2[%dma_wait3A_1538, %dma_wait3A_1539] : memref<50000x64xbf16, #tpu.memory_space<hbm>> -> memref<128x64xbf16, #tpu.memory_space<hbm>>
      %dma_wait3A_1541 = arith.constant 0 : i32
      %dma_wait3A_1542 = arith.constant 0 : i32
      %dma_wait3A_1543 = tpu.memref_slice %arg2[%dma_wait3A_1541, %dma_wait3A_1542] : memref<50000x64xbf16, #tpu.memory_space<hbm>> -> memref<128x64xbf16, #tpu.memory_space<hbm>>
      tpu.wait_dma2 semaphore(%arg20 : memref<!tpu.dma_semaphore, #tpu.memory_space<semaphore_mem>>) src(%dma_wait3A_1543 : memref<128x64xbf16, #tpu.memory_space<hbm>>) dst(%arg15 : memref<128x64xbf16, #tpu.memory_space<vmem>>)
      %get3A_1544 = arith.constant 768 : index
      %get3A_1545 = tpu.vector_load %arg12[%get3A_1544] {strides = array<i32>} : memref<1024xi32, #tpu.memory_space<vmem>>, vector<16xi32>,
      %gather3A_1546 = tpu.vector_load_idx %arg9[%get3A_1545] : memref<40000xi32, #tpu.memory_space<vmem>>[vector<16xi32>], vector<16xi32>,
      %swap3A_1547 = arith.constant 0 : i32
      %swap3A_1548 = arith.index_cast %swap3A_1547 : i32 to index
      %swap3A_1549 = arith.constant 0 : index
      %swap3A_1550 = tpu.vector_load %arg13[%swap3A_1548, %swap3A_1549] {strides = array<i32>} : memref<2x128xi32, #tpu.memory_space<vmem>>, vector<16xi32>,
      tpu.vector_store %arg13[%swap3A_1548, %swap3A_1549], %gather3A_1546 {strides = array<i32>} : memref<2x128xi32, #tpu.memory_space<vmem>>, vector<16xi32>,
      %get3A_1551 = arith.constant 768 : index
      %get3A_1552 = tpu.vector_load %arg11[%get3A_1551] {strides = array<i32>} : memref<1024xi32, #tpu.memory_space<vmem>>, vector<16xi32>,
      %sub3A_1553 = vector.broadcast %mul3A_10 : i32 to vector<16xi32>
      %sub3A_1554 = arith.subi %get3A_1552, %sub3A_1553 : vector<16xi32>
      %ge3A_1555 = arith.constant 0 : i32
      %ge3A_1556 = vector.broadcast %ge3A_1555 : i32 to vector<16xi32>
      %ge3A_1557 = arith.cmpi sge, %sub3A_1554, %ge3A_1556 : vector<16xi32>
      %lt3A_1558 = arith.constant 25088 : i32
      %lt3A_1559 = vector.broadcast %lt3A_1558 : i32 to vector<16xi32>
      %lt3A_1560 = arith.cmpi slt, %sub3A_1554, %lt3A_1559 : vector<16xi32>
      %and3A_1561 = arith.andi %ge3A_1557, %lt3A_1560 : vector<16xi1>
      %jit3A_1562 = arith.constant 25200 : i32
      %broadcast_in_dim3A_1563 = vector.broadcast %jit3A_1562 : i32 to vector<16xi32>
      %select_n3A_1564 = arith.select %and3A_1561, %sub3A_1554, %broadcast_in_dim3A_1563 : vector<16xi1>, vector<16xi32>
      %swap3A_1565 = arith.constant 0 : i32
      %swap3A_1566 = arith.index_cast %swap3A_1565 : i32 to index
      %swap3A_1567 = arith.constant 0 : index
      %swap3A_1568 = tpu.vector_load %arg14[%swap3A_1566, %swap3A_1567] {strides = array<i32>} : memref<3x128xi32, #tpu.memory_space<vmem>>, vector<16xi32>,
      tpu.vector_store %arg14[%swap3A_1566, %swap3A_1567], %select_n3A_1564 {strides = array<i32>} : memref<3x128xi32, #tpu.memory_space<vmem>>, vector<16xi32>,
      %get3A_1569 = arith.constant 784 : index
      %get3A_1570 = tpu.vector_load %arg12[%get3A_1569] {strides = array<i32>} : memref<1024xi32, #tpu.memory_space<vmem>>, vector<16xi32>,
      %gather3A_1571 = tpu.vector_load_idx %arg9[%get3A_1570] : memref<40000xi32, #tpu.memory_space<vmem>>[vector<16xi32>], vector<16xi32>,
      %swap3A_1572 = arith.constant 0 : i32
      %swap3A_1573 = arith.index_cast %swap3A_1572 : i32 to index
      %swap3A_1574 = arith.constant 16 : index
      %swap3A_1575 = tpu.vector_load %arg13[%swap3A_1573, %swap3A_1574] {strides = array<i32>} : memref<2x128xi32, #tpu.memory_space<vmem>>, vector<16xi32>,
      tpu.vector_store %arg13[%swap3A_1573, %swap3A_1574], %gather3A_1571 {strides = array<i32>} : memref<2x128xi32, #tpu.memory_space<vmem>>, vector<16xi32>,
      %get3A_1576 = arith.constant 784 : index
      %get3A_1577 = tpu.vector_load %arg11[%get3A_1576] {strides = array<i32>} : memref<1024xi32, #tpu.memory_space<vmem>>, vector<16xi32>,
      %sub3A_1578 = vector.broadcast %mul3A_10 : i32 to vector<16xi32>
      %sub3A_1579 = arith.subi %get3A_1577, %sub3A_1578 : vector<16xi32>
      %ge3A_1580 = arith.constant 0 : i32
      %ge3A_1581 = vector.broadcast %ge3A_1580 : i32 to vector<16xi32>
      %ge3A_1582 = arith.cmpi sge, %sub3A_1579, %ge3A_1581 : vector<16xi32>
      %lt3A_1583 = arith.constant 25088 : i32
      %lt3A_1584 = vector.broadcast %lt3A_1583 : i32 to vector<16xi32>
      %lt3A_1585 = arith.cmpi slt, %sub3A_1579, %lt3A_1584 : vector<16xi32>
      %and3A_1586 = arith.andi %ge3A_1582, %lt3A_1585 : vector<16xi1>
      %jit3A_1587 = arith.constant 25200 : i32
      %broadcast_in_dim3A_1588 = vector.broadcast %jit3A_1587 : i32 to vector<16xi32>
      %select_n3A_1589 = arith.select %and3A_1586, %sub3A_1579, %broadcast_in_dim3A_1588 : vector<16xi1>, vector<16xi32>
      %swap3A_1590 = arith.constant 0 : i32
      %swap3A_1591 = arith.index_cast %swap3A_1590 : i32 to index
      %swap3A_1592 = arith.constant 16 : index
      %swap3A_1593 = tpu.vector_load %arg14[%swap3A_1591, %swap3A_1592] {strides = array<i32>} : memref<3x128xi32, #tpu.memory_space<vmem>>, vector<16xi32>,
      tpu.vector_store %arg14[%swap3A_1591, %swap3A_1592], %select_n3A_1589 {strides = array<i32>} : memref<3x128xi32, #tpu.memory_space<vmem>>, vector<16xi32>,
      %get3A_1594 = arith.constant 800 : index
      %get3A_1595 = tpu.vector_load %arg12[%get3A_1594] {strides = array<i32>} : memref<1024xi32, #tpu.memory_space<vmem>>, vector<16xi32>,
      %gather3A_1596 = tpu.vector_load_idx %arg9[%get3A_1595] : memref<40000xi32, #tpu.memory_space<vmem>>[vector<16xi32>], vector<16xi32>,
      %swap3A_1597 = arith.constant 0 : i32
      %swap3A_1598 = arith.index_cast %swap3A_1597 : i32 to index
      %swap3A_1599 = arith.constant 32 : index
      %swap3A_1600 = tpu.vector_load %arg13[%swap3A_1598, %swap3A_1599] {strides = array<i32>} : memref<2x128xi32, #tpu.memory_space<vmem>>, vector<16xi32>,
      tpu.vector_store %arg13[%swap3A_1598, %swap3A_1599], %gather3A_1596 {strides = array<i32>} : memref<2x128xi32, #tpu.memory_space<vmem>>, vector<16xi32>,
      %get3A_1601 = arith.constant 800 : index
      %get3A_1602 = tpu.vector_load %arg11[%get3A_1601] {strides = array<i32>} : memref<1024xi32, #tpu.memory_space<vmem>>, vector<16xi32>,
      %sub3A_1603 = vector.broadcast %mul3A_10 : i32 to vector<16xi32>
      %sub3A_1604 = arith.subi %get3A_1602, %sub3A_1603 : vector<16xi32>
      %ge3A_1605 = arith.constant 0 : i32
      %ge3A_1606 = vector.broadcast %ge3A_1605 : i32 to vector<16xi32>
      %ge3A_1607 = arith.cmpi sge, %sub3A_1604, %ge3A_1606 : vector<16xi32>
      %lt3A_1608 = arith.constant 25088 : i32
      %lt3A_1609 = vector.broadcast %lt3A_1608 : i32 to vector<16xi32>
      %lt3A_1610 = arith.cmpi slt, %sub3A_1604, %lt3A_1609 : vector<16xi32>
      %and3A_1611 = arith.andi %ge3A_1607, %lt3A_1610 : vector<16xi1>
      %jit3A_1612 = arith.constant 25200 : i32
      %broadcast_in_dim3A_1613 = vector.broadcast %jit3A_1612 : i32 to vector<16xi32>
      %select_n3A_1614 = arith.select %and3A_1611, %sub3A_1604, %broadcast_in_dim3A_1613 : vector<16xi1>, vector<16xi32>
      %swap3A_1615 = arith.constant 0 : i32
      %swap3A_1616 = arith.index_cast %swap3A_1615 : i32 to index
      %swap3A_1617 = arith.constant 32 : index
      %swap3A_1618 = tpu.vector_load %arg14[%swap3A_1616, %swap3A_1617] {strides = array<i32>} : memref<3x128xi32, #tpu.memory_space<vmem>>, vector<16xi32>,
      tpu.vector_store %arg14[%swap3A_1616, %swap3A_1617], %select_n3A_1614 {strides = array<i32>} : memref<3x128xi32, #tpu.memory_space<vmem>>, vector<16xi32>,
      %get3A_1619 = arith.constant 816 : index
      %get3A_1620 = tpu.vector_load %arg12[%get3A_1619] {strides = array<i32>} : memref<1024xi32, #tpu.memory_space<vmem>>, vector<16xi32>,
      %gather3A_1621 = tpu.vector_load_idx %arg9[%get3A_1620] : memref<40000xi32, #tpu.memory_space<vmem>>[vector<16xi32>], vector<16xi32>,
      %swap3A_1622 = arith.constant 0 : i32
      %swap3A_1623 = arith.index_cast %swap3A_1622 : i32 to index
      %swap3A_1624 = arith.constant 48 : index
      %swap3A_1625 = tpu.vector_load %arg13[%swap3A_1623, %swap3A_1624] {strides = array<i32>} : memref<2x128xi32, #tpu.memory_space<vmem>>, vector<16xi32>,
      tpu.vector_store %arg13[%swap3A_1623, %swap3A_1624], %gather3A_1621 {strides = array<i32>} : memref<2x128xi32, #tpu.memory_space<vmem>>, vector<16xi32>,
      %get3A_1626 = arith.constant 816 : index
      %get3A_1627 = tpu.vector_load %arg11[%get3A_1626] {strides = array<i32>} : memref<1024xi32, #tpu.memory_space<vmem>>, vector<16xi32>,
      %sub3A_1628 = vector.broadcast %mul3A_10 : i32 to vector<16xi32>
      %sub3A_1629 = arith.subi %get3A_1627, %sub3A_1628 : vector<16xi32>
      %ge3A_1630 = arith.constant 0 : i32
      %ge3A_1631 = vector.broadcast %ge3A_1630 : i32 to vector<16xi32>
      %ge3A_1632 = arith.cmpi sge, %sub3A_1629, %ge3A_1631 : vector<16xi32>
      %lt3A_1633 = arith.constant 25088 : i32
      %lt3A_1634 = vector.broadcast %lt3A_1633 : i32 to vector<16xi32>
      %lt3A_1635 = arith.cmpi slt, %sub3A_1629, %lt3A_1634 : vector<16xi32>
      %and3A_1636 = arith.andi %ge3A_1632, %lt3A_1635 : vector<16xi1>
      %jit3A_1637 = arith.constant 25200 : i32
      %broadcast_in_dim3A_1638 = vector.broadcast %jit3A_1637 : i32 to vector<16xi32>
      %select_n3A_1639 = arith.select %and3A_1636, %sub3A_1629, %broadcast_in_dim3A_1638 : vector<16xi1>, vector<16xi32>
      %swap3A_1640 = arith.constant 0 : i32
      %swap3A_1641 = arith.index_cast %swap3A_1640 : i32 to index
      %swap3A_1642 = arith.constant 48 : index
      %swap3A_1643 = tpu.vector_load %arg14[%swap3A_1641, %swap3A_1642] {strides = array<i32>} : memref<3x128xi32, #tpu.memory_space<vmem>>, vector<16xi32>,
      tpu.vector_store %arg14[%swap3A_1641, %swap3A_1642], %select_n3A_1639 {strides = array<i32>} : memref<3x128xi32, #tpu.memory_space<vmem>>, vector<16xi32>,
      %get3A_1644 = arith.constant 832 : index
      %get3A_1645 = tpu.vector_load %arg12[%get3A_1644] {strides = array<i32>} : memref<1024xi32, #tpu.memory_space<vmem>>, vector<16xi32>,
      %gather3A_1646 = tpu.vector_load_idx %arg9[%get3A_1645] : memref<40000xi32, #tpu.memory_space<vmem>>[vector<16xi32>], vector<16xi32>,
      %swap3A_1647 = arith.constant 0 : i32
      %swap3A_1648 = arith.index_cast %swap3A_1647 : i32 to index
      %swap3A_1649 = arith.constant 64 : index
      %swap3A_1650 = tpu.vector_load %arg13[%swap3A_1648, %swap3A_1649] {strides = array<i32>} : memref<2x128xi32, #tpu.memory_space<vmem>>, vector<16xi32>,
      tpu.vector_store %arg13[%swap3A_1648, %swap3A_1649], %gather3A_1646 {strides = array<i32>} : memref<2x128xi32, #tpu.memory_space<vmem>>, vector<16xi32>,
      %get3A_1651 = arith.constant 832 : index
      %get3A_1652 = tpu.vector_load %arg11[%get3A_1651] {strides = array<i32>} : memref<1024xi32, #tpu.memory_space<vmem>>, vector<16xi32>,
      %sub3A_1653 = vector.broadcast %mul3A_10 : i32 to vector<16xi32>
      %sub3A_1654 = arith.subi %get3A_1652, %sub3A_1653 : vector<16xi32>
      %ge3A_1655 = arith.constant 0 : i32
      %ge3A_1656 = vector.broadcast %ge3A_1655 : i32 to vector<16xi32>
      %ge3A_1657 = arith.cmpi sge, %sub3A_1654, %ge3A_1656 : vector<16xi32>
      %lt3A_1658 = arith.constant 25088 : i32
      %lt3A_1659 = vector.broadcast %lt3A_1658 : i32 to vector<16xi32>
      %lt3A_1660 = arith.cmpi slt, %sub3A_1654, %lt3A_1659 : vector<16xi32>
      %and3A_1661 = arith.andi %ge3A_1657, %lt3A_1660 : vector<16xi1>
      %jit3A_1662 = arith.constant 25200 : i32
      %broadcast_in_dim3A_1663 = vector.broadcast %jit3A_1662 : i32 to vector<16xi32>
      %select_n3A_1664 = arith.select %and3A_1661, %sub3A_1654, %broadcast_in_dim3A_1663 : vector<16xi1>, vector<16xi32>
      %swap3A_1665 = arith.constant 0 : i32
      %swap3A_1666 = arith.index_cast %swap3A_1665 : i32 to index
      %swap3A_1667 = arith.constant 64 : index
      %swap3A_1668 = tpu.vector_load %arg14[%swap3A_1666, %swap3A_1667] {strides = array<i32>} : memref<3x128xi32, #tpu.memory_space<vmem>>, vector<16xi32>,
      tpu.vector_store %arg14[%swap3A_1666, %swap3A_1667], %select_n3A_1664 {strides = array<i32>} : memref<3x128xi32, #tpu.memory_space<vmem>>, vector<16xi32>,
      %get3A_1669 = arith.constant 848 : index
      %get3A_1670 = tpu.vector_load %arg12[%get3A_1669] {strides = array<i32>} : memref<1024xi32, #tpu.memory_space<vmem>>, vector<16xi32>,
      %gather3A_1671 = tpu.vector_load_idx %arg9[%get3A_1670] : memref<40000xi32, #tpu.memory_space<vmem>>[vector<16xi32>], vector<16xi32>,
      %swap3A_1672 = arith.constant 0 : i32
      %swap3A_1673 = arith.index_cast %swap3A_1672 : i32 to index
      %swap3A_1674 = arith.constant 80 : index
      %swap3A_1675 = tpu.vector_load %arg13[%swap3A_1673, %swap3A_1674] {strides = array<i32>} : memref<2x128xi32, #tpu.memory_space<vmem>>, vector<16xi32>,
      tpu.vector_store %arg13[%swap3A_1673, %swap3A_1674], %gather3A_1671 {strides = array<i32>} : memref<2x128xi32, #tpu.memory_space<vmem>>, vector<16xi32>,
      %get3A_1676 = arith.constant 848 : index
      %get3A_1677 = tpu.vector_load %arg11[%get3A_1676] {strides = array<i32>} : memref<1024xi32, #tpu.memory_space<vmem>>, vector<16xi32>,
      %sub3A_1678 = vector.broadcast %mul3A_10 : i32 to vector<16xi32>
      %sub3A_1679 = arith.subi %get3A_1677, %sub3A_1678 : vector<16xi32>
      %ge3A_1680 = arith.constant 0 : i32
      %ge3A_1681 = vector.broadcast %ge3A_1680 : i32 to vector<16xi32>
      %ge3A_1682 = arith.cmpi sge, %sub3A_1679, %ge3A_1681 : vector<16xi32>
      %lt3A_1683 = arith.constant 25088 : i32
      %lt3A_1684 = vector.broadcast %lt3A_1683 : i32 to vector<16xi32>
      %lt3A_1685 = arith.cmpi slt, %sub3A_1679, %lt3A_1684 : vector<16xi32>
      %and3A_1686 = arith.andi %ge3A_1682, %lt3A_1685 : vector<16xi1>
      %jit3A_1687 = arith.constant 25200 : i32
      %broadcast_in_dim3A_1688 = vector.broadcast %jit3A_1687 : i32 to vector<16xi32>
      %select_n3A_1689 = arith.select %and3A_1686, %sub3A_1679, %broadcast_in_dim3A_1688 : vector<16xi1>, vector<16xi32>
      %swap3A_1690 = arith.constant 0 : i32
      %swap3A_1691 = arith.index_cast %swap3A_1690 : i32 to index
      %swap3A_1692 = arith.constant 80 : index
      %swap3A_1693 = tpu.vector_load %arg14[%swap3A_1691, %swap3A_1692] {strides = array<i32>} : memref<3x128xi32, #tpu.memory_space<vmem>>, vector<16xi32>,
      tpu.vector_store %arg14[%swap3A_1691, %swap3A_1692], %select_n3A_1689 {strides = array<i32>} : memref<3x128xi32, #tpu.memory_space<vmem>>, vector<16xi32>,
      %get3A_1694 = arith.constant 864 : index
      %get3A_1695 = tpu.vector_load %arg12[%get3A_1694] {strides = array<i32>} : memref<1024xi32, #tpu.memory_space<vmem>>, vector<16xi32>,
      %gather3A_1696 = tpu.vector_load_idx %arg9[%get3A_1695] : memref<40000xi32, #tpu.memory_space<vmem>>[vector<16xi32>], vector<16xi32>,
      %swap3A_1697 = arith.constant 0 : i32
      %swap3A_1698 = arith.index_cast %swap3A_1697 : i32 to index
      %swap3A_1699 = arith.constant 96 : index
      %swap3A_1700 = tpu.vector_load %arg13[%swap3A_1698, %swap3A_1699] {strides = array<i32>} : memref<2x128xi32, #tpu.memory_space<vmem>>, vector<16xi32>,
      tpu.vector_store %arg13[%swap3A_1698, %swap3A_1699], %gather3A_1696 {strides = array<i32>} : memref<2x128xi32, #tpu.memory_space<vmem>>, vector<16xi32>,
      %get3A_1701 = arith.constant 864 : index
      %get3A_1702 = tpu.vector_load %arg11[%get3A_1701] {strides = array<i32>} : memref<1024xi32, #tpu.memory_space<vmem>>, vector<16xi32>,
      %sub3A_1703 = vector.broadcast %mul3A_10 : i32 to vector<16xi32>
      %sub3A_1704 = arith.subi %get3A_1702, %sub3A_1703 : vector<16xi32>
      %ge3A_1705 = arith.constant 0 : i32
      %ge3A_1706 = vector.broadcast %ge3A_1705 : i32 to vector<16xi32>
      %ge3A_1707 = arith.cmpi sge, %sub3A_1704, %ge3A_1706 : vector<16xi32>
      %lt3A_1708 = arith.constant 25088 : i32
      %lt3A_1709 = vector.broadcast %lt3A_1708 : i32 to vector<16xi32>
      %lt3A_1710 = arith.cmpi slt, %sub3A_1704, %lt3A_1709 : vector<16xi32>
      %and3A_1711 = arith.andi %ge3A_1707, %lt3A_1710 : vector<16xi1>
      %jit3A_1712 = arith.constant 25200 : i32
      %broadcast_in_dim3A_1713 = vector.broadcast %jit3A_1712 : i32 to vector<16xi32>
      %select_n3A_1714 = arith.select %and3A_1711, %sub3A_1704, %broadcast_in_dim3A_1713 : vector<16xi1>, vector<16xi32>
      %swap3A_1715 = arith.constant 0 : i32
      %swap3A_1716 = arith.index_cast %swap3A_1715 : i32 to index
      %swap3A_1717 = arith.constant 96 : index
      %swap3A_1718 = tpu.vector_load %arg14[%swap3A_1716, %swap3A_1717] {strides = array<i32>} : memref<3x128xi32, #tpu.memory_space<vmem>>, vector<16xi32>,
      tpu.vector_store %arg14[%swap3A_1716, %swap3A_1717], %select_n3A_1714 {strides = array<i32>} : memref<3x128xi32, #tpu.memory_space<vmem>>, vector<16xi32>,
      %get3A_1719 = arith.constant 880 : index
      %get3A_1720 = tpu.vector_load %arg12[%get3A_1719] {strides = array<i32>} : memref<1024xi32, #tpu.memory_space<vmem>>, vector<16xi32>,
      %gather3A_1721 = tpu.vector_load_idx %arg9[%get3A_1720] : memref<40000xi32, #tpu.memory_space<vmem>>[vector<16xi32>], vector<16xi32>,
      %swap3A_1722 = arith.constant 0 : i32
      %swap3A_1723 = arith.index_cast %swap3A_1722 : i32 to index
      %swap3A_1724 = arith.constant 112 : index
      %swap3A_1725 = tpu.vector_load %arg13[%swap3A_1723, %swap3A_1724] {strides = array<i32>} : memref<2x128xi32, #tpu.memory_space<vmem>>, vector<16xi32>,
      tpu.vector_store %arg13[%swap3A_1723, %swap3A_1724], %gather3A_1721 {strides = array<i32>} : memref<2x128xi32, #tpu.memory_space<vmem>>, vector<16xi32>,
      %get3A_1726 = arith.constant 880 : index
      %get3A_1727 = tpu.vector_load %arg11[%get3A_1726] {strides = array<i32>} : memref<1024xi32, #tpu.memory_space<vmem>>, vector<16xi32>,
      %sub3A_1728 = vector.broadcast %mul3A_10 : i32 to vector<16xi32>
      %sub3A_1729 = arith.subi %get3A_1727, %sub3A_1728 : vector<16xi32>
      %ge3A_1730 = arith.constant 0 : i32
      %ge3A_1731 = vector.broadcast %ge3A_1730 : i32 to vector<16xi32>
      %ge3A_1732 = arith.cmpi sge, %sub3A_1729, %ge3A_1731 : vector<16xi32>
      %lt3A_1733 = arith.constant 25088 : i32
      %lt3A_1734 = vector.broadcast %lt3A_1733 : i32 to vector<16xi32>
      %lt3A_1735 = arith.cmpi slt, %sub3A_1729, %lt3A_1734 : vector<16xi32>
      %and3A_1736 = arith.andi %ge3A_1732, %lt3A_1735 : vector<16xi1>
      %jit3A_1737 = arith.constant 25200 : i32
      %broadcast_in_dim3A_1738 = vector.broadcast %jit3A_1737 : i32 to vector<16xi32>
      %select_n3A_1739 = arith.select %and3A_1736, %sub3A_1729, %broadcast_in_dim3A_1738 : vector<16xi1>, vector<16xi32>
      %swap3A_1740 = arith.constant 0 : i32
      %swap3A_1741 = arith.index_cast %swap3A_1740 : i32 to index
      %swap3A_1742 = arith.constant 112 : index
      %swap3A_1743 = tpu.vector_load %arg14[%swap3A_1741, %swap3A_1742] {strides = array<i32>} : memref<3x128xi32, #tpu.memory_space<vmem>>, vector<16xi32>,
      tpu.vector_store %arg14[%swap3A_1741, %swap3A_1742], %select_n3A_1739 {strides = array<i32>} : memref<3x128xi32, #tpu.memory_space<vmem>>, vector<16xi32>,
      %dma_start3A_1744 = arith.constant 0 : i32
      %dma_start3A_1745 = arith.constant 0 : i32
      %dma_start3A_1746 = tpu.memref_slice %arg13[%dma_start3A_1744, %dma_start3A_1745] : memref<2x128xi32, #tpu.memory_space<vmem>> -> memref<1x128xi32, #tpu.memory_space<vmem>>
      %dma_start3A_1747 = tpu.memref_squeeze %dma_start3A_1746 : memref<1x128xi32, #tpu.memory_space<vmem>> -> memref<128xi32, #tpu.memory_space<vmem>>
      %dma_start3A_1748 = arith.constant 0 : i32
      %dma_start3A_1749 = arith.constant 0 : i32
      %dma_start3A_1750 = tpu.memref_slice %arg2[%dma_start3A_1748, %dma_start3A_1749] : memref<50000x64xbf16, #tpu.memory_space<hbm>> -> memref<50000x64xbf16, #tpu.memory_space<hbm>>
      tpu.enqueue_indirect_dma source(%dma_start3A_1750 : memref<50000x64xbf16, #tpu.memory_space<hbm>>) target(%arg15 : memref<128x64xbf16, #tpu.memory_space<vmem>>) offsets(%dma_start3A_1747 : memref<128xi32, #tpu.memory_space<vmem>>) semaphore(%arg18 : memref<!tpu.dma_semaphore, #tpu.memory_space<semaphore_mem>>)
      %dma_wait3A_1751 = arith.constant 0 : i32
      %dma_wait3A_1752 = arith.constant 0 : i32
      %dma_wait3A_1753 = tpu.memref_slice %arg2[%dma_wait3A_1751, %dma_wait3A_1752] : memref<50000x64xbf16, #tpu.memory_space<hbm>> -> memref<128x64xbf16, #tpu.memory_space<hbm>>
      %dma_wait3A_1754 = arith.constant 0 : i32
      %dma_wait3A_1755 = arith.constant 0 : i32
      %dma_wait3A_1756 = tpu.memref_slice %arg2[%dma_wait3A_1754, %dma_wait3A_1755] : memref<50000x64xbf16, #tpu.memory_space<hbm>> -> memref<128x64xbf16, #tpu.memory_space<hbm>>
      tpu.wait_dma2 semaphore(%arg21 : memref<!tpu.dma_semaphore, #tpu.memory_space<semaphore_mem>>) src(%dma_wait3A_1756 : memref<128x64xbf16, #tpu.memory_space<hbm>>) dst(%arg16 : memref<128x64xbf16, #tpu.memory_space<vmem>>)
      %get3A_1757 = arith.constant 896 : index
      %get3A_1758 = tpu.vector_load %arg12[%get3A_1757] {strides = array<i32>} : memref<1024xi32, #tpu.memory_space<vmem>>, vector<16xi32>,
      %gather3A_1759 = tpu.vector_load_idx %arg9[%get3A_1758] : memref<40000xi32, #tpu.memory_space<vmem>>[vector<16xi32>], vector<16xi32>,
      %swap3A_1760 = arith.constant 1 : i32
      %swap3A_1761 = arith.index_cast %swap3A_1760 : i32 to index
      %swap3A_1762 = arith.constant 0 : index
      %swap3A_1763 = tpu.vector_load %arg13[%swap3A_1761, %swap3A_1762] {strides = array<i32>} : memref<2x128xi32, #tpu.memory_space<vmem>>, vector<16xi32>,
      tpu.vector_store %arg13[%swap3A_1761, %swap3A_1762], %gather3A_1759 {strides = array<i32>} : memref<2x128xi32, #tpu.memory_space<vmem>>, vector<16xi32>,
      %get3A_1764 = arith.constant 896 : index
      %get3A_1765 = tpu.vector_load %arg11[%get3A_1764] {strides = array<i32>} : memref<1024xi32, #tpu.memory_space<vmem>>, vector<16xi32>,
      %sub3A_1766 = vector.broadcast %mul3A_10 : i32 to vector<16xi32>
      %sub3A_1767 = arith.subi %get3A_1765, %sub3A_1766 : vector<16xi32>
      %ge3A_1768 = arith.constant 0 : i32
      %ge3A_1769 = vector.broadcast %ge3A_1768 : i32 to vector<16xi32>
      %ge3A_1770 = arith.cmpi sge, %sub3A_1767, %ge3A_1769 : vector<16xi32>
      %lt3A_1771 = arith.constant 25088 : i32
      %lt3A_1772 = vector.broadcast %lt3A_1771 : i32 to vector<16xi32>
      %lt3A_1773 = arith.cmpi slt, %sub3A_1767, %lt3A_1772 : vector<16xi32>
      %and3A_1774 = arith.andi %ge3A_1770, %lt3A_1773 : vector<16xi1>
      %jit3A_1775 = arith.constant 25200 : i32
      %broadcast_in_dim3A_1776 = vector.broadcast %jit3A_1775 : i32 to vector<16xi32>
      %select_n3A_1777 = arith.select %and3A_1774, %sub3A_1767, %broadcast_in_dim3A_1776 : vector<16xi1>, vector<16xi32>
      %swap3A_1778 = arith.constant 1 : i32
      %swap3A_1779 = arith.index_cast %swap3A_1778 : i32 to index
      %swap3A_1780 = arith.constant 0 : index
      %swap3A_1781 = tpu.vector_load %arg14[%swap3A_1779, %swap3A_1780] {strides = array<i32>} : memref<3x128xi32, #tpu.memory_space<vmem>>, vector<16xi32>,
      tpu.vector_store %arg14[%swap3A_1779, %swap3A_1780], %select_n3A_1777 {strides = array<i32>} : memref<3x128xi32, #tpu.memory_space<vmem>>, vector<16xi32>,
      %get3A_1782 = arith.constant 912 : index
      %get3A_1783 = tpu.vector_load %arg12[%get3A_1782] {strides = array<i32>} : memref<1024xi32, #tpu.memory_space<vmem>>, vector<16xi32>,
      %gather3A_1784 = tpu.vector_load_idx %arg9[%get3A_1783] : memref<40000xi32, #tpu.memory_space<vmem>>[vector<16xi32>], vector<16xi32>,
      %swap3A_1785 = arith.constant 1 : i32
      %swap3A_1786 = arith.index_cast %swap3A_1785 : i32 to index
      %swap3A_1787 = arith.constant 16 : index
      %swap3A_1788 = tpu.vector_load %arg13[%swap3A_1786, %swap3A_1787] {strides = array<i32>} : memref<2x128xi32, #tpu.memory_space<vmem>>, vector<16xi32>,
      tpu.vector_store %arg13[%swap3A_1786, %swap3A_1787], %gather3A_1784 {strides = array<i32>} : memref<2x128xi32, #tpu.memory_space<vmem>>, vector<16xi32>,
      %get3A_1789 = arith.constant 912 : index
      %get3A_1790 = tpu.vector_load %arg11[%get3A_1789] {strides = array<i32>} : memref<1024xi32, #tpu.memory_space<vmem>>, vector<16xi32>,
      %sub3A_1791 = vector.broadcast %mul3A_10 : i32 to vector<16xi32>
      %sub3A_1792 = arith.subi %get3A_1790, %sub3A_1791 : vector<16xi32>
      %ge3A_1793 = arith.constant 0 : i32
      %ge3A_1794 = vector.broadcast %ge3A_1793 : i32 to vector<16xi32>
      %ge3A_1795 = arith.cmpi sge, %sub3A_1792, %ge3A_1794 : vector<16xi32>
      %lt3A_1796 = arith.constant 25088 : i32
      %lt3A_1797 = vector.broadcast %lt3A_1796 : i32 to vector<16xi32>
      %lt3A_1798 = arith.cmpi slt, %sub3A_1792, %lt3A_1797 : vector<16xi32>
      %and3A_1799 = arith.andi %ge3A_1795, %lt3A_1798 : vector<16xi1>
      %jit3A_1800 = arith.constant 25200 : i32
      %broadcast_in_dim3A_1801 = vector.broadcast %jit3A_1800 : i32 to vector<16xi32>
      %select_n3A_1802 = arith.select %and3A_1799, %sub3A_1792, %broadcast_in_dim3A_1801 : vector<16xi1>, vector<16xi32>
      %swap3A_1803 = arith.constant 1 : i32
      %swap3A_1804 = arith.index_cast %swap3A_1803 : i32 to index
      %swap3A_1805 = arith.constant 16 : index
      %swap3A_1806 = tpu.vector_load %arg14[%swap3A_1804, %swap3A_1805] {strides = array<i32>} : memref<3x128xi32, #tpu.memory_space<vmem>>, vector<16xi32>,
      tpu.vector_store %arg14[%swap3A_1804, %swap3A_1805], %select_n3A_1802 {strides = array<i32>} : memref<3x128xi32, #tpu.memory_space<vmem>>, vector<16xi32>,
      %get3A_1807 = arith.constant 928 : index
      %get3A_1808 = tpu.vector_load %arg12[%get3A_1807] {strides = array<i32>} : memref<1024xi32, #tpu.memory_space<vmem>>, vector<16xi32>,
      %gather3A_1809 = tpu.vector_load_idx %arg9[%get3A_1808] : memref<40000xi32, #tpu.memory_space<vmem>>[vector<16xi32>], vector<16xi32>,
      %swap3A_1810 = arith.constant 1 : i32
      %swap3A_1811 = arith.index_cast %swap3A_1810 : i32 to index
      %swap3A_1812 = arith.constant 32 : index
      %swap3A_1813 = tpu.vector_load %arg13[%swap3A_1811, %swap3A_1812] {strides = array<i32>} : memref<2x128xi32, #tpu.memory_space<vmem>>, vector<16xi32>,
      tpu.vector_store %arg13[%swap3A_1811, %swap3A_1812], %gather3A_1809 {strides = array<i32>} : memref<2x128xi32, #tpu.memory_space<vmem>>, vector<16xi32>,
      %get3A_1814 = arith.constant 928 : index
      %get3A_1815 = tpu.vector_load %arg11[%get3A_1814] {strides = array<i32>} : memref<1024xi32, #tpu.memory_space<vmem>>, vector<16xi32>,
      %sub3A_1816 = vector.broadcast %mul3A_10 : i32 to vector<16xi32>
      %sub3A_1817 = arith.subi %get3A_1815, %sub3A_1816 : vector<16xi32>
      %ge3A_1818 = arith.constant 0 : i32
      %ge3A_1819 = vector.broadcast %ge3A_1818 : i32 to vector<16xi32>
      %ge3A_1820 = arith.cmpi sge, %sub3A_1817, %ge3A_1819 : vector<16xi32>
      %lt3A_1821 = arith.constant 25088 : i32
      %lt3A_1822 = vector.broadcast %lt3A_1821 : i32 to vector<16xi32>
      %lt3A_1823 = arith.cmpi slt, %sub3A_1817, %lt3A_1822 : vector<16xi32>
      %and3A_1824 = arith.andi %ge3A_1820, %lt3A_1823 : vector<16xi1>
      %jit3A_1825 = arith.constant 25200 : i32
      %broadcast_in_dim3A_1826 = vector.broadcast %jit3A_1825 : i32 to vector<16xi32>
      %select_n3A_1827 = arith.select %and3A_1824, %sub3A_1817, %broadcast_in_dim3A_1826 : vector<16xi1>, vector<16xi32>
      %swap3A_1828 = arith.constant 1 : i32
      %swap3A_1829 = arith.index_cast %swap3A_1828 : i32 to index
      %swap3A_1830 = arith.constant 32 : index
      %swap3A_1831 = tpu.vector_load %arg14[%swap3A_1829, %swap3A_1830] {strides = array<i32>} : memref<3x128xi32, #tpu.memory_space<vmem>>, vector<16xi32>,
      tpu.vector_store %arg14[%swap3A_1829, %swap3A_1830], %select_n3A_1827 {strides = array<i32>} : memref<3x128xi32, #tpu.memory_space<vmem>>, vector<16xi32>,
      %get3A_1832 = arith.constant 944 : index
      %get3A_1833 = tpu.vector_load %arg12[%get3A_1832] {strides = array<i32>} : memref<1024xi32, #tpu.memory_space<vmem>>, vector<16xi32>,
      %gather3A_1834 = tpu.vector_load_idx %arg9[%get3A_1833] : memref<40000xi32, #tpu.memory_space<vmem>>[vector<16xi32>], vector<16xi32>,
      %swap3A_1835 = arith.constant 1 : i32
      %swap3A_1836 = arith.index_cast %swap3A_1835 : i32 to index
      %swap3A_1837 = arith.constant 48 : index
      %swap3A_1838 = tpu.vector_load %arg13[%swap3A_1836, %swap3A_1837] {strides = array<i32>} : memref<2x128xi32, #tpu.memory_space<vmem>>, vector<16xi32>,
      tpu.vector_store %arg13[%swap3A_1836, %swap3A_1837], %gather3A_1834 {strides = array<i32>} : memref<2x128xi32, #tpu.memory_space<vmem>>, vector<16xi32>,
      %get3A_1839 = arith.constant 944 : index
      %get3A_1840 = tpu.vector_load %arg11[%get3A_1839] {strides = array<i32>} : memref<1024xi32, #tpu.memory_space<vmem>>, vector<16xi32>,
      %sub3A_1841 = vector.broadcast %mul3A_10 : i32 to vector<16xi32>
      %sub3A_1842 = arith.subi %get3A_1840, %sub3A_1841 : vector<16xi32>
      %ge3A_1843 = arith.constant 0 : i32
      %ge3A_1844 = vector.broadcast %ge3A_1843 : i32 to vector<16xi32>
      %ge3A_1845 = arith.cmpi sge, %sub3A_1842, %ge3A_1844 : vector<16xi32>
      %lt3A_1846 = arith.constant 25088 : i32
      %lt3A_1847 = vector.broadcast %lt3A_1846 : i32 to vector<16xi32>
      %lt3A_1848 = arith.cmpi slt, %sub3A_1842, %lt3A_1847 : vector<16xi32>
      %and3A_1849 = arith.andi %ge3A_1845, %lt3A_1848 : vector<16xi1>
      %jit3A_1850 = arith.constant 25200 : i32
      %broadcast_in_dim3A_1851 = vector.broadcast %jit3A_1850 : i32 to vector<16xi32>
      %select_n3A_1852 = arith.select %and3A_1849, %sub3A_1842, %broadcast_in_dim3A_1851 : vector<16xi1>, vector<16xi32>
      %swap3A_1853 = arith.constant 1 : i32
      %swap3A_1854 = arith.index_cast %swap3A_1853 : i32 to index
      %swap3A_1855 = arith.constant 48 : index
      %swap3A_1856 = tpu.vector_load %arg14[%swap3A_1854, %swap3A_1855] {strides = array<i32>} : memref<3x128xi32, #tpu.memory_space<vmem>>, vector<16xi32>,
      tpu.vector_store %arg14[%swap3A_1854, %swap3A_1855], %select_n3A_1852 {strides = array<i32>} : memref<3x128xi32, #tpu.memory_space<vmem>>, vector<16xi32>,
      %get3A_1857 = arith.constant 960 : index
      %get3A_1858 = tpu.vector_load %arg12[%get3A_1857] {strides = array<i32>} : memref<1024xi32, #tpu.memory_space<vmem>>, vector<16xi32>,
      %gather3A_1859 = tpu.vector_load_idx %arg9[%get3A_1858] : memref<40000xi32, #tpu.memory_space<vmem>>[vector<16xi32>], vector<16xi32>,
      %swap3A_1860 = arith.constant 1 : i32
      %swap3A_1861 = arith.index_cast %swap3A_1860 : i32 to index
      %swap3A_1862 = arith.constant 64 : index
      %swap3A_1863 = tpu.vector_load %arg13[%swap3A_1861, %swap3A_1862] {strides = array<i32>} : memref<2x128xi32, #tpu.memory_space<vmem>>, vector<16xi32>,
      tpu.vector_store %arg13[%swap3A_1861, %swap3A_1862], %gather3A_1859 {strides = array<i32>} : memref<2x128xi32, #tpu.memory_space<vmem>>, vector<16xi32>,
      %get3A_1864 = arith.constant 960 : index
      %get3A_1865 = tpu.vector_load %arg11[%get3A_1864] {strides = array<i32>} : memref<1024xi32, #tpu.memory_space<vmem>>, vector<16xi32>,
      %sub3A_1866 = vector.broadcast %mul3A_10 : i32 to vector<16xi32>
      %sub3A_1867 = arith.subi %get3A_1865, %sub3A_1866 : vector<16xi32>
      %ge3A_1868 = arith.constant 0 : i32
      %ge3A_1869 = vector.broadcast %ge3A_1868 : i32 to vector<16xi32>
      %ge3A_1870 = arith.cmpi sge, %sub3A_1867, %ge3A_1869 : vector<16xi32>
      %lt3A_1871 = arith.constant 25088 : i32
      %lt3A_1872 = vector.broadcast %lt3A_1871 : i32 to vector<16xi32>
      %lt3A_1873 = arith.cmpi slt, %sub3A_1867, %lt3A_1872 : vector<16xi32>
      %and3A_1874 = arith.andi %ge3A_1870, %lt3A_1873 : vector<16xi1>
      %jit3A_1875 = arith.constant 25200 : i32
      %broadcast_in_dim3A_1876 = vector.broadcast %jit3A_1875 : i32 to vector<16xi32>
      %select_n3A_1877 = arith.select %and3A_1874, %sub3A_1867, %broadcast_in_dim3A_1876 : vector<16xi1>, vector<16xi32>
      %swap3A_1878 = arith.constant 1 : i32
      %swap3A_1879 = arith.index_cast %swap3A_1878 : i32 to index
      %swap3A_1880 = arith.constant 64 : index
      %swap3A_1881 = tpu.vector_load %arg14[%swap3A_1879, %swap3A_1880] {strides = array<i32>} : memref<3x128xi32, #tpu.memory_space<vmem>>, vector<16xi32>,
      tpu.vector_store %arg14[%swap3A_1879, %swap3A_1880], %select_n3A_1877 {strides = array<i32>} : memref<3x128xi32, #tpu.memory_space<vmem>>, vector<16xi32>,
      %get3A_1882 = arith.constant 976 : index
      %get3A_1883 = tpu.vector_load %arg12[%get3A_1882] {strides = array<i32>} : memref<1024xi32, #tpu.memory_space<vmem>>, vector<16xi32>,
      %gather3A_1884 = tpu.vector_load_idx %arg9[%get3A_1883] : memref<40000xi32, #tpu.memory_space<vmem>>[vector<16xi32>], vector<16xi32>,
      %swap3A_1885 = arith.constant 1 : i32
      %swap3A_1886 = arith.index_cast %swap3A_1885 : i32 to index
      %swap3A_1887 = arith.constant 80 : index
      %swap3A_1888 = tpu.vector_load %arg13[%swap3A_1886, %swap3A_1887] {strides = array<i32>} : memref<2x128xi32, #tpu.memory_space<vmem>>, vector<16xi32>,
      tpu.vector_store %arg13[%swap3A_1886, %swap3A_1887], %gather3A_1884 {strides = array<i32>} : memref<2x128xi32, #tpu.memory_space<vmem>>, vector<16xi32>,
      %get3A_1889 = arith.constant 976 : index
      %get3A_1890 = tpu.vector_load %arg11[%get3A_1889] {strides = array<i32>} : memref<1024xi32, #tpu.memory_space<vmem>>, vector<16xi32>,
      %sub3A_1891 = vector.broadcast %mul3A_10 : i32 to vector<16xi32>
      %sub3A_1892 = arith.subi %get3A_1890, %sub3A_1891 : vector<16xi32>
      %ge3A_1893 = arith.constant 0 : i32
      %ge3A_1894 = vector.broadcast %ge3A_1893 : i32 to vector<16xi32>
      %ge3A_1895 = arith.cmpi sge, %sub3A_1892, %ge3A_1894 : vector<16xi32>
      %lt3A_1896 = arith.constant 25088 : i32
      %lt3A_1897 = vector.broadcast %lt3A_1896 : i32 to vector<16xi32>
      %lt3A_1898 = arith.cmpi slt, %sub3A_1892, %lt3A_1897 : vector<16xi32>
      %and3A_1899 = arith.andi %ge3A_1895, %lt3A_1898 : vector<16xi1>
      %jit3A_1900 = arith.constant 25200 : i32
      %broadcast_in_dim3A_1901 = vector.broadcast %jit3A_1900 : i32 to vector<16xi32>
      %select_n3A_1902 = arith.select %and3A_1899, %sub3A_1892, %broadcast_in_dim3A_1901 : vector<16xi1>, vector<16xi32>
      %swap3A_1903 = arith.constant 1 : i32
      %swap3A_1904 = arith.index_cast %swap3A_1903 : i32 to index
      %swap3A_1905 = arith.constant 80 : index
      %swap3A_1906 = tpu.vector_load %arg14[%swap3A_1904, %swap3A_1905] {strides = array<i32>} : memref<3x128xi32, #tpu.memory_space<vmem>>, vector<16xi32>,
      tpu.vector_store %arg14[%swap3A_1904, %swap3A_1905], %select_n3A_1902 {strides = array<i32>} : memref<3x128xi32, #tpu.memory_space<vmem>>, vector<16xi32>,
      %get3A_1907 = arith.constant 992 : index
      %get3A_1908 = tpu.vector_load %arg12[%get3A_1907] {strides = array<i32>} : memref<1024xi32, #tpu.memory_space<vmem>>, vector<16xi32>,
      %gather3A_1909 = tpu.vector_load_idx %arg9[%get3A_1908] : memref<40000xi32, #tpu.memory_space<vmem>>[vector<16xi32>], vector<16xi32>,
      %swap3A_1910 = arith.constant 1 : i32
      %swap3A_1911 = arith.index_cast %swap3A_1910 : i32 to index
      %swap3A_1912 = arith.constant 96 : index
      %swap3A_1913 = tpu.vector_load %arg13[%swap3A_1911, %swap3A_1912] {strides = array<i32>} : memref<2x128xi32, #tpu.memory_space<vmem>>, vector<16xi32>,
      tpu.vector_store %arg13[%swap3A_1911, %swap3A_1912], %gather3A_1909 {strides = array<i32>} : memref<2x128xi32, #tpu.memory_space<vmem>>, vector<16xi32>,
      %get3A_1914 = arith.constant 992 : index
      %get3A_1915 = tpu.vector_load %arg11[%get3A_1914] {strides = array<i32>} : memref<1024xi32, #tpu.memory_space<vmem>>, vector<16xi32>,
      %sub3A_1916 = vector.broadcast %mul3A_10 : i32 to vector<16xi32>
      %sub3A_1917 = arith.subi %get3A_1915, %sub3A_1916 : vector<16xi32>
      %ge3A_1918 = arith.constant 0 : i32
      %ge3A_1919 = vector.broadcast %ge3A_1918 : i32 to vector<16xi32>
      %ge3A_1920 = arith.cmpi sge, %sub3A_1917, %ge3A_1919 : vector<16xi32>
      %lt3A_1921 = arith.constant 25088 : i32
      %lt3A_1922 = vector.broadcast %lt3A_1921 : i32 to vector<16xi32>
      %lt3A_1923 = arith.cmpi slt, %sub3A_1917, %lt3A_1922 : vector<16xi32>
      %and3A_1924 = arith.andi %ge3A_1920, %lt3A_1923 : vector<16xi1>
      %jit3A_1925 = arith.constant 25200 : i32
      %broadcast_in_dim3A_1926 = vector.broadcast %jit3A_1925 : i32 to vector<16xi32>
      %select_n3A_1927 = arith.select %and3A_1924, %sub3A_1917, %broadcast_in_dim3A_1926 : vector<16xi1>, vector<16xi32>
      %swap3A_1928 = arith.constant 1 : i32
      %swap3A_1929 = arith.index_cast %swap3A_1928 : i32 to index
      %swap3A_1930 = arith.constant 96 : index
      %swap3A_1931 = tpu.vector_load %arg14[%swap3A_1929, %swap3A_1930] {strides = array<i32>} : memref<3x128xi32, #tpu.memory_space<vmem>>, vector<16xi32>,
      tpu.vector_store %arg14[%swap3A_1929, %swap3A_1930], %select_n3A_1927 {strides = array<i32>} : memref<3x128xi32, #tpu.memory_space<vmem>>, vector<16xi32>,
      %get3A_1932 = arith.constant 1008 : index
      %get3A_1933 = tpu.vector_load %arg12[%get3A_1932] {strides = array<i32>} : memref<1024xi32, #tpu.memory_space<vmem>>, vector<16xi32>,
      %gather3A_1934 = tpu.vector_load_idx %arg9[%get3A_1933] : memref<40000xi32, #tpu.memory_space<vmem>>[vector<16xi32>], vector<16xi32>,
      %swap3A_1935 = arith.constant 1 : i32
      %swap3A_1936 = arith.index_cast %swap3A_1935 : i32 to index
      %swap3A_1937 = arith.constant 112 : index
      %swap3A_1938 = tpu.vector_load %arg13[%swap3A_1936, %swap3A_1937] {strides = array<i32>} : memref<2x128xi32, #tpu.memory_space<vmem>>, vector<16xi32>,
      tpu.vector_store %arg13[%swap3A_1936, %swap3A_1937], %gather3A_1934 {strides = array<i32>} : memref<2x128xi32, #tpu.memory_space<vmem>>, vector<16xi32>,
      %get3A_1939 = arith.constant 1008 : index
      %get3A_1940 = tpu.vector_load %arg11[%get3A_1939] {strides = array<i32>} : memref<1024xi32, #tpu.memory_space<vmem>>, vector<16xi32>,
      %sub3A_1941 = vector.broadcast %mul3A_10 : i32 to vector<16xi32>
      %sub3A_1942 = arith.subi %get3A_1940, %sub3A_1941 : vector<16xi32>
      %ge3A_1943 = arith.constant 0 : i32
      %ge3A_1944 = vector.broadcast %ge3A_1943 : i32 to vector<16xi32>
      %ge3A_1945 = arith.cmpi sge, %sub3A_1942, %ge3A_1944 : vector<16xi32>
      %lt3A_1946 = arith.constant 25088 : i32
      %lt3A_1947 = vector.broadcast %lt3A_1946 : i32 to vector<16xi32>
      %lt3A_1948 = arith.cmpi slt, %sub3A_1942, %lt3A_1947 : vector<16xi32>
      %and3A_1949 = arith.andi %ge3A_1945, %lt3A_1948 : vector<16xi1>
      %jit3A_1950 = arith.constant 25200 : i32
      %broadcast_in_dim3A_1951 = vector.broadcast %jit3A_1950 : i32 to vector<16xi32>
      %select_n3A_1952 = arith.select %and3A_1949, %sub3A_1942, %broadcast_in_dim3A_1951 : vector<16xi1>, vector<16xi32>
      %swap3A_1953 = arith.constant 1 : i32
      %swap3A_1954 = arith.index_cast %swap3A_1953 : i32 to index
      %swap3A_1955 = arith.constant 112 : index
      %swap3A_1956 = tpu.vector_load %arg14[%swap3A_1954, %swap3A_1955] {strides = array<i32>} : memref<3x128xi32, #tpu.memory_space<vmem>>, vector<16xi32>,
      tpu.vector_store %arg14[%swap3A_1954, %swap3A_1955], %select_n3A_1952 {strides = array<i32>} : memref<3x128xi32, #tpu.memory_space<vmem>>, vector<16xi32>,
      %dma_start3A_1957 = arith.constant 1 : i32
      %dma_start3A_1958 = arith.constant 0 : i32
      %dma_start3A_1959 = tpu.memref_slice %arg13[%dma_start3A_1957, %dma_start3A_1958] : memref<2x128xi32, #tpu.memory_space<vmem>> -> memref<1x128xi32, #tpu.memory_space<vmem>>
      %dma_start3A_1960 = tpu.memref_squeeze %dma_start3A_1959 : memref<1x128xi32, #tpu.memory_space<vmem>> -> memref<128xi32, #tpu.memory_space<vmem>>
      %dma_start3A_1961 = arith.constant 0 : i32
      %dma_start3A_1962 = arith.constant 0 : i32
      %dma_start3A_1963 = tpu.memref_slice %arg2[%dma_start3A_1961, %dma_start3A_1962] : memref<50000x64xbf16, #tpu.memory_space<hbm>> -> memref<50000x64xbf16, #tpu.memory_space<hbm>>
      tpu.enqueue_indirect_dma source(%dma_start3A_1963 : memref<50000x64xbf16, #tpu.memory_space<hbm>>) target(%arg16 : memref<128x64xbf16, #tpu.memory_space<vmem>>) offsets(%dma_start3A_1960 : memref<128xi32, #tpu.memory_space<vmem>>) semaphore(%arg19 : memref<!tpu.dma_semaphore, #tpu.memory_space<semaphore_mem>>)
      %dma_wait3A_1964 = arith.constant 0 : i32
      %dma_wait3A_1965 = arith.constant 0 : i32
      %dma_wait3A_1966 = tpu.memref_slice %arg13[%dma_wait3A_1964, %dma_wait3A_1965] : memref<2x128xi32, #tpu.memory_space<vmem>> -> memref<1x128xi32, #tpu.memory_space<vmem>>
      %dma_wait3A_1967 = tpu.memref_squeeze %dma_wait3A_1966 : memref<1x128xi32, #tpu.memory_space<vmem>> -> memref<128xi32, #tpu.memory_space<vmem>>
      %dma_wait3A_1968 = arith.constant 0 : i32
      %dma_wait3A_1969 = arith.constant 0 : i32
      %dma_wait3A_1970 = tpu.memref_slice %arg2[%dma_wait3A_1968, %dma_wait3A_1969] : memref<50000x64xbf16, #tpu.memory_space<hbm>> -> memref<50000x64xbf16, #tpu.memory_space<hbm>>
      tpu.wait_indirect_dma semaphore(%arg18 : memref<!tpu.dma_semaphore, #tpu.memory_space<semaphore_mem>>) src(%dma_wait3A_1970 : memref<50000x64xbf16, #tpu.memory_space<hbm>>) dst(%arg15 : memref<128x64xbf16, #tpu.memory_space<vmem>>)
      %dma_start3A_1971 = arith.constant 0 : i32
      %dma_start3A_1972 = arith.constant 0 : i32
      %dma_start3A_1973 = tpu.memref_slice %arg14[%dma_start3A_1971, %dma_start3A_1972] : memref<3x128xi32, #tpu.memory_space<vmem>> -> memref<1x128xi32, #tpu.memory_space<vmem>>
      %dma_start3A_1974 = tpu.memref_squeeze %dma_start3A_1973 : memref<1x128xi32, #tpu.memory_space<vmem>> -> memref<128xi32, #tpu.memory_space<vmem>>
      %dma_start3A_1975 = arith.constant 0 : i32
      %dma_start3A_1976 = arith.constant 0 : i32
      %dma_start3A_1977 = tpu.memref_slice %arg17[%dma_start3A_1975, %dma_start3A_1976] : memref<25344x64xbf16, #tpu.memory_space<vmem_shared>> -> memref<25344x64xbf16, #tpu.memory_space<vmem_shared>>
      tpu.enqueue_indirect_dma source(%arg15 : memref<128x64xbf16, #tpu.memory_space<vmem>>) target(%dma_start3A_1977 : memref<25344x64xbf16, #tpu.memory_space<vmem_shared>>) offsets(%dma_start3A_1974 : memref<128xi32, #tpu.memory_space<vmem>>) semaphore(%arg20 : memref<!tpu.dma_semaphore, #tpu.memory_space<semaphore_mem>>) {add = true}
      %dma_wait3A_1978 = arith.constant 1 : i32
      %dma_wait3A_1979 = arith.constant 0 : i32
      %dma_wait3A_1980 = tpu.memref_slice %arg13[%dma_wait3A_1978, %dma_wait3A_1979] : memref<2x128xi32, #tpu.memory_space<vmem>> -> memref<1x128xi32, #tpu.memory_space<vmem>>
      %dma_wait3A_1981 = tpu.memref_squeeze %dma_wait3A_1980 : memref<1x128xi32, #tpu.memory_space<vmem>> -> memref<128xi32, #tpu.memory_space<vmem>>
      %dma_wait3A_1982 = arith.constant 0 : i32
      %dma_wait3A_1983 = arith.constant 0 : i32
      %dma_wait3A_1984 = tpu.memref_slice %arg2[%dma_wait3A_1982, %dma_wait3A_1983] : memref<50000x64xbf16, #tpu.memory_space<hbm>> -> memref<50000x64xbf16, #tpu.memory_space<hbm>>
      tpu.wait_indirect_dma semaphore(%arg19 : memref<!tpu.dma_semaphore, #tpu.memory_space<semaphore_mem>>) src(%dma_wait3A_1984 : memref<50000x64xbf16, #tpu.memory_space<hbm>>) dst(%arg16 : memref<128x64xbf16, #tpu.memory_space<vmem>>)
      %dma_start3A_1985 = arith.constant 1 : i32
      %dma_start3A_1986 = arith.constant 0 : i32
      %dma_start3A_1987 = tpu.memref_slice %arg14[%dma_start3A_1985, %dma_start3A_1986] : memref<3x128xi32, #tpu.memory_space<vmem>> -> memref<1x128xi32, #tpu.memory_space<vmem>>
      %dma_start3A_1988 = tpu.memref_squeeze %dma_start3A_1987 : memref<1x128xi32, #tpu.memory_space<vmem>> -> memref<128xi32, #tpu.memory_space<vmem>>
      %dma_start3A_1989 = arith.constant 0 : i32
      %dma_start3A_1990 = arith.constant 0 : i32
      %dma_start3A_1991 = tpu.memref_slice %arg17[%dma_start3A_1989, %dma_start3A_1990] : memref<25344x64xbf16, #tpu.memory_space<vmem_shared>> -> memref<25344x64xbf16, #tpu.memory_space<vmem_shared>>
      tpu.enqueue_indirect_dma source(%arg16 : memref<128x64xbf16, #tpu.memory_space<vmem>>) target(%dma_start3A_1991 : memref<25344x64xbf16, #tpu.memory_space<vmem_shared>>) offsets(%dma_start3A_1988 : memref<128xi32, #tpu.memory_space<vmem>>) semaphore(%arg21 : memref<!tpu.dma_semaphore, #tpu.memory_space<semaphore_mem>>) {add = true}
    }
    %dma_wait3A = arith.constant 0 : i32
    %dma_wait3A_155 = arith.constant 0 : i32
    %dma_wait3A_156 = tpu.memref_slice %arg2[%dma_wait3A, %dma_wait3A_155] : memref<50000x64xbf16, #tpu.memory_space<hbm>> -> memref<128x64xbf16, #tpu.memory_space<hbm>>
    %dma_wait3A_157 = arith.constant 0 : i32
    %dma_wait3A_158 = arith.constant 0 : i32
    %dma_wait3A_159 = tpu.memref_slice %arg2[%dma_wait3A_157, %dma_wait3A_158] : memref<50000x64xbf16, #tpu.memory_space<hbm>> -> memref<128x64xbf16, #tpu.memory_space<hbm>>
    tpu.wait_dma2 semaphore(%arg20 : memref<!tpu.dma_semaphore, #tpu.memory_space<semaphore_mem>>) src(%dma_wait3A_159 : memref<128x64xbf16, #tpu.memory_space<hbm>>) dst(%arg15 : memref<128x64xbf16, #tpu.memory_space<vmem>>)
    %dma_wait3A_160 = arith.constant 0 : i32
    %dma_wait3A_161 = arith.constant 0 : i32
    %dma_wait3A_162 = tpu.memref_slice %arg2[%dma_wait3A_160, %dma_wait3A_161] : memref<50000x64xbf16, #tpu.memory_space<hbm>> -> memref<128x64xbf16, #tpu.memory_space<hbm>>
    %dma_wait3A_163 = arith.constant 0 : i32
    %dma_wait3A_164 = arith.constant 0 : i32
    %dma_wait3A_165 = tpu.memref_slice %arg2[%dma_wait3A_163, %dma_wait3A_164] : memref<50000x64xbf16, #tpu.memory_space<hbm>> -> memref<128x64xbf16, #tpu.memory_space<hbm>>
    tpu.wait_dma2 semaphore(%arg21 : memref<!tpu.dma_semaphore, #tpu.memory_space<semaphore_mem>>) src(%dma_wait3A_165 : memref<128x64xbf16, #tpu.memory_space<hbm>>) dst(%arg16 : memref<128x64xbf16, #tpu.memory_space<vmem>>)
    %barrier3A_166 = arith.constant 0 : index
    tpu.barrier barrier_id(%barrier3A_166)
    %mul3A_167 = arith.constant 1568 : i32
    %mul3A_168 = arith.muli %arg1, %mul3A_167 : i32
    %add3A_169 = arith.addi %mul3A_10, %mul3A_168 : i32
    %multiple_of3A = tpu.assume_multiple %add3A_169, 16 : i32
    %mul3A_170 = arith.constant 1568 : i32
    %mul3A_171 = arith.muli %arg1, %mul3A_170 : i32
    "tpu.region"() ({
      %run_scoped3A = tpu.sem_alloc : memref<!tpu.dma_semaphore, #tpu.memory_space<semaphore_mem>>
      %dma_start3A_172 = arith.constant 0 : i32
      %dma_start3A_173 = tpu.memref_slice %arg8[%multiple_of3A, %dma_start3A_172] : memref<50176x64xbf16, #tpu.memory_space<hbm>> -> memref<1568x64xbf16, #tpu.memory_space<hbm>>
      %dma_start3A_174 = arith.constant 0 : i32
      %dma_start3A_175 = tpu.memref_slice %arg17[%mul3A_171, %dma_start3A_174] : memref<25344x64xbf16, #tpu.memory_space<vmem_shared>> -> memref<1568x64xbf16, #tpu.memory_space<vmem_shared>>
      tpu.enqueue_dma source(%dma_start3A_175 : memref<1568x64xbf16, #tpu.memory_space<vmem_shared>>) target(%dma_start3A_173 : memref<1568x64xbf16, #tpu.memory_space<hbm>>) target_semaphore(%run_scoped3A : memref<!tpu.dma_semaphore, #tpu.memory_space<semaphore_mem>>)
      %dma_wait3A_176 = arith.constant 0 : i32
      %dma_wait3A_177 = tpu.memref_slice %arg8[%multiple_of3A, %dma_wait3A_176] : memref<50176x64xbf16, #tpu.memory_space<hbm>> -> memref<1568x64xbf16, #tpu.memory_space<hbm>>
      %dma_wait3A_178 = arith.constant 0 : i32
      %dma_wait3A_179 = tpu.memref_slice %arg17[%mul3A_171, %dma_wait3A_178] : memref<25344x64xbf16, #tpu.memory_space<vmem_shared>> -> memref<1568x64xbf16, #tpu.memory_space<vmem_shared>>
      tpu.wait_dma2 semaphore(%run_scoped3A : memref<!tpu.dma_semaphore, #tpu.memory_space<semaphore_mem>>) src(%dma_wait3A_179 : memref<1568x64xbf16, #tpu.memory_space<vmem_shared>>) dst(%dma_wait3A_177 : memref<1568x64xbf16, #tpu.memory_space<hbm>>)
      tpu.yield
    }) : () -> ()
    return
  }
}

module attributes {stable_mosaic.version = 14 : i64} {
  func.func @_mlp_body(%arg0: i32, %arg1: memref<1000x512xf32, #tpu.memory_space<vmem>>, %arg2: memref<1000x384xf32, #tpu.memory_space<vmem>>, %arg3: memref<512x512xf32, #tpu.memory_space<vmem>>, %arg4: memref<1x512xf32, #tpu.memory_space<vmem>>, %arg5: memref<384x512xf32, #tpu.memory_space<vmem>>, %arg6: memref<1x512xf32, #tpu.memory_space<vmem>>, %arg7: memref<1000x512xbf16, #tpu.memory_space<vmem>>, %arg8: memref<1000x512xbf16, #tpu.memory_space<vmem>>, %arg9: memref<8x512xf32, #tpu.memory_space<vmem>>) attributes {dimension_semantics = [#tpu.dimension_semantics<arbitrary>], iteration_bounds = array<i64: 50>, scalar_prefetch = 0 : i64, scratch_operands = 0 : i64, tpu.core_type = #tpu.core_type<tc>, window_params = [{transform_indices = @transform_0, window_bounds = array<i64: 1000, 512>}, {transform_indices = @transform_1, window_bounds = array<i64: 1000, 384>}, {pipeline_mode = #tpu.pipeline_mode<synchronous>, transform_indices = @transform_2, window_bounds = array<i64: 512, 512>}, {pipeline_mode = #tpu.pipeline_mode<synchronous>, transform_indices = @transform_3, window_bounds = array<i64: 1, 512>}, {pipeline_mode = #tpu.pipeline_mode<synchronous>, transform_indices = @transform_4, window_bounds = array<i64: 384, 512>}, {pipeline_mode = #tpu.pipeline_mode<synchronous>, transform_indices = @transform_5, window_bounds = array<i64: 1, 512>}, {transform_indices = @transform_6, window_bounds = array<i64: 1000, 512>}, {transform_indices = @transform_7, window_bounds = array<i64: 1000, 512>}, {pipeline_mode = #tpu.pipeline_mode<synchronous>, transform_indices = @transform_8, window_bounds = array<i64: 8, 512>}]} {
    %get3A = arith.constant 0 : index
    %get3A_0 = arith.constant 0 : index
    %get3A_1 = vector.load %arg1[%get3A, %get3A_0] : memref<1000x512xf32, #tpu.memory_space<vmem>>, vector<1000x512xf32>
    %mul3A = arith.mulf %get3A_1, %get3A_1 : vector<1000x512xf32>
    %reduce_sum3A = arith.constant dense<0.000000e+00> : vector<1000xf32>
    %reduce_sum3A_2 = vector.multi_reduction <add>, %mul3A, %reduce_sum3A [1] : vector<1000x512xf32> to vector<1000xf32>
    %broadcast_in_dim3A = vector.shape_cast %reduce_sum3A_2 : vector<1000xf32> to vector<1000x1xf32>
    %sqrt3A = math.sqrt %broadcast_in_dim3A : vector<1000x1xf32>
    %max3A = arith.constant 9.99999996E-13 : f32
    %max3A_3 = vector.broadcast %max3A : f32 to vector<1000x1xf32>
    %max3A_4 = arith.maximumf %sqrt3A, %max3A_3 : vector<1000x1xf32>
    %div3A = vector.broadcast %max3A_4 : vector<1000x1xf32> to vector<1000x512xf32>
    %div3A_5 = arith.divf %get3A_1, %div3A : vector<1000x512xf32>
    %convert_element_type3A = arith.truncf %div3A_5 : vector<1000x512xf32> to vector<1000x512xbf16>
    %get3A_6 = arith.constant 0 : index
    %get3A_7 = arith.constant 0 : index
    %get3A_8 = vector.load %arg3[%get3A_6, %get3A_7] : memref<512x512xf32, #tpu.memory_space<vmem>>, vector<512x512xf32>
    %convert_element_type3A_9 = arith.truncf %get3A_8 : vector<512x512xf32> to vector<512x512xbf16>
    %dot_general3A = arith.constant dense<0.000000e+00> : vector<1000x512xf32>
    %dot_general3A_10 = tpu.matmul %convert_element_type3A, %convert_element_type3A_9, %dot_general3A {dimension_numbers = #tpu.dot_dimension_numbers<[1], [0], [0], [1], [0, 0, 1, 1], [], []>, transpose_lhs_hint = false} : vector<1000x512xbf16>, vector<512x512xbf16>, vector<1000x512xf32> -> vector<1000x512xf32>
    %get3A_11 = arith.constant 0 : index
    %get3A_12 = arith.constant 0 : index
    %get3A_13 = vector.load %arg4[%get3A_11, %get3A_12] : memref<1x512xf32, #tpu.memory_space<vmem>>, vector<1x512xf32>
    %add3A = vector.broadcast %get3A_13 : vector<1x512xf32> to vector<1000x512xf32>
    %add3A_14 = arith.addf %dot_general3A_10, %add3A : vector<1000x512xf32>
    %get3A_15 = arith.constant 0 : index
    %get3A_16 = arith.constant 0 : index
    %get3A_17 = vector.load %arg2[%get3A_15, %get3A_16] : memref<1000x384xf32, #tpu.memory_space<vmem>>, vector<1000x384xf32>
    %mul3A_18 = arith.mulf %get3A_17, %get3A_17 : vector<1000x384xf32>
    %reduce_sum3A_19 = arith.constant dense<0.000000e+00> : vector<1000xf32>
    %reduce_sum3A_20 = vector.multi_reduction <add>, %mul3A_18, %reduce_sum3A_19 [1] : vector<1000x384xf32> to vector<1000xf32>
    %broadcast_in_dim3A_21 = vector.shape_cast %reduce_sum3A_20 : vector<1000xf32> to vector<1000x1xf32>
    %sqrt3A_22 = math.sqrt %broadcast_in_dim3A_21 : vector<1000x1xf32>
    %max3A_23 = arith.constant 9.99999996E-13 : f32
    %max3A_24 = vector.broadcast %max3A_23 : f32 to vector<1000x1xf32>
    %max3A_25 = arith.maximumf %sqrt3A_22, %max3A_24 : vector<1000x1xf32>
    %div3A_26 = vector.broadcast %max3A_25 : vector<1000x1xf32> to vector<1000x384xf32>
    %div3A_27 = arith.divf %get3A_17, %div3A_26 : vector<1000x384xf32>
    %convert_element_type3A_28 = arith.truncf %div3A_27 : vector<1000x384xf32> to vector<1000x384xbf16>
    %get3A_29 = arith.constant 0 : index
    %get3A_30 = arith.constant 0 : index
    %get3A_31 = vector.load %arg5[%get3A_29, %get3A_30] : memref<384x512xf32, #tpu.memory_space<vmem>>, vector<384x512xf32>
    %convert_element_type3A_32 = arith.truncf %get3A_31 : vector<384x512xf32> to vector<384x512xbf16>
    %dot_general3A_33 = arith.constant dense<0.000000e+00> : vector<1000x512xf32>
    %dot_general3A_34 = tpu.matmul %convert_element_type3A_28, %convert_element_type3A_32, %dot_general3A_33 {dimension_numbers = #tpu.dot_dimension_numbers<[1], [0], [0], [1], [0, 0, 1, 1], [], []>, transpose_lhs_hint = false} : vector<1000x384xbf16>, vector<384x512xbf16>, vector<1000x512xf32> -> vector<1000x512xf32>
    %get3A_35 = arith.constant 0 : index
    %get3A_36 = arith.constant 0 : index
    %get3A_37 = vector.load %arg6[%get3A_35, %get3A_36] : memref<1x512xf32, #tpu.memory_space<vmem>>, vector<1x512xf32>
    %add3A_38 = vector.broadcast %get3A_37 : vector<1x512xf32> to vector<1000x512xf32>
    %add3A_39 = arith.addf %dot_general3A_34, %add3A_38 : vector<1000x512xf32>
    %convert_element_type3A_40 = arith.truncf %add3A_14 : vector<1000x512xf32> to vector<1000x512xbf16>
    %swap3A = arith.constant 0 : index
    %swap3A_41 = arith.constant 0 : index
    %swap3A_42 = vector.load %arg7[%swap3A, %swap3A_41] : memref<1000x512xbf16, #tpu.memory_space<vmem>>, vector<1000x512xbf16>
    tpu.vector_store %arg7[%swap3A, %swap3A_41], %convert_element_type3A_40 {strides = array<i32>} : memref<1000x512xbf16, #tpu.memory_space<vmem>>, vector<1000x512xbf16>,
    %convert_element_type3A_43 = arith.truncf %add3A_39 : vector<1000x512xf32> to vector<1000x512xbf16>
    %swap3A_44 = arith.constant 0 : index
    %swap3A_45 = arith.constant 0 : index
    %swap3A_46 = vector.load %arg8[%swap3A_44, %swap3A_45] : memref<1000x512xbf16, #tpu.memory_space<vmem>>, vector<1000x512xbf16>
    tpu.vector_store %arg8[%swap3A_44, %swap3A_45], %convert_element_type3A_43 {strides = array<i32>} : memref<1000x512xbf16, #tpu.memory_space<vmem>>, vector<1000x512xbf16>,
    %reduce_sum3A_47 = arith.constant dense<0.000000e+00> : vector<512xf32>
    %reduce_sum3A_48 = vector.multi_reduction <add>, %add3A_14, %reduce_sum3A_47 [0] : vector<1000x512xf32> to vector<512xf32>
    %broadcast_in_dim3A_49 = vector.shape_cast %reduce_sum3A_48 : vector<512xf32> to vector<1x512xf32>
    %mul3A_50 = arith.mulf %add3A_14, %add3A_14 : vector<1000x512xf32>
    %reduce_sum3A_51 = arith.constant dense<0.000000e+00> : vector<512xf32>
    %reduce_sum3A_52 = vector.multi_reduction <add>, %mul3A_50, %reduce_sum3A_51 [0] : vector<1000x512xf32> to vector<512xf32>
    %broadcast_in_dim3A_53 = vector.shape_cast %reduce_sum3A_52 : vector<512xf32> to vector<1x512xf32>
    %reduce_sum3A_54 = arith.constant dense<0.000000e+00> : vector<512xf32>
    %reduce_sum3A_55 = vector.multi_reduction <add>, %add3A_39, %reduce_sum3A_54 [0] : vector<1000x512xf32> to vector<512xf32>
    %broadcast_in_dim3A_56 = vector.shape_cast %reduce_sum3A_55 : vector<512xf32> to vector<1x512xf32>
    %mul3A_57 = arith.mulf %add3A_39, %add3A_39 : vector<1000x512xf32>
    %reduce_sum3A_58 = arith.constant dense<0.000000e+00> : vector<512xf32>
    %reduce_sum3A_59 = vector.multi_reduction <add>, %mul3A_57, %reduce_sum3A_58 [0] : vector<1000x512xf32> to vector<512xf32>
    %broadcast_in_dim3A_60 = vector.shape_cast %reduce_sum3A_59 : vector<512xf32> to vector<1x512xf32>
    %broadcast_in_dim3A_61 = arith.constant 0.000000e+00 : f32
    %broadcast_in_dim3A_62 = vector.broadcast %broadcast_in_dim3A_61 : f32 to vector<4x512xf32>
    %concatenate3A = tpu.concatenate %broadcast_in_dim3A_49, %broadcast_in_dim3A_53, %broadcast_in_dim3A_56, %broadcast_in_dim3A_60, %broadcast_in_dim3A_62 in 0 : vector<1x512xf32>, vector<1x512xf32>, vector<1x512xf32>, vector<1x512xf32>, vector<4x512xf32> -> vector<8x512xf32>
    %eq3A = arith.constant 0 : i32
    %eq3A_63 = arith.cmpi eq, %arg0, %eq3A : i32
    %convert_element_type3A_64 = arith.extui %eq3A_63 : i1 to i32
    %cond3A = arith.constant 0 : i32
    %cond3A_65 = arith.cmpi ne, %convert_element_type3A_64, %cond3A : i32
    scf.if %cond3A_65 {
      %swap3A_70 = arith.constant 0 : index
      %swap3A_71 = arith.constant 0 : index
      %swap3A_72 = vector.load %arg9[%swap3A_70, %swap3A_71] : memref<8x512xf32, #tpu.memory_space<vmem>>, vector<8x512xf32>
      tpu.vector_store %arg9[%swap3A_70, %swap3A_71], %concatenate3A {strides = array<i32>} : memref<8x512xf32, #tpu.memory_space<vmem>>, vector<8x512xf32>,
    } else {
    }
    %ne3A = arith.constant 0 : i32
    %ne3A_66 = arith.cmpi ne, %arg0, %ne3A : i32
    %convert_element_type3A_67 = arith.extui %ne3A_66 : i1 to i32
    %cond3A_68 = arith.constant 0 : i32
    %cond3A_69 = arith.cmpi ne, %convert_element_type3A_67, %cond3A_68 : i32
    scf.if %cond3A_69 {
      %get3A_70 = arith.constant 0 : index
      %get3A_71 = arith.constant 0 : index
      %get3A_72 = vector.load %arg9[%get3A_70, %get3A_71] : memref<8x512xf32, #tpu.memory_space<vmem>>, vector<8x512xf32>
      %add3A_73 = arith.addf %get3A_72, %concatenate3A : vector<8x512xf32>
      %swap3A_74 = arith.constant 0 : index
      %swap3A_75 = arith.constant 0 : index
      %swap3A_76 = vector.load %arg9[%swap3A_74, %swap3A_75] : memref<8x512xf32, #tpu.memory_space<vmem>>, vector<8x512xf32>
      tpu.vector_store %arg9[%swap3A_74, %swap3A_75], %add3A_73 {strides = array<i32>} : memref<8x512xf32, #tpu.memory_space<vmem>>, vector<8x512xf32>,
    } else {
    }
    return
  }
  func.func @transform_0(%arg0: i32) -> (i32, i32) {
    %c0_i32 = arith.constant 0 : i32
    %c0_i32_0 = arith.constant 0 : i32
    return %arg0, %c0_i32 : i32, i32
  }
  func.func @transform_1(%arg0: i32) -> (i32, i32) {
    %c0_i32 = arith.constant 0 : i32
    %c0_i32_0 = arith.constant 0 : i32
    return %arg0, %c0_i32 : i32, i32
  }
  func.func @transform_2(%arg0: i32) -> (i32, i32) {
    %c0_i32 = arith.constant 0 : i32
    %c0_i32_0 = arith.constant 0 : i32
    %c0_i32_1 = arith.constant 0 : i32
    return %c0_i32, %c0_i32_0 : i32, i32
  }
  func.func @transform_3(%arg0: i32) -> (i32, i32) {
    %c0_i32 = arith.constant 0 : i32
    %c0_i32_0 = arith.constant 0 : i32
    %c0_i32_1 = arith.constant 0 : i32
    return %c0_i32, %c0_i32_0 : i32, i32
  }
  func.func @transform_4(%arg0: i32) -> (i32, i32) {
    %c0_i32 = arith.constant 0 : i32
    %c0_i32_0 = arith.constant 0 : i32
    %c0_i32_1 = arith.constant 0 : i32
    return %c0_i32, %c0_i32_0 : i32, i32
  }
  func.func @transform_5(%arg0: i32) -> (i32, i32) {
    %c0_i32 = arith.constant 0 : i32
    %c0_i32_0 = arith.constant 0 : i32
    %c0_i32_1 = arith.constant 0 : i32
    return %c0_i32, %c0_i32_0 : i32, i32
  }
  func.func @transform_6(%arg0: i32) -> (i32, i32) {
    %c0_i32 = arith.constant 0 : i32
    %c0_i32_0 = arith.constant 0 : i32
    return %arg0, %c0_i32 : i32, i32
  }
  func.func @transform_7(%arg0: i32) -> (i32, i32) {
    %c0_i32 = arith.constant 0 : i32
    %c0_i32_0 = arith.constant 0 : i32
    return %arg0, %c0_i32 : i32, i32
  }
  func.func @transform_8(%arg0: i32) -> (i32, i32) {
    %c0_i32 = arith.constant 0 : i32
    %c0_i32_0 = arith.constant 0 : i32
    %c0_i32_1 = arith.constant 0 : i32
    return %c0_i32, %c0_i32_0 : i32, i32
  }
}

module attributes {stable_mosaic.version = 14 : i64} {
  func.func @_head_body(%arg0: i32, %arg1: memref<1000x512xbf16, #tpu.memory_space<vmem>>, %arg2: memref<1000x512xbf16, #tpu.memory_space<vmem>>, %arg3: memref<8x512xf32, #tpu.memory_space<vmem>>, %arg4: memref<1x512xf32, #tpu.memory_space<vmem>>, %arg5: memref<1x512xf32, #tpu.memory_space<vmem>>, %arg6: memref<1x512xf32, #tpu.memory_space<vmem>>, %arg7: memref<1x512xf32, #tpu.memory_space<vmem>>, %arg8: memref<1x128xf32, #tpu.memory_space<vmem>>, %arg9: memref<512x64xf32, #tpu.memory_space<vmem>>, %arg10: memref<1x64xf32, #tpu.memory_space<vmem>>, %arg11: memref<1000x64xf32, #tpu.memory_space<vmem>>, %arg12: memref<1000x64xbf16, #tpu.memory_space<vmem>>) attributes {dimension_semantics = [#tpu.dimension_semantics<arbitrary>], iteration_bounds = array<i64: 50>, scalar_prefetch = 0 : i64, scratch_operands = 0 : i64, tpu.core_type = #tpu.core_type<tc>, window_params = [{transform_indices = @transform_0, window_bounds = array<i64: 1000, 512>}, {transform_indices = @transform_1, window_bounds = array<i64: 1000, 512>}, {pipeline_mode = #tpu.pipeline_mode<synchronous>, transform_indices = @transform_2, window_bounds = array<i64: 8, 512>}, {pipeline_mode = #tpu.pipeline_mode<synchronous>, transform_indices = @transform_3, window_bounds = array<i64: 1, 512>}, {pipeline_mode = #tpu.pipeline_mode<synchronous>, transform_indices = @transform_4, window_bounds = array<i64: 1, 512>}, {pipeline_mode = #tpu.pipeline_mode<synchronous>, transform_indices = @transform_5, window_bounds = array<i64: 1, 512>}, {pipeline_mode = #tpu.pipeline_mode<synchronous>, transform_indices = @transform_6, window_bounds = array<i64: 1, 512>}, {pipeline_mode = #tpu.pipeline_mode<synchronous>, transform_indices = @transform_7, window_bounds = array<i64: 1, 128>}, {pipeline_mode = #tpu.pipeline_mode<synchronous>, transform_indices = @transform_8, window_bounds = array<i64: 512, 64>}, {pipeline_mode = #tpu.pipeline_mode<synchronous>, transform_indices = @transform_9, window_bounds = array<i64: 1, 64>}, {transform_indices = @transform_10, window_bounds = array<i64: 1000, 64>}, {transform_indices = @transform_11, window_bounds = array<i64: 1000, 64>}]} {
    %get3A = arith.constant 0 : index
    %get3A_0 = arith.constant 0 : index
    %get3A_1 = vector.load %arg3[%get3A, %get3A_0] : memref<8x512xf32, #tpu.memory_space<vmem>>, vector<8x512xf32>
    %get3A_2 = arith.constant 0 : index
    %get3A_3 = arith.constant 0 : index
    %get3A_4 = vector.load %arg8[%get3A_2, %get3A_3] : memref<1x128xf32, #tpu.memory_space<vmem>>, vector<1x1xf32>
    %get3A_5 = vector.extract %get3A_4[0, 0] : f32 from vector<1x1xf32>
    %get3A_6 = arith.constant 0 : index
    %get3A_7 = arith.constant 1 : index
    %get3A_8 = vector.load %arg8[%get3A_6, %get3A_7] : memref<1x128xf32, #tpu.memory_space<vmem>>, vector<1x1xf32>
    %get3A_9 = vector.extract %get3A_8[0, 0] : f32 from vector<1x1xf32>
    %slice3A = vector.extract_strided_slice %get3A_1 {offsets = [0, 0], sizes = [1, 512], strides = [1, 1]} : vector<8x512xf32> to vector<1x512xf32>
    %div3A = arith.constant 5.000000e+04 : f32
    %div3A_10 = vector.broadcast %div3A : f32 to vector<1x512xf32>
    %div3A_11 = arith.divf %slice3A, %div3A_10 : vector<1x512xf32>
    %slice3A_12 = vector.extract_strided_slice %get3A_1 {offsets = [1, 0], sizes = [1, 512], strides = [1, 1]} : vector<8x512xf32> to vector<1x512xf32>
    %div3A_13 = arith.constant 5.000000e+04 : f32
    %div3A_14 = vector.broadcast %div3A_13 : f32 to vector<1x512xf32>
    %div3A_15 = arith.divf %slice3A_12, %div3A_14 : vector<1x512xf32>
    %mul3A = arith.mulf %div3A_11, %div3A_11 : vector<1x512xf32>
    %sub3A = arith.subf %div3A_15, %mul3A : vector<1x512xf32>
    %slice3A_16 = vector.extract_strided_slice %get3A_1 {offsets = [2, 0], sizes = [1, 512], strides = [1, 1]} : vector<8x512xf32> to vector<1x512xf32>
    %div3A_17 = arith.constant 5.000000e+04 : f32
    %div3A_18 = vector.broadcast %div3A_17 : f32 to vector<1x512xf32>
    %div3A_19 = arith.divf %slice3A_16, %div3A_18 : vector<1x512xf32>
    %slice3A_20 = vector.extract_strided_slice %get3A_1 {offsets = [3, 0], sizes = [1, 512], strides = [1, 1]} : vector<8x512xf32> to vector<1x512xf32>
    %div3A_21 = arith.constant 5.000000e+04 : f32
    %div3A_22 = vector.broadcast %div3A_21 : f32 to vector<1x512xf32>
    %div3A_23 = arith.divf %slice3A_20, %div3A_22 : vector<1x512xf32>
    %mul3A_24 = arith.mulf %div3A_19, %div3A_19 : vector<1x512xf32>
    %sub3A_25 = arith.subf %div3A_23, %mul3A_24 : vector<1x512xf32>
    %get3A_26 = arith.constant 0 : index
    %get3A_27 = arith.constant 0 : index
    %get3A_28 = vector.load %arg4[%get3A_26, %get3A_27] : memref<1x512xf32, #tpu.memory_space<vmem>>, vector<1x512xf32>
    %add3A = arith.constant 9.99999974E-6 : f32
    %add3A_29 = vector.broadcast %add3A : f32 to vector<1x512xf32>
    %add3A_30 = arith.addf %sub3A, %add3A_29 : vector<1x512xf32>
    %sqrt3A = math.sqrt %add3A_30 : vector<1x512xf32>
    %div3A_31 = arith.divf %get3A_28, %sqrt3A : vector<1x512xf32>
    %get3A_32 = arith.constant 0 : index
    %get3A_33 = arith.constant 0 : index
    %get3A_34 = vector.load %arg6[%get3A_32, %get3A_33] : memref<1x512xf32, #tpu.memory_space<vmem>>, vector<1x512xf32>
    %add3A_35 = arith.constant 9.99999974E-6 : f32
    %add3A_36 = vector.broadcast %add3A_35 : f32 to vector<1x512xf32>
    %add3A_37 = arith.addf %sub3A_25, %add3A_36 : vector<1x512xf32>
    %sqrt3A_38 = math.sqrt %add3A_37 : vector<1x512xf32>
    %div3A_39 = arith.divf %get3A_34, %sqrt3A_38 : vector<1x512xf32>
    %mul3A_40 = vector.broadcast %get3A_5 : f32 to vector<1x512xf32>
    %mul3A_41 = arith.mulf %mul3A_40, %div3A_31 : vector<1x512xf32>
    %get3A_42 = arith.constant 0 : index
    %get3A_43 = arith.constant 0 : index
    %get3A_44 = vector.load %arg5[%get3A_42, %get3A_43] : memref<1x512xf32, #tpu.memory_space<vmem>>, vector<1x512xf32>
    %mul3A_45 = arith.mulf %div3A_11, %div3A_31 : vector<1x512xf32>
    %sub3A_46 = arith.subf %get3A_44, %mul3A_45 : vector<1x512xf32>
    %mul3A_47 = vector.broadcast %get3A_5 : f32 to vector<1x512xf32>
    %mul3A_48 = arith.mulf %mul3A_47, %sub3A_46 : vector<1x512xf32>
    %mul3A_49 = vector.broadcast %get3A_9 : f32 to vector<1x512xf32>
    %mul3A_50 = arith.mulf %mul3A_49, %div3A_39 : vector<1x512xf32>
    %get3A_51 = arith.constant 0 : index
    %get3A_52 = arith.constant 0 : index
    %get3A_53 = vector.load %arg7[%get3A_51, %get3A_52] : memref<1x512xf32, #tpu.memory_space<vmem>>, vector<1x512xf32>
    %mul3A_54 = arith.mulf %div3A_19, %div3A_39 : vector<1x512xf32>
    %sub3A_55 = arith.subf %get3A_53, %mul3A_54 : vector<1x512xf32>
    %mul3A_56 = vector.broadcast %get3A_9 : f32 to vector<1x512xf32>
    %mul3A_57 = arith.mulf %mul3A_56, %sub3A_55 : vector<1x512xf32>
    %get3A_58 = arith.constant 0 : index
    %get3A_59 = arith.constant 0 : index
    %get3A_60 = vector.load %arg1[%get3A_58, %get3A_59] : memref<1000x512xbf16, #tpu.memory_space<vmem>>, vector<1000x512xbf16>
    %convert_element_type3A = arith.extf %get3A_60 : vector<1000x512xbf16> to vector<1000x512xf32>
    %mul3A_61 = vector.broadcast %mul3A_41 : vector<1x512xf32> to vector<1000x512xf32>
    %mul3A_62 = arith.mulf %convert_element_type3A, %mul3A_61 : vector<1000x512xf32>
    %add3A_63 = vector.broadcast %mul3A_48 : vector<1x512xf32> to vector<1000x512xf32>
    %add3A_64 = arith.addf %mul3A_62, %add3A_63 : vector<1000x512xf32>
    %max3A = arith.constant 0.000000e+00 : f32
    %max3A_65 = vector.broadcast %max3A : f32 to vector<1000x512xf32>
    %max3A_66 = arith.maximumf %add3A_64, %max3A_65 : vector<1000x512xf32>
    %get3A_67 = arith.constant 0 : index
    %get3A_68 = arith.constant 0 : index
    %get3A_69 = vector.load %arg2[%get3A_67, %get3A_68] : memref<1000x512xbf16, #tpu.memory_space<vmem>>, vector<1000x512xbf16>
    %convert_element_type3A_70 = arith.extf %get3A_69 : vector<1000x512xbf16> to vector<1000x512xf32>
    %mul3A_71 = vector.broadcast %mul3A_50 : vector<1x512xf32> to vector<1000x512xf32>
    %mul3A_72 = arith.mulf %convert_element_type3A_70, %mul3A_71 : vector<1000x512xf32>
    %add3A_73 = vector.broadcast %mul3A_57 : vector<1x512xf32> to vector<1000x512xf32>
    %add3A_74 = arith.addf %mul3A_72, %add3A_73 : vector<1000x512xf32>
    %max3A_75 = arith.constant 0.000000e+00 : f32
    %max3A_76 = vector.broadcast %max3A_75 : f32 to vector<1000x512xf32>
    %max3A_77 = arith.maximumf %add3A_74, %max3A_76 : vector<1000x512xf32>
    %add3A_78 = arith.addf %max3A_66, %max3A_77 : vector<1000x512xf32>
    %get3A_79 = arith.constant 0 : index
    %get3A_80 = arith.constant 0 : index
    %get3A_81 = vector.load %arg9[%get3A_79, %get3A_80] : memref<512x64xf32, #tpu.memory_space<vmem>>, vector<512x64xf32>
    %dot_general3A = arith.constant dense<0.000000e+00> : vector<1000x64xf32>
    %dot_general3A_82 = tpu.matmul %add3A_78, %get3A_81, %dot_general3A {dimension_numbers = #tpu.dot_dimension_numbers<[1], [0], [0], [1], [0, 0, 1, 1], [], []>, transpose_lhs_hint = false} : vector<1000x512xf32>, vector<512x64xf32>, vector<1000x64xf32> -> vector<1000x64xf32>
    %get3A_83 = arith.constant 0 : index
    %get3A_84 = arith.constant 0 : index
    %get3A_85 = vector.load %arg10[%get3A_83, %get3A_84] : memref<1x64xf32, #tpu.memory_space<vmem>>, vector<1x64xf32>
    %add3A_86 = vector.broadcast %get3A_85 : vector<1x64xf32> to vector<1000x64xf32>
    %add3A_87 = arith.addf %dot_general3A_82, %add3A_86 : vector<1000x64xf32>
    %mul3A_88 = arith.mulf %add3A_87, %add3A_87 : vector<1000x64xf32>
    %reduce_sum3A = arith.constant dense<0.000000e+00> : vector<1000xf32>
    %reduce_sum3A_89 = vector.multi_reduction <add>, %mul3A_88, %reduce_sum3A [1] : vector<1000x64xf32> to vector<1000xf32>
    %broadcast_in_dim3A = vector.shape_cast %reduce_sum3A_89 : vector<1000xf32> to vector<1000x1xf32>
    %sqrt3A_90 = math.sqrt %broadcast_in_dim3A : vector<1000x1xf32>
    %max3A_91 = arith.constant 9.99999996E-13 : f32
    %max3A_92 = vector.broadcast %max3A_91 : f32 to vector<1000x1xf32>
    %max3A_93 = arith.maximumf %sqrt3A_90, %max3A_92 : vector<1000x1xf32>
    %div3A_94 = vector.broadcast %max3A_93 : vector<1000x1xf32> to vector<1000x64xf32>
    %div3A_95 = arith.divf %add3A_87, %div3A_94 : vector<1000x64xf32>
    %swap3A = arith.constant 0 : index
    %swap3A_96 = arith.constant 0 : index
    %swap3A_97 = vector.load %arg11[%swap3A, %swap3A_96] : memref<1000x64xf32, #tpu.memory_space<vmem>>, vector<1000x64xf32>
    tpu.vector_store %arg11[%swap3A, %swap3A_96], %div3A_95 {strides = array<i32>} : memref<1000x64xf32, #tpu.memory_space<vmem>>, vector<1000x64xf32>,
    %convert_element_type3A_98 = arith.truncf %div3A_95 : vector<1000x64xf32> to vector<1000x64xbf16>
    %swap3A_99 = arith.constant 0 : index
    %swap3A_100 = arith.constant 0 : index
    %swap3A_101 = vector.load %arg12[%swap3A_99, %swap3A_100] : memref<1000x64xbf16, #tpu.memory_space<vmem>>, vector<1000x64xbf16>
    tpu.vector_store %arg12[%swap3A_99, %swap3A_100], %convert_element_type3A_98 {strides = array<i32>} : memref<1000x64xbf16, #tpu.memory_space<vmem>>, vector<1000x64xbf16>,
    return
  }
  func.func @transform_0(%arg0: i32) -> (i32, i32) {
    %c0_i32 = arith.constant 0 : i32
    %c0_i32_0 = arith.constant 0 : i32
    return %arg0, %c0_i32 : i32, i32
  }
  func.func @transform_1(%arg0: i32) -> (i32, i32) {
    %c0_i32 = arith.constant 0 : i32
    %c0_i32_0 = arith.constant 0 : i32
    return %arg0, %c0_i32 : i32, i32
  }
  func.func @transform_2(%arg0: i32) -> (i32, i32) {
    %c0_i32 = arith.constant 0 : i32
    %c0_i32_0 = arith.constant 0 : i32
    %c0_i32_1 = arith.constant 0 : i32
    return %c0_i32, %c0_i32_0 : i32, i32
  }
  func.func @transform_3(%arg0: i32) -> (i32, i32) {
    %c0_i32 = arith.constant 0 : i32
    %c0_i32_0 = arith.constant 0 : i32
    %c0_i32_1 = arith.constant 0 : i32
    return %c0_i32, %c0_i32_0 : i32, i32
  }
  func.func @transform_4(%arg0: i32) -> (i32, i32) {
    %c0_i32 = arith.constant 0 : i32
    %c0_i32_0 = arith.constant 0 : i32
    %c0_i32_1 = arith.constant 0 : i32
    return %c0_i32, %c0_i32_0 : i32, i32
  }
  func.func @transform_5(%arg0: i32) -> (i32, i32) {
    %c0_i32 = arith.constant 0 : i32
    %c0_i32_0 = arith.constant 0 : i32
    %c0_i32_1 = arith.constant 0 : i32
    return %c0_i32, %c0_i32_0 : i32, i32
  }
  func.func @transform_6(%arg0: i32) -> (i32, i32) {
    %c0_i32 = arith.constant 0 : i32
    %c0_i32_0 = arith.constant 0 : i32
    %c0_i32_1 = arith.constant 0 : i32
    return %c0_i32, %c0_i32_0 : i32, i32
  }
  func.func @transform_7(%arg0: i32) -> (i32, i32) {
    %c0_i32 = arith.constant 0 : i32
    %c0_i32_0 = arith.constant 0 : i32
    %c0_i32_1 = arith.constant 0 : i32
    return %c0_i32, %c0_i32_0 : i32, i32
  }
  func.func @transform_8(%arg0: i32) -> (i32, i32) {
    %c0_i32 = arith.constant 0 : i32
    %c0_i32_0 = arith.constant 0 : i32
    %c0_i32_1 = arith.constant 0 : i32
    return %c0_i32, %c0_i32_0 : i32, i32
  }
  func.func @transform_9(%arg0: i32) -> (i32, i32) {
    %c0_i32 = arith.constant 0 : i32
    %c0_i32_0 = arith.constant 0 : i32
    %c0_i32_1 = arith.constant 0 : i32
    return %c0_i32, %c0_i32_0 : i32, i32
  }
  func.func @transform_10(%arg0: i32) -> (i32, i32) {
    %c0_i32 = arith.constant 0 : i32
    %c0_i32_0 = arith.constant 0 : i32
    return %arg0, %c0_i32 : i32, i32
  }
  func.func @transform_11(%arg0: i32) -> (i32, i32) {
    %c0_i32 = arith.constant 0 : i32
    %c0_i32_0 = arith.constant 0 : i32
    return %arg0, %c0_i32 : i32, i32
  }
}

module attributes {stable_mosaic.version = 14 : i64} {
  func.func @_l2_body(%arg0: i32, %arg1: memref<2000x64xbf16, #tpu.memory_space<vmem>>, %arg2: memref<2000x64xf32, #tpu.memory_space<vmem>>) attributes {dimension_semantics = [#tpu.dimension_semantics<arbitrary>], iteration_bounds = array<i64: 25>, scalar_prefetch = 0 : i64, scratch_operands = 0 : i64, tpu.core_type = #tpu.core_type<tc>, window_params = [{transform_indices = @transform_0, window_bounds = array<i64: 2000, 64>}, {transform_indices = @transform_1, window_bounds = array<i64: 2000, 64>}]} {
    %get3A = arith.constant 0 : index
    %get3A_0 = arith.constant 0 : index
    %get3A_1 = vector.load %arg1[%get3A, %get3A_0] : memref<2000x64xbf16, #tpu.memory_space<vmem>>, vector<2000x64xbf16>
    %convert_element_type3A = arith.extf %get3A_1 : vector<2000x64xbf16> to vector<2000x64xf32>
    %mul3A = arith.mulf %convert_element_type3A, %convert_element_type3A : vector<2000x64xf32>
    %reduce_sum3A = arith.constant dense<0.000000e+00> : vector<2000xf32>
    %reduce_sum3A_2 = vector.multi_reduction <add>, %mul3A, %reduce_sum3A [1] : vector<2000x64xf32> to vector<2000xf32>
    %broadcast_in_dim3A = vector.shape_cast %reduce_sum3A_2 : vector<2000xf32> to vector<2000x1xf32>
    %sqrt3A = math.sqrt %broadcast_in_dim3A : vector<2000x1xf32>
    %max3A = arith.constant 9.99999996E-13 : f32
    %max3A_3 = vector.broadcast %max3A : f32 to vector<2000x1xf32>
    %max3A_4 = arith.maximumf %sqrt3A, %max3A_3 : vector<2000x1xf32>
    %div3A = vector.broadcast %max3A_4 : vector<2000x1xf32> to vector<2000x64xf32>
    %div3A_5 = arith.divf %convert_element_type3A, %div3A : vector<2000x64xf32>
    %swap3A = arith.constant 0 : index
    %swap3A_6 = arith.constant 0 : index
    %swap3A_7 = vector.load %arg2[%swap3A, %swap3A_6] : memref<2000x64xf32, #tpu.memory_space<vmem>>, vector<2000x64xf32>
    tpu.vector_store %arg2[%swap3A, %swap3A_6], %div3A_5 {strides = array<i32>} : memref<2000x64xf32, #tpu.memory_space<vmem>>, vector<2000x64xf32>,
    return
  }
  func.func @transform_0(%arg0: i32) -> (i32, i32) {
    %c0_i32 = arith.constant 0 : i32
    %c0_i32_0 = arith.constant 0 : i32
    return %arg0, %c0_i32 : i32, i32
  }
  func.func @transform_1(%arg0: i32) -> (i32, i32) {
    %c0_i32 = arith.constant 0 : i32
    %c0_i32_0 = arith.constant 0 : i32
    return %arg0, %c0_i32 : i32, i32
  }
}

</mosaic_0001>

<sc_bundles>
// kernel: kernel.6.cloned.1.call-start
scs
__scs_entry_jumppad:
0x0: {  	(pc) =	sbr.rel $0x88, $3  }
0x1: {  	(tag) =	ssettag $0x0;
	lr =	simm.s32 $0x1  }
0x2: {  	[smem:$0x3F91] =	sst lr;
	_ =	strace $0xD0000000  }
0x3: {  	_ = 	snop  }
0x4: {  	_ = 	snop  }
0x5: {  	_ = 	snop  }
0x6: {  	_ = 	snop  }
0x7: {  	_ = 	snop  }
__scs_overlays_trampoline_lowered:
0x8: {  	[smem:$0x3FA0] =	sst s0  }
0x9: {  	[smem:$0x3FA1] =	sst s1  }
0xa: {  	[smem:$0x3FA2] =	sst s2  }
0xb: {  	[smem:$0x3FA3] =	sst s3  }
0xc: {  	[smem:$0x3FA4] =	sst s4  }
0xd: {  	[smem:$0x3FA5] =	sst s5  }
0xe: {  	[smem:$0x3FA6] =	sst s6  }
0xf: {  	[smem:$0x3FA7] =	sst s7  }
0x10: {  	[smem:$0x3FA8] =	sst s8  }
0x11: {  	[smem:$0x3FA9] =	sst s9;
	s0 =	simm.s32 @!p0 $0x0  }
0x12: {  	s1 =	sld [smem:$0x3F8F];
	s0 =	simm.s32 @p0 $0x1  }
0x13: {  	[smem:$0x3FAA] =	sst s0;
	s0 =	simm.s32 @!p1 $0x0  }
0x14: {  	s2 =	sld [smem:$0x3F8E];
	s0 =	simm.s32 @p1 $0x1  }
0x15: {  	[smem:$0x3FAB] =	sst s0;
	s0 =	simm.s32 @!p2 $0x0  }
0x16: {  	s3 =	sld [smem:$0x3FDB];
	s0 =	simm.s32 @p2 $0x1  }
0x17: {  	s4 =	simm.s32 $0x1BF5;
	[smem:$0x3FAD] =	sst s0  }
0x18: {  	s0 =	sld [smem:$0x3F90];
	_ =	swait.ge [sflag:s4], $0x0  }
0x19: {  	s7 =	sld [smem:$0x3F91]  }
0x1a: {  	s8 =	sadd.s32 $0xFFFFE003, lr  }
0x1b: {  	s9 =	sadd.s32 $0xFFFFFEF7, lr;
	s5 =	simm.s32 $0xFFFFFFFF;
	p2 =	slt.u32 s8, $0xFFFFF086  }
0x1c: {  	p1 =	slt.u32 s9, $0xF7A;
	s5 =	simm.s32 @!p2 $0x0  }
0x1d: {  	s5 =	simm.s32 @p1 $0x1;
	p0 =	seq.s32 s7, s2  }
0x1e: {  	s7 =	smul.u32 @!p0 $0xF7A, s2;
	p2 =	seq.s32 @!p0 s5, $0x0  }
0x1f: {  	s9 =	smul.u32 $0xF7A, s1;
	s8 =	simm.s32 @!p0 $0x1BF5;
	p2 =	por !p2, p0  }
0x20: {  	[sflag:s8] =	ssyncset.s32 @!p0 $0xFFFFF086;
	s6 =	sadd.s32 @!p0 s3, s7;
	s7 =	simm.s32 @!p0 $0x108  }
0x21: {  	s3 =	sadd.s32 s3, s9;
	s6 =	sadd.s32 @!p0 $0x88, s6;
	s7 =	simm.s32 @p2 $0x1082  }
0x22: {  	[simem:s7], [sflag:s8] =	dma.local @!p0 [hbm:s6], $0xF7A  }
0x23: {  	s9 =	sor.u32 $0xD0000000, s2;
	s6 =	simm.s32 $0x108;
	_ =	swait.ge @!p0 [sflag:s8], $0x0  }
0x24: {  	s3 =	sadd.s32 $0x88, s3;
	s6 =	simm.s32 @!p1 $0x1082;
	[sflag:s4] =	ssyncset.s32 $0xFFFFF086  }
0x25: {  	[simem:s6], [sflag:s4] =	dma.local [hbm:s3], $0xF7A  }
0x26: {  	[smem:$0x3F91] =	sst s1;
	(tag) =	ssettag s2;
	_ =	strace s9  }
0x27: {  	s1 =	sld [smem:$0x3FA1]  }
0x28: {  	s2 =	sld [smem:$0x3FA2]  }
0x29: {  	s4 =	sld [smem:$0x3FA4]  }
0x2a: {  	p0 =	seq.s32 s5, $0x0;
	s5 =	sld [smem:$0x3FA5]  }
0x2b: {  	s6 =	sld [smem:$0x3FA6]  }
0x2c: {  	s7 =	sld [smem:$0x3FA7]  }
0x2d: {  	s3 =	simm.s32 $0x108;
	s8 =	sld [smem:$0x3FA8]  }
0x2e: {  	s3 =	simm.s32 @!p0 $0x1082;
	s9 =	sld [smem:$0x3FA9]  }
0x2f: {  	lr =	sadd.s32 s0, s3;
	s0 =	sld [smem:$0x3FA0]  }
0x30: {  	s3 =	sld [smem:$0x3FA3]  }
0x31: {  	[smem:$0x3FAC] =	sst s10  }
0x32: {  	s10 =	sld [smem:$0x3FAA];
	_ =	sdelay $0x3  }
0x33: {  	p0 =	seq.s32 s10, $0x1;
	s10 =	sld [smem:$0x3FAC];
	_ =	sdelay $0x3  }
0x34: {  	[smem:$0x3FAC] =	sst s10  }
0x35: {  	s10 =	sld [smem:$0x3FAB];
	_ =	sdelay $0x3  }
0x36: {  	p1 =	seq.s32 s10, $0x1;
	s10 =	sld [smem:$0x3FAC];
	_ =	sdelay $0x3  }
0x37: {  	[smem:$0x3FAC] =	sst s10  }
0x38: {  	s10 =	sld [smem:$0x3FAD]  }
0x39: {  	_ = 	snop;
	(pc) =	sbr.ind lr, $3  }
0x3a: {  	_ = 	snop  }
0x3b: {  	_ = 	snop  }
0x3c: {  	p2 =	seq.s32 s10, $0x1;
	s10 =	sld [smem:$0x3FAC]  }
0x3d: {  	_ =	shalt  }
0x3e: {  	_ =	shalt  }
0x3f: {  	_ =	shalt  }
0x40: {  	_ =	shalt  }
0x41: {  	_ =	shalt  }
0x42: {  	_ =	shalt  }
0x43: {  	_ =	shalt  }
0x44: {  	_ =	shalt  }
0x45: {  	_ =	shalt  }
0x46: {  	_ =	shalt  }
0x47: {  	_ =	shalt  }
0x48: {  	_ =	shalt  }
0x49: {  	_ =	shalt  }
0x4a: {  	_ =	shalt  }
0x4b: {  	_ =	shalt  }
0x4c: {  	_ =	shalt  }
0x4d: {  	_ =	shalt  }
0x4e: {  	_ =	shalt  }
0x4f: {  	_ =	shalt  }
0x50: {  	_ =	shalt  }
0x51: {  	_ =	shalt  }
0x52: {  	_ =	shalt  }
0x53: {  	_ =	shalt  }
0x54: {  	_ =	shalt  }
0x55: {  	_ =	shalt  }
0x56: {  	_ =	shalt  }
0x57: {  	_ =	shalt  }
0x58: {  	_ =	shalt  }
0x59: {  	_ =	shalt  }
0x5a: {  	_ =	shalt  }
0x5b: {  	_ =	shalt  }
0x5c: {  	_ =	shalt  }
0x5d: {  	_ =	shalt  }
0x5e: {  	_ =	shalt  }
0x5f: {  	_ =	shalt  }
0x60: {  	_ =	shalt  }
0x61: {  	_ =	shalt  }
0x62: {  	_ =	shalt  }
0x63: {  	_ =	shalt  }
0x64: {  	_ =	shalt  }
0x65: {  	_ =	shalt  }
0x66: {  	_ =	shalt  }
0x67: {  	_ =	shalt  }
0x68: {  	_ =	shalt  }
0x69: {  	_ =	shalt  }
0x6a: {  	_ =	shalt  }
0x6b: {  	_ =	shalt  }
0x6c: {  	_ =	shalt  }
0x6d: {  	_ =	shalt  }
0x6e: {  	_ =	shalt  }
0x6f: {  	_ =	shalt  }
0x70: {  	_ =	shalt  }
0x71: {  	_ =	shalt  }
0x72: {  	_ =	shalt  }
0x73: {  	_ =	shalt  }
0x74: {  	_ =	shalt  }
0x75: {  	_ =	shalt  }
0x76: {  	_ =	shalt  }
0x77: {  	_ =	shalt  }
0x78: {  	_ =	shalt  }
0x79: {  	_ =	shalt  }
0x7a: {  	_ =	shalt  }
0x7b: {  	_ =	shalt  }
0x7c: {  	_ =	shalt  }
0x7d: {  	_ =	shalt  }
0x7e: {  	_ =	shalt  }
0x7f: {  	_ =	shalt  }
0x80: {  	_ =	shalt  }
0x81: {  	_ =	shalt  }
0x82: {  	_ =	shalt  }
0x83: {  	_ =	shalt  }
0x84: {  	_ =	shalt  }
0x85: {  	_ =	shalt  }
0x86: {  	_ =	shalt  }
0x87: {  	_ =	shalt  }
.Lfunc_end0:
.L_simem_size_0:
called_computation_lowered:
.L_overlay_start_0:
0x88: {  	s2 =	sld [smem:$0x3FD9]  }
0x89: {  	s3 =	sld [smem:$0x3FFE];
	_ =	sdelay $0x1  }
0x8a: {  	s1 =	srdreg.scid  }
0x8b: {  	s0 =	sand.u32 $0x1, s1  }
0x8c: {  	s14 =	sshll.u32 s0, $0xA;
	s2 =	sadd.s32 s3, s2  }
0x8d: {  	s2 =	sadd.s32 s2, s14  }
0x8e: {  	[smem:$0x3FB8] =	sst s2  }
0x8f: {  	_ = 	snop  }
0x90: {  	s2 =	sld [smem:$0x3FD0];
	_ =	sdelay $0x2  }
0x91: {  	s4 =	simm.s32 $0xA;
	s5 =	simm.s32 $0x10;
	s15 =	sld [smem:$0x3FC7]  }
0x92: {  	[smem:s5], [sflag:s4] =	dma.local [hbm:s2], $0x1  }
0x93: {  	_ =	swait.eq [sflag:s4], $0x1  }
0x94: {  	[sflag:s4] =	ssyncset.done $0x0  }
0x95: {  	[sflag:s4] =	ssyncadd.s32 $0xFFFFFFFF  }
0x96: {  	s16 =	sld [smem:$0x10];
	(tm) =	ssettm $0x1  }
0x97: {  	s17 =	sld [smem:$0x3FFB];
	_ =	sdelay $0x3  }
0x98: {  	_ =	strace s17  }
0x99: {  	s4 =	sld [smem:$0x3FFC];
	_ =	sdelay $0x3  }
0x9a: {  	_ =	strace s4  }
0x9b: {  	s4 =	sld [smem:$0x3FFD];
	_ =	sdelay $0x3  }
0x9c: {  	_ =	strace s4  }
0x9d: {  	_ =	strace $0x8FFFFFFF  }
0x9e: {  	s18 =	sld [smem:$0x3FDB];
	_ =	sdelay $0x1  }
0x9f: {  	s19 =	simm.s32 $_scs_section_size  }
0xa0: {  	s6 =	simm.s32 $_size__tile_overlayer_lowered;
	s7 =	simm.s32 $_tile_overlayer_lowered  }
0xa1: {  	s22 =	simm.s32 $0x1BFF;
	s21 =	sshll.u32 s7, $0x1;
	s4 =	sadd.s32 s19, s18  }
0xa2: {  	s8 =	simm.s32 $0x0;
	s20 =	sshll.u32 s6, $0x1;
	s6 =	sadd.s32 s21, s4  }
0xa3: {  	[timem:s8], [sflag:s22] =	dma.local [hbm:s6], s20  }
0xa4: {  	_ =	swait.ge [sflag:s22], s20  }
0xa5: {  	s5 =	ssub.s32 $0x0, s20;
	[sflag:s22] =	ssyncset.done $0x0  }
0xa6: {  	[sflag:s22] =	ssyncadd.s32 s5;
	_ =	sdelay $0x1  }
0xa7: {  	s23 =	simm.s32 $0x1B8B  }
0xa8: {  	_ =	swait.ge [sflag:s23], $0x1  }
0xa9: {  	[sflag:s23] =	ssyncset.done $0x0  }
0xaa: {  	s25 =	simm.s32 $0x1B8E;
	s24 =	sld [smem:$0x3FFE];
	[sflag:s23] =	ssyncadd.s32 $0xFFFFFFFF  }
0xab: {  	s26 =	simm.s32 $execute0_lowered;
	[smem:$0x3FD2] =	sst s25  }
0xac: {  	s6 =	sshll.u32 s26, $0x1;
	_ =	strace $0x80000046;
	[dreg:$0x1] =	wrdreg $0xFFFFFFFF  }
0xad: {  	s28 =	simm.s32 $_size_execute0_lowered;
	s4 =	sadd.s32 s4, s6;
	[dreg:$0x0] =	wrdreg $0x0  }
0xae: {  	s6 =	sshll.u32 s28, $0x1;
	[dreg:$0x2] =	wrdreg s4  }
0xaf: {  	[dreg:$0x3] =	wrdreg s6  }
0xb0: {  	[dreg:$0x4] =	wrdreg $0xC0  }
0xb1: {  	_ =	task [dreg:s8], $0x5FFFF  }
0xb2: {  	[dreg:$0x1] =	wrdreg $0xFFFFFFFF  }
0xb3: {  	[dreg:$0x0] =	wrdreg $0x60  }
0xb4: {  	[dreg:$0x2] =	wrdreg s24  }
0xb5: {  	[dreg:$0x3] =	wrdreg s15  }
0xb6: {  	[dreg:$0x4] =	wrdreg s16  }
0xb7: {  	[dreg:$0x5] =	wrdreg $0xC6D00  }
0xb8: {  	[dreg:$0x6] =	wrdreg $0x9  }
0xb9: {  	_ =	task.clear_ibuf [dreg:s8], $0x7FFFF;
	_ =	strace $0x90000046  }
0xba: {  	s29 =	simm.s32 $0x9;
	_ =	strace $0x80000048  }
0xbb: {  	_ =	swait.ge [sflag:s29], $0x1  }
0xbc: {  	[sflag:s29] =	ssyncadd.s32 $0xFFFFFFFF  }
0xbd: {  	_ =	strace $0x90000048  }
0xbe: {  	_ =	sfence  }
0xbf: {  	s30 =	sld [smem:$0x0];
	_ =	sdelay $0x2  }
0xc0: {  	s31 =	sshll.u32 s1, $0xD;
	s1 =	sshrl.u32 s1, $0x2  }
0xc1: {  	s3 =	sand.u32 $0x4000, s31;
	s1 =	sadd.s32 s1, s30  }
0xc2: {  	s0 =	sor.u32 s3, s0;
	s1 =	sshll.u32 s1, $0x11  }
0xc3: {  	s0 =	sor.u32 s1, s0  }
0xc4: {  	s0 =	sadd.s32 $0x8F2B, s0  }
0xc5: {  	[sflag:s0] =	ssyncadd.remote.s32 $0x1  }
0xc6: {  	_ =	sfence.sel $0xFFFF  }
0xc7: {  	[dreg:$0x0] =	wrdreg $0xFFFFFFFF;
	(pc) =	sbr.abs _section_cstart, $3  }
0xc8: {  	[dreg:$0x1] =	wrdreg $0xFFFFFFFF  }
0xc9: {  	_ =	task.clear_ibuf [dreg:s8], $0x2FFFF;
	_ =	strace $0x9FFFFFFF  }
0xca: {  	(tm) =	ssettm $0x7FFFFFFF  }
0xcb: {  	_ =	shalt  }
tec
execute0_lowered:
.L_overlay_start_1:
0x0: {  	(tag) =	ssettag $0x1  }
0x1: {  	s0 =	rddreg [dreg:$0x0]  }
0x2: {  	s1 =	rddreg [dreg:$0x2]  }
0x3: {  	s2 =	rddreg [dreg:$0x3]  }
0x4: {  	s4 =	simm.s32 $0x0;
	s3 =	srdreg.scid;
	s8 =	stileid.u32  }
0x5: {  	s17 =	simm.s32 $0x1;
	s18 =	simm.s32 $0x80;
	s19 =	simm.s32 $0xA650  }
0x6: {  	s20 =	simm.s32 $0xA6D0;
	s21 =	simm.s32 $0xB6D0;
	s28 =	simm.s32 $0x4  }
0x7: {  	s29 =	simm.s32 $0xA4D0;
	s30 =	simm.s32 $0xA550;
	s31 =	simm.s32 $0x2  }
0x8: {  	[smem:$0x7FF] =	sst s4;
	s3 =	sand.u32 $0x1, s3;
	s10 =	smul.u32 $0x31800, s8  }
0x9: {  	s5 =	sadd.s32 $0x2C00, s0;
	s6 =	sadd.s32 $0x33A00, s0;
	s12 =	smul.u32 $0x620, s8  }
0xa: {  	s7 =	sadd.s32 $0x4CA00, s0;
	s9 =	sadd.s32 $0x67400, s0;
	s13 =	smul.u32 $0x31000, s8  }
0xb: {  	s24 =	sshll.u32 s8, $0x3;
	s26 =	sshll.u32 s8, $0x6;
	_ =	strace $0x80000047  }
0xc: {  	s14 =	smul.u32 $0x6200, s3;
	s11 =	ssub.s32 $0x2, s3;
	[dreg:$0x5] =	wrdreg s9  }
0xd: {  	s9 =	sadd.s32 $0x65A00, s0;
	[dreg:$0x6] =	wrdreg s24;
	p0 =	seq.s32 s3, $0x0  }
0xe: {  	s15 =	sor.u32 $0x1C05, s26;
	s26 =	simm.s32 $0xA450;
	s3 =	simm.s32 $0x0  }
0xf: {  	s22 =	sshrl.u32 s11, $0x1;
	s10 =	sshrl.u32 s10, $0x2;
	s25 =	sshrl.u32 s13, $0x2  }
.Ltmp0:
0x10: {  	s13 =	simm.s32 $0x5;
	s12 =	sadd.s32 s12, s14;
	(pc) =	sbr.rel .LBB2_1-.Ltmp0, $4  }
0x11: {  	s0 =	ssub.s32 s11, s22;
	s16 =	sadd.s32 s10, s2;
	s22 =	simm.s32 $0x9C50  }
0x12: {  	s23 =	sshll.u32 s12, $0x2;
	s12 =	smax.u32 s0, $0x1;
	s16 =	sshrl.u32 s16, $0x3  }
0x13: {  	s0 =	simm.s32 $0xA5D0;
	s11 =	sadd.s32 s1, s23;
	s1 =	sadd.s32 s25, s2  }
0x14: {  	v1 =	vimm.s32 $0x6270;
	v0 =	vmov s14;
	s23 =	simm.s32 $0xA050;
	s25 =	simm.s32 $0x3;
	s24 =	sshrl.u32 s1, $0x3  }
.LBB2_4:
0x15: {  	_ =	swait.ge [sflag:s25], $0x1000  }
0x16: {  	[sflag:s25] =	ssyncset.done $0x0  }
0x17: {  	[sflag:s25] =	ssyncadd.s32 $0xFFFFF000  }
0x18: {  	_ =	swait.ge [sflag:s28], $0x1000  }
0x19: {  	s3 =	sadd.s32 $0x1, s3;
	[sflag:s28] =	ssyncset.done $0x0  }
0x1a: {  	p1 =	sne.s32 s3, s12;
	[sflag:s28] =	ssyncadd.s32 $0xFFFFF000  }
.Ltmp1:
0x1b: {  	[bflag:$0x0] =	sbarrier.arrive $0xFFFF;
	(pc) =	sbr.rel @!p1 .LBB2_5-.Ltmp1, $4  }
0x1c: {  	[hbm:s11], [sflag:s15] =	dma.local [spmem:s24], $0x1880  }
0x1d: {  	_ =	swait.ge [sflag:s13], $0x1880  }
0x1e: {  	[sflag:s13] =	ssyncset.done $0x0  }
0x1f: {  	[sflag:s13] =	ssyncadd.s32 $0xFFFFE780  }
.LBB2_1:
0x20: {  	s1 =	rddreg [dreg:$0x1]  }
0x21: {  	[tilespmem:s4], [sflag:$0x5] =	stream.linear.gather [hbm4b:s1+s4], $0x9C40, $0x38;
	[tilespmem:$0x18CD0] =	vst v63  }
0x22: {  	_ =	swait.ge [sflag:s13], $0x9C40  }
0x23: {  	[sflag:s13] =	ssyncset.done $0x0  }
0x24: {  	s8 =	simm.s32 $0x9C40;
	s14 =	rddreg [dreg:$0x5];
	[sflag:s13] =	ssyncadd.s32 $0xFFFF63C0  }
0x25: {  	[tilespmem:s8], [sflag:$0x5] =	stream.linear.gather [hbm4b:s14+s4], $0x10, $0x38;
	[tilespmem:$0x18CD0] =	vst v63  }
0x26: {  	_ =	swait.ge [sflag:s13], $0x10  }
0x27: {  	[sflag:s13] =	ssyncset.done $0x0  }
0x28: {  	[sflag:s13] =	ssyncadd.s32 $0xFFFFFFF0  }
0x29: {  	[spmem:s16], [sflag:s15] =	dma.local [hbm:s9], $0x18C0  }
0x2a: {  	_ =	swait.ge [sflag:s13], $0x18C0  }
0x2b: {  	[sflag:s13] =	ssyncset.done $0x0  }
0x2c: {  	[sflag:s13] =	ssyncadd.s32 $0xFFFFE740  }
0x2d: {  	[bflag:$0x0] =	sbarrier.arrive $0xFFFF  }
0x2e: {  	v2 =	vld [tilespmem:$0x9C40];
	_ =	sdelay $0x4  }
0x2f: {  	(v2sf) =	vpush v2, $0x1  }
0x30: {  	(v2sf) =	vpush v2, $0x0;
	_ =	sdelay $0xd  }
0x31: {  	s14 =	spop (v2sf)  }
0x32: {  	s1 =	spop (v2sf)  }
0x33: {  	s14 =	simm.s32 @p0 $0x0;
	s1 =	simm.s32 @!p0 $0x186A  }
0x34: {  	s1 =	ssub.s32 s1, s14  }
0x35: {  	s1 =	sadd.s32 $0xF, s1  }
0x36: {  	s10 =	sand.u32 $0xF, s1  }
0x37: {  	s8 =	sshra.s32 s1, $0x1F;
	p1 =	slt.s32 s1, $0x1;
	p2 =	sne.s32 s10, $0x0  }
0x38: {  	s8 =	sshrl.u32 s8, $0x1C;
	p1 =	por !p1, !p2  }
0x39: {  	s1 =	sadd.s32 s8, s1;
	s8 =	simm.s32 $0x1;
	p1 =	por !p1, !p1  }
0x3a: {  	s1 =	sshra.s32 s1, $0x4;
	s8 =	simm.s32 @!p1 $0x0  }
0x3b: {  	s1 =	ssub.s32 s1, s8  }
0x3c: {  	s8 =	sadd.s32 $0x7, s1  }
0x3d: {  	s10 =	sand.u32 $0x7, s8  }
0x3e: {  	[tilespmem:$0xA650] =	vst v1;
	p5 =	slt.s32 s1, $0xFFFFFFFA;
	p6 =	sne.s32 s10, $0x0  }
0x3f: {  	[tilespmem:$0xA660] =	vst v1;
	s10 =	sshrl.u32 s8, $0x1D;
	p1 =	por !p5, !p6  }
0x40: {  	[tilespmem:$0xA670] =	vst v1;
	s1 =	sadd.s32 s10, s8;
	s8 =	simm.s32 $0x1;
	p1 =	por !p1, !p1  }
0x41: {  	[tilespmem:$0xA680] =	vst v1;
	s1 =	sshra.s32 s1, $0x3;
	s8 =	simm.s32 @!p1 $0x0  }
0x42: {  	[tilespmem:$0xA690] =	vst v1;
	s1 =	ssub.s32 s1, s8  }
0x43: {  	[tilespmem:$0xA6A0] =	vst v1;
	p1 =	slt.s32 s1, $0x1  }
.Ltmp2:
0x44: {  	[tilespmem:$0xA6B0] =	vst v1;
	(pc) =	sbr.rel @p1 .LBB2_4-.Ltmp2, $4  }
0x45: {  	[tilespmem:$0xA6C0] =	vst v1  }
0x46: {  	[spmem:s2] =	stream.indirect.scatter.add.bf16 [tilespmem:s20], [sflag:$0x3], $0x20, s19, s18, $0xb8;
	[tilespmem:$0x18CD0] =	vst v63  }
0x47: {  	_ = 	snop  }
0x48: {  	[spmem:s2] =	stream.indirect.scatter.add.bf16 [tilespmem:s21], [sflag:$0x4], $0x20, s19, s18, $0xb8;
	[tilespmem:$0x18CD0] =	vst v63  }
0x49: {  	s8 =	rddreg [dreg:$0x6]  }
0x4a: {  	s8 =	smul.u32 s1, s8;
	_ =	sdelay $0x1  }
0x4b: {  	s8 =	sadd.s32 s14, s8  }
0x4c: {  	s14 =	sshll.u32 s8, $0x7  }
.LBB2_3:
0x4d: {  	s8 =	sshrl.u32 s14, $0x3  }
0x4e: {  	s10 =	sadd.s32 s6, s8  }
0x4f: {  	[tilespmem:s22], [sflag:$0x5] =	stream.linear.gather [hbm4b:s10+s4], $0x400, $0x38;
	[tilespmem:$0x18CD0] =	vst v63  }
0x50: {  	_ =	swait.ge [sflag:s13], $0x400  }
0x51: {  	[sflag:s13] =	ssyncset.done $0x0  }
0x52: {  	s8 =	sadd.s32 s7, s8;
	[sflag:s13] =	ssyncadd.s32 $0xFFFFFC00  }
0x53: {  	[tilespmem:s23], [sflag:$0x5] =	stream.linear.gather [hbm4b:s8+s4], $0x400, $0x38;
	[tilespmem:$0x18CD0] =	vst v63  }
0x54: {  	_ =	swait.ge [sflag:s13], $0x400  }
0x55: {  	[sflag:s13] =	ssyncset.done $0x0  }
0x56: {  	[sflag:s13] =	ssyncadd.s32 $0xFFFFFC00  }
0x57: {  	_ =	swait.ge [sflag:s25], $0x1000  }
0x58: {  	[sflag:s25] =	ssyncset.done $0x0  }
0x59: {  	[sflag:s25] =	ssyncadd.s32 $0xFFFFF000  }
0x5a: {  	v2 =	vld [tilespmem:$0xA050];
	_ =	sdelay $0x5  }
0x5b: {  	v3 =	vld [tilespmem:$0x9C50]  }
0x5c: {  	v4 =	vld [tilespmem:$0xA060]  }
0x5d: {  	v2 =	vld.idx.msk [tilespmem:v2+s4+$0x0], $0xffff;
	_ =	sdelay $0x2  }
0x5e: {  	v3 =	vsub.s32 v3, v0  }
0x5f: {  	vm0 =	vlt.u32 v3, $0x6200  }
0x60: {  	[tilespmem:$0xA450] =	vst v2;
	v2 =	vnsel vm0, $0x6270, v3;
	v3 =	vld [tilespmem:$0x9C60]  }
0x61: {  	[tilespmem:$0xA550] =	vst v2;
	v2 =	vld [tilespmem:$0xA070]  }
0x62: {  	v4 =	vld.idx.msk [tilespmem:v4+s4+$0x0], $0xffff;
	_ =	sdelay $0x2  }
0x63: {  	v3 =	vsub.s32 v3, v0  }
0x64: {  	vm13 =	vlt.u32 v3, $0x6200  }
0x65: {  	v9 =	vld [tilespmem:$0x9C70];
	[tilespmem:$0xA460] =	vst v4;
	v3 =	vnsel vm13, $0x6270, v3  }
0x66: {  	[tilespmem:$0xA560] =	vst v3;
	v3 =	vld [tilespmem:$0xA080]  }
0x67: {  	v2 =	vld.idx.msk [tilespmem:v2+s4+$0x0], $0xffff;
	_ =	sdelay $0x2  }
0x68: {  	v4 =	vsub.s32 v9, v0  }
0x69: {  	vm14 =	vlt.u32 v4, $0x6200  }
0x6a: {  	v10 =	vld [tilespmem:$0x9C80];
	[tilespmem:$0xA470] =	vst v2;
	v2 =	vnsel vm14, $0x6270, v4  }
0x6b: {  	[tilespmem:$0xA570] =	vst v2;
	v2 =	vld [tilespmem:$0xA090]  }
0x6c: {  	v3 =	vld.idx.msk [tilespmem:v3+s4+$0x0], $0xffff;
	_ =	sdelay $0x2  }
0x6d: {  	v4 =	vsub.s32 v10, v0  }
0x6e: {  	vm15 =	vlt.u32 v4, $0x6200  }
0x6f: {  	v11 =	vld [tilespmem:$0x9C90];
	[tilespmem:$0xA480] =	vst v3;
	v3 =	vnsel vm15, $0x6270, v4  }
0x70: {  	[tilespmem:$0xA580] =	vst v3;
	v3 =	vld [tilespmem:$0xA0A0]  }
0x71: {  	v2 =	vld.idx.msk [tilespmem:v2+s4+$0x0], $0xffff;
	_ =	sdelay $0x2  }
0x72: {  	v4 =	vsub.s32 v11, v0  }
0x73: {  	vm4 =	vlt.u32 v4, $0x6200  }
0x74: {  	v12 =	vld [tilespmem:$0x9CA0];
	[tilespmem:$0xA490] =	vst v2;
	v2 =	vnsel vm4, $0x6270, v4  }
0x75: {  	[tilespmem:$0xA590] =	vst v2;
	v2 =	vld [tilespmem:$0xA0B0]  }
0x76: {  	v3 =	vld.idx.msk [tilespmem:v3+s4+$0x0], $0xffff;
	_ =	sdelay $0x2  }
0x77: {  	v4 =	vsub.s32 v12, v0  }
0x78: {  	vm5 =	vlt.u32 v4, $0x6200  }
0x79: {  	v13 =	vld [tilespmem:$0x9CB0];
	[tilespmem:$0xA4A0] =	vst v3;
	v3 =	vnsel vm5, $0x6270, v4  }
0x7a: {  	[tilespmem:$0xA5A0] =	vst v3;
	v3 =	vld [tilespmem:$0xA0C0]  }
0x7b: {  	v2 =	vld.idx.msk [tilespmem:v2+s4+$0x0], $0xffff;
	_ =	sdelay $0x2  }
0x7c: {  	v4 =	vsub.s32 v13, v0  }
0x7d: {  	vm6 =	vlt.u32 v4, $0x6200  }
0x7e: {  	v14 =	vld [tilespmem:$0x9CC0];
	[tilespmem:$0xA4B0] =	vst v2;
	v2 =	vnsel vm6, $0x6270, v4  }
0x7f: {  	[tilespmem:$0xA5B0] =	vst v2  }
0x80: {  	v2 =	vld.idx.msk [tilespmem:v3+s4+$0x0], $0xffff;
	_ =	sdelay $0x2  }
0x81: {  	v3 =	vsub.s32 v14, v0  }
0x82: {  	vm7 =	vlt.u32 v3, $0x6200  }
0x83: {  	[tilespmem:$0xA4C0] =	vst v2;
	v2 =	vnsel vm7, $0x6270, v3  }
0x84: {  	[tilespmem:$0xA5C0] =	vst v2  }
0x85: {  	[tilespmem:s20], [sflag:$0x1] =	stream.indirect.gather [hbm4b:s5+s18], $0x20, s26, s18, $0xb8;
	[tilespmem:$0x18CD0] =	vst v63  }
0x86: {  	_ =	swait.ge [sflag:s28], $0x1000  }
0x87: {  	[sflag:s28] =	ssyncset.done $0x0  }
0x88: {  	[sflag:s28] =	ssyncadd.s32 $0xFFFFF000  }
0x89: {  	v2 =	vld [tilespmem:$0xA0D0];
	_ =	sdelay $0x5  }
0x8a: {  	v3 =	vld [tilespmem:$0x9CD0]  }
0x8b: {  	v15 =	vld [tilespmem:$0xA0E0]  }
0x8c: {  	v2 =	vld.idx.msk [tilespmem:v2+s4+$0x0], $0xffff;
	_ =	sdelay $0x2  }
0x8d: {  	v3 =	vsub.s32 v3, v0  }
0x8e: {  	vm8 =	vlt.u32 v3, $0x6200  }
0x8f: {  	[tilespmem:$0xA4D0] =	vst v2;
	v2 =	vnsel vm8, $0x6270, v3;
	v3 =	vld [tilespmem:$0x9CE0]  }
0x90: {  	[tilespmem:$0xA5D0] =	vst v2;
	v2 =	vld [tilespmem:$0xA0F0]  }
0x91: {  	v4 =	vld.idx.msk [tilespmem:v15+s4+$0x0], $0xffff;
	_ =	sdelay $0x2  }
0x92: {  	v3 =	vsub.s32 v3, v0  }
0x93: {  	vm9 =	vlt.u32 v3, $0x6200  }
0x94: {  	v16 =	vld [tilespmem:$0x9CF0];
	[tilespmem:$0xA4E0] =	vst v4;
	v3 =	vnsel vm9, $0x6270, v3  }
0x95: {  	[tilespmem:$0xA5E0] =	vst v3;
	v3 =	vld [tilespmem:$0xA100]  }
0x96: {  	v2 =	vld.idx.msk [tilespmem:v2+s4+$0x0], $0xffff;
	_ =	sdelay $0x2  }
0x97: {  	v4 =	vsub.s32 v16, v0  }
0x98: {  	vm10 =	vlt.u32 v4, $0x6200  }
0x99: {  	v17 =	vld [tilespmem:$0x9D00];
	[tilespmem:$0xA4F0] =	vst v2;
	v2 =	vnsel vm10, $0x6270, v4  }
0x9a: {  	[tilespmem:$0xA5F0] =	vst v2;
	v2 =	vld [tilespmem:$0xA110]  }
0x9b: {  	v3 =	vld.idx.msk [tilespmem:v3+s4+$0x0], $0xffff;
	_ =	sdelay $0x2  }
0x9c: {  	v4 =	vsub.s32 v17, v0  }
0x9d: {  	vm11 =	vlt.u32 v4, $0x6200  }
0x9e: {  	v18 =	vld [tilespmem:$0x9D10];
	[tilespmem:$0xA500] =	vst v3;
	v3 =	vnsel vm11, $0x6270, v4  }
0x9f: {  	[tilespmem:$0xA600] =	vst v3;
	v3 =	vld [tilespmem:$0xA120]  }
0xa0: {  	v2 =	vld.idx.msk [tilespmem:v2+s4+$0x0], $0xffff;
	_ =	sdelay $0x2  }
0xa1: {  	v4 =	vsub.s32 v18, v0  }
0xa2: {  	vm12 =	vlt.u32 v4, $0x6200  }
0xa3: {  	v19 =	vld [tilespmem:$0x9D20];
	[tilespmem:$0xA510] =	vst v2;
	v2 =	vnsel vm12, $0x6270, v4  }
0xa4: {  	[tilespmem:$0xA610] =	vst v2;
	v2 =	vld [tilespmem:$0xA130]  }
0xa5: {  	v3 =	vld.idx.msk [tilespmem:v3+s4+$0x0], $0xffff;
	_ =	sdelay $0x2  }
0xa6: {  	v4 =	vsub.s32 v19, v0  }
0xa7: {  	vm13 =	vlt.u32 v4, $0x6200  }
0xa8: {  	v20 =	vld [tilespmem:$0x9D30];
	[tilespmem:$0xA520] =	vst v3;
	v3 =	vnsel vm13, $0x6270, v4  }
0xa9: {  	[tilespmem:$0xA620] =	vst v3;
	v3 =	vld [tilespmem:$0xA140]  }
0xaa: {  	v2 =	vld.idx.msk [tilespmem:v2+s4+$0x0], $0xffff;
	_ =	sdelay $0x2  }
0xab: {  	v4 =	vsub.s32 v20, v0  }
0xac: {  	vm14 =	vlt.u32 v4, $0x6200  }
0xad: {  	v21 =	vld [tilespmem:$0x9D40];
	[tilespmem:$0xA530] =	vst v2;
	v2 =	vnsel vm14, $0x6270, v4  }
0xae: {  	[tilespmem:$0xA630] =	vst v2  }
0xaf: {  	v2 =	vld.idx.msk [tilespmem:v3+s4+$0x0], $0xffff;
	_ =	sdelay $0x2  }
0xb0: {  	v3 =	vsub.s32 v21, v0  }
0xb1: {  	vm15 =	vlt.u32 v3, $0x6200  }
0xb2: {  	[tilespmem:$0xA540] =	vst v2;
	v2 =	vnsel vm15, $0x6270, v3  }
0xb3: {  	[tilespmem:$0xA640] =	vst v2  }
0xb4: {  	[tilespmem:s21], [sflag:$0x2] =	stream.indirect.gather [hbm4b:s5+s18], $0x20, s29, s18, $0xb8;
	[tilespmem:$0x18CD0] =	vst v63  }
0xb5: {  	_ =	swait.ge [sflag:s17], $0x1000  }
0xb6: {  	[sflag:s17] =	ssyncset.done $0x0  }
0xb7: {  	[sflag:s17] =	ssyncadd.s32 $0xFFFFF000  }
0xb8: {  	[spmem:s2] =	stream.indirect.scatter.add.bf16 [tilespmem:s20], [sflag:$0x3], $0x20, s30, s18, $0xb8;
	[tilespmem:$0x18CD0] =	vst v63  }
0xb9: {  	_ =	swait.ge [sflag:s31], $0x1000  }
0xba: {  	[sflag:s31] =	ssyncset.done $0x0  }
0xbb: {  	[sflag:s31] =	ssyncadd.s32 $0xFFFFF000  }
0xbc: {  	[spmem:s2] =	stream.indirect.scatter.add.bf16 [tilespmem:s21], [sflag:$0x4], $0x20, s0, s18, $0xb8;
	[tilespmem:$0x18CD0] =	vst v63  }
0xbd: {  	_ =	swait.ge [sflag:s25], $0x1000  }
0xbe: {  	[sflag:s25] =	ssyncset.done $0x0  }
0xbf: {  	[sflag:s25] =	ssyncadd.s32 $0xFFFFF000  }
0xc0: {  	v2 =	vld [tilespmem:$0xA150];
	_ =	sdelay $0x5  }
0xc1: {  	v3 =	vld [tilespmem:$0x9D50]  }
0xc2: {  	v22 =	vld [tilespmem:$0xA160]  }
0xc3: {  	v2 =	vld.idx.msk [tilespmem:v2+s4+$0x0], $0xffff;
	_ =	sdelay $0x2  }
0xc4: {  	v3 =	vsub.s32 v3, v0  }
0xc5: {  	vm4 =	vlt.u32 v3, $0x6200  }
0xc6: {  	[tilespmem:$0xA450] =	vst v2;
	v2 =	vnsel vm4, $0x6270, v3;
	v3 =	vld [tilespmem:$0x9D60]  }
0xc7: {  	[tilespmem:$0xA550] =	vst v2;
	v2 =	vld [tilespmem:$0xA170]  }
0xc8: {  	v4 =	vld.idx.msk [tilespmem:v22+s4+$0x0], $0xffff;
	_ =	sdelay $0x2  }
0xc9: {  	v3 =	vsub.s32 v3, v0  }
0xca: {  	vm5 =	vlt.u32 v3, $0x6200  }
0xcb: {  	v23 =	vld [tilespmem:$0x9D70];
	[tilespmem:$0xA460] =	vst v4;
	v3 =	vnsel vm5, $0x6270, v3  }
0xcc: {  	[tilespmem:$0xA560] =	vst v3;
	v3 =	vld [tilespmem:$0xA180]  }
0xcd: {  	v2 =	vld.idx.msk [tilespmem:v2+s4+$0x0], $0xffff;
	_ =	sdelay $0x2  }
0xce: {  	v4 =	vsub.s32 v23, v0  }
0xcf: {  	vm6 =	vlt.u32 v4, $0x6200  }
0xd0: {  	v24 =	vld [tilespmem:$0x9D80];
	[tilespmem:$0xA470] =	vst v2;
	v2 =	vnsel vm6, $0x6270, v4  }
0xd1: {  	[tilespmem:$0xA570] =	vst v2;
	v2 =	vld [tilespmem:$0xA190]  }
0xd2: {  	v3 =	vld.idx.msk [tilespmem:v3+s4+$0x0], $0xffff;
	_ =	sdelay $0x2  }
0xd3: {  	v4 =	vsub.s32 v24, v0  }
0xd4: {  	vm7 =	vlt.u32 v4, $0x6200  }
0xd5: {  	v25 =	vld [tilespmem:$0x9D90];
	[tilespmem:$0xA480] =	vst v3;
	v3 =	vnsel vm7, $0x6270, v4  }
0xd6: {  	[tilespmem:$0xA580] =	vst v3;
	v3 =	vld [tilespmem:$0xA1A0]  }
0xd7: {  	v2 =	vld.idx.msk [tilespmem:v2+s4+$0x0], $0xffff;
	_ =	sdelay $0x2  }
0xd8: {  	v4 =	vsub.s32 v25, v0  }
0xd9: {  	vm8 =	vlt.u32 v4, $0x6200  }
0xda: {  	v26 =	vld [tilespmem:$0x9DA0];
	[tilespmem:$0xA490] =	vst v2;
	v2 =	vnsel vm8, $0x6270, v4  }
0xdb: {  	[tilespmem:$0xA590] =	vst v2;
	v2 =	vld [tilespmem:$0xA1B0]  }
0xdc: {  	v3 =	vld.idx.msk [tilespmem:v3+s4+$0x0], $0xffff;
	_ =	sdelay $0x2  }
0xdd: {  	v4 =	vsub.s32 v26, v0  }
0xde: {  	vm9 =	vlt.u32 v4, $0x6200  }
0xdf: {  	v27 =	vld [tilespmem:$0x9DB0];
	[tilespmem:$0xA4A0] =	vst v3;
	v3 =	vnsel vm9, $0x6270, v4  }
0xe0: {  	[tilespmem:$0xA5A0] =	vst v3;
	v3 =	vld [tilespmem:$0xA1C0]  }
0xe1: {  	v2 =	vld.idx.msk [tilespmem:v2+s4+$0x0], $0xffff;
	_ =	sdelay $0x2  }
0xe2: {  	v4 =	vsub.s32 v27, v0  }
0xe3: {  	vm10 =	vlt.u32 v4, $0x6200  }
0xe4: {  	v28 =	vld [tilespmem:$0x9DC0];
	[tilespmem:$0xA4B0] =	vst v2;
	v2 =	vnsel vm10, $0x6270, v4  }
0xe5: {  	[tilespmem:$0xA5B0] =	vst v2  }
0xe6: {  	v2 =	vld.idx.msk [tilespmem:v3+s4+$0x0], $0xffff;
	_ =	sdelay $0x2  }
0xe7: {  	v3 =	vsub.s32 v28, v0  }
0xe8: {  	vm11 =	vlt.u32 v3, $0x6200  }
0xe9: {  	[tilespmem:$0xA4C0] =	vst v2;
	v2 =	vnsel vm11, $0x6270, v3  }
0xea: {  	[tilespmem:$0xA5C0] =	vst v2  }
0xeb: {  	[tilespmem:s20], [sflag:$0x1] =	stream.indirect.gather [hbm4b:s5+s18], $0x20, s26, s18, $0xb8;
	[tilespmem:$0x18CD0] =	vst v63  }
0xec: {  	_ =	swait.ge [sflag:s28], $0x1000  }
0xed: {  	[sflag:s28] =	ssyncset.done $0x0  }
0xee: {  	[sflag:s28] =	ssyncadd.s32 $0xFFFFF000  }
0xef: {  	v2 =	vld [tilespmem:$0xA1D0];
	_ =	sdelay $0x5  }
0xf0: {  	v3 =	vld [tilespmem:$0x9DD0]  }
0xf1: {  	v29 =	vld [tilespmem:$0xA1E0]  }
0xf2: {  	v2 =	vld.idx.msk [tilespmem:v2+s4+$0x0], $0xffff;
	_ =	sdelay $0x2  }
0xf3: {  	v3 =	vsub.s32 v3, v0  }
0xf4: {  	vm12 =	vlt.u32 v3, $0x6200  }
0xf5: {  	[tilespmem:$0xA4D0] =	vst v2;
	v2 =	vnsel vm12, $0x6270, v3;
	v3 =	vld [tilespmem:$0x9DE0]  }
0xf6: {  	[tilespmem:$0xA5D0] =	vst v2;
	v2 =	vld [tilespmem:$0xA1F0]  }
0xf7: {  	v4 =	vld.idx.msk [tilespmem:v29+s4+$0x0], $0xffff;
	_ =	sdelay $0x2  }
0xf8: {  	v3 =	vsub.s32 v3, v0  }
0xf9: {  	vm13 =	vlt.u32 v3, $0x6200  }
0xfa: {  	v30 =	vld [tilespmem:$0x9DF0];
	[tilespmem:$0xA4E0] =	vst v4;
	v3 =	vnsel vm13, $0x6270, v3  }
0xfb: {  	[tilespmem:$0xA5E0] =	vst v3;
	v3 =	vld [tilespmem:$0xA200]  }
0xfc: {  	v2 =	vld.idx.msk [tilespmem:v2+s4+$0x0], $0xffff;
	_ =	sdelay $0x2  }
0xfd: {  	v4 =	vsub.s32 v30, v0  }
0xfe: {  	vm14 =	vlt.u32 v4, $0x6200  }
0xff: {  	v31 =	vld [tilespmem:$0x9E00];
	[tilespmem:$0xA4F0] =	vst v2;
	v2 =	vnsel vm14, $0x6270, v4  }
0x100: {  	[tilespmem:$0xA5F0] =	vst v2;
	v2 =	vld [tilespmem:$0xA210]  }
0x101: {  	v3 =	vld.idx.msk [tilespmem:v3+s4+$0x0], $0xffff;
	_ =	sdelay $0x2  }
0x102: {  	v4 =	vsub.s32 v31, v0  }
0x103: {  	vm15 =	vlt.u32 v4, $0x6200  }
0x104: {  	v32 =	vld [tilespmem:$0x9E10];
	[tilespmem:$0xA500] =	vst v3;
	v3 =	vnsel vm15, $0x6270, v4  }
0x105: {  	[tilespmem:$0xA600] =	vst v3;
	v3 =	vld [tilespmem:$0xA220]  }
0x106: {  	v2 =	vld.idx.msk [tilespmem:v2+s4+$0x0], $0xffff;
	_ =	sdelay $0x2  }
0x107: {  	v4 =	vsub.s32 v32, v0  }
0x108: {  	vm4 =	vlt.u32 v4, $0x6200  }
0x109: {  	v33 =	vld [tilespmem:$0x9E20];
	[tilespmem:$0xA510] =	vst v2;
	v2 =	vnsel vm4, $0x6270, v4  }
0x10a: {  	[tilespmem:$0xA610] =	vst v2;
	v2 =	vld [tilespmem:$0xA230]  }
0x10b: {  	v3 =	vld.idx.msk [tilespmem:v3+s4+$0x0], $0xffff;
	_ =	sdelay $0x2  }
0x10c: {  	v4 =	vsub.s32 v33, v0  }
0x10d: {  	vm5 =	vlt.u32 v4, $0x6200  }
0x10e: {  	v34 =	vld [tilespmem:$0x9E30];
	[tilespmem:$0xA520] =	vst v3;
	v3 =	vnsel vm5, $0x6270, v4  }
0x10f: {  	[tilespmem:$0xA620] =	vst v3;
	v3 =	vld [tilespmem:$0xA240]  }
0x110: {  	v2 =	vld.idx.msk [tilespmem:v2+s4+$0x0], $0xffff;
	_ =	sdelay $0x2  }
0x111: {  	v4 =	vsub.s32 v34, v0  }
0x112: {  	vm6 =	vlt.u32 v4, $0x6200  }
0x113: {  	v35 =	vld [tilespmem:$0x9E40];
	[tilespmem:$0xA530] =	vst v2;
	v2 =	vnsel vm6, $0x6270, v4  }
0x114: {  	[tilespmem:$0xA630] =	vst v2  }
0x115: {  	v2 =	vld.idx.msk [tilespmem:v3+s4+$0x0], $0xffff;
	_ =	sdelay $0x2  }
0x116: {  	v3 =	vsub.s32 v35, v0  }
0x117: {  	vm7 =	vlt.u32 v3, $0x6200  }
0x118: {  	[tilespmem:$0xA540] =	vst v2;
	v2 =	vnsel vm7, $0x6270, v3  }
0x119: {  	[tilespmem:$0xA640] =	vst v2  }
0x11a: {  	[tilespmem:s21], [sflag:$0x2] =	stream.indirect.gather [hbm4b:s5+s18], $0x20, s29, s18, $0xb8;
	[tilespmem:$0x18CD0] =	vst v63  }
0x11b: {  	_ =	swait.ge [sflag:s17], $0x1000  }
0x11c: {  	[sflag:s17] =	ssyncset.done $0x0  }
0x11d: {  	[sflag:s17] =	ssyncadd.s32 $0xFFFFF000  }
0x11e: {  	[spmem:s2] =	stream.indirect.scatter.add.bf16 [tilespmem:s20], [sflag:$0x3], $0x20, s30, s18, $0xb8;
	[tilespmem:$0x18CD0] =	vst v63  }
0x11f: {  	_ =	swait.ge [sflag:s31], $0x1000  }
0x120: {  	[sflag:s31] =	ssyncset.done $0x0  }
0x121: {  	[sflag:s31] =	ssyncadd.s32 $0xFFFFF000  }
0x122: {  	[spmem:s2] =	stream.indirect.scatter.add.bf16 [tilespmem:s21], [sflag:$0x4], $0x20, s0, s18, $0xb8;
	[tilespmem:$0x18CD0] =	vst v63  }
0x123: {  	_ =	swait.ge [sflag:s25], $0x1000  }
0x124: {  	[sflag:s25] =	ssyncset.done $0x0  }
0x125: {  	[sflag:s25] =	ssyncadd.s32 $0xFFFFF000  }
0x126: {  	v2 =	vld [tilespmem:$0xA250];
	_ =	sdelay $0x5  }
0x127: {  	v3 =	vld [tilespmem:$0x9E50]  }
0x128: {  	v36 =	vld [tilespmem:$0xA260]  }
0x129: {  	v2 =	vld.idx.msk [tilespmem:v2+s4+$0x0], $0xffff;
	_ =	sdelay $0x2  }
0x12a: {  	v3 =	vsub.s32 v3, v0  }
0x12b: {  	vm8 =	vlt.u32 v3, $0x6200  }
0x12c: {  	[tilespmem:$0xA450] =	vst v2;
	v2 =	vnsel vm8, $0x6270, v3;
	v3 =	vld [tilespmem:$0x9E60]  }
0x12d: {  	[tilespmem:$0xA550] =	vst v2;
	v2 =	vld [tilespmem:$0xA270]  }
0x12e: {  	v4 =	vld.idx.msk [tilespmem:v36+s4+$0x0], $0xffff;
	_ =	sdelay $0x2  }
0x12f: {  	v3 =	vsub.s32 v3, v0  }
0x130: {  	vm9 =	vlt.u32 v3, $0x6200  }
0x131: {  	v37 =	vld [tilespmem:$0x9E70];
	[tilespmem:$0xA460] =	vst v4;
	v3 =	vnsel vm9, $0x6270, v3  }
0x132: {  	[tilespmem:$0xA560] =	vst v3;
	v3 =	vld [tilespmem:$0xA280]  }
0x133: {  	v2 =	vld.idx.msk [tilespmem:v2+s4+$0x0], $0xffff;
	_ =	sdelay $0x2  }
0x134: {  	v4 =	vsub.s32 v37, v0  }
0x135: {  	vm10 =	vlt.u32 v4, $0x6200  }
0x136: {  	v38 =	vld [tilespmem:$0x9E80];
	[tilespmem:$0xA470] =	vst v2;
	v2 =	vnsel vm10, $0x6270, v4  }
0x137: {  	[tilespmem:$0xA570] =	vst v2;
	v2 =	vld [tilespmem:$0xA290]  }
0x138: {  	v3 =	vld.idx.msk [tilespmem:v3+s4+$0x0], $0xffff;
	_ =	sdelay $0x2  }
0x139: {  	v4 =	vsub.s32 v38, v0  }
0x13a: {  	vm11 =	vlt.u32 v4, $0x6200  }
0x13b: {  	v39 =	vld [tilespmem:$0x9E90];
	[tilespmem:$0xA480] =	vst v3;
	v3 =	vnsel vm11, $0x6270, v4  }
0x13c: {  	[tilespmem:$0xA580] =	vst v3;
	v3 =	vld [tilespmem:$0xA2A0]  }
0x13d: {  	v2 =	vld.idx.msk [tilespmem:v2+s4+$0x0], $0xffff;
	_ =	sdelay $0x2  }
0x13e: {  	v4 =	vsub.s32 v39, v0  }
0x13f: {  	vm12 =	vlt.u32 v4, $0x6200  }
0x140: {  	v40 =	vld [tilespmem:$0x9EA0];
	[tilespmem:$0xA490] =	vst v2;
	v2 =	vnsel vm12, $0x6270, v4  }
0x141: {  	[tilespmem:$0xA590] =	vst v2;
	v2 =	vld [tilespmem:$0xA2B0]  }
0x142: {  	v3 =	vld.idx.msk [tilespmem:v3+s4+$0x0], $0xffff;
	_ =	sdelay $0x2  }
0x143: {  	v4 =	vsub.s32 v40, v0  }
0x144: {  	vm13 =	vlt.u32 v4, $0x6200  }
0x145: {  	v41 =	vld [tilespmem:$0x9EB0];
	[tilespmem:$0xA4A0] =	vst v3;
	v3 =	vnsel vm13, $0x6270, v4  }
0x146: {  	[tilespmem:$0xA5A0] =	vst v3;
	v3 =	vld [tilespmem:$0xA2C0]  }
0x147: {  	v2 =	vld.idx.msk [tilespmem:v2+s4+$0x0], $0xffff;
	_ =	sdelay $0x2  }
0x148: {  	v4 =	vsub.s32 v41, v0  }
0x149: {  	vm14 =	vlt.u32 v4, $0x6200  }
0x14a: {  	v42 =	vld [tilespmem:$0x9EC0];
	[tilespmem:$0xA4B0] =	vst v2;
	v2 =	vnsel vm14, $0x6270, v4  }
0x14b: {  	[tilespmem:$0xA5B0] =	vst v2  }
0x14c: {  	v2 =	vld.idx.msk [tilespmem:v3+s4+$0x0], $0xffff;
	_ =	sdelay $0x2  }
0x14d: {  	v3 =	vsub.s32 v42, v0  }
0x14e: {  	vm15 =	vlt.u32 v3, $0x6200  }
0x14f: {  	[tilespmem:$0xA4C0] =	vst v2;
	v2 =	vnsel vm15, $0x6270, v3  }
0x150: {  	[tilespmem:$0xA5C0] =	vst v2  }
0x151: {  	[tilespmem:s20], [sflag:$0x1] =	stream.indirect.gather [hbm4b:s5+s18], $0x20, s26, s18, $0xb8;
	[tilespmem:$0x18CD0] =	vst v63  }
0x152: {  	_ =	swait.ge [sflag:s28], $0x1000  }
0x153: {  	[sflag:s28] =	ssyncset.done $0x0  }
0x154: {  	[sflag:s28] =	ssyncadd.s32 $0xFFFFF000  }
0x155: {  	v2 =	vld [tilespmem:$0xA2D0];
	_ =	sdelay $0x5  }
0x156: {  	v3 =	vld [tilespmem:$0x9ED0]  }
0x157: {  	v43 =	vld [tilespmem:$0xA2E0]  }
0x158: {  	v2 =	vld.idx.msk [tilespmem:v2+s4+$0x0], $0xffff;
	_ =	sdelay $0x2  }
0x159: {  	v3 =	vsub.s32 v3, v0  }
0x15a: {  	vm4 =	vlt.u32 v3, $0x6200  }
0x15b: {  	[tilespmem:$0xA4D0] =	vst v2;
	v2 =	vnsel vm4, $0x6270, v3;
	v3 =	vld [tilespmem:$0x9EE0]  }
0x15c: {  	[tilespmem:$0xA5D0] =	vst v2;
	v2 =	vld [tilespmem:$0xA2F0]  }
0x15d: {  	v4 =	vld.idx.msk [tilespmem:v43+s4+$0x0], $0xffff;
	_ =	sdelay $0x2  }
0x15e: {  	v3 =	vsub.s32 v3, v0  }
0x15f: {  	vm5 =	vlt.u32 v3, $0x6200  }
0x160: {  	v44 =	vld [tilespmem:$0x9EF0];
	[tilespmem:$0xA4E0] =	vst v4;
	v3 =	vnsel vm5, $0x6270, v3  }
0x161: {  	[tilespmem:$0xA5E0] =	vst v3;
	v3 =	vld [tilespmem:$0xA300]  }
0x162: {  	v2 =	vld.idx.msk [tilespmem:v2+s4+$0x0], $0xffff;
	_ =	sdelay $0x2  }
0x163: {  	v4 =	vsub.s32 v44, v0  }
0x164: {  	vm6 =	vlt.u32 v4, $0x6200  }
0x165: {  	v45 =	vld [tilespmem:$0x9F00];
	[tilespmem:$0xA4F0] =	vst v2;
	v2 =	vnsel vm6, $0x6270, v4  }
0x166: {  	[tilespmem:$0xA5F0] =	vst v2;
	v2 =	vld [tilespmem:$0xA310]  }
0x167: {  	v3 =	vld.idx.msk [tilespmem:v3+s4+$0x0], $0xffff;
	_ =	sdelay $0x2  }
0x168: {  	v4 =	vsub.s32 v45, v0  }
0x169: {  	vm7 =	vlt.u32 v4, $0x6200  }
0x16a: {  	v46 =	vld [tilespmem:$0x9F10];
	[tilespmem:$0xA500] =	vst v3;
	v3 =	vnsel vm7, $0x6270, v4  }
0x16b: {  	[tilespmem:$0xA600] =	vst v3;
	v3 =	vld [tilespmem:$0xA320]  }
0x16c: {  	v2 =	vld.idx.msk [tilespmem:v2+s4+$0x0], $0xffff;
	_ =	sdelay $0x2  }
0x16d: {  	v4 =	vsub.s32 v46, v0  }
0x16e: {  	vm8 =	vlt.u32 v4, $0x6200  }
0x16f: {  	v47 =	vld [tilespmem:$0x9F20];
	[tilespmem:$0xA510] =	vst v2;
	v2 =	vnsel vm8, $0x6270, v4  }
0x170: {  	[tilespmem:$0xA610] =	vst v2;
	v2 =	vld [tilespmem:$0xA330]  }
0x171: {  	v3 =	vld.idx.msk [tilespmem:v3+s4+$0x0], $0xffff;
	_ =	sdelay $0x2  }
0x172: {  	v4 =	vsub.s32 v47, v0  }
0x173: {  	vm9 =	vlt.u32 v4, $0x6200  }
0x174: {  	v48 =	vld [tilespmem:$0x9F30];
	[tilespmem:$0xA520] =	vst v3;
	v3 =	vnsel vm9, $0x6270, v4  }
0x175: {  	[tilespmem:$0xA620] =	vst v3;
	v3 =	vld [tilespmem:$0xA340]  }
0x176: {  	v2 =	vld.idx.msk [tilespmem:v2+s4+$0x0], $0xffff;
	_ =	sdelay $0x2  }
0x177: {  	v4 =	vsub.s32 v48, v0  }
0x178: {  	vm10 =	vlt.u32 v4, $0x6200  }
0x179: {  	v49 =	vld [tilespmem:$0x9F40];
	[tilespmem:$0xA530] =	vst v2;
	v2 =	vnsel vm10, $0x6270, v4  }
0x17a: {  	[tilespmem:$0xA630] =	vst v2  }
0x17b: {  	v2 =	vld.idx.msk [tilespmem:v3+s4+$0x0], $0xffff;
	_ =	sdelay $0x2  }
0x17c: {  	v3 =	vsub.s32 v49, v0  }
0x17d: {  	vm11 =	vlt.u32 v3, $0x6200  }
0x17e: {  	[tilespmem:$0xA540] =	vst v2;
	v2 =	vnsel vm11, $0x6270, v3  }
0x17f: {  	[tilespmem:$0xA640] =	vst v2  }
0x180: {  	[tilespmem:s21], [sflag:$0x2] =	stream.indirect.gather [hbm4b:s5+s18], $0x20, s29, s18, $0xb8;
	[tilespmem:$0x18CD0] =	vst v63  }
0x181: {  	_ =	swait.ge [sflag:s17], $0x1000  }
0x182: {  	[sflag:s17] =	ssyncset.done $0x0  }
0x183: {  	[sflag:s17] =	ssyncadd.s32 $0xFFFFF000  }
0x184: {  	[spmem:s2] =	stream.indirect.scatter.add.bf16 [tilespmem:s20], [sflag:$0x3], $0x20, s30, s18, $0xb8;
	[tilespmem:$0x18CD0] =	vst v63  }
0x185: {  	_ =	swait.ge [sflag:s31], $0x1000  }
0x186: {  	[sflag:s31] =	ssyncset.done $0x0  }
0x187: {  	[sflag:s31] =	ssyncadd.s32 $0xFFFFF000  }
0x188: {  	[spmem:s2] =	stream.indirect.scatter.add.bf16 [tilespmem:s21], [sflag:$0x4], $0x20, s0, s18, $0xb8;
	[tilespmem:$0x18CD0] =	vst v63  }
0x189: {  	_ =	swait.ge [sflag:s25], $0x1000  }
0x18a: {  	[sflag:s25] =	ssyncset.done $0x0  }
0x18b: {  	[sflag:s25] =	ssyncadd.s32 $0xFFFFF000  }
0x18c: {  	v2 =	vld [tilespmem:$0xA350];
	_ =	sdelay $0x5  }
0x18d: {  	v3 =	vld [tilespmem:$0x9F50]  }
0x18e: {  	v50 =	vld [tilespmem:$0xA360]  }
0x18f: {  	v2 =	vld.idx.msk [tilespmem:v2+s4+$0x0], $0xffff;
	_ =	sdelay $0x2  }
0x190: {  	v3 =	vsub.s32 v3, v0  }
0x191: {  	vm12 =	vlt.u32 v3, $0x6200  }
0x192: {  	[tilespmem:$0xA450] =	vst v2;
	v2 =	vnsel vm12, $0x6270, v3;
	v3 =	vld [tilespmem:$0x9F60]  }
0x193: {  	[tilespmem:$0xA550] =	vst v2;
	v2 =	vld [tilespmem:$0xA370]  }
0x194: {  	v4 =	vld.idx.msk [tilespmem:v50+s4+$0x0], $0xffff;
	_ =	sdelay $0x2  }
0x195: {  	v3 =	vsub.s32 v3, v0  }
0x196: {  	vm13 =	vlt.u32 v3, $0x6200  }
0x197: {  	v51 =	vld [tilespmem:$0x9F70];
	[tilespmem:$0xA460] =	vst v4;
	v3 =	vnsel vm13, $0x6270, v3  }
0x198: {  	[tilespmem:$0xA560] =	vst v3;
	v3 =	vld [tilespmem:$0xA380]  }
0x199: {  	v2 =	vld.idx.msk [tilespmem:v2+s4+$0x0], $0xffff;
	_ =	sdelay $0x2  }
0x19a: {  	v4 =	vsub.s32 v51, v0  }
0x19b: {  	vm14 =	vlt.u32 v4, $0x6200  }
0x19c: {  	v52 =	vld [tilespmem:$0x9F80];
	[tilespmem:$0xA470] =	vst v2;
	v2 =	vnsel vm14, $0x6270, v4  }
0x19d: {  	[tilespmem:$0xA570] =	vst v2;
	v2 =	vld [tilespmem:$0xA390]  }
0x19e: {  	v3 =	vld.idx.msk [tilespmem:v3+s4+$0x0], $0xffff;
	_ =	sdelay $0x2  }
0x19f: {  	v4 =	vsub.s32 v52, v0  }
0x1a0: {  	vm15 =	vlt.u32 v4, $0x6200  }
0x1a1: {  	v53 =	vld [tilespmem:$0x9F90];
	[tilespmem:$0xA480] =	vst v3;
	v3 =	vnsel vm15, $0x6270, v4  }
0x1a2: {  	[tilespmem:$0xA580] =	vst v3;
	v3 =	vld [tilespmem:$0xA3A0]  }
0x1a3: {  	v2 =	vld.idx.msk [tilespmem:v2+s4+$0x0], $0xffff;
	_ =	sdelay $0x2  }
0x1a4: {  	v4 =	vsub.s32 v53, v0  }
0x1a5: {  	vm4 =	vlt.u32 v4, $0x6200  }
0x1a6: {  	v54 =	vld [tilespmem:$0x9FA0];
	[tilespmem:$0xA490] =	vst v2;
	v2 =	vnsel vm4, $0x6270, v4  }
0x1a7: {  	[tilespmem:$0xA590] =	vst v2;
	v2 =	vld [tilespmem:$0xA3B0]  }
0x1a8: {  	v3 =	vld.idx.msk [tilespmem:v3+s4+$0x0], $0xffff;
	_ =	sdelay $0x2  }
0x1a9: {  	v4 =	vsub.s32 v54, v0  }
0x1aa: {  	vm5 =	vlt.u32 v4, $0x6200  }
0x1ab: {  	v55 =	vld [tilespmem:$0x9FB0];
	[tilespmem:$0xA4A0] =	vst v3;
	v3 =	vnsel vm5, $0x6270, v4  }
0x1ac: {  	[tilespmem:$0xA5A0] =	vst v3;
	v3 =	vld [tilespmem:$0xA3C0]  }
0x1ad: {  	v2 =	vld.idx.msk [tilespmem:v2+s4+$0x0], $0xffff;
	_ =	sdelay $0x2  }
0x1ae: {  	v4 =	vsub.s32 v55, v0  }
0x1af: {  	vm6 =	vlt.u32 v4, $0x6200  }
0x1b0: {  	v56 =	vld [tilespmem:$0x9FC0];
	[tilespmem:$0xA4B0] =	vst v2;
	v2 =	vnsel vm6, $0x6270, v4  }
0x1b1: {  	[tilespmem:$0xA5B0] =	vst v2  }
0x1b2: {  	v2 =	vld.idx.msk [tilespmem:v3+s4+$0x0], $0xffff;
	_ =	sdelay $0x2  }
0x1b3: {  	v3 =	vsub.s32 v56, v0  }
0x1b4: {  	vm7 =	vlt.u32 v3, $0x6200  }
0x1b5: {  	[tilespmem:$0xA4C0] =	vst v2;
	v2 =	vnsel vm7, $0x6270, v3  }
0x1b6: {  	[tilespmem:$0xA5C0] =	vst v2  }
0x1b7: {  	[tilespmem:s20], [sflag:$0x1] =	stream.indirect.gather [hbm4b:s5+s18], $0x20, s26, s18, $0xb8;
	[tilespmem:$0x18CD0] =	vst v63  }
0x1b8: {  	_ =	swait.ge [sflag:s28], $0x1000  }
0x1b9: {  	[sflag:s28] =	ssyncset.done $0x0  }
0x1ba: {  	[sflag:s28] =	ssyncadd.s32 $0xFFFFF000  }
0x1bb: {  	v2 =	vld [tilespmem:$0xA3D0];
	_ =	sdelay $0x5  }
0x1bc: {  	v3 =	vld [tilespmem:$0x9FD0]  }
0x1bd: {  	v57 =	vld [tilespmem:$0xA3E0]  }
0x1be: {  	v2 =	vld.idx.msk [tilespmem:v2+s4+$0x0], $0xffff;
	_ =	sdelay $0x2  }
0x1bf: {  	v3 =	vsub.s32 v3, v0  }
0x1c0: {  	vm8 =	vlt.u32 v3, $0x6200  }
0x1c1: {  	[tilespmem:$0xA4D0] =	vst v2;
	v2 =	vnsel vm8, $0x6270, v3;
	v3 =	vld [tilespmem:$0x9FE0]  }
0x1c2: {  	[tilespmem:$0xA5D0] =	vst v2;
	v2 =	vld [tilespmem:$0xA3F0]  }
0x1c3: {  	v4 =	vld.idx.msk [tilespmem:v57+s4+$0x0], $0xffff;
	_ =	sdelay $0x2  }
0x1c4: {  	v3 =	vsub.s32 v3, v0  }
0x1c5: {  	vm9 =	vlt.u32 v3, $0x6200  }
0x1c6: {  	v58 =	vld [tilespmem:$0x9FF0];
	[tilespmem:$0xA4E0] =	vst v4;
	v3 =	vnsel vm9, $0x6270, v3  }
0x1c7: {  	[tilespmem:$0xA5E0] =	vst v3;
	v3 =	vld [tilespmem:$0xA400]  }
0x1c8: {  	v2 =	vld.idx.msk [tilespmem:v2+s4+$0x0], $0xffff;
	_ =	sdelay $0x2  }
0x1c9: {  	v4 =	vsub.s32 v58, v0  }
0x1ca: {  	vm10 =	vlt.u32 v4, $0x6200  }
0x1cb: {  	v59 =	vld [tilespmem:$0xA000];
	[tilespmem:$0xA4F0] =	vst v2;
	v2 =	vnsel vm10, $0x6270, v4  }
0x1cc: {  	[tilespmem:$0xA5F0] =	vst v2;
	v2 =	vld [tilespmem:$0xA410]  }
0x1cd: {  	v3 =	vld.idx.msk [tilespmem:v3+s4+$0x0], $0xffff;
	_ =	sdelay $0x2  }
0x1ce: {  	v4 =	vsub.s32 v59, v0  }
0x1cf: {  	vm11 =	vlt.u32 v4, $0x6200  }
0x1d0: {  	v60 =	vld [tilespmem:$0xA010];
	[tilespmem:$0xA500] =	vst v3;
	v3 =	vnsel vm11, $0x6270, v4  }
0x1d1: {  	[tilespmem:$0xA600] =	vst v3;
	v3 =	vld [tilespmem:$0xA420]  }
0x1d2: {  	v2 =	vld.idx.msk [tilespmem:v2+s4+$0x0], $0xffff;
	_ =	sdelay $0x2  }
0x1d3: {  	v4 =	vsub.s32 v60, v0  }
0x1d4: {  	vm12 =	vlt.u32 v4, $0x6200  }
0x1d5: {  	v61 =	vld [tilespmem:$0xA020];
	[tilespmem:$0xA510] =	vst v2;
	v2 =	vnsel vm12, $0x6270, v4  }
0x1d6: {  	[tilespmem:$0xA610] =	vst v2;
	v2 =	vld [tilespmem:$0xA430]  }
0x1d7: {  	v3 =	vld.idx.msk [tilespmem:v3+s4+$0x0], $0xffff;
	_ =	sdelay $0x2  }
0x1d8: {  	v4 =	vsub.s32 v61, v0  }
0x1d9: {  	vm13 =	vlt.u32 v4, $0x6200  }
0x1da: {  	v62 =	vld [tilespmem:$0xA030];
	[tilespmem:$0xA520] =	vst v3;
	v3 =	vnsel vm13, $0x6270, v4  }
0x1db: {  	[tilespmem:$0xA620] =	vst v3;
	v3 =	vld [tilespmem:$0xA440]  }
0x1dc: {  	v2 =	vld.idx.msk [tilespmem:v2+s4+$0x0], $0xffff;
	_ =	sdelay $0x2  }
0x1dd: {  	v4 =	vsub.s32 v62, v0  }
0x1de: {  	vm14 =	vlt.u32 v4, $0x6200  }
0x1df: {  	v63 =	vld [tilespmem:$0xA040];
	[tilespmem:$0xA530] =	vst v2;
	v2 =	vnsel vm14, $0x6270, v4  }
0x1e0: {  	[tilespmem:$0xA630] =	vst v2  }
0x1e1: {  	v2 =	vld.idx.msk [tilespmem:v3+s4+$0x0], $0xffff;
	_ =	sdelay $0x2  }
0x1e2: {  	v3 =	vsub.s32 v63, v0  }
0x1e3: {  	vm15 =	vlt.u32 v3, $0x6200  }
0x1e4: {  	[tilespmem:$0xA540] =	vst v2;
	v2 =	vnsel vm15, $0x6270, v3  }
0x1e5: {  	[tilespmem:$0xA640] =	vst v2  }
0x1e6: {  	[tilespmem:s21], [sflag:$0x2] =	stream.indirect.gather [hbm4b:s5+s18], $0x20, s29, s18, $0xb8;
	[tilespmem:$0x18CD0] =	vst v63  }
0x1e7: {  	_ =	swait.ge [sflag:s17], $0x1000  }
0x1e8: {  	[sflag:s17] =	ssyncset.done $0x0  }
0x1e9: {  	p1 =	sne.s32 s1, $0x1;
	[sflag:s17] =	ssyncadd.s32 $0xFFFFF000  }
0x1ea: {  	[spmem:s2] =	stream.indirect.scatter.add.bf16 [tilespmem:s20], [sflag:$0x3], $0x20, s30, s18, $0xb8;
	[tilespmem:$0x18CD0] =	vst v63  }
.Ltmp3:
0x1eb: {  	_ = 	snop;
	(pc) =	sbr.rel @p1 .LBB2_3-.Ltmp3, $4  }
0x1ec: {  	_ =	swait.ge [sflag:s31], $0x1000  }
0x1ed: {  	[sflag:s31] =	ssyncset.done $0x0  }
0x1ee: {  	s14 =	sadd.s32 $0x400, s14;
	s1 =	sadd.s32 $0xFFFFFFFF, s1;
	[sflag:s31] =	ssyncadd.s32 $0xFFFFF000  }
0x1ef: {  	[spmem:s2] =	stream.indirect.scatter.add.bf16 [tilespmem:s21], [sflag:$0x4], $0x20, s0, s18, $0xb8;
	[tilespmem:$0x18CD0] =	vst v63  }
.Ltmp4:
0x1f0: {  	_ = 	snop;
	(pc) =	sbr.rel .LBB2_4-.Ltmp4, $1  }
0x1f1: {  	_ =	sdelay $0x3  }
.LBB2_5:
0x1f2: {  	_ =	sfence.sel $0x180000  }
0x1f3: {  	[bflag:$0x0] =	sbarrier.arrive $0xFFFF  }
0x1f4: {  	_ =	strace $0x90000047  }
0x1f5: {  	s0 =	stileid.u32;
	[bflag:$0x2] =	sbarrier.arrive $0xFFFF  }
0x1f6: {  	p0 =	sne.s32 s0, $0x0;
	s0 =	rddreg [dreg:$0x4]  }
0x1f7: {  	s0 =	sadd.s32 @!p0 $0x100000, s0  }
0x1f8: {  	[sflag:s0] =	ssyncadd.tile.s32 @!p0 $0x1;
	_ =	shalt  }
.Lfunc_end2:
_tile_overlayer_lowered:
.L_overlay_start_2:
0x1f9: {  	(tag) =	ssettag $0x2  }
0x1fa: {  	s0 =	rddreg [dreg:$0x0];
	s2 =	stileid.u32  }
0x1fb: {  	s1 =	rddreg [dreg:$0x1];
	p0 =	sne.s32 s2, $0x0  }
0x1fc: {  	s3 =	rddreg [dreg:$0x2];
	[bflag:$0x3] =	sbarrier.arrive $0xFFFF;
	s2 =	simm.s32 @!p0 $0x1C05  }
0x1fd: {  	[timem:s3], [sflag:s2] =	dma.local @!p0 [hbm:s0], s1  }
0x1fe: {  	s0 =	simm.s32 @!p0 $0x5  }
0x1ff: {  	_ =	swait.ge @!p0 [sflag:s0], s1  }
0x200: {  	s1 =	ssub.s32 @!p0 $0x0, s1;
	[sflag:s0] =	ssyncset.done @!p0 $0x0  }
0x201: {  	[sflag:s0] =	ssyncadd.s32 @!p0 s1  }
0x202: {  	[bflag:$0x3] =	sbarrier.arrive $0xFFFF  }
0x203: {  	_ =	shalt  }

</sc_bundles>
